<compile_context>
chip_gen: v7x
topology: tpu7x:2x2x1
jax: 0.10.2.dev20260603
libtpu: 0.0.44.dev20260713+nightly
codegen_flags: <defaults>
</compile_context>

<pallas_src>
import functools

import jax
import jax.numpy as jnp
import numpy as _np
from jax import lax
from jax.experimental import pallas as pl
from jax.experimental.pallas import tpu as pltpu
from jax.experimental.pallas import tpu_sc as plsc

NC = 2
NS = 16
NW = NC * NS
LANES = 16

def _interleave_perm(f):
    perm = _np.empty((f,), dtype=_np.int32)
    for g in range(f // 32):
        for l in range(16):
            perm[32 * g + 2 * l] = 32 * g + l
            perm[32 * g + 2 * l + 1] = 32 * g + 16 + l
    return perm


def _ssp(v):
    return jnp.maximum(v, 0.0) + jnp.log1p(jnp.exp(-jnp.abs(v))) - 0.6931471805599453


_LOG2E = 1.4426950408889634
_LN2 = 0.6931471805599453


def _ssp_fast(v):
    t = v * _LOG2E
    tc = jnp.minimum(t, 120.0)
    return _LN2 * (jnp.log2(1.0 + jnp.exp2(tc)) - 1.0 + jnp.maximum(t - 120.0, 0.0))


def _h_body(x_ref, w1t_ref, b1_ref, o_ref):
    o_ref[...] = jnp.dot(x_ref[...], w1t_ref[...],
                         preferred_element_type=jnp.float32) + b1_ref[...]


def _compute_h(x, W1, b1):
    n, d = x.shape
    blk = 1000
    grid = n // blk
    return pl.pallas_call(
        _h_body,
        grid=(grid,),
        in_specs=[
            pl.BlockSpec((blk, d), lambda i: (i, 0)),
            pl.BlockSpec((d, W1.shape[0]), lambda i: (0, 0)),
            pl.BlockSpec((1, W1.shape[0]), lambda i: (0, 0)),
        ],
        out_specs=pl.BlockSpec((blk, W1.shape[0]), lambda i: (i, 0)),
        out_shape=jax.ShapeDtypeStruct((n, W1.shape[0]), jnp.float32),
    )(x, W1.T, b1.reshape(1, -1))


def _pack_bf16_pair(v):
    f = v.shape[1]
    a = lax.bitcast_convert_type(v[:, :f // 2].astype(jnp.bfloat16),
                                 jnp.uint16).astype(jnp.uint32)
    b = lax.bitcast_convert_type(v[:, f // 2:].astype(jnp.bfloat16),
                                 jnp.uint16).astype(jnp.uint32)
    return lax.bitcast_convert_type(a | (b << 16), jnp.int32)


_DN = (((0,), (0,)), ((), ()))


def _wij_body(f1_ref, f2_ref, wft_ref, bf_ref, o_ref):
    v1 = _ssp_fast(lax.dot_general(f1_ref[...], wft_ref[...], _DN,
                                   preferred_element_type=jnp.float32)
                   + bf_ref[...])
    v2 = _ssp_fast(lax.dot_general(f2_ref[...], wft_ref[...], _DN,
                                   preferred_element_type=jnp.float32)
                   + bf_ref[...])
    o_ref[...] = jnp.concatenate([_pack_bf16_pair(v1), _pack_bf16_pair(v2)],
                                 axis=1)


def _compute_wij(f_ij, Wf, bf, blk0, nblk):
    p, r = f_ij.shape
    f = Wf.shape[0]
    perm = _interleave_perm(f)
    perm2 = _np.concatenate([perm[0::2], perm[1::2]])
    blk = 1280
    half_blocks = (p // 2) // blk
    ft = f_ij.T
    return pl.pallas_call(
        _wij_body,
        grid=(nblk,),
        in_specs=[
            pl.BlockSpec((r, blk), lambda i: (0, i + blk0)),
            pl.BlockSpec((r, blk), lambda i: (0, i + blk0 + half_blocks)),
            pl.BlockSpec((r, f), lambda i: (0, 0)),
            pl.BlockSpec((1, f), lambda i: (0, 0)),
        ],
        out_specs=pl.BlockSpec((blk, f), lambda i: (i, 0)),
        out_shape=jax.ShapeDtypeStruct((nblk * blk, f), jnp.int32),
    )(ft, ft, Wf.T[:, perm2], bf[perm2].reshape(1, -1))


def _out_body(p_ref, w2t_ref, b2_ref, o_ref):
    acc = p_ref[0] + p_ref[1]
    o_ref[...] = _ssp(jnp.dot(acc, w2t_ref[...],
                              preferred_element_type=jnp.float32) + b2_ref[...])


def _compute_out(parts, W2, b2):
    _, n, f = parts.shape
    d = W2.shape[0]
    blk = 1000
    grid = n // blk
    return pl.pallas_call(
        _out_body,
        grid=(grid,),
        in_specs=[
            pl.BlockSpec((2, blk, f), lambda i: (0, i, 0)),
            pl.BlockSpec((f, d), lambda i: (0, 0)),
            pl.BlockSpec((1, d), lambda i: (0, 0)),
        ],
        out_specs=pl.BlockSpec((blk, d), lambda i: (i, 0)),
        out_shape=jax.ShapeDtypeStruct((n, d), jnp.float32),
    )(parts, W2.T, b2.reshape(1, -1))


def _make_sc_scatter(n, d, p, chunk, row_start, tile_rows):
    nz_tiles = 10
    n_per_tile = n // nz_tiles
    half = chunk // 2
    p_half_tile = tile_rows
    n_chunks = p_half_tile // half
    mesh = plsc.VectorSubcoreMesh(core_axis_name="c", subcore_axis_name="s")

    @functools.partial(
        pl.kernel,
        out_type=jax.ShapeDtypeStruct((NC, n, d), jnp.float32),
        mesh=mesh,
        scratch_types=[
            pltpu.VMEM((2 * p_half_tile,), jnp.int32),
            pltpu.VMEM((2, half), jnp.int32),
            pltpu.VMEM((2, half), jnp.int32),
            pltpu.VMEM((2, half + LANES), jnp.float32),
            pltpu.VMEM((2, half + LANES), jnp.float32),
            pltpu.VMEM((chunk, d), jnp.float32),
            pltpu.VMEM((chunk, d), jnp.float32),
            pltpu.VMEM((half, d), jnp.int32),
            pltpu.VMEM((half, d), jnp.int32),
            pltpu.VMEM_SHARED((n, d), jnp.float32),
            pltpu.SemaphoreType.DMA,
            pltpu.SemaphoreType.DMA,
            pltpu.SemaphoreType.DMA,
            pltpu.SemaphoreType.DMA,
            pltpu.SemaphoreType.DMA,
            pltpu.SemaphoreType.DMA,
            pltpu.SemaphoreType.DMA,
            pltpu.SemaphoreType.DMA,
        ],
    )
    def sc_kernel(h_hbm, wij_hbm, idxj_hbm, idxi_hbm, rc_hbm, zero_hbm, out_hbm,
                  idxj_v, silo_v, sihi_v, rclo_v, rchi_v, rows0, rows1,
                  wij0, wij1, acc_sh,
                  gsem0, gsem1, wsem0, wsem1, ssem0, ssem1, isem0, isem1):
        rows = (rows0, rows1)
        wij = (wij0, wij1)
        gsem = (gsem0, gsem1)
        wsem = (wsem0, wsem1)
        ssem = (ssem0, ssem1)
        isem = (isem0, isem1)
        c = lax.axis_index("c")
        s = lax.axis_index("s")
        wid = c * NS + s

        row0 = s * n_per_tile

        @pl.when(s < nz_tiles)
        def _():
            pltpu.sync_copy(zero_hbm.at[c, pl.ds(row0, n_per_tile)],
                            acc_sh.at[pl.ds(row0, n_per_tile)])

        lo0 = row_start + wid * p_half_tile
        hi0 = (p // 2) + row_start + wid * p_half_tile
        wloc0 = wid * p_half_tile
        pltpu.sync_copy(idxj_hbm.at[pl.ds(lo0, p_half_tile)],
                        idxj_v.at[pl.ds(0, p_half_tile)])
        pltpu.sync_copy(idxj_hbm.at[pl.ds(hi0, p_half_tile)],
                        idxj_v.at[pl.ds(p_half_tile, p_half_tile)])
        plsc.subcore_barrier()

        def issue(j, b):
            off = j * half
            pltpu.async_copy(h_hbm.at[idxj_v.at[pl.ds(off, half)]],
                             rows[b].at[pl.ds(0, half)], gsem[b])
            pltpu.async_copy(h_hbm.at[idxj_v.at[pl.ds(p_half_tile + off, half)]],
                             rows[b].at[pl.ds(half, half)], gsem[b])
            pltpu.async_copy(wij_hbm.at[pl.ds(wloc0 + off, half)], wij[b],
                             wsem[b])
            pltpu.async_copy(idxi_hbm.at[pl.ds(lo0 + off, half)],
                             silo_v.at[b], isem[b])
            pltpu.async_copy(idxi_hbm.at[pl.ds(hi0 + off, half)],
                             sihi_v.at[b], isem[b])
            pltpu.async_copy(rc_hbm.at[pl.ds(lo0 + off, half)],
                             rclo_v.at[b, pl.ds(0, half)], isem[b])
            pltpu.async_copy(rc_hbm.at[pl.ds(hi0 + off, half)],
                             rchi_v.at[b, pl.ds(0, half)], isem[b])

        def drain_scatter(b):
            pltpu.make_async_copy(rows[b].at[pl.ds(0, half)],
                                  acc_sh.at[silo_v.at[b]], ssem[b]).wait()
            pltpu.make_async_copy(rows[b].at[pl.ds(half, half)],
                                  acc_sh.at[sihi_v.at[b]], ssem[b]).wait()

        def step(j, b):
            nb = 1 - b

            @pl.when(j + 1 < n_chunks)
            def _():
                @pl.when(j >= 1)
                def _():
                    drain_scatter(nb)
                issue(j + 1, nb)

            pltpu.make_async_copy(h_hbm.at[idxj_v.at[pl.ds(0, half)]],
                                  rows[b].at[pl.ds(0, half)], gsem[b]).wait()
            pltpu.make_async_copy(h_hbm.at[idxj_v.at[pl.ds(0, half)]],
                                  rows[b].at[pl.ds(half, half)], gsem[b]).wait()
            pltpu.make_async_copy(wij_hbm.at[pl.ds(0, half)], wij[b],
                                  wsem[b]).wait()
            for _ in range(4):
                pltpu.make_async_copy(rc_hbm.at[pl.ds(0, half)],
                                      rclo_v.at[b, pl.ds(0, half)],
                                      isem[b]).wait()
            zero16 = jnp.zeros((LANES, 1), jnp.int32)
            gdn = lax.GatherDimensionNumbers(offset_dims=(),
                                             collapsed_slice_dims=(0,),
                                             start_index_map=(0,))

            def mul_body(rr2, carry):
                for par, rowoff, rc_v in ((0, 0, rclo_v), (1, half, rchi_v)):
                    row = rowoff + rr2
                    rcv = rc_v[b, pl.ds(rr2, LANES)]
                    scale = lax.gather(
                        rcv, zero16, gdn, (1,),
                        mode=lax.GatherScatterMode.PROMISE_IN_BOUNDS)
                    for g in range(d // 32):
                        u = lax.bitcast_convert_type(
                            wij[b][rr2, pl.ds(64 * par + 16 * g, 16)],
                            jnp.uint32)
                        lo = lax.bitcast_convert_type(u << 16, jnp.float32) * scale
                        hi = lax.bitcast_convert_type(
                            u & jnp.uint32(0xFFFF0000), jnp.float32) * scale
                        sl0 = pl.ds(32 * g, LANES)
                        sl1 = pl.ds(32 * g + LANES, LANES)
                        rows[b][row, sl0] = rows[b][row, sl0] * lo
                        rows[b][row, sl1] = rows[b][row, sl1] * hi
                return carry

            lax.fori_loop(0, half, mul_body, 0)
            pltpu.async_copy(rows[b].at[pl.ds(0, half)],
                             acc_sh.at[silo_v.at[b]], ssem[b], add=True)
            pltpu.async_copy(rows[b].at[pl.ds(half, half)],
                             acc_sh.at[sihi_v.at[b]], ssem[b], add=True)

        issue(0, 0)

        def pair_body(t, carry):
            step(2 * t, 0)
            step(2 * t + 1, 1)
            return carry

        lax.fori_loop(0, n_chunks // 2, pair_body, 0)
        if n_chunks % 2 == 1:
            step(n_chunks - 1, 0)
        drain_scatter(1)
        drain_scatter(0)
        plsc.subcore_barrier()

        @pl.when(s < nz_tiles)
        def _():
            pltpu.sync_copy(acc_sh.at[pl.ds(row0, n_per_tile)],
                            out_hbm.at[c, pl.ds(row0, n_per_tile)])

    return sc_kernel


def kernel(x, f_ij, idx_i, idx_j, rcut_ij, W1, b1, Wf, bf, W2, b2):
    n, d = x.shape
    p = f_ij.shape[0]
    chunk = 80
    h = _compute_h(x, W1, b1)
    idxj = idx_j.astype(jnp.int32)
    idxi = idx_i.astype(jnp.int32)
    blk = 1280
    tile_rows_a, tile_rows_b = 1480, 3520
    nblk_a = tile_rows_a * NW // blk
    nblk_b = tile_rows_b * NW // blk
    wij_a = _compute_wij(f_ij, Wf, bf, 0, nblk_a)
    wij_b = _compute_wij(f_ij, Wf, bf, nblk_a, nblk_b)
    zeros = jnp.zeros((NC, n, d), jnp.float32)
    sc_a = _make_sc_scatter(n, d, p, chunk, 0, tile_rows_a)
    sc_b = _make_sc_scatter(n, d, p, chunk, tile_rows_a * NW, tile_rows_b)
    parts_a = sc_a(h, wij_a, idxj, idxi, rcut_ij, zeros)
    parts_b = sc_b(h, wij_b, idxj, idxi, rcut_ij, parts_a)
    return _compute_out(parts_b, W2, b2)

# --- scband reference (transcript-rebuilt; emitter-appended) ---
"""Pipeline reference for scband-sch-net-interaction-block-72851235275002 (READ-ONLY COPY).

The authoritative reference and input builder live on the scoring server;
editing this copy changes nothing except your own understanding.
"""

import jax, jax.numpy as jnp
import numpy as np

def shifted_softplus(x):
    return jax.nn.softplus(x) - jnp.log(2.0)

def setup_inputs(seed: int = 0):
    key = jax.random.key(seed)
    ks = jax.random.split(key, 8)
    N, P, D, F, R = 10000, 320000, 128, 128, 20
    x = jax.random.normal(ks[0], (N, D), dtype=jnp.float32)
    f_ij = jax.random.normal(ks[1], (P, R), dtype=jnp.float32)
    idx_i = jax.random.randint(ks[2], (P,), 0, N)
    idx_j = jax.random.randint(ks[3], (P,), 0, N)
    rcut_ij = jax.random.uniform(ks[4], (P,), dtype=jnp.float32)
    W1 = jax.random.normal(ks[5], (F, D), dtype=jnp.float32) / np.sqrt(D)
    b1 = jnp.zeros((F,), dtype=jnp.float32)
    Wf = jax.random.normal(ks[6], (F, R), dtype=jnp.float32) / np.sqrt(R)
    bf = jnp.zeros((F,), dtype=jnp.float32)
    W2 = jax.random.normal(ks[7], (D, F), dtype=jnp.float32) / np.sqrt(F)
    b2 = jnp.zeros((D,), dtype=jnp.float32)
    return {"x": x, "f_ij": f_ij, "idx_i": idx_i, "idx_j": idx_j, "rcut_ij": rcut_ij,
            "W1": W1, "b1": b1, "Wf": Wf, "bf": bf, "W2": W2, "b2": b2}

def reference(x, f_ij, idx_i, idx_j, rcut_ij, W1, b1, Wf, bf, W2, b2):
    # intput_to_feature: Linear(nr_atom_basis, nr_filters)
    h = x @ W1.T + b1
    # filter_network: Linear(nr_rbf, nr_filters) + ShiftedSoftplus
    Wij = shifted_softplus(f_ij @ Wf.T + bf)
    Wij = Wij * rcut_ij[:, None]
    # gather source atom features per pair
    x_j = h[idx_j]
    x_ij = x_j * Wij
    # scatter-add messages to destination atoms
    x_native = jnp.zeros_like(h).at[idx_i].add(x_ij)
    # feature_to_output: Linear(nr_filters, nr_atom_basis) + ShiftedSoftplus
    out = shifted_softplus(x_native @ W2.T + b2)
    return out

if __name__ == "__main__":
    import jax
    _d = setup_inputs()
    print(jax.jit(kernel)(*tuple(_d.values())))

</pallas_src>

<mosaic_0001>
#map = affine_map<(d0, d1) -> (0, 0)>
#map1 = affine_map<(d0, d1) -> (0)>
#map2 = affine_map<(d0, d1) -> (0, 0, 0)>
module attributes {stable_mosaic.version = 14 : i64} {
  func.func @sc_kernel(%arg0: i32, %arg1: i32, %arg2: memref<10000x128xf32, #tpu.memory_space<hbm>>, %arg3: memref<47360x128xi32, #tpu.memory_space<hbm>>, %arg4: memref<320000xi32, #tpu.memory_space<hbm>>, %arg5: memref<320000xi32, #tpu.memory_space<hbm>>, %arg6: memref<320000xf32, #tpu.memory_space<hbm>>, %arg7: memref<2x10000x128xf32, #tpu.memory_space<hbm>>, %arg8: memref<2x10000x128xf32, #tpu.memory_space<hbm>>, %arg9: memref<2960xi32, #tpu.memory_space<vmem>>, %arg10: memref<2x40xi32, #tpu.memory_space<vmem>>, %arg11: memref<2x40xi32, #tpu.memory_space<vmem>>, %arg12: memref<2x56xf32, #tpu.memory_space<vmem>>, %arg13: memref<2x56xf32, #tpu.memory_space<vmem>>, %arg14: memref<80x128xf32, #tpu.memory_space<vmem>>, %arg15: memref<80x128xf32, #tpu.memory_space<vmem>>, %arg16: memref<40x128xi32, #tpu.memory_space<vmem>>, %arg17: memref<40x128xi32, #tpu.memory_space<vmem>>, %arg18: memref<10000x128xf32, #tpu.memory_space<vmem_shared>>, %arg19: memref<!tpu.dma_semaphore, #tpu.memory_space<semaphore_mem>>, %arg20: memref<!tpu.dma_semaphore, #tpu.memory_space<semaphore_mem>>, %arg21: memref<!tpu.dma_semaphore, #tpu.memory_space<semaphore_mem>>, %arg22: memref<!tpu.dma_semaphore, #tpu.memory_space<semaphore_mem>>, %arg23: memref<!tpu.dma_semaphore, #tpu.memory_space<semaphore_mem>>, %arg24: memref<!tpu.dma_semaphore, #tpu.memory_space<semaphore_mem>>, %arg25: memref<!tpu.dma_semaphore, #tpu.memory_space<semaphore_mem>>, %arg26: memref<!tpu.dma_semaphore, #tpu.memory_space<semaphore_mem>>) attributes {dimension_semantics = [#tpu.dimension_semantics<core_parallel>, #tpu.dimension_semantics<subcore_parallel>], iteration_bounds = array<i64: 2, 16>, scalar_prefetch = 0 : i64, scratch_operands = 18 : i64, tpu.core_type = #tpu.core_type<sc_vector_subcore>, window_params = [{transform_indices = #map}, {transform_indices = #map}, {transform_indices = #map1}, {transform_indices = #map1}, {transform_indices = #map1}, {transform_indices = #map2}, {transform_indices = #map2}]} {
    %mul3A = arith.constant 16 : i32
    %mul3A_0 = arith.muli %arg0, %mul3A : i32
    %add3A = arith.addi %mul3A_0, %arg1 : i32
    %mul3A_1 = arith.constant 1000 : i32
    %mul3A_2 = arith.muli %arg1, %mul3A_1 : i32
    %lt3A = arith.constant 10 : i32
    %lt3A_3 = arith.cmpi slt, %arg1, %lt3A : i32
    %convert_element_type3A = arith.extui %lt3A_3 : i1 to i32
    %cond3A = arith.constant 0 : i32
    %cond3A_4 = arith.cmpi ne, %convert_element_type3A, %cond3A : i32
    scf.if %cond3A_4 {
      "tpu.region"() ({
        %run_scoped3A = tpu.sem_alloc : memref<!tpu.dma_semaphore, #tpu.memory_space<semaphore_mem>>
        %dma_start3A_223 = arith.constant 0 : i32
        %dma_start3A_224 = tpu.memref_slice %arg18[%mul3A_2, %dma_start3A_223] : memref<10000x128xf32, #tpu.memory_space<vmem_shared>> -> memref<1000x128xf32, #tpu.memory_space<vmem_shared>>
        %dma_start3A_225 = arith.constant 0 : i32
        %dma_start3A_226 = tpu.memref_slice %arg7[%arg0, %mul3A_2, %dma_start3A_225] : memref<2x10000x128xf32, #tpu.memory_space<hbm>> -> memref<1x1000x128xf32, #tpu.memory_space<hbm>>
        %dma_start3A_227 = tpu.memref_squeeze %dma_start3A_226 : memref<1x1000x128xf32, #tpu.memory_space<hbm>> -> memref<1000x128xf32, #tpu.memory_space<hbm>>
        tpu.enqueue_dma source(%dma_start3A_227 : memref<1000x128xf32, #tpu.memory_space<hbm>>) target(%dma_start3A_224 : memref<1000x128xf32, #tpu.memory_space<vmem_shared>>) target_semaphore(%run_scoped3A : memref<!tpu.dma_semaphore, #tpu.memory_space<semaphore_mem>>)
        %dma_wait3A_228 = arith.constant 0 : i32
        %dma_wait3A_229 = tpu.memref_slice %arg18[%mul3A_2, %dma_wait3A_228] : memref<10000x128xf32, #tpu.memory_space<vmem_shared>> -> memref<1000x128xf32, #tpu.memory_space<vmem_shared>>
        %dma_wait3A_230 = arith.constant 0 : i32
        %dma_wait3A_231 = tpu.memref_slice %arg7[%arg0, %mul3A_2, %dma_wait3A_230] : memref<2x10000x128xf32, #tpu.memory_space<hbm>> -> memref<1x1000x128xf32, #tpu.memory_space<hbm>>
        %dma_wait3A_232 = tpu.memref_squeeze %dma_wait3A_231 : memref<1x1000x128xf32, #tpu.memory_space<hbm>> -> memref<1000x128xf32, #tpu.memory_space<hbm>>
        tpu.wait_dma2 semaphore(%run_scoped3A : memref<!tpu.dma_semaphore, #tpu.memory_space<semaphore_mem>>) src(%dma_wait3A_232 : memref<1000x128xf32, #tpu.memory_space<hbm>>) dst(%dma_wait3A_229 : memref<1000x128xf32, #tpu.memory_space<vmem_shared>>)
        tpu.yield
      }) : () -> ()
    } else {
    }
    %mul3A_5 = arith.constant 1480 : i32
    %mul3A_6 = arith.muli %add3A, %mul3A_5 : i32
    %add3A_7 = arith.constant 0 : i32
    %add3A_8 = arith.addi %add3A_7, %mul3A_6 : i32
    %mul3A_9 = arith.constant 1480 : i32
    %mul3A_10 = arith.muli %add3A, %mul3A_9 : i32
    %add3A_11 = arith.constant 160000 : i32
    %add3A_12 = arith.addi %add3A_11, %mul3A_10 : i32
    %mul3A_13 = arith.constant 1480 : i32
    %mul3A_14 = arith.muli %add3A, %mul3A_13 : i32
    "tpu.region"() ({
      %run_scoped3A = tpu.sem_alloc : memref<!tpu.dma_semaphore, #tpu.memory_space<semaphore_mem>>
      %dma_start3A_223 = arith.constant 0 : i32
      %dma_start3A_224 = tpu.memref_slice %arg9[%dma_start3A_223] : memref<2960xi32, #tpu.memory_space<vmem>> -> memref<1480xi32, #tpu.memory_space<vmem>>
      %dma_start3A_225 = tpu.memref_slice %arg4[%add3A_8] : memref<320000xi32, #tpu.memory_space<hbm>> -> memref<1480xi32, #tpu.memory_space<hbm>>
      %dma_start3A_226 = arith.constant 0 : i32
      %dma_start3A_227 = tpu.memref_slice %arg9[%dma_start3A_226] : memref<2960xi32, #tpu.memory_space<vmem>> -> memref<1480xi32, #tpu.memory_space<vmem>>
      %dma_start3A_228 = tpu.memref_slice %arg4[%add3A_8] : memref<320000xi32, #tpu.memory_space<hbm>> -> memref<1480xi32, #tpu.memory_space<hbm>>
      tpu.enqueue_dma source(%dma_start3A_228 : memref<1480xi32, #tpu.memory_space<hbm>>) target(%dma_start3A_227 : memref<1480xi32, #tpu.memory_space<vmem>>) target_semaphore(%run_scoped3A : memref<!tpu.dma_semaphore, #tpu.memory_space<semaphore_mem>>)
      %dma_wait3A_229 = arith.constant 0 : i32
      %dma_wait3A_230 = tpu.memref_slice %arg9[%dma_wait3A_229] : memref<2960xi32, #tpu.memory_space<vmem>> -> memref<1480xi32, #tpu.memory_space<vmem>>
      %dma_wait3A_231 = tpu.memref_slice %arg4[%add3A_8] : memref<320000xi32, #tpu.memory_space<hbm>> -> memref<1480xi32, #tpu.memory_space<hbm>>
      %dma_wait3A_232 = arith.constant 0 : i32
      %dma_wait3A_233 = tpu.memref_slice %arg9[%dma_wait3A_232] : memref<2960xi32, #tpu.memory_space<vmem>> -> memref<1480xi32, #tpu.memory_space<vmem>>
      %dma_wait3A_234 = tpu.memref_slice %arg4[%add3A_8] : memref<320000xi32, #tpu.memory_space<hbm>> -> memref<1480xi32, #tpu.memory_space<hbm>>
      tpu.wait_dma2 semaphore(%run_scoped3A : memref<!tpu.dma_semaphore, #tpu.memory_space<semaphore_mem>>) src(%dma_wait3A_234 : memref<1480xi32, #tpu.memory_space<hbm>>) dst(%dma_wait3A_233 : memref<1480xi32, #tpu.memory_space<vmem>>)
      tpu.yield
    }) : () -> ()
    "tpu.region"() ({
      %run_scoped3A = tpu.sem_alloc : memref<!tpu.dma_semaphore, #tpu.memory_space<semaphore_mem>>
      %dma_start3A_223 = arith.constant 1480 : i32
      %dma_start3A_224 = tpu.memref_slice %arg9[%dma_start3A_223] : memref<2960xi32, #tpu.memory_space<vmem>> -> memref<1480xi32, #tpu.memory_space<vmem>>
      %dma_start3A_225 = tpu.memref_slice %arg4[%add3A_12] : memref<320000xi32, #tpu.memory_space<hbm>> -> memref<1480xi32, #tpu.memory_space<hbm>>
      %dma_start3A_226 = arith.constant 1480 : i32
      %dma_start3A_227 = tpu.memref_slice %arg9[%dma_start3A_226] : memref<2960xi32, #tpu.memory_space<vmem>> -> memref<1480xi32, #tpu.memory_space<vmem>>
      %dma_start3A_228 = tpu.memref_slice %arg4[%add3A_12] : memref<320000xi32, #tpu.memory_space<hbm>> -> memref<1480xi32, #tpu.memory_space<hbm>>
      tpu.enqueue_dma source(%dma_start3A_228 : memref<1480xi32, #tpu.memory_space<hbm>>) target(%dma_start3A_227 : memref<1480xi32, #tpu.memory_space<vmem>>) target_semaphore(%run_scoped3A : memref<!tpu.dma_semaphore, #tpu.memory_space<semaphore_mem>>)
      %dma_wait3A_229 = arith.constant 1480 : i32
      %dma_wait3A_230 = tpu.memref_slice %arg9[%dma_wait3A_229] : memref<2960xi32, #tpu.memory_space<vmem>> -> memref<1480xi32, #tpu.memory_space<vmem>>
      %dma_wait3A_231 = tpu.memref_slice %arg4[%add3A_12] : memref<320000xi32, #tpu.memory_space<hbm>> -> memref<1480xi32, #tpu.memory_space<hbm>>
      %dma_wait3A_232 = arith.constant 1480 : i32
      %dma_wait3A_233 = tpu.memref_slice %arg9[%dma_wait3A_232] : memref<2960xi32, #tpu.memory_space<vmem>> -> memref<1480xi32, #tpu.memory_space<vmem>>
      %dma_wait3A_234 = tpu.memref_slice %arg4[%add3A_12] : memref<320000xi32, #tpu.memory_space<hbm>> -> memref<1480xi32, #tpu.memory_space<hbm>>
      tpu.wait_dma2 semaphore(%run_scoped3A : memref<!tpu.dma_semaphore, #tpu.memory_space<semaphore_mem>>) src(%dma_wait3A_234 : memref<1480xi32, #tpu.memory_space<hbm>>) dst(%dma_wait3A_233 : memref<1480xi32, #tpu.memory_space<vmem>>)
      tpu.yield
    }) : () -> ()
    %barrier3A = arith.constant 0 : index
    tpu.barrier barrier_id(%barrier3A)
    %dma_start3A = arith.constant 0 : i32
    %dma_start3A_15 = arith.constant 0 : i32
    %dma_start3A_16 = tpu.memref_slice %arg14[%dma_start3A, %dma_start3A_15] : memref<80x128xf32, #tpu.memory_space<vmem>> -> memref<40x128xf32, #tpu.memory_space<vmem>>
    %dma_start3A_17 = arith.constant 0 : i32
    %dma_start3A_18 = tpu.memref_slice %arg9[%dma_start3A_17] : memref<2960xi32, #tpu.memory_space<vmem>> -> memref<40xi32, #tpu.memory_space<vmem>>
    %dma_start3A_19 = arith.constant 0 : i32
    %dma_start3A_20 = arith.constant 0 : i32
    %dma_start3A_21 = tpu.memref_slice %arg2[%dma_start3A_19, %dma_start3A_20] : memref<10000x128xf32, #tpu.memory_space<hbm>> -> memref<10000x128xf32, #tpu.memory_space<hbm>>
    tpu.enqueue_indirect_dma source(%dma_start3A_21 : memref<10000x128xf32, #tpu.memory_space<hbm>>) target(%dma_start3A_16 : memref<40x128xf32, #tpu.memory_space<vmem>>) offsets(%dma_start3A_18 : memref<40xi32, #tpu.memory_space<vmem>>) semaphore(%arg19 : memref<!tpu.dma_semaphore, #tpu.memory_space<semaphore_mem>>)
    %dma_start3A_22 = arith.constant 40 : i32
    %dma_start3A_23 = arith.constant 0 : i32
    %dma_start3A_24 = tpu.memref_slice %arg14[%dma_start3A_22, %dma_start3A_23] : memref<80x128xf32, #tpu.memory_space<vmem>> -> memref<40x128xf32, #tpu.memory_space<vmem>>
    %dma_start3A_25 = arith.constant 1480 : i32
    %dma_start3A_26 = tpu.memref_slice %arg9[%dma_start3A_25] : memref<2960xi32, #tpu.memory_space<vmem>> -> memref<40xi32, #tpu.memory_space<vmem>>
    %dma_start3A_27 = arith.constant 0 : i32
    %dma_start3A_28 = arith.constant 0 : i32
    %dma_start3A_29 = tpu.memref_slice %arg2[%dma_start3A_27, %dma_start3A_28] : memref<10000x128xf32, #tpu.memory_space<hbm>> -> memref<10000x128xf32, #tpu.memory_space<hbm>>
    tpu.enqueue_indirect_dma source(%dma_start3A_29 : memref<10000x128xf32, #tpu.memory_space<hbm>>) target(%dma_start3A_24 : memref<40x128xf32, #tpu.memory_space<vmem>>) offsets(%dma_start3A_26 : memref<40xi32, #tpu.memory_space<vmem>>) semaphore(%arg19 : memref<!tpu.dma_semaphore, #tpu.memory_space<semaphore_mem>>)
    %add3A_30 = arith.constant 0 : i32
    %add3A_31 = arith.addi %mul3A_14, %add3A_30 : i32
    %dma_start3A_32 = arith.constant 0 : i32
    %dma_start3A_33 = tpu.memref_slice %arg3[%add3A_31, %dma_start3A_32] : memref<47360x128xi32, #tpu.memory_space<hbm>> -> memref<40x128xi32, #tpu.memory_space<hbm>>
    %dma_start3A_34 = arith.constant 0 : i32
    %dma_start3A_35 = tpu.memref_slice %arg3[%add3A_31, %dma_start3A_34] : memref<47360x128xi32, #tpu.memory_space<hbm>> -> memref<40x128xi32, #tpu.memory_space<hbm>>
    tpu.enqueue_dma source(%dma_start3A_35 : memref<40x128xi32, #tpu.memory_space<hbm>>) target(%arg16 : memref<40x128xi32, #tpu.memory_space<vmem>>) target_semaphore(%arg21 : memref<!tpu.dma_semaphore, #tpu.memory_space<semaphore_mem>>)
    %add3A_36 = arith.constant 0 : i32
    %add3A_37 = arith.addi %add3A_8, %add3A_36 : i32
    %dma_start3A_38 = arith.constant 0 : i32
    %dma_start3A_39 = arith.constant 0 : i32
    %dma_start3A_40 = tpu.memref_slice %arg10[%dma_start3A_38, %dma_start3A_39] : memref<2x40xi32, #tpu.memory_space<vmem>> -> memref<1x40xi32, #tpu.memory_space<vmem>>
    %dma_start3A_41 = tpu.memref_squeeze %dma_start3A_40 : memref<1x40xi32, #tpu.memory_space<vmem>> -> memref<40xi32, #tpu.memory_space<vmem>>
    %dma_start3A_42 = tpu.memref_slice %arg5[%add3A_37] : memref<320000xi32, #tpu.memory_space<hbm>> -> memref<40xi32, #tpu.memory_space<hbm>>
    %dma_start3A_43 = arith.constant 0 : i32
    %dma_start3A_44 = tpu.memref_slice %arg10[%dma_start3A_38, %dma_start3A_43] : memref<2x40xi32, #tpu.memory_space<vmem>> -> memref<1x40xi32, #tpu.memory_space<vmem>>
    %dma_start3A_45 = tpu.memref_squeeze %dma_start3A_44 : memref<1x40xi32, #tpu.memory_space<vmem>> -> memref<40xi32, #tpu.memory_space<vmem>>
    %dma_start3A_46 = tpu.memref_slice %arg5[%add3A_37] : memref<320000xi32, #tpu.memory_space<hbm>> -> memref<40xi32, #tpu.memory_space<hbm>>
    tpu.enqueue_dma source(%dma_start3A_46 : memref<40xi32, #tpu.memory_space<hbm>>) target(%dma_start3A_45 : memref<40xi32, #tpu.memory_space<vmem>>) target_semaphore(%arg25 : memref<!tpu.dma_semaphore, #tpu.memory_space<semaphore_mem>>)
    %add3A_47 = arith.constant 0 : i32
    %add3A_48 = arith.addi %add3A_12, %add3A_47 : i32
    %dma_start3A_49 = arith.constant 0 : i32
    %dma_start3A_50 = arith.constant 0 : i32
    %dma_start3A_51 = tpu.memref_slice %arg11[%dma_start3A_49, %dma_start3A_50] : memref<2x40xi32, #tpu.memory_space<vmem>> -> memref<1x40xi32, #tpu.memory_space<vmem>>
    %dma_start3A_52 = tpu.memref_squeeze %dma_start3A_51 : memref<1x40xi32, #tpu.memory_space<vmem>> -> memref<40xi32, #tpu.memory_space<vmem>>
    %dma_start3A_53 = tpu.memref_slice %arg5[%add3A_48] : memref<320000xi32, #tpu.memory_space<hbm>> -> memref<40xi32, #tpu.memory_space<hbm>>
    %dma_start3A_54 = arith.constant 0 : i32
    %dma_start3A_55 = tpu.memref_slice %arg11[%dma_start3A_49, %dma_start3A_54] : memref<2x40xi32, #tpu.memory_space<vmem>> -> memref<1x40xi32, #tpu.memory_space<vmem>>
    %dma_start3A_56 = tpu.memref_squeeze %dma_start3A_55 : memref<1x40xi32, #tpu.memory_space<vmem>> -> memref<40xi32, #tpu.memory_space<vmem>>
    %dma_start3A_57 = tpu.memref_slice %arg5[%add3A_48] : memref<320000xi32, #tpu.memory_space<hbm>> -> memref<40xi32, #tpu.memory_space<hbm>>
    tpu.enqueue_dma source(%dma_start3A_57 : memref<40xi32, #tpu.memory_space<hbm>>) target(%dma_start3A_56 : memref<40xi32, #tpu.memory_space<vmem>>) target_semaphore(%arg25 : memref<!tpu.dma_semaphore, #tpu.memory_space<semaphore_mem>>)
    %add3A_58 = arith.constant 0 : i32
    %add3A_59 = arith.addi %add3A_8, %add3A_58 : i32
    %dma_start3A_60 = arith.constant 0 : i32
    %dma_start3A_61 = arith.constant 0 : i32
    %dma_start3A_62 = tpu.memref_slice %arg12[%dma_start3A_60, %dma_start3A_61] : memref<2x56xf32, #tpu.memory_space<vmem>> -> memref<1x40xf32, #tpu.memory_space<vmem>>
    %dma_start3A_63 = tpu.memref_squeeze %dma_start3A_62 : memref<1x40xf32, #tpu.memory_space<vmem>> -> memref<40xf32, #tpu.memory_space<vmem>>
    %dma_start3A_64 = tpu.memref_slice %arg6[%add3A_59] : memref<320000xf32, #tpu.memory_space<hbm>> -> memref<40xf32, #tpu.memory_space<hbm>>
    %dma_start3A_65 = arith.constant 0 : i32
    %dma_start3A_66 = tpu.memref_slice %arg12[%dma_start3A_60, %dma_start3A_65] : memref<2x56xf32, #tpu.memory_space<vmem>> -> memref<1x40xf32, #tpu.memory_space<vmem>>
    %dma_start3A_67 = tpu.memref_squeeze %dma_start3A_66 : memref<1x40xf32, #tpu.memory_space<vmem>> -> memref<40xf32, #tpu.memory_space<vmem>>
    %dma_start3A_68 = tpu.memref_slice %arg6[%add3A_59] : memref<320000xf32, #tpu.memory_space<hbm>> -> memref<40xf32, #tpu.memory_space<hbm>>
    tpu.enqueue_dma source(%dma_start3A_68 : memref<40xf32, #tpu.memory_space<hbm>>) target(%dma_start3A_67 : memref<40xf32, #tpu.memory_space<vmem>>) target_semaphore(%arg25 : memref<!tpu.dma_semaphore, #tpu.memory_space<semaphore_mem>>)
    %add3A_69 = arith.constant 0 : i32
    %add3A_70 = arith.addi %add3A_12, %add3A_69 : i32
    %dma_start3A_71 = arith.constant 0 : i32
    %dma_start3A_72 = arith.constant 0 : i32
    %dma_start3A_73 = tpu.memref_slice %arg13[%dma_start3A_71, %dma_start3A_72] : memref<2x56xf32, #tpu.memory_space<vmem>> -> memref<1x40xf32, #tpu.memory_space<vmem>>
    %dma_start3A_74 = tpu.memref_squeeze %dma_start3A_73 : memref<1x40xf32, #tpu.memory_space<vmem>> -> memref<40xf32, #tpu.memory_space<vmem>>
    %dma_start3A_75 = tpu.memref_slice %arg6[%add3A_70] : memref<320000xf32, #tpu.memory_space<hbm>> -> memref<40xf32, #tpu.memory_space<hbm>>
    %dma_start3A_76 = arith.constant 0 : i32
    %dma_start3A_77 = tpu.memref_slice %arg13[%dma_start3A_71, %dma_start3A_76] : memref<2x56xf32, #tpu.memory_space<vmem>> -> memref<1x40xf32, #tpu.memory_space<vmem>>
    %dma_start3A_78 = tpu.memref_squeeze %dma_start3A_77 : memref<1x40xf32, #tpu.memory_space<vmem>> -> memref<40xf32, #tpu.memory_space<vmem>>
    %dma_start3A_79 = tpu.memref_slice %arg6[%add3A_70] : memref<320000xf32, #tpu.memory_space<hbm>> -> memref<40xf32, #tpu.memory_space<hbm>>
    tpu.enqueue_dma source(%dma_start3A_79 : memref<40xf32, #tpu.memory_space<hbm>>) target(%dma_start3A_78 : memref<40xf32, #tpu.memory_space<vmem>>) target_semaphore(%arg25 : memref<!tpu.dma_semaphore, #tpu.memory_space<semaphore_mem>>)
    %scan3A = arith.constant 0 : i32
    %scan3A_80 = arith.constant 0 : i32
    %scan3A_81 = arith.constant 18 : i32
    %scan3A_82 = arith.addi %scan3A_80, %scan3A_81 : i32
    %scan3A_83 = arith.constant 1 : i32
    scf.for %scan3A_223 = %scan3A_80 to %scan3A_82 step %scan3A_83  : i32 {
      %mul3A_224 = arith.constant 2 : i32
      %mul3A_225 = arith.muli %mul3A_224, %scan3A_223 : i32
      %add3A_226 = arith.constant 1 : i32
      %add3A_227 = arith.addi %mul3A_225, %add3A_226 : i32
      %lt3A_228 = arith.constant 37 : i32
      %lt3A_229 = arith.cmpi slt, %add3A_227, %lt3A_228 : i32
      %convert_element_type3A_230 = arith.extui %lt3A_229 : i1 to i32
      %cond3A_231 = arith.constant 0 : i32
      %cond3A_232 = arith.cmpi ne, %convert_element_type3A_230, %cond3A_231 : i32
      scf.if %cond3A_232 {
        %ge3A = arith.constant 1 : i32
        %ge3A_432 = arith.cmpi sge, %mul3A_225, %ge3A : i32
        %convert_element_type3A_433 = arith.extui %ge3A_432 : i1 to i32
        %cond3A_434 = arith.constant 0 : i32
        %cond3A_435 = arith.cmpi ne, %convert_element_type3A_433, %cond3A_434 : i32
        scf.if %cond3A_435 {
          %dma_wait3A_501 = arith.constant 1 : i32
          %dma_wait3A_502 = arith.constant 0 : i32
          %dma_wait3A_503 = arith.constant 0 : i32
          %dma_wait3A_504 = tpu.memref_slice %arg15[%dma_wait3A_502, %dma_wait3A_503] : memref<80x128xf32, #tpu.memory_space<vmem>> -> memref<40x128xf32, #tpu.memory_space<vmem>>
          %dma_wait3A_505 = arith.constant 0 : i32
          %dma_wait3A_506 = tpu.memref_slice %arg10[%dma_wait3A_501, %dma_wait3A_505] : memref<2x40xi32, #tpu.memory_space<vmem>> -> memref<1x40xi32, #tpu.memory_space<vmem>>
          %dma_wait3A_507 = tpu.memref_squeeze %dma_wait3A_506 : memref<1x40xi32, #tpu.memory_space<vmem>> -> memref<40xi32, #tpu.memory_space<vmem>>
          %dma_wait3A_508 = arith.constant 0 : i32
          %dma_wait3A_509 = arith.constant 0 : i32
          %dma_wait3A_510 = tpu.memref_slice %arg18[%dma_wait3A_508, %dma_wait3A_509] : memref<10000x128xf32, #tpu.memory_space<vmem_shared>> -> memref<10000x128xf32, #tpu.memory_space<vmem_shared>>
          tpu.wait_indirect_dma semaphore(%arg24 : memref<!tpu.dma_semaphore, #tpu.memory_space<semaphore_mem>>) src(%dma_wait3A_504 : memref<40x128xf32, #tpu.memory_space<vmem>>) dst(%dma_wait3A_510 : memref<10000x128xf32, #tpu.memory_space<vmem_shared>>)
          %dma_wait3A_511 = arith.constant 1 : i32
          %dma_wait3A_512 = arith.constant 40 : i32
          %dma_wait3A_513 = arith.constant 0 : i32
          %dma_wait3A_514 = tpu.memref_slice %arg15[%dma_wait3A_512, %dma_wait3A_513] : memref<80x128xf32, #tpu.memory_space<vmem>> -> memref<40x128xf32, #tpu.memory_space<vmem>>
          %dma_wait3A_515 = arith.constant 0 : i32
          %dma_wait3A_516 = tpu.memref_slice %arg11[%dma_wait3A_511, %dma_wait3A_515] : memref<2x40xi32, #tpu.memory_space<vmem>> -> memref<1x40xi32, #tpu.memory_space<vmem>>
          %dma_wait3A_517 = tpu.memref_squeeze %dma_wait3A_516 : memref<1x40xi32, #tpu.memory_space<vmem>> -> memref<40xi32, #tpu.memory_space<vmem>>
          %dma_wait3A_518 = arith.constant 0 : i32
          %dma_wait3A_519 = arith.constant 0 : i32
          %dma_wait3A_520 = tpu.memref_slice %arg18[%dma_wait3A_518, %dma_wait3A_519] : memref<10000x128xf32, #tpu.memory_space<vmem_shared>> -> memref<10000x128xf32, #tpu.memory_space<vmem_shared>>
          tpu.wait_indirect_dma semaphore(%arg24 : memref<!tpu.dma_semaphore, #tpu.memory_space<semaphore_mem>>) src(%dma_wait3A_514 : memref<40x128xf32, #tpu.memory_space<vmem>>) dst(%dma_wait3A_520 : memref<10000x128xf32, #tpu.memory_space<vmem_shared>>)
        } else {
        }
        %add3A_436 = arith.constant 1 : i32
        %add3A_437 = arith.addi %mul3A_225, %add3A_436 : i32
        %mul3A_438 = arith.constant 40 : i32
        %mul3A_439 = arith.muli %add3A_437, %mul3A_438 : i32
        %dma_start3A_440 = arith.constant 0 : i32
        %dma_start3A_441 = arith.constant 0 : i32
        %dma_start3A_442 = tpu.memref_slice %arg15[%dma_start3A_440, %dma_start3A_441] : memref<80x128xf32, #tpu.memory_space<vmem>> -> memref<40x128xf32, #tpu.memory_space<vmem>>
        %dma_start3A_443 = tpu.memref_slice %arg9[%mul3A_439] : memref<2960xi32, #tpu.memory_space<vmem>> -> memref<40xi32, #tpu.memory_space<vmem>>
        %dma_start3A_444 = arith.constant 0 : i32
        %dma_start3A_445 = arith.constant 0 : i32
        %dma_start3A_446 = tpu.memref_slice %arg2[%dma_start3A_444, %dma_start3A_445] : memref<10000x128xf32, #tpu.memory_space<hbm>> -> memref<10000x128xf32, #tpu.memory_space<hbm>>
        tpu.enqueue_indirect_dma source(%dma_start3A_446 : memref<10000x128xf32, #tpu.memory_space<hbm>>) target(%dma_start3A_442 : memref<40x128xf32, #tpu.memory_space<vmem>>) offsets(%dma_start3A_443 : memref<40xi32, #tpu.memory_space<vmem>>) semaphore(%arg20 : memref<!tpu.dma_semaphore, #tpu.memory_space<semaphore_mem>>)
        %add3A_447 = arith.constant 1480 : i32
        %add3A_448 = arith.addi %add3A_447, %mul3A_439 : i32
        %dma_start3A_449 = arith.constant 40 : i32
        %dma_start3A_450 = arith.constant 0 : i32
        %dma_start3A_451 = tpu.memref_slice %arg15[%dma_start3A_449, %dma_start3A_450] : memref<80x128xf32, #tpu.memory_space<vmem>> -> memref<40x128xf32, #tpu.memory_space<vmem>>
        %dma_start3A_452 = tpu.memref_slice %arg9[%add3A_448] : memref<2960xi32, #tpu.memory_space<vmem>> -> memref<40xi32, #tpu.memory_space<vmem>>
        %dma_start3A_453 = arith.constant 0 : i32
        %dma_start3A_454 = arith.constant 0 : i32
        %dma_start3A_455 = tpu.memref_slice %arg2[%dma_start3A_453, %dma_start3A_454] : memref<10000x128xf32, #tpu.memory_space<hbm>> -> memref<10000x128xf32, #tpu.memory_space<hbm>>
        tpu.enqueue_indirect_dma source(%dma_start3A_455 : memref<10000x128xf32, #tpu.memory_space<hbm>>) target(%dma_start3A_451 : memref<40x128xf32, #tpu.memory_space<vmem>>) offsets(%dma_start3A_452 : memref<40xi32, #tpu.memory_space<vmem>>) semaphore(%arg20 : memref<!tpu.dma_semaphore, #tpu.memory_space<semaphore_mem>>)
        %add3A_456 = arith.addi %mul3A_14, %mul3A_439 : i32
        %dma_start3A_457 = arith.constant 0 : i32
        %dma_start3A_458 = tpu.memref_slice %arg3[%add3A_456, %dma_start3A_457] : memref<47360x128xi32, #tpu.memory_space<hbm>> -> memref<40x128xi32, #tpu.memory_space<hbm>>
        %dma_start3A_459 = arith.constant 0 : i32
        %dma_start3A_460 = tpu.memref_slice %arg3[%add3A_456, %dma_start3A_459] : memref<47360x128xi32, #tpu.memory_space<hbm>> -> memref<40x128xi32, #tpu.memory_space<hbm>>
        tpu.enqueue_dma source(%dma_start3A_460 : memref<40x128xi32, #tpu.memory_space<hbm>>) target(%arg17 : memref<40x128xi32, #tpu.memory_space<vmem>>) target_semaphore(%arg22 : memref<!tpu.dma_semaphore, #tpu.memory_space<semaphore_mem>>)
        %add3A_461 = arith.addi %add3A_8, %mul3A_439 : i32
        %dma_start3A_462 = arith.constant 1 : i32
        %dma_start3A_463 = arith.constant 0 : i32
        %dma_start3A_464 = tpu.memref_slice %arg10[%dma_start3A_462, %dma_start3A_463] : memref<2x40xi32, #tpu.memory_space<vmem>> -> memref<1x40xi32, #tpu.memory_space<vmem>>
        %dma_start3A_465 = tpu.memref_squeeze %dma_start3A_464 : memref<1x40xi32, #tpu.memory_space<vmem>> -> memref<40xi32, #tpu.memory_space<vmem>>
        %dma_start3A_466 = tpu.memref_slice %arg5[%add3A_461] : memref<320000xi32, #tpu.memory_space<hbm>> -> memref<40xi32, #tpu.memory_space<hbm>>
        %dma_start3A_467 = arith.constant 0 : i32
        %dma_start3A_468 = tpu.memref_slice %arg10[%dma_start3A_462, %dma_start3A_467] : memref<2x40xi32, #tpu.memory_space<vmem>> -> memref<1x40xi32, #tpu.memory_space<vmem>>
        %dma_start3A_469 = tpu.memref_squeeze %dma_start3A_468 : memref<1x40xi32, #tpu.memory_space<vmem>> -> memref<40xi32, #tpu.memory_space<vmem>>
        %dma_start3A_470 = tpu.memref_slice %arg5[%add3A_461] : memref<320000xi32, #tpu.memory_space<hbm>> -> memref<40xi32, #tpu.memory_space<hbm>>
        tpu.enqueue_dma source(%dma_start3A_470 : memref<40xi32, #tpu.memory_space<hbm>>) target(%dma_start3A_469 : memref<40xi32, #tpu.memory_space<vmem>>) target_semaphore(%arg26 : memref<!tpu.dma_semaphore, #tpu.memory_space<semaphore_mem>>)
        %add3A_471 = arith.addi %add3A_12, %mul3A_439 : i32
        %dma_start3A_472 = arith.constant 1 : i32
        %dma_start3A_473 = arith.constant 0 : i32
        %dma_start3A_474 = tpu.memref_slice %arg11[%dma_start3A_472, %dma_start3A_473] : memref<2x40xi32, #tpu.memory_space<vmem>> -> memref<1x40xi32, #tpu.memory_space<vmem>>
        %dma_start3A_475 = tpu.memref_squeeze %dma_start3A_474 : memref<1x40xi32, #tpu.memory_space<vmem>> -> memref<40xi32, #tpu.memory_space<vmem>>
        %dma_start3A_476 = tpu.memref_slice %arg5[%add3A_471] : memref<320000xi32, #tpu.memory_space<hbm>> -> memref<40xi32, #tpu.memory_space<hbm>>
        %dma_start3A_477 = arith.constant 0 : i32
        %dma_start3A_478 = tpu.memref_slice %arg11[%dma_start3A_472, %dma_start3A_477] : memref<2x40xi32, #tpu.memory_space<vmem>> -> memref<1x40xi32, #tpu.memory_space<vmem>>
        %dma_start3A_479 = tpu.memref_squeeze %dma_start3A_478 : memref<1x40xi32, #tpu.memory_space<vmem>> -> memref<40xi32, #tpu.memory_space<vmem>>
        %dma_start3A_480 = tpu.memref_slice %arg5[%add3A_471] : memref<320000xi32, #tpu.memory_space<hbm>> -> memref<40xi32, #tpu.memory_space<hbm>>
        tpu.enqueue_dma source(%dma_start3A_480 : memref<40xi32, #tpu.memory_space<hbm>>) target(%dma_start3A_479 : memref<40xi32, #tpu.memory_space<vmem>>) target_semaphore(%arg26 : memref<!tpu.dma_semaphore, #tpu.memory_space<semaphore_mem>>)
        %add3A_481 = arith.addi %add3A_8, %mul3A_439 : i32
        %dma_start3A_482 = arith.constant 1 : i32
        %dma_start3A_483 = arith.constant 0 : i32
        %dma_start3A_484 = tpu.memref_slice %arg12[%dma_start3A_482, %dma_start3A_483] : memref<2x56xf32, #tpu.memory_space<vmem>> -> memref<1x40xf32, #tpu.memory_space<vmem>>
        %dma_start3A_485 = tpu.memref_squeeze %dma_start3A_484 : memref<1x40xf32, #tpu.memory_space<vmem>> -> memref<40xf32, #tpu.memory_space<vmem>>
        %dma_start3A_486 = tpu.memref_slice %arg6[%add3A_481] : memref<320000xf32, #tpu.memory_space<hbm>> -> memref<40xf32, #tpu.memory_space<hbm>>
        %dma_start3A_487 = arith.constant 0 : i32
        %dma_start3A_488 = tpu.memref_slice %arg12[%dma_start3A_482, %dma_start3A_487] : memref<2x56xf32, #tpu.memory_space<vmem>> -> memref<1x40xf32, #tpu.memory_space<vmem>>
        %dma_start3A_489 = tpu.memref_squeeze %dma_start3A_488 : memref<1x40xf32, #tpu.memory_space<vmem>> -> memref<40xf32, #tpu.memory_space<vmem>>
        %dma_start3A_490 = tpu.memref_slice %arg6[%add3A_481] : memref<320000xf32, #tpu.memory_space<hbm>> -> memref<40xf32, #tpu.memory_space<hbm>>
        tpu.enqueue_dma source(%dma_start3A_490 : memref<40xf32, #tpu.memory_space<hbm>>) target(%dma_start3A_489 : memref<40xf32, #tpu.memory_space<vmem>>) target_semaphore(%arg26 : memref<!tpu.dma_semaphore, #tpu.memory_space<semaphore_mem>>)
        %add3A_491 = arith.addi %add3A_12, %mul3A_439 : i32
        %dma_start3A_492 = arith.constant 1 : i32
        %dma_start3A_493 = arith.constant 0 : i32
        %dma_start3A_494 = tpu.memref_slice %arg13[%dma_start3A_492, %dma_start3A_493] : memref<2x56xf32, #tpu.memory_space<vmem>> -> memref<1x40xf32, #tpu.memory_space<vmem>>
        %dma_start3A_495 = tpu.memref_squeeze %dma_start3A_494 : memref<1x40xf32, #tpu.memory_space<vmem>> -> memref<40xf32, #tpu.memory_space<vmem>>
        %dma_start3A_496 = tpu.memref_slice %arg6[%add3A_491] : memref<320000xf32, #tpu.memory_space<hbm>> -> memref<40xf32, #tpu.memory_space<hbm>>
        %dma_start3A_497 = arith.constant 0 : i32
        %dma_start3A_498 = tpu.memref_slice %arg13[%dma_start3A_492, %dma_start3A_497] : memref<2x56xf32, #tpu.memory_space<vmem>> -> memref<1x40xf32, #tpu.memory_space<vmem>>
        %dma_start3A_499 = tpu.memref_squeeze %dma_start3A_498 : memref<1x40xf32, #tpu.memory_space<vmem>> -> memref<40xf32, #tpu.memory_space<vmem>>
        %dma_start3A_500 = tpu.memref_slice %arg6[%add3A_491] : memref<320000xf32, #tpu.memory_space<hbm>> -> memref<40xf32, #tpu.memory_space<hbm>>
        tpu.enqueue_dma source(%dma_start3A_500 : memref<40xf32, #tpu.memory_space<hbm>>) target(%dma_start3A_499 : memref<40xf32, #tpu.memory_space<vmem>>) target_semaphore(%arg26 : memref<!tpu.dma_semaphore, #tpu.memory_space<semaphore_mem>>)
      } else {
      }
      %dma_wait3A_233 = arith.constant 0 : i32
      %dma_wait3A_234 = arith.constant 0 : i32
      %dma_wait3A_235 = tpu.memref_slice %arg14[%dma_wait3A_233, %dma_wait3A_234] : memref<80x128xf32, #tpu.memory_space<vmem>> -> memref<40x128xf32, #tpu.memory_space<vmem>>
      %dma_wait3A_236 = arith.constant 0 : i32
      %dma_wait3A_237 = tpu.memref_slice %arg9[%dma_wait3A_236] : memref<2960xi32, #tpu.memory_space<vmem>> -> memref<40xi32, #tpu.memory_space<vmem>>
      %dma_wait3A_238 = arith.constant 0 : i32
      %dma_wait3A_239 = arith.constant 0 : i32
      %dma_wait3A_240 = tpu.memref_slice %arg2[%dma_wait3A_238, %dma_wait3A_239] : memref<10000x128xf32, #tpu.memory_space<hbm>> -> memref<10000x128xf32, #tpu.memory_space<hbm>>
      tpu.wait_indirect_dma semaphore(%arg19 : memref<!tpu.dma_semaphore, #tpu.memory_space<semaphore_mem>>) src(%dma_wait3A_240 : memref<10000x128xf32, #tpu.memory_space<hbm>>) dst(%dma_wait3A_235 : memref<40x128xf32, #tpu.memory_space<vmem>>)
      %dma_wait3A_241 = arith.constant 40 : i32
      %dma_wait3A_242 = arith.constant 0 : i32
      %dma_wait3A_243 = tpu.memref_slice %arg14[%dma_wait3A_241, %dma_wait3A_242] : memref<80x128xf32, #tpu.memory_space<vmem>> -> memref<40x128xf32, #tpu.memory_space<vmem>>
      %dma_wait3A_244 = arith.constant 0 : i32
      %dma_wait3A_245 = tpu.memref_slice %arg9[%dma_wait3A_244] : memref<2960xi32, #tpu.memory_space<vmem>> -> memref<40xi32, #tpu.memory_space<vmem>>
      %dma_wait3A_246 = arith.constant 0 : i32
      %dma_wait3A_247 = arith.constant 0 : i32
      %dma_wait3A_248 = tpu.memref_slice %arg2[%dma_wait3A_246, %dma_wait3A_247] : memref<10000x128xf32, #tpu.memory_space<hbm>> -> memref<10000x128xf32, #tpu.memory_space<hbm>>
      tpu.wait_indirect_dma semaphore(%arg19 : memref<!tpu.dma_semaphore, #tpu.memory_space<semaphore_mem>>) src(%dma_wait3A_248 : memref<10000x128xf32, #tpu.memory_space<hbm>>) dst(%dma_wait3A_243 : memref<40x128xf32, #tpu.memory_space<vmem>>)
      %dma_wait3A_249 = arith.constant 0 : i32
      %dma_wait3A_250 = arith.constant 0 : i32
      %dma_wait3A_251 = tpu.memref_slice %arg3[%dma_wait3A_249, %dma_wait3A_250] : memref<47360x128xi32, #tpu.memory_space<hbm>> -> memref<40x128xi32, #tpu.memory_space<hbm>>
      %dma_wait3A_252 = arith.constant 0 : i32
      %dma_wait3A_253 = arith.constant 0 : i32
      %dma_wait3A_254 = tpu.memref_slice %arg3[%dma_wait3A_252, %dma_wait3A_253] : memref<47360x128xi32, #tpu.memory_space<hbm>> -> memref<40x128xi32, #tpu.memory_space<hbm>>
      tpu.wait_dma2 semaphore(%arg21 : memref<!tpu.dma_semaphore, #tpu.memory_space<semaphore_mem>>) src(%dma_wait3A_254 : memref<40x128xi32, #tpu.memory_space<hbm>>) dst(%arg16 : memref<40x128xi32, #tpu.memory_space<vmem>>)
      %dma_wait3A_255 = arith.constant 0 : i32
      %dma_wait3A_256 = arith.constant 0 : i32
      %dma_wait3A_257 = tpu.memref_slice %arg12[%dma_wait3A_255, %dma_wait3A_256] : memref<2x56xf32, #tpu.memory_space<vmem>> -> memref<1x40xf32, #tpu.memory_space<vmem>>
      %dma_wait3A_258 = tpu.memref_squeeze %dma_wait3A_257 : memref<1x40xf32, #tpu.memory_space<vmem>> -> memref<40xf32, #tpu.memory_space<vmem>>
      %dma_wait3A_259 = arith.constant 0 : i32
      %dma_wait3A_260 = tpu.memref_slice %arg6[%dma_wait3A_259] : memref<320000xf32, #tpu.memory_space<hbm>> -> memref<40xf32, #tpu.memory_space<hbm>>
      %dma_wait3A_261 = arith.constant 0 : i32
      %dma_wait3A_262 = tpu.memref_slice %arg12[%dma_wait3A_255, %dma_wait3A_261] : memref<2x56xf32, #tpu.memory_space<vmem>> -> memref<1x40xf32, #tpu.memory_space<vmem>>
      %dma_wait3A_263 = tpu.memref_squeeze %dma_wait3A_262 : memref<1x40xf32, #tpu.memory_space<vmem>> -> memref<40xf32, #tpu.memory_space<vmem>>
      %dma_wait3A_264 = arith.constant 0 : i32
      %dma_wait3A_265 = tpu.memref_slice %arg6[%dma_wait3A_264] : memref<320000xf32, #tpu.memory_space<hbm>> -> memref<40xf32, #tpu.memory_space<hbm>>
      tpu.wait_dma2 semaphore(%arg25 : memref<!tpu.dma_semaphore, #tpu.memory_space<semaphore_mem>>) src(%dma_wait3A_265 : memref<40xf32, #tpu.memory_space<hbm>>) dst(%dma_wait3A_263 : memref<40xf32, #tpu.memory_space<vmem>>)
      %dma_wait3A_266 = arith.constant 0 : i32
      %dma_wait3A_267 = arith.constant 0 : i32
      %dma_wait3A_268 = tpu.memref_slice %arg12[%dma_wait3A_266, %dma_wait3A_267] : memref<2x56xf32, #tpu.memory_space<vmem>> -> memref<1x40xf32, #tpu.memory_space<vmem>>
      %dma_wait3A_269 = tpu.memref_squeeze %dma_wait3A_268 : memref<1x40xf32, #tpu.memory_space<vmem>> -> memref<40xf32, #tpu.memory_space<vmem>>
      %dma_wait3A_270 = arith.constant 0 : i32
      %dma_wait3A_271 = tpu.memref_slice %arg6[%dma_wait3A_270] : memref<320000xf32, #tpu.memory_space<hbm>> -> memref<40xf32, #tpu.memory_space<hbm>>
      %dma_wait3A_272 = arith.constant 0 : i32
      %dma_wait3A_273 = tpu.memref_slice %arg12[%dma_wait3A_266, %dma_wait3A_272] : memref<2x56xf32, #tpu.memory_space<vmem>> -> memref<1x40xf32, #tpu.memory_space<vmem>>
      %dma_wait3A_274 = tpu.memref_squeeze %dma_wait3A_273 : memref<1x40xf32, #tpu.memory_space<vmem>> -> memref<40xf32, #tpu.memory_space<vmem>>
      %dma_wait3A_275 = arith.constant 0 : i32
      %dma_wait3A_276 = tpu.memref_slice %arg6[%dma_wait3A_275] : memref<320000xf32, #tpu.memory_space<hbm>> -> memref<40xf32, #tpu.memory_space<hbm>>
      tpu.wait_dma2 semaphore(%arg25 : memref<!tpu.dma_semaphore, #tpu.memory_space<semaphore_mem>>) src(%dma_wait3A_276 : memref<40xf32, #tpu.memory_space<hbm>>) dst(%dma_wait3A_274 : memref<40xf32, #tpu.memory_space<vmem>>)
      %dma_wait3A_277 = arith.constant 0 : i32
      %dma_wait3A_278 = arith.constant 0 : i32
      %dma_wait3A_279 = tpu.memref_slice %arg12[%dma_wait3A_277, %dma_wait3A_278] : memref<2x56xf32, #tpu.memory_space<vmem>> -> memref<1x40xf32, #tpu.memory_space<vmem>>
      %dma_wait3A_280 = tpu.memref_squeeze %dma_wait3A_279 : memref<1x40xf32, #tpu.memory_space<vmem>> -> memref<40xf32, #tpu.memory_space<vmem>>
      %dma_wait3A_281 = arith.constant 0 : i32
      %dma_wait3A_282 = tpu.memref_slice %arg6[%dma_wait3A_281] : memref<320000xf32, #tpu.memory_space<hbm>> -> memref<40xf32, #tpu.memory_space<hbm>>
      %dma_wait3A_283 = arith.constant 0 : i32
      %dma_wait3A_284 = tpu.memref_slice %arg12[%dma_wait3A_277, %dma_wait3A_283] : memref<2x56xf32, #tpu.memory_space<vmem>> -> memref<1x40xf32, #tpu.memory_space<vmem>>
      %dma_wait3A_285 = tpu.memref_squeeze %dma_wait3A_284 : memref<1x40xf32, #tpu.memory_space<vmem>> -> memref<40xf32, #tpu.memory_space<vmem>>
      %dma_wait3A_286 = arith.constant 0 : i32
      %dma_wait3A_287 = tpu.memref_slice %arg6[%dma_wait3A_286] : memref<320000xf32, #tpu.memory_space<hbm>> -> memref<40xf32, #tpu.memory_space<hbm>>
      tpu.wait_dma2 semaphore(%arg25 : memref<!tpu.dma_semaphore, #tpu.memory_space<semaphore_mem>>) src(%dma_wait3A_287 : memref<40xf32, #tpu.memory_space<hbm>>) dst(%dma_wait3A_285 : memref<40xf32, #tpu.memory_space<vmem>>)
      %dma_wait3A_288 = arith.constant 0 : i32
      %dma_wait3A_289 = arith.constant 0 : i32
      %dma_wait3A_290 = tpu.memref_slice %arg12[%dma_wait3A_288, %dma_wait3A_289] : memref<2x56xf32, #tpu.memory_space<vmem>> -> memref<1x40xf32, #tpu.memory_space<vmem>>
      %dma_wait3A_291 = tpu.memref_squeeze %dma_wait3A_290 : memref<1x40xf32, #tpu.memory_space<vmem>> -> memref<40xf32, #tpu.memory_space<vmem>>
      %dma_wait3A_292 = arith.constant 0 : i32
      %dma_wait3A_293 = tpu.memref_slice %arg6[%dma_wait3A_292] : memref<320000xf32, #tpu.memory_space<hbm>> -> memref<40xf32, #tpu.memory_space<hbm>>
      %dma_wait3A_294 = arith.constant 0 : i32
      %dma_wait3A_295 = tpu.memref_slice %arg12[%dma_wait3A_288, %dma_wait3A_294] : memref<2x56xf32, #tpu.memory_space<vmem>> -> memref<1x40xf32, #tpu.memory_space<vmem>>
      %dma_wait3A_296 = tpu.memref_squeeze %dma_wait3A_295 : memref<1x40xf32, #tpu.memory_space<vmem>> -> memref<40xf32, #tpu.memory_space<vmem>>
      %dma_wait3A_297 = arith.constant 0 : i32
      %dma_wait3A_298 = tpu.memref_slice %arg6[%dma_wait3A_297] : memref<320000xf32, #tpu.memory_space<hbm>> -> memref<40xf32, #tpu.memory_space<hbm>>
      tpu.wait_dma2 semaphore(%arg25 : memref<!tpu.dma_semaphore, #tpu.memory_space<semaphore_mem>>) src(%dma_wait3A_298 : memref<40xf32, #tpu.memory_space<hbm>>) dst(%dma_wait3A_296 : memref<40xf32, #tpu.memory_space<vmem>>)
      %broadcast_in_dim3A_299 = arith.constant 0 : i32
      %broadcast_in_dim3A_300 = vector.broadcast %broadcast_in_dim3A_299 : i32 to vector<16x1xi32>
      %scan3A_301 = arith.constant 0 : i32
      %scan3A_302 = arith.constant 0 : i32
      %scan3A_303 = arith.constant 40 : i32
      %scan3A_304 = arith.addi %scan3A_302, %scan3A_303 : i32
      %scan3A_305 = arith.constant 1 : i32
      scf.for %scan3A_432 = %scan3A_302 to %scan3A_304 step %scan3A_305  : i32 {
        %add3A_433 = arith.constant 0 : i32
        %add3A_434 = arith.addi %add3A_433, %scan3A_432 : i32
        %get3A = arith.constant 0 : i32
        %get3A_435 = arith.index_cast %get3A : i32 to index
        %get3A_436 = arith.index_cast %scan3A_432 : i32 to index
        %get3A_437 = tpu.vector_load %arg12[%get3A_435, %get3A_436] {strides = array<i32>} : memref<2x56xf32, #tpu.memory_space<vmem>>, vector<1x16xf32>,
        %get3A_438 = vector.shape_cast %get3A_437 : vector<1x16xf32> to vector<16xf32>
        %gather3A = vector.shape_cast %broadcast_in_dim3A_300 : vector<16x1xi32> to vector<16xi32>
        %gather3A_439 = tpu.dynamic_gather %get3A_438[%gather3A] in [0] : vector<16xf32>, vector<16xi32> -> vector<16xf32>
        %get3A_440 = arith.index_cast %scan3A_432 : i32 to index
        %get3A_441 = arith.constant 0 : index
        %get3A_442 = tpu.vector_load %arg16[%get3A_440, %get3A_441] {strides = array<i32>} : memref<40x128xi32, #tpu.memory_space<vmem>>, vector<1x16xi32>,
        %get3A_443 = vector.shape_cast %get3A_442 : vector<1x16xi32> to vector<16xi32>
        %bitcast_convert_type3A = tpu.bitcast %get3A_443 : vector<16xi32> -> vector<16xi32>
        %shift_left3A = arith.constant 16 : i32
        %shift_left3A_444 = vector.broadcast %shift_left3A : i32 to vector<16xi32>
        %shift_left3A_445 = arith.shli %bitcast_convert_type3A, %shift_left3A_444 : vector<16xi32>
        %bitcast_convert_type3A_446 = tpu.bitcast %shift_left3A_445 : vector<16xi32> -> vector<16xf32>
        %mul3A_447 = arith.mulf %bitcast_convert_type3A_446, %gather3A_439 : vector<16xf32>
        %and3A = arith.constant -65536 : i32
        %and3A_448 = vector.broadcast %and3A : i32 to vector<16xi32>
        %and3A_449 = arith.andi %bitcast_convert_type3A, %and3A_448 : vector<16xi32>
        %bitcast_convert_type3A_450 = tpu.bitcast %and3A_449 : vector<16xi32> -> vector<16xf32>
        %mul3A_451 = arith.mulf %bitcast_convert_type3A_450, %gather3A_439 : vector<16xf32>
        %get3A_452 = arith.index_cast %add3A_434 : i32 to index
        %get3A_453 = arith.constant 0 : index
        %get3A_454 = tpu.vector_load %arg14[%get3A_452, %get3A_453] {strides = array<i32>} : memref<80x128xf32, #tpu.memory_space<vmem>>, vector<1x16xf32>,
        %get3A_455 = vector.shape_cast %get3A_454 : vector<1x16xf32> to vector<16xf32>
        %mul3A_456 = arith.mulf %get3A_455, %mul3A_447 : vector<16xf32>
        %swap3A = arith.index_cast %add3A_434 : i32 to index
        %swap3A_457 = arith.constant 0 : index
        %swap3A_458 = tpu.vector_load %arg14[%swap3A, %swap3A_457] {strides = array<i32>} : memref<80x128xf32, #tpu.memory_space<vmem>>, vector<1x16xf32>,
        %swap3A_459 = vector.shape_cast %swap3A_458 : vector<1x16xf32> to vector<16xf32>
        %swap3A_460 = vector.shape_cast %mul3A_456 : vector<16xf32> to vector<1x16xf32>
        tpu.vector_store %arg14[%swap3A, %swap3A_457], %swap3A_460 {strides = array<i32>} : memref<80x128xf32, #tpu.memory_space<vmem>>, vector<1x16xf32>,
        %get3A_461 = arith.index_cast %add3A_434 : i32 to index
        %get3A_462 = arith.constant 16 : index
        %get3A_463 = tpu.vector_load %arg14[%get3A_461, %get3A_462] {strides = array<i32>} : memref<80x128xf32, #tpu.memory_space<vmem>>, vector<1x16xf32>,
        %get3A_464 = vector.shape_cast %get3A_463 : vector<1x16xf32> to vector<16xf32>
        %mul3A_465 = arith.mulf %get3A_464, %mul3A_451 : vector<16xf32>
        %swap3A_466 = arith.index_cast %add3A_434 : i32 to index
        %swap3A_467 = arith.constant 16 : index
        %swap3A_468 = tpu.vector_load %arg14[%swap3A_466, %swap3A_467] {strides = array<i32>} : memref<80x128xf32, #tpu.memory_space<vmem>>, vector<1x16xf32>,
        %swap3A_469 = vector.shape_cast %swap3A_468 : vector<1x16xf32> to vector<16xf32>
        %swap3A_470 = vector.shape_cast %mul3A_465 : vector<16xf32> to vector<1x16xf32>
        tpu.vector_store %arg14[%swap3A_466, %swap3A_467], %swap3A_470 {strides = array<i32>} : memref<80x128xf32, #tpu.memory_space<vmem>>, vector<1x16xf32>,
        %get3A_471 = arith.index_cast %scan3A_432 : i32 to index
        %get3A_472 = arith.constant 16 : index
        %get3A_473 = tpu.vector_load %arg16[%get3A_471, %get3A_472] {strides = array<i32>} : memref<40x128xi32, #tpu.memory_space<vmem>>, vector<1x16xi32>,
        %get3A_474 = vector.shape_cast %get3A_473 : vector<1x16xi32> to vector<16xi32>
        %bitcast_convert_type3A_475 = tpu.bitcast %get3A_474 : vector<16xi32> -> vector<16xi32>
        %shift_left3A_476 = arith.constant 16 : i32
        %shift_left3A_477 = vector.broadcast %shift_left3A_476 : i32 to vector<16xi32>
        %shift_left3A_478 = arith.shli %bitcast_convert_type3A_475, %shift_left3A_477 : vector<16xi32>
        %bitcast_convert_type3A_479 = tpu.bitcast %shift_left3A_478 : vector<16xi32> -> vector<16xf32>
        %mul3A_480 = arith.mulf %bitcast_convert_type3A_479, %gather3A_439 : vector<16xf32>
        %and3A_481 = arith.constant -65536 : i32
        %and3A_482 = vector.broadcast %and3A_481 : i32 to vector<16xi32>
        %and3A_483 = arith.andi %bitcast_convert_type3A_475, %and3A_482 : vector<16xi32>
        %bitcast_convert_type3A_484 = tpu.bitcast %and3A_483 : vector<16xi32> -> vector<16xf32>
        %mul3A_485 = arith.mulf %bitcast_convert_type3A_484, %gather3A_439 : vector<16xf32>
        %get3A_486 = arith.index_cast %add3A_434 : i32 to index
        %get3A_487 = arith.constant 32 : index
        %get3A_488 = tpu.vector_load %arg14[%get3A_486, %get3A_487] {strides = array<i32>} : memref<80x128xf32, #tpu.memory_space<vmem>>, vector<1x16xf32>,
        %get3A_489 = vector.shape_cast %get3A_488 : vector<1x16xf32> to vector<16xf32>
        %mul3A_490 = arith.mulf %get3A_489, %mul3A_480 : vector<16xf32>
        %swap3A_491 = arith.index_cast %add3A_434 : i32 to index
        %swap3A_492 = arith.constant 32 : index
        %swap3A_493 = tpu.vector_load %arg14[%swap3A_491, %swap3A_492] {strides = array<i32>} : memref<80x128xf32, #tpu.memory_space<vmem>>, vector<1x16xf32>,
        %swap3A_494 = vector.shape_cast %swap3A_493 : vector<1x16xf32> to vector<16xf32>
        %swap3A_495 = vector.shape_cast %mul3A_490 : vector<16xf32> to vector<1x16xf32>
        tpu.vector_store %arg14[%swap3A_491, %swap3A_492], %swap3A_495 {strides = array<i32>} : memref<80x128xf32, #tpu.memory_space<vmem>>, vector<1x16xf32>,
        %get3A_496 = arith.index_cast %add3A_434 : i32 to index
        %get3A_497 = arith.constant 48 : index
        %get3A_498 = tpu.vector_load %arg14[%get3A_496, %get3A_497] {strides = array<i32>} : memref<80x128xf32, #tpu.memory_space<vmem>>, vector<1x16xf32>,
        %get3A_499 = vector.shape_cast %get3A_498 : vector<1x16xf32> to vector<16xf32>
        %mul3A_500 = arith.mulf %get3A_499, %mul3A_485 : vector<16xf32>
        %swap3A_501 = arith.index_cast %add3A_434 : i32 to index
        %swap3A_502 = arith.constant 48 : index
        %swap3A_503 = tpu.vector_load %arg14[%swap3A_501, %swap3A_502] {strides = array<i32>} : memref<80x128xf32, #tpu.memory_space<vmem>>, vector<1x16xf32>,
        %swap3A_504 = vector.shape_cast %swap3A_503 : vector<1x16xf32> to vector<16xf32>
        %swap3A_505 = vector.shape_cast %mul3A_500 : vector<16xf32> to vector<1x16xf32>
        tpu.vector_store %arg14[%swap3A_501, %swap3A_502], %swap3A_505 {strides = array<i32>} : memref<80x128xf32, #tpu.memory_space<vmem>>, vector<1x16xf32>,
        %get3A_506 = arith.index_cast %scan3A_432 : i32 to index
        %get3A_507 = arith.constant 32 : index
        %get3A_508 = tpu.vector_load %arg16[%get3A_506, %get3A_507] {strides = array<i32>} : memref<40x128xi32, #tpu.memory_space<vmem>>, vector<1x16xi32>,
        %get3A_509 = vector.shape_cast %get3A_508 : vector<1x16xi32> to vector<16xi32>
        %bitcast_convert_type3A_510 = tpu.bitcast %get3A_509 : vector<16xi32> -> vector<16xi32>
        %shift_left3A_511 = arith.constant 16 : i32
        %shift_left3A_512 = vector.broadcast %shift_left3A_511 : i32 to vector<16xi32>
        %shift_left3A_513 = arith.shli %bitcast_convert_type3A_510, %shift_left3A_512 : vector<16xi32>
        %bitcast_convert_type3A_514 = tpu.bitcast %shift_left3A_513 : vector<16xi32> -> vector<16xf32>
        %mul3A_515 = arith.mulf %bitcast_convert_type3A_514, %gather3A_439 : vector<16xf32>
        %and3A_516 = arith.constant -65536 : i32
        %and3A_517 = vector.broadcast %and3A_516 : i32 to vector<16xi32>
        %and3A_518 = arith.andi %bitcast_convert_type3A_510, %and3A_517 : vector<16xi32>
        %bitcast_convert_type3A_519 = tpu.bitcast %and3A_518 : vector<16xi32> -> vector<16xf32>
        %mul3A_520 = arith.mulf %bitcast_convert_type3A_519, %gather3A_439 : vector<16xf32>
        %get3A_521 = arith.index_cast %add3A_434 : i32 to index
        %get3A_522 = arith.constant 64 : index
        %get3A_523 = tpu.vector_load %arg14[%get3A_521, %get3A_522] {strides = array<i32>} : memref<80x128xf32, #tpu.memory_space<vmem>>, vector<1x16xf32>,
        %get3A_524 = vector.shape_cast %get3A_523 : vector<1x16xf32> to vector<16xf32>
        %mul3A_525 = arith.mulf %get3A_524, %mul3A_515 : vector<16xf32>
        %swap3A_526 = arith.index_cast %add3A_434 : i32 to index
        %swap3A_527 = arith.constant 64 : index
        %swap3A_528 = tpu.vector_load %arg14[%swap3A_526, %swap3A_527] {strides = array<i32>} : memref<80x128xf32, #tpu.memory_space<vmem>>, vector<1x16xf32>,
        %swap3A_529 = vector.shape_cast %swap3A_528 : vector<1x16xf32> to vector<16xf32>
        %swap3A_530 = vector.shape_cast %mul3A_525 : vector<16xf32> to vector<1x16xf32>
        tpu.vector_store %arg14[%swap3A_526, %swap3A_527], %swap3A_530 {strides = array<i32>} : memref<80x128xf32, #tpu.memory_space<vmem>>, vector<1x16xf32>,
        %get3A_531 = arith.index_cast %add3A_434 : i32 to index
        %get3A_532 = arith.constant 80 : index
        %get3A_533 = tpu.vector_load %arg14[%get3A_531, %get3A_532] {strides = array<i32>} : memref<80x128xf32, #tpu.memory_space<vmem>>, vector<1x16xf32>,
        %get3A_534 = vector.shape_cast %get3A_533 : vector<1x16xf32> to vector<16xf32>
        %mul3A_535 = arith.mulf %get3A_534, %mul3A_520 : vector<16xf32>
        %swap3A_536 = arith.index_cast %add3A_434 : i32 to index
        %swap3A_537 = arith.constant 80 : index
        %swap3A_538 = tpu.vector_load %arg14[%swap3A_536, %swap3A_537] {strides = array<i32>} : memref<80x128xf32, #tpu.memory_space<vmem>>, vector<1x16xf32>,
        %swap3A_539 = vector.shape_cast %swap3A_538 : vector<1x16xf32> to vector<16xf32>
        %swap3A_540 = vector.shape_cast %mul3A_535 : vector<16xf32> to vector<1x16xf32>
        tpu.vector_store %arg14[%swap3A_536, %swap3A_537], %swap3A_540 {strides = array<i32>} : memref<80x128xf32, #tpu.memory_space<vmem>>, vector<1x16xf32>,
        %get3A_541 = arith.index_cast %scan3A_432 : i32 to index
        %get3A_542 = arith.constant 48 : index
        %get3A_543 = tpu.vector_load %arg16[%get3A_541, %get3A_542] {strides = array<i32>} : memref<40x128xi32, #tpu.memory_space<vmem>>, vector<1x16xi32>,
        %get3A_544 = vector.shape_cast %get3A_543 : vector<1x16xi32> to vector<16xi32>
        %bitcast_convert_type3A_545 = tpu.bitcast %get3A_544 : vector<16xi32> -> vector<16xi32>
        %shift_left3A_546 = arith.constant 16 : i32
        %shift_left3A_547 = vector.broadcast %shift_left3A_546 : i32 to vector<16xi32>
        %shift_left3A_548 = arith.shli %bitcast_convert_type3A_545, %shift_left3A_547 : vector<16xi32>
        %bitcast_convert_type3A_549 = tpu.bitcast %shift_left3A_548 : vector<16xi32> -> vector<16xf32>
        %mul3A_550 = arith.mulf %bitcast_convert_type3A_549, %gather3A_439 : vector<16xf32>
        %and3A_551 = arith.constant -65536 : i32
        %and3A_552 = vector.broadcast %and3A_551 : i32 to vector<16xi32>
        %and3A_553 = arith.andi %bitcast_convert_type3A_545, %and3A_552 : vector<16xi32>
        %bitcast_convert_type3A_554 = tpu.bitcast %and3A_553 : vector<16xi32> -> vector<16xf32>
        %mul3A_555 = arith.mulf %bitcast_convert_type3A_554, %gather3A_439 : vector<16xf32>
        %get3A_556 = arith.index_cast %add3A_434 : i32 to index
        %get3A_557 = arith.constant 96 : index
        %get3A_558 = tpu.vector_load %arg14[%get3A_556, %get3A_557] {strides = array<i32>} : memref<80x128xf32, #tpu.memory_space<vmem>>, vector<1x16xf32>,
        %get3A_559 = vector.shape_cast %get3A_558 : vector<1x16xf32> to vector<16xf32>
        %mul3A_560 = arith.mulf %get3A_559, %mul3A_550 : vector<16xf32>
        %swap3A_561 = arith.index_cast %add3A_434 : i32 to index
        %swap3A_562 = arith.constant 96 : index
        %swap3A_563 = tpu.vector_load %arg14[%swap3A_561, %swap3A_562] {strides = array<i32>} : memref<80x128xf32, #tpu.memory_space<vmem>>, vector<1x16xf32>,
        %swap3A_564 = vector.shape_cast %swap3A_563 : vector<1x16xf32> to vector<16xf32>
        %swap3A_565 = vector.shape_cast %mul3A_560 : vector<16xf32> to vector<1x16xf32>
        tpu.vector_store %arg14[%swap3A_561, %swap3A_562], %swap3A_565 {strides = array<i32>} : memref<80x128xf32, #tpu.memory_space<vmem>>, vector<1x16xf32>,
        %get3A_566 = arith.index_cast %add3A_434 : i32 to index
        %get3A_567 = arith.constant 112 : index
        %get3A_568 = tpu.vector_load %arg14[%get3A_566, %get3A_567] {strides = array<i32>} : memref<80x128xf32, #tpu.memory_space<vmem>>, vector<1x16xf32>,
        %get3A_569 = vector.shape_cast %get3A_568 : vector<1x16xf32> to vector<16xf32>
        %mul3A_570 = arith.mulf %get3A_569, %mul3A_555 : vector<16xf32>
        %swap3A_571 = arith.index_cast %add3A_434 : i32 to index
        %swap3A_572 = arith.constant 112 : index
        %swap3A_573 = tpu.vector_load %arg14[%swap3A_571, %swap3A_572] {strides = array<i32>} : memref<80x128xf32, #tpu.memory_space<vmem>>, vector<1x16xf32>,
        %swap3A_574 = vector.shape_cast %swap3A_573 : vector<1x16xf32> to vector<16xf32>
        %swap3A_575 = vector.shape_cast %mul3A_570 : vector<16xf32> to vector<1x16xf32>
        tpu.vector_store %arg14[%swap3A_571, %swap3A_572], %swap3A_575 {strides = array<i32>} : memref<80x128xf32, #tpu.memory_space<vmem>>, vector<1x16xf32>,
        %add3A_576 = arith.constant 40 : i32
        %add3A_577 = arith.addi %add3A_576, %scan3A_432 : i32
        %get3A_578 = arith.constant 0 : i32
        %get3A_579 = arith.index_cast %get3A_578 : i32 to index
        %get3A_580 = arith.index_cast %scan3A_432 : i32 to index
        %get3A_581 = tpu.vector_load %arg13[%get3A_579, %get3A_580] {strides = array<i32>} : memref<2x56xf32, #tpu.memory_space<vmem>>, vector<1x16xf32>,
        %get3A_582 = vector.shape_cast %get3A_581 : vector<1x16xf32> to vector<16xf32>
        %gather3A_583 = vector.shape_cast %broadcast_in_dim3A_300 : vector<16x1xi32> to vector<16xi32>
        %gather3A_584 = tpu.dynamic_gather %get3A_582[%gather3A_583] in [0] : vector<16xf32>, vector<16xi32> -> vector<16xf32>
        %get3A_585 = arith.index_cast %scan3A_432 : i32 to index
        %get3A_586 = arith.constant 64 : index
        %get3A_587 = tpu.vector_load %arg16[%get3A_585, %get3A_586] {strides = array<i32>} : memref<40x128xi32, #tpu.memory_space<vmem>>, vector<1x16xi32>,
        %get3A_588 = vector.shape_cast %get3A_587 : vector<1x16xi32> to vector<16xi32>
        %bitcast_convert_type3A_589 = tpu.bitcast %get3A_588 : vector<16xi32> -> vector<16xi32>
        %shift_left3A_590 = arith.constant 16 : i32
        %shift_left3A_591 = vector.broadcast %shift_left3A_590 : i32 to vector<16xi32>
        %shift_left3A_592 = arith.shli %bitcast_convert_type3A_589, %shift_left3A_591 : vector<16xi32>
        %bitcast_convert_type3A_593 = tpu.bitcast %shift_left3A_592 : vector<16xi32> -> vector<16xf32>
        %mul3A_594 = arith.mulf %bitcast_convert_type3A_593, %gather3A_584 : vector<16xf32>
        %and3A_595 = arith.constant -65536 : i32
        %and3A_596 = vector.broadcast %and3A_595 : i32 to vector<16xi32>
        %and3A_597 = arith.andi %bitcast_convert_type3A_589, %and3A_596 : vector<16xi32>
        %bitcast_convert_type3A_598 = tpu.bitcast %and3A_597 : vector<16xi32> -> vector<16xf32>
        %mul3A_599 = arith.mulf %bitcast_convert_type3A_598, %gather3A_584 : vector<16xf32>
        %get3A_600 = arith.index_cast %add3A_577 : i32 to index
        %get3A_601 = arith.constant 0 : index
        %get3A_602 = tpu.vector_load %arg14[%get3A_600, %get3A_601] {strides = array<i32>} : memref<80x128xf32, #tpu.memory_space<vmem>>, vector<1x16xf32>,
        %get3A_603 = vector.shape_cast %get3A_602 : vector<1x16xf32> to vector<16xf32>
        %mul3A_604 = arith.mulf %get3A_603, %mul3A_594 : vector<16xf32>
        %swap3A_605 = arith.index_cast %add3A_577 : i32 to index
        %swap3A_606 = arith.constant 0 : index
        %swap3A_607 = tpu.vector_load %arg14[%swap3A_605, %swap3A_606] {strides = array<i32>} : memref<80x128xf32, #tpu.memory_space<vmem>>, vector<1x16xf32>,
        %swap3A_608 = vector.shape_cast %swap3A_607 : vector<1x16xf32> to vector<16xf32>
        %swap3A_609 = vector.shape_cast %mul3A_604 : vector<16xf32> to vector<1x16xf32>
        tpu.vector_store %arg14[%swap3A_605, %swap3A_606], %swap3A_609 {strides = array<i32>} : memref<80x128xf32, #tpu.memory_space<vmem>>, vector<1x16xf32>,
        %get3A_610 = arith.index_cast %add3A_577 : i32 to index
        %get3A_611 = arith.constant 16 : index
        %get3A_612 = tpu.vector_load %arg14[%get3A_610, %get3A_611] {strides = array<i32>} : memref<80x128xf32, #tpu.memory_space<vmem>>, vector<1x16xf32>,
        %get3A_613 = vector.shape_cast %get3A_612 : vector<1x16xf32> to vector<16xf32>
        %mul3A_614 = arith.mulf %get3A_613, %mul3A_599 : vector<16xf32>
        %swap3A_615 = arith.index_cast %add3A_577 : i32 to index
        %swap3A_616 = arith.constant 16 : index
        %swap3A_617 = tpu.vector_load %arg14[%swap3A_615, %swap3A_616] {strides = array<i32>} : memref<80x128xf32, #tpu.memory_space<vmem>>, vector<1x16xf32>,
        %swap3A_618 = vector.shape_cast %swap3A_617 : vector<1x16xf32> to vector<16xf32>
        %swap3A_619 = vector.shape_cast %mul3A_614 : vector<16xf32> to vector<1x16xf32>
        tpu.vector_store %arg14[%swap3A_615, %swap3A_616], %swap3A_619 {strides = array<i32>} : memref<80x128xf32, #tpu.memory_space<vmem>>, vector<1x16xf32>,
        %get3A_620 = arith.index_cast %scan3A_432 : i32 to index
        %get3A_621 = arith.constant 80 : index
        %get3A_622 = tpu.vector_load %arg16[%get3A_620, %get3A_621] {strides = array<i32>} : memref<40x128xi32, #tpu.memory_space<vmem>>, vector<1x16xi32>,
        %get3A_623 = vector.shape_cast %get3A_622 : vector<1x16xi32> to vector<16xi32>
        %bitcast_convert_type3A_624 = tpu.bitcast %get3A_623 : vector<16xi32> -> vector<16xi32>
        %shift_left3A_625 = arith.constant 16 : i32
        %shift_left3A_626 = vector.broadcast %shift_left3A_625 : i32 to vector<16xi32>
        %shift_left3A_627 = arith.shli %bitcast_convert_type3A_624, %shift_left3A_626 : vector<16xi32>
        %bitcast_convert_type3A_628 = tpu.bitcast %shift_left3A_627 : vector<16xi32> -> vector<16xf32>
        %mul3A_629 = arith.mulf %bitcast_convert_type3A_628, %gather3A_584 : vector<16xf32>
        %and3A_630 = arith.constant -65536 : i32
        %and3A_631 = vector.broadcast %and3A_630 : i32 to vector<16xi32>
        %and3A_632 = arith.andi %bitcast_convert_type3A_624, %and3A_631 : vector<16xi32>
        %bitcast_convert_type3A_633 = tpu.bitcast %and3A_632 : vector<16xi32> -> vector<16xf32>
        %mul3A_634 = arith.mulf %bitcast_convert_type3A_633, %gather3A_584 : vector<16xf32>
        %get3A_635 = arith.index_cast %add3A_577 : i32 to index
        %get3A_636 = arith.constant 32 : index
        %get3A_637 = tpu.vector_load %arg14[%get3A_635, %get3A_636] {strides = array<i32>} : memref<80x128xf32, #tpu.memory_space<vmem>>, vector<1x16xf32>,
        %get3A_638 = vector.shape_cast %get3A_637 : vector<1x16xf32> to vector<16xf32>
        %mul3A_639 = arith.mulf %get3A_638, %mul3A_629 : vector<16xf32>
        %swap3A_640 = arith.index_cast %add3A_577 : i32 to index
        %swap3A_641 = arith.constant 32 : index
        %swap3A_642 = tpu.vector_load %arg14[%swap3A_640, %swap3A_641] {strides = array<i32>} : memref<80x128xf32, #tpu.memory_space<vmem>>, vector<1x16xf32>,
        %swap3A_643 = vector.shape_cast %swap3A_642 : vector<1x16xf32> to vector<16xf32>
        %swap3A_644 = vector.shape_cast %mul3A_639 : vector<16xf32> to vector<1x16xf32>
        tpu.vector_store %arg14[%swap3A_640, %swap3A_641], %swap3A_644 {strides = array<i32>} : memref<80x128xf32, #tpu.memory_space<vmem>>, vector<1x16xf32>,
        %get3A_645 = arith.index_cast %add3A_577 : i32 to index
        %get3A_646 = arith.constant 48 : index
        %get3A_647 = tpu.vector_load %arg14[%get3A_645, %get3A_646] {strides = array<i32>} : memref<80x128xf32, #tpu.memory_space<vmem>>, vector<1x16xf32>,
        %get3A_648 = vector.shape_cast %get3A_647 : vector<1x16xf32> to vector<16xf32>
        %mul3A_649 = arith.mulf %get3A_648, %mul3A_634 : vector<16xf32>
        %swap3A_650 = arith.index_cast %add3A_577 : i32 to index
        %swap3A_651 = arith.constant 48 : index
        %swap3A_652 = tpu.vector_load %arg14[%swap3A_650, %swap3A_651] {strides = array<i32>} : memref<80x128xf32, #tpu.memory_space<vmem>>, vector<1x16xf32>,
        %swap3A_653 = vector.shape_cast %swap3A_652 : vector<1x16xf32> to vector<16xf32>
        %swap3A_654 = vector.shape_cast %mul3A_649 : vector<16xf32> to vector<1x16xf32>
        tpu.vector_store %arg14[%swap3A_650, %swap3A_651], %swap3A_654 {strides = array<i32>} : memref<80x128xf32, #tpu.memory_space<vmem>>, vector<1x16xf32>,
        %get3A_655 = arith.index_cast %scan3A_432 : i32 to index
        %get3A_656 = arith.constant 96 : index
        %get3A_657 = tpu.vector_load %arg16[%get3A_655, %get3A_656] {strides = array<i32>} : memref<40x128xi32, #tpu.memory_space<vmem>>, vector<1x16xi32>,
        %get3A_658 = vector.shape_cast %get3A_657 : vector<1x16xi32> to vector<16xi32>
        %bitcast_convert_type3A_659 = tpu.bitcast %get3A_658 : vector<16xi32> -> vector<16xi32>
        %shift_left3A_660 = arith.constant 16 : i32
        %shift_left3A_661 = vector.broadcast %shift_left3A_660 : i32 to vector<16xi32>
        %shift_left3A_662 = arith.shli %bitcast_convert_type3A_659, %shift_left3A_661 : vector<16xi32>
        %bitcast_convert_type3A_663 = tpu.bitcast %shift_left3A_662 : vector<16xi32> -> vector<16xf32>
        %mul3A_664 = arith.mulf %bitcast_convert_type3A_663, %gather3A_584 : vector<16xf32>
        %and3A_665 = arith.constant -65536 : i32
        %and3A_666 = vector.broadcast %and3A_665 : i32 to vector<16xi32>
        %and3A_667 = arith.andi %bitcast_convert_type3A_659, %and3A_666 : vector<16xi32>
        %bitcast_convert_type3A_668 = tpu.bitcast %and3A_667 : vector<16xi32> -> vector<16xf32>
        %mul3A_669 = arith.mulf %bitcast_convert_type3A_668, %gather3A_584 : vector<16xf32>
        %get3A_670 = arith.index_cast %add3A_577 : i32 to index
        %get3A_671 = arith.constant 64 : index
        %get3A_672 = tpu.vector_load %arg14[%get3A_670, %get3A_671] {strides = array<i32>} : memref<80x128xf32, #tpu.memory_space<vmem>>, vector<1x16xf32>,
        %get3A_673 = vector.shape_cast %get3A_672 : vector<1x16xf32> to vector<16xf32>
        %mul3A_674 = arith.mulf %get3A_673, %mul3A_664 : vector<16xf32>
        %swap3A_675 = arith.index_cast %add3A_577 : i32 to index
        %swap3A_676 = arith.constant 64 : index
        %swap3A_677 = tpu.vector_load %arg14[%swap3A_675, %swap3A_676] {strides = array<i32>} : memref<80x128xf32, #tpu.memory_space<vmem>>, vector<1x16xf32>,
        %swap3A_678 = vector.shape_cast %swap3A_677 : vector<1x16xf32> to vector<16xf32>
        %swap3A_679 = vector.shape_cast %mul3A_674 : vector<16xf32> to vector<1x16xf32>
        tpu.vector_store %arg14[%swap3A_675, %swap3A_676], %swap3A_679 {strides = array<i32>} : memref<80x128xf32, #tpu.memory_space<vmem>>, vector<1x16xf32>,
        %get3A_680 = arith.index_cast %add3A_577 : i32 to index
        %get3A_681 = arith.constant 80 : index
        %get3A_682 = tpu.vector_load %arg14[%get3A_680, %get3A_681] {strides = array<i32>} : memref<80x128xf32, #tpu.memory_space<vmem>>, vector<1x16xf32>,
        %get3A_683 = vector.shape_cast %get3A_682 : vector<1x16xf32> to vector<16xf32>
        %mul3A_684 = arith.mulf %get3A_683, %mul3A_669 : vector<16xf32>
        %swap3A_685 = arith.index_cast %add3A_577 : i32 to index
        %swap3A_686 = arith.constant 80 : index
        %swap3A_687 = tpu.vector_load %arg14[%swap3A_685, %swap3A_686] {strides = array<i32>} : memref<80x128xf32, #tpu.memory_space<vmem>>, vector<1x16xf32>,
        %swap3A_688 = vector.shape_cast %swap3A_687 : vector<1x16xf32> to vector<16xf32>
        %swap3A_689 = vector.shape_cast %mul3A_684 : vector<16xf32> to vector<1x16xf32>
        tpu.vector_store %arg14[%swap3A_685, %swap3A_686], %swap3A_689 {strides = array<i32>} : memref<80x128xf32, #tpu.memory_space<vmem>>, vector<1x16xf32>,
        %get3A_690 = arith.index_cast %scan3A_432 : i32 to index
        %get3A_691 = arith.constant 112 : index
        %get3A_692 = tpu.vector_load %arg16[%get3A_690, %get3A_691] {strides = array<i32>} : memref<40x128xi32, #tpu.memory_space<vmem>>, vector<1x16xi32>,
        %get3A_693 = vector.shape_cast %get3A_692 : vector<1x16xi32> to vector<16xi32>
        %bitcast_convert_type3A_694 = tpu.bitcast %get3A_693 : vector<16xi32> -> vector<16xi32>
        %shift_left3A_695 = arith.constant 16 : i32
        %shift_left3A_696 = vector.broadcast %shift_left3A_695 : i32 to vector<16xi32>
        %shift_left3A_697 = arith.shli %bitcast_convert_type3A_694, %shift_left3A_696 : vector<16xi32>
        %bitcast_convert_type3A_698 = tpu.bitcast %shift_left3A_697 : vector<16xi32> -> vector<16xf32>
        %mul3A_699 = arith.mulf %bitcast_convert_type3A_698, %gather3A_584 : vector<16xf32>
        %and3A_700 = arith.constant -65536 : i32
        %and3A_701 = vector.broadcast %and3A_700 : i32 to vector<16xi32>
        %and3A_702 = arith.andi %bitcast_convert_type3A_694, %and3A_701 : vector<16xi32>
        %bitcast_convert_type3A_703 = tpu.bitcast %and3A_702 : vector<16xi32> -> vector<16xf32>
        %mul3A_704 = arith.mulf %bitcast_convert_type3A_703, %gather3A_584 : vector<16xf32>
        %get3A_705 = arith.index_cast %add3A_577 : i32 to index
        %get3A_706 = arith.constant 96 : index
        %get3A_707 = tpu.vector_load %arg14[%get3A_705, %get3A_706] {strides = array<i32>} : memref<80x128xf32, #tpu.memory_space<vmem>>, vector<1x16xf32>,
        %get3A_708 = vector.shape_cast %get3A_707 : vector<1x16xf32> to vector<16xf32>
        %mul3A_709 = arith.mulf %get3A_708, %mul3A_699 : vector<16xf32>
        %swap3A_710 = arith.index_cast %add3A_577 : i32 to index
        %swap3A_711 = arith.constant 96 : index
        %swap3A_712 = tpu.vector_load %arg14[%swap3A_710, %swap3A_711] {strides = array<i32>} : memref<80x128xf32, #tpu.memory_space<vmem>>, vector<1x16xf32>,
        %swap3A_713 = vector.shape_cast %swap3A_712 : vector<1x16xf32> to vector<16xf32>
        %swap3A_714 = vector.shape_cast %mul3A_709 : vector<16xf32> to vector<1x16xf32>
        tpu.vector_store %arg14[%swap3A_710, %swap3A_711], %swap3A_714 {strides = array<i32>} : memref<80x128xf32, #tpu.memory_space<vmem>>, vector<1x16xf32>,
        %get3A_715 = arith.index_cast %add3A_577 : i32 to index
        %get3A_716 = arith.constant 112 : index
        %get3A_717 = tpu.vector_load %arg14[%get3A_715, %get3A_716] {strides = array<i32>} : memref<80x128xf32, #tpu.memory_space<vmem>>, vector<1x16xf32>,
        %get3A_718 = vector.shape_cast %get3A_717 : vector<1x16xf32> to vector<16xf32>
        %mul3A_719 = arith.mulf %get3A_718, %mul3A_704 : vector<16xf32>
        %swap3A_720 = arith.index_cast %add3A_577 : i32 to index
        %swap3A_721 = arith.constant 112 : index
        %swap3A_722 = tpu.vector_load %arg14[%swap3A_720, %swap3A_721] {strides = array<i32>} : memref<80x128xf32, #tpu.memory_space<vmem>>, vector<1x16xf32>,
        %swap3A_723 = vector.shape_cast %swap3A_722 : vector<1x16xf32> to vector<16xf32>
        %swap3A_724 = vector.shape_cast %mul3A_719 : vector<16xf32> to vector<1x16xf32>
        tpu.vector_store %arg14[%swap3A_720, %swap3A_721], %swap3A_724 {strides = array<i32>} : memref<80x128xf32, #tpu.memory_space<vmem>>, vector<1x16xf32>,
      }
      %scan3A_306 = arith.constant 40 : i32
      %dma_start3A_307 = arith.constant 0 : i32
      %dma_start3A_308 = arith.constant 0 : i32
      %dma_start3A_309 = arith.constant 0 : i32
      %dma_start3A_310 = tpu.memref_slice %arg14[%dma_start3A_308, %dma_start3A_309] : memref<80x128xf32, #tpu.memory_space<vmem>> -> memref<40x128xf32, #tpu.memory_space<vmem>>
      %dma_start3A_311 = arith.constant 0 : i32
      %dma_start3A_312 = tpu.memref_slice %arg10[%dma_start3A_307, %dma_start3A_311] : memref<2x40xi32, #tpu.memory_space<vmem>> -> memref<1x40xi32, #tpu.memory_space<vmem>>
      %dma_start3A_313 = tpu.memref_squeeze %dma_start3A_312 : memref<1x40xi32, #tpu.memory_space<vmem>> -> memref<40xi32, #tpu.memory_space<vmem>>
      %dma_start3A_314 = arith.constant 0 : i32
      %dma_start3A_315 = arith.constant 0 : i32
      %dma_start3A_316 = tpu.memref_slice %arg18[%dma_start3A_314, %dma_start3A_315] : memref<10000x128xf32, #tpu.memory_space<vmem_shared>> -> memref<10000x128xf32, #tpu.memory_space<vmem_shared>>
      tpu.enqueue_indirect_dma source(%dma_start3A_310 : memref<40x128xf32, #tpu.memory_space<vmem>>) target(%dma_start3A_316 : memref<10000x128xf32, #tpu.memory_space<vmem_shared>>) offsets(%dma_start3A_313 : memref<40xi32, #tpu.memory_space<vmem>>) semaphore(%arg23 : memref<!tpu.dma_semaphore, #tpu.memory_space<semaphore_mem>>) {add = true}
      %dma_start3A_317 = arith.constant 0 : i32
      %dma_start3A_318 = arith.constant 40 : i32
      %dma_start3A_319 = arith.constant 0 : i32
      %dma_start3A_320 = tpu.memref_slice %arg14[%dma_start3A_318, %dma_start3A_319] : memref<80x128xf32, #tpu.memory_space<vmem>> -> memref<40x128xf32, #tpu.memory_space<vmem>>
      %dma_start3A_321 = arith.constant 0 : i32
      %dma_start3A_322 = tpu.memref_slice %arg11[%dma_start3A_317, %dma_start3A_321] : memref<2x40xi32, #tpu.memory_space<vmem>> -> memref<1x40xi32, #tpu.memory_space<vmem>>
      %dma_start3A_323 = tpu.memref_squeeze %dma_start3A_322 : memref<1x40xi32, #tpu.memory_space<vmem>> -> memref<40xi32, #tpu.memory_space<vmem>>
      %dma_start3A_324 = arith.constant 0 : i32
      %dma_start3A_325 = arith.constant 0 : i32
      %dma_start3A_326 = tpu.memref_slice %arg18[%dma_start3A_324, %dma_start3A_325] : memref<10000x128xf32, #tpu.memory_space<vmem_shared>> -> memref<10000x128xf32, #tpu.memory_space<vmem_shared>>
      tpu.enqueue_indirect_dma source(%dma_start3A_320 : memref<40x128xf32, #tpu.memory_space<vmem>>) target(%dma_start3A_326 : memref<10000x128xf32, #tpu.memory_space<vmem_shared>>) offsets(%dma_start3A_323 : memref<40xi32, #tpu.memory_space<vmem>>) semaphore(%arg23 : memref<!tpu.dma_semaphore, #tpu.memory_space<semaphore_mem>>) {add = true}
      %mul3A_327 = arith.constant 2 : i32
      %mul3A_328 = arith.muli %mul3A_327, %scan3A_223 : i32
      %add3A_329 = arith.constant 1 : i32
      %add3A_330 = arith.addi %mul3A_328, %add3A_329 : i32
      %add3A_331 = arith.constant 1 : i32
      %add3A_332 = arith.addi %add3A_330, %add3A_331 : i32
      %lt3A_333 = arith.constant 37 : i32
      %lt3A_334 = arith.cmpi slt, %add3A_332, %lt3A_333 : i32
      %convert_element_type3A_335 = arith.extui %lt3A_334 : i1 to i32
      %cond3A_336 = arith.constant 0 : i32
      %cond3A_337 = arith.cmpi ne, %convert_element_type3A_335, %cond3A_336 : i32
      scf.if %cond3A_337 {
        %ge3A = arith.constant 1 : i32
        %ge3A_432 = arith.cmpi sge, %add3A_330, %ge3A : i32
        %convert_element_type3A_433 = arith.extui %ge3A_432 : i1 to i32
        %cond3A_434 = arith.constant 0 : i32
        %cond3A_435 = arith.cmpi ne, %convert_element_type3A_433, %cond3A_434 : i32
        scf.if %cond3A_435 {
          %dma_wait3A_501 = arith.constant 0 : i32
          %dma_wait3A_502 = arith.constant 0 : i32
          %dma_wait3A_503 = arith.constant 0 : i32
          %dma_wait3A_504 = tpu.memref_slice %arg14[%dma_wait3A_502, %dma_wait3A_503] : memref<80x128xf32, #tpu.memory_space<vmem>> -> memref<40x128xf32, #tpu.memory_space<vmem>>
          %dma_wait3A_505 = arith.constant 0 : i32
          %dma_wait3A_506 = tpu.memref_slice %arg10[%dma_wait3A_501, %dma_wait3A_505] : memref<2x40xi32, #tpu.memory_space<vmem>> -> memref<1x40xi32, #tpu.memory_space<vmem>>
          %dma_wait3A_507 = tpu.memref_squeeze %dma_wait3A_506 : memref<1x40xi32, #tpu.memory_space<vmem>> -> memref<40xi32, #tpu.memory_space<vmem>>
          %dma_wait3A_508 = arith.constant 0 : i32
          %dma_wait3A_509 = arith.constant 0 : i32
          %dma_wait3A_510 = tpu.memref_slice %arg18[%dma_wait3A_508, %dma_wait3A_509] : memref<10000x128xf32, #tpu.memory_space<vmem_shared>> -> memref<10000x128xf32, #tpu.memory_space<vmem_shared>>
          tpu.wait_indirect_dma semaphore(%arg23 : memref<!tpu.dma_semaphore, #tpu.memory_space<semaphore_mem>>) src(%dma_wait3A_504 : memref<40x128xf32, #tpu.memory_space<vmem>>) dst(%dma_wait3A_510 : memref<10000x128xf32, #tpu.memory_space<vmem_shared>>)
          %dma_wait3A_511 = arith.constant 0 : i32
          %dma_wait3A_512 = arith.constant 40 : i32
          %dma_wait3A_513 = arith.constant 0 : i32
          %dma_wait3A_514 = tpu.memref_slice %arg14[%dma_wait3A_512, %dma_wait3A_513] : memref<80x128xf32, #tpu.memory_space<vmem>> -> memref<40x128xf32, #tpu.memory_space<vmem>>
          %dma_wait3A_515 = arith.constant 0 : i32
          %dma_wait3A_516 = tpu.memref_slice %arg11[%dma_wait3A_511, %dma_wait3A_515] : memref<2x40xi32, #tpu.memory_space<vmem>> -> memref<1x40xi32, #tpu.memory_space<vmem>>
          %dma_wait3A_517 = tpu.memref_squeeze %dma_wait3A_516 : memref<1x40xi32, #tpu.memory_space<vmem>> -> memref<40xi32, #tpu.memory_space<vmem>>
          %dma_wait3A_518 = arith.constant 0 : i32
          %dma_wait3A_519 = arith.constant 0 : i32
          %dma_wait3A_520 = tpu.memref_slice %arg18[%dma_wait3A_518, %dma_wait3A_519] : memref<10000x128xf32, #tpu.memory_space<vmem_shared>> -> memref<10000x128xf32, #tpu.memory_space<vmem_shared>>
          tpu.wait_indirect_dma semaphore(%arg23 : memref<!tpu.dma_semaphore, #tpu.memory_space<semaphore_mem>>) src(%dma_wait3A_514 : memref<40x128xf32, #tpu.memory_space<vmem>>) dst(%dma_wait3A_520 : memref<10000x128xf32, #tpu.memory_space<vmem_shared>>)
        } else {
        }
        %add3A_436 = arith.constant 1 : i32
        %add3A_437 = arith.addi %add3A_330, %add3A_436 : i32
        %mul3A_438 = arith.constant 40 : i32
        %mul3A_439 = arith.muli %add3A_437, %mul3A_438 : i32
        %dma_start3A_440 = arith.constant 0 : i32
        %dma_start3A_441 = arith.constant 0 : i32
        %dma_start3A_442 = tpu.memref_slice %arg14[%dma_start3A_440, %dma_start3A_441] : memref<80x128xf32, #tpu.memory_space<vmem>> -> memref<40x128xf32, #tpu.memory_space<vmem>>
        %dma_start3A_443 = tpu.memref_slice %arg9[%mul3A_439] : memref<2960xi32, #tpu.memory_space<vmem>> -> memref<40xi32, #tpu.memory_space<vmem>>
        %dma_start3A_444 = arith.constant 0 : i32
        %dma_start3A_445 = arith.constant 0 : i32
        %dma_start3A_446 = tpu.memref_slice %arg2[%dma_start3A_444, %dma_start3A_445] : memref<10000x128xf32, #tpu.memory_space<hbm>> -> memref<10000x128xf32, #tpu.memory_space<hbm>>
        tpu.enqueue_indirect_dma source(%dma_start3A_446 : memref<10000x128xf32, #tpu.memory_space<hbm>>) target(%dma_start3A_442 : memref<40x128xf32, #tpu.memory_space<vmem>>) offsets(%dma_start3A_443 : memref<40xi32, #tpu.memory_space<vmem>>) semaphore(%arg19 : memref<!tpu.dma_semaphore, #tpu.memory_space<semaphore_mem>>)
        %add3A_447 = arith.constant 1480 : i32
        %add3A_448 = arith.addi %add3A_447, %mul3A_439 : i32
        %dma_start3A_449 = arith.constant 40 : i32
        %dma_start3A_450 = arith.constant 0 : i32
        %dma_start3A_451 = tpu.memref_slice %arg14[%dma_start3A_449, %dma_start3A_450] : memref<80x128xf32, #tpu.memory_space<vmem>> -> memref<40x128xf32, #tpu.memory_space<vmem>>
        %dma_start3A_452 = tpu.memref_slice %arg9[%add3A_448] : memref<2960xi32, #tpu.memory_space<vmem>> -> memref<40xi32, #tpu.memory_space<vmem>>
        %dma_start3A_453 = arith.constant 0 : i32
        %dma_start3A_454 = arith.constant 0 : i32
        %dma_start3A_455 = tpu.memref_slice %arg2[%dma_start3A_453, %dma_start3A_454] : memref<10000x128xf32, #tpu.memory_space<hbm>> -> memref<10000x128xf32, #tpu.memory_space<hbm>>
        tpu.enqueue_indirect_dma source(%dma_start3A_455 : memref<10000x128xf32, #tpu.memory_space<hbm>>) target(%dma_start3A_451 : memref<40x128xf32, #tpu.memory_space<vmem>>) offsets(%dma_start3A_452 : memref<40xi32, #tpu.memory_space<vmem>>) semaphore(%arg19 : memref<!tpu.dma_semaphore, #tpu.memory_space<semaphore_mem>>)
        %add3A_456 = arith.addi %mul3A_14, %mul3A_439 : i32
        %dma_start3A_457 = arith.constant 0 : i32
        %dma_start3A_458 = tpu.memref_slice %arg3[%add3A_456, %dma_start3A_457] : memref<47360x128xi32, #tpu.memory_space<hbm>> -> memref<40x128xi32, #tpu.memory_space<hbm>>
        %dma_start3A_459 = arith.constant 0 : i32
        %dma_start3A_460 = tpu.memref_slice %arg3[%add3A_456, %dma_start3A_459] : memref<47360x128xi32, #tpu.memory_space<hbm>> -> memref<40x128xi32, #tpu.memory_space<hbm>>
        tpu.enqueue_dma source(%dma_start3A_460 : memref<40x128xi32, #tpu.memory_space<hbm>>) target(%arg16 : memref<40x128xi32, #tpu.memory_space<vmem>>) target_semaphore(%arg21 : memref<!tpu.dma_semaphore, #tpu.memory_space<semaphore_mem>>)
        %add3A_461 = arith.addi %add3A_8, %mul3A_439 : i32
        %dma_start3A_462 = arith.constant 0 : i32
        %dma_start3A_463 = arith.constant 0 : i32
        %dma_start3A_464 = tpu.memref_slice %arg10[%dma_start3A_462, %dma_start3A_463] : memref<2x40xi32, #tpu.memory_space<vmem>> -> memref<1x40xi32, #tpu.memory_space<vmem>>
        %dma_start3A_465 = tpu.memref_squeeze %dma_start3A_464 : memref<1x40xi32, #tpu.memory_space<vmem>> -> memref<40xi32, #tpu.memory_space<vmem>>
        %dma_start3A_466 = tpu.memref_slice %arg5[%add3A_461] : memref<320000xi32, #tpu.memory_space<hbm>> -> memref<40xi32, #tpu.memory_space<hbm>>
        %dma_start3A_467 = arith.constant 0 : i32
        %dma_start3A_468 = tpu.memref_slice %arg10[%dma_start3A_462, %dma_start3A_467] : memref<2x40xi32, #tpu.memory_space<vmem>> -> memref<1x40xi32, #tpu.memory_space<vmem>>
        %dma_start3A_469 = tpu.memref_squeeze %dma_start3A_468 : memref<1x40xi32, #tpu.memory_space<vmem>> -> memref<40xi32, #tpu.memory_space<vmem>>
        %dma_start3A_470 = tpu.memref_slice %arg5[%add3A_461] : memref<320000xi32, #tpu.memory_space<hbm>> -> memref<40xi32, #tpu.memory_space<hbm>>
        tpu.enqueue_dma source(%dma_start3A_470 : memref<40xi32, #tpu.memory_space<hbm>>) target(%dma_start3A_469 : memref<40xi32, #tpu.memory_space<vmem>>) target_semaphore(%arg25 : memref<!tpu.dma_semaphore, #tpu.memory_space<semaphore_mem>>)
        %add3A_471 = arith.addi %add3A_12, %mul3A_439 : i32
        %dma_start3A_472 = arith.constant 0 : i32
        %dma_start3A_473 = arith.constant 0 : i32
        %dma_start3A_474 = tpu.memref_slice %arg11[%dma_start3A_472, %dma_start3A_473] : memref<2x40xi32, #tpu.memory_space<vmem>> -> memref<1x40xi32, #tpu.memory_space<vmem>>
        %dma_start3A_475 = tpu.memref_squeeze %dma_start3A_474 : memref<1x40xi32, #tpu.memory_space<vmem>> -> memref<40xi32, #tpu.memory_space<vmem>>
        %dma_start3A_476 = tpu.memref_slice %arg5[%add3A_471] : memref<320000xi32, #tpu.memory_space<hbm>> -> memref<40xi32, #tpu.memory_space<hbm>>
        %dma_start3A_477 = arith.constant 0 : i32
        %dma_start3A_478 = tpu.memref_slice %arg11[%dma_start3A_472, %dma_start3A_477] : memref<2x40xi32, #tpu.memory_space<vmem>> -> memref<1x40xi32, #tpu.memory_space<vmem>>
        %dma_start3A_479 = tpu.memref_squeeze %dma_start3A_478 : memref<1x40xi32, #tpu.memory_space<vmem>> -> memref<40xi32, #tpu.memory_space<vmem>>
        %dma_start3A_480 = tpu.memref_slice %arg5[%add3A_471] : memref<320000xi32, #tpu.memory_space<hbm>> -> memref<40xi32, #tpu.memory_space<hbm>>
        tpu.enqueue_dma source(%dma_start3A_480 : memref<40xi32, #tpu.memory_space<hbm>>) target(%dma_start3A_479 : memref<40xi32, #tpu.memory_space<vmem>>) target_semaphore(%arg25 : memref<!tpu.dma_semaphore, #tpu.memory_space<semaphore_mem>>)
        %add3A_481 = arith.addi %add3A_8, %mul3A_439 : i32
        %dma_start3A_482 = arith.constant 0 : i32
        %dma_start3A_483 = arith.constant 0 : i32
        %dma_start3A_484 = tpu.memref_slice %arg12[%dma_start3A_482, %dma_start3A_483] : memref<2x56xf32, #tpu.memory_space<vmem>> -> memref<1x40xf32, #tpu.memory_space<vmem>>
        %dma_start3A_485 = tpu.memref_squeeze %dma_start3A_484 : memref<1x40xf32, #tpu.memory_space<vmem>> -> memref<40xf32, #tpu.memory_space<vmem>>
        %dma_start3A_486 = tpu.memref_slice %arg6[%add3A_481] : memref<320000xf32, #tpu.memory_space<hbm>> -> memref<40xf32, #tpu.memory_space<hbm>>
        %dma_start3A_487 = arith.constant 0 : i32
        %dma_start3A_488 = tpu.memref_slice %arg12[%dma_start3A_482, %dma_start3A_487] : memref<2x56xf32, #tpu.memory_space<vmem>> -> memref<1x40xf32, #tpu.memory_space<vmem>>
        %dma_start3A_489 = tpu.memref_squeeze %dma_start3A_488 : memref<1x40xf32, #tpu.memory_space<vmem>> -> memref<40xf32, #tpu.memory_space<vmem>>
        %dma_start3A_490 = tpu.memref_slice %arg6[%add3A_481] : memref<320000xf32, #tpu.memory_space<hbm>> -> memref<40xf32, #tpu.memory_space<hbm>>
        tpu.enqueue_dma source(%dma_start3A_490 : memref<40xf32, #tpu.memory_space<hbm>>) target(%dma_start3A_489 : memref<40xf32, #tpu.memory_space<vmem>>) target_semaphore(%arg25 : memref<!tpu.dma_semaphore, #tpu.memory_space<semaphore_mem>>)
        %add3A_491 = arith.addi %add3A_12, %mul3A_439 : i32
        %dma_start3A_492 = arith.constant 0 : i32
        %dma_start3A_493 = arith.constant 0 : i32
        %dma_start3A_494 = tpu.memref_slice %arg13[%dma_start3A_492, %dma_start3A_493] : memref<2x56xf32, #tpu.memory_space<vmem>> -> memref<1x40xf32, #tpu.memory_space<vmem>>
        %dma_start3A_495 = tpu.memref_squeeze %dma_start3A_494 : memref<1x40xf32, #tpu.memory_space<vmem>> -> memref<40xf32, #tpu.memory_space<vmem>>
        %dma_start3A_496 = tpu.memref_slice %arg6[%add3A_491] : memref<320000xf32, #tpu.memory_space<hbm>> -> memref<40xf32, #tpu.memory_space<hbm>>
        %dma_start3A_497 = arith.constant 0 : i32
        %dma_start3A_498 = tpu.memref_slice %arg13[%dma_start3A_492, %dma_start3A_497] : memref<2x56xf32, #tpu.memory_space<vmem>> -> memref<1x40xf32, #tpu.memory_space<vmem>>
        %dma_start3A_499 = tpu.memref_squeeze %dma_start3A_498 : memref<1x40xf32, #tpu.memory_space<vmem>> -> memref<40xf32, #tpu.memory_space<vmem>>
        %dma_start3A_500 = tpu.memref_slice %arg6[%add3A_491] : memref<320000xf32, #tpu.memory_space<hbm>> -> memref<40xf32, #tpu.memory_space<hbm>>
        tpu.enqueue_dma source(%dma_start3A_500 : memref<40xf32, #tpu.memory_space<hbm>>) target(%dma_start3A_499 : memref<40xf32, #tpu.memory_space<vmem>>) target_semaphore(%arg25 : memref<!tpu.dma_semaphore, #tpu.memory_space<semaphore_mem>>)
      } else {
      }
      %dma_wait3A_338 = arith.constant 0 : i32
      %dma_wait3A_339 = arith.constant 0 : i32
      %dma_wait3A_340 = tpu.memref_slice %arg15[%dma_wait3A_338, %dma_wait3A_339] : memref<80x128xf32, #tpu.memory_space<vmem>> -> memref<40x128xf32, #tpu.memory_space<vmem>>
      %dma_wait3A_341 = arith.constant 0 : i32
      %dma_wait3A_342 = tpu.memref_slice %arg9[%dma_wait3A_341] : memref<2960xi32, #tpu.memory_space<vmem>> -> memref<40xi32, #tpu.memory_space<vmem>>
      %dma_wait3A_343 = arith.constant 0 : i32
      %dma_wait3A_344 = arith.constant 0 : i32
      %dma_wait3A_345 = tpu.memref_slice %arg2[%dma_wait3A_343, %dma_wait3A_344] : memref<10000x128xf32, #tpu.memory_space<hbm>> -> memref<10000x128xf32, #tpu.memory_space<hbm>>
      tpu.wait_indirect_dma semaphore(%arg20 : memref<!tpu.dma_semaphore, #tpu.memory_space<semaphore_mem>>) src(%dma_wait3A_345 : memref<10000x128xf32, #tpu.memory_space<hbm>>) dst(%dma_wait3A_340 : memref<40x128xf32, #tpu.memory_space<vmem>>)
      %dma_wait3A_346 = arith.constant 40 : i32
      %dma_wait3A_347 = arith.constant 0 : i32
      %dma_wait3A_348 = tpu.memref_slice %arg15[%dma_wait3A_346, %dma_wait3A_347] : memref<80x128xf32, #tpu.memory_space<vmem>> -> memref<40x128xf32, #tpu.memory_space<vmem>>
      %dma_wait3A_349 = arith.constant 0 : i32
      %dma_wait3A_350 = tpu.memref_slice %arg9[%dma_wait3A_349] : memref<2960xi32, #tpu.memory_space<vmem>> -> memref<40xi32, #tpu.memory_space<vmem>>
      %dma_wait3A_351 = arith.constant 0 : i32
      %dma_wait3A_352 = arith.constant 0 : i32
      %dma_wait3A_353 = tpu.memref_slice %arg2[%dma_wait3A_351, %dma_wait3A_352] : memref<10000x128xf32, #tpu.memory_space<hbm>> -> memref<10000x128xf32, #tpu.memory_space<hbm>>
      tpu.wait_indirect_dma semaphore(%arg20 : memref<!tpu.dma_semaphore, #tpu.memory_space<semaphore_mem>>) src(%dma_wait3A_353 : memref<10000x128xf32, #tpu.memory_space<hbm>>) dst(%dma_wait3A_348 : memref<40x128xf32, #tpu.memory_space<vmem>>)
      %dma_wait3A_354 = arith.constant 0 : i32
      %dma_wait3A_355 = arith.constant 0 : i32
      %dma_wait3A_356 = tpu.memref_slice %arg3[%dma_wait3A_354, %dma_wait3A_355] : memref<47360x128xi32, #tpu.memory_space<hbm>> -> memref<40x128xi32, #tpu.memory_space<hbm>>
      %dma_wait3A_357 = arith.constant 0 : i32
      %dma_wait3A_358 = arith.constant 0 : i32
      %dma_wait3A_359 = tpu.memref_slice %arg3[%dma_wait3A_357, %dma_wait3A_358] : memref<47360x128xi32, #tpu.memory_space<hbm>> -> memref<40x128xi32, #tpu.memory_space<hbm>>
      tpu.wait_dma2 semaphore(%arg22 : memref<!tpu.dma_semaphore, #tpu.memory_space<semaphore_mem>>) src(%dma_wait3A_359 : memref<40x128xi32, #tpu.memory_space<hbm>>) dst(%arg17 : memref<40x128xi32, #tpu.memory_space<vmem>>)
      %dma_wait3A_360 = arith.constant 1 : i32
      %dma_wait3A_361 = arith.constant 0 : i32
      %dma_wait3A_362 = tpu.memref_slice %arg12[%dma_wait3A_360, %dma_wait3A_361] : memref<2x56xf32, #tpu.memory_space<vmem>> -> memref<1x40xf32, #tpu.memory_space<vmem>>
      %dma_wait3A_363 = tpu.memref_squeeze %dma_wait3A_362 : memref<1x40xf32, #tpu.memory_space<vmem>> -> memref<40xf32, #tpu.memory_space<vmem>>
      %dma_wait3A_364 = arith.constant 0 : i32
      %dma_wait3A_365 = tpu.memref_slice %arg6[%dma_wait3A_364] : memref<320000xf32, #tpu.memory_space<hbm>> -> memref<40xf32, #tpu.memory_space<hbm>>
      %dma_wait3A_366 = arith.constant 0 : i32
      %dma_wait3A_367 = tpu.memref_slice %arg12[%dma_wait3A_360, %dma_wait3A_366] : memref<2x56xf32, #tpu.memory_space<vmem>> -> memref<1x40xf32, #tpu.memory_space<vmem>>
      %dma_wait3A_368 = tpu.memref_squeeze %dma_wait3A_367 : memref<1x40xf32, #tpu.memory_space<vmem>> -> memref<40xf32, #tpu.memory_space<vmem>>
      %dma_wait3A_369 = arith.constant 0 : i32
      %dma_wait3A_370 = tpu.memref_slice %arg6[%dma_wait3A_369] : memref<320000xf32, #tpu.memory_space<hbm>> -> memref<40xf32, #tpu.memory_space<hbm>>
      tpu.wait_dma2 semaphore(%arg26 : memref<!tpu.dma_semaphore, #tpu.memory_space<semaphore_mem>>) src(%dma_wait3A_370 : memref<40xf32, #tpu.memory_space<hbm>>) dst(%dma_wait3A_368 : memref<40xf32, #tpu.memory_space<vmem>>)
      %dma_wait3A_371 = arith.constant 1 : i32
      %dma_wait3A_372 = arith.constant 0 : i32
      %dma_wait3A_373 = tpu.memref_slice %arg12[%dma_wait3A_371, %dma_wait3A_372] : memref<2x56xf32, #tpu.memory_space<vmem>> -> memref<1x40xf32, #tpu.memory_space<vmem>>
      %dma_wait3A_374 = tpu.memref_squeeze %dma_wait3A_373 : memref<1x40xf32, #tpu.memory_space<vmem>> -> memref<40xf32, #tpu.memory_space<vmem>>
      %dma_wait3A_375 = arith.constant 0 : i32
      %dma_wait3A_376 = tpu.memref_slice %arg6[%dma_wait3A_375] : memref<320000xf32, #tpu.memory_space<hbm>> -> memref<40xf32, #tpu.memory_space<hbm>>
      %dma_wait3A_377 = arith.constant 0 : i32
      %dma_wait3A_378 = tpu.memref_slice %arg12[%dma_wait3A_371, %dma_wait3A_377] : memref<2x56xf32, #tpu.memory_space<vmem>> -> memref<1x40xf32, #tpu.memory_space<vmem>>
      %dma_wait3A_379 = tpu.memref_squeeze %dma_wait3A_378 : memref<1x40xf32, #tpu.memory_space<vmem>> -> memref<40xf32, #tpu.memory_space<vmem>>
      %dma_wait3A_380 = arith.constant 0 : i32
      %dma_wait3A_381 = tpu.memref_slice %arg6[%dma_wait3A_380] : memref<320000xf32, #tpu.memory_space<hbm>> -> memref<40xf32, #tpu.memory_space<hbm>>
      tpu.wait_dma2 semaphore(%arg26 : memref<!tpu.dma_semaphore, #tpu.memory_space<semaphore_mem>>) src(%dma_wait3A_381 : memref<40xf32, #tpu.memory_space<hbm>>) dst(%dma_wait3A_379 : memref<40xf32, #tpu.memory_space<vmem>>)
      %dma_wait3A_382 = arith.constant 1 : i32
      %dma_wait3A_383 = arith.constant 0 : i32
      %dma_wait3A_384 = tpu.memref_slice %arg12[%dma_wait3A_382, %dma_wait3A_383] : memref<2x56xf32, #tpu.memory_space<vmem>> -> memref<1x40xf32, #tpu.memory_space<vmem>>
      %dma_wait3A_385 = tpu.memref_squeeze %dma_wait3A_384 : memref<1x40xf32, #tpu.memory_space<vmem>> -> memref<40xf32, #tpu.memory_space<vmem>>
      %dma_wait3A_386 = arith.constant 0 : i32
      %dma_wait3A_387 = tpu.memref_slice %arg6[%dma_wait3A_386] : memref<320000xf32, #tpu.memory_space<hbm>> -> memref<40xf32, #tpu.memory_space<hbm>>
      %dma_wait3A_388 = arith.constant 0 : i32
      %dma_wait3A_389 = tpu.memref_slice %arg12[%dma_wait3A_382, %dma_wait3A_388] : memref<2x56xf32, #tpu.memory_space<vmem>> -> memref<1x40xf32, #tpu.memory_space<vmem>>
      %dma_wait3A_390 = tpu.memref_squeeze %dma_wait3A_389 : memref<1x40xf32, #tpu.memory_space<vmem>> -> memref<40xf32, #tpu.memory_space<vmem>>
      %dma_wait3A_391 = arith.constant 0 : i32
      %dma_wait3A_392 = tpu.memref_slice %arg6[%dma_wait3A_391] : memref<320000xf32, #tpu.memory_space<hbm>> -> memref<40xf32, #tpu.memory_space<hbm>>
      tpu.wait_dma2 semaphore(%arg26 : memref<!tpu.dma_semaphore, #tpu.memory_space<semaphore_mem>>) src(%dma_wait3A_392 : memref<40xf32, #tpu.memory_space<hbm>>) dst(%dma_wait3A_390 : memref<40xf32, #tpu.memory_space<vmem>>)
      %dma_wait3A_393 = arith.constant 1 : i32
      %dma_wait3A_394 = arith.constant 0 : i32
      %dma_wait3A_395 = tpu.memref_slice %arg12[%dma_wait3A_393, %dma_wait3A_394] : memref<2x56xf32, #tpu.memory_space<vmem>> -> memref<1x40xf32, #tpu.memory_space<vmem>>
      %dma_wait3A_396 = tpu.memref_squeeze %dma_wait3A_395 : memref<1x40xf32, #tpu.memory_space<vmem>> -> memref<40xf32, #tpu.memory_space<vmem>>
      %dma_wait3A_397 = arith.constant 0 : i32
      %dma_wait3A_398 = tpu.memref_slice %arg6[%dma_wait3A_397] : memref<320000xf32, #tpu.memory_space<hbm>> -> memref<40xf32, #tpu.memory_space<hbm>>
      %dma_wait3A_399 = arith.constant 0 : i32
      %dma_wait3A_400 = tpu.memref_slice %arg12[%dma_wait3A_393, %dma_wait3A_399] : memref<2x56xf32, #tpu.memory_space<vmem>> -> memref<1x40xf32, #tpu.memory_space<vmem>>
      %dma_wait3A_401 = tpu.memref_squeeze %dma_wait3A_400 : memref<1x40xf32, #tpu.memory_space<vmem>> -> memref<40xf32, #tpu.memory_space<vmem>>
      %dma_wait3A_402 = arith.constant 0 : i32
      %dma_wait3A_403 = tpu.memref_slice %arg6[%dma_wait3A_402] : memref<320000xf32, #tpu.memory_space<hbm>> -> memref<40xf32, #tpu.memory_space<hbm>>
      tpu.wait_dma2 semaphore(%arg26 : memref<!tpu.dma_semaphore, #tpu.memory_space<semaphore_mem>>) src(%dma_wait3A_403 : memref<40xf32, #tpu.memory_space<hbm>>) dst(%dma_wait3A_401 : memref<40xf32, #tpu.memory_space<vmem>>)
      %broadcast_in_dim3A_404 = arith.constant 0 : i32
      %broadcast_in_dim3A_405 = vector.broadcast %broadcast_in_dim3A_404 : i32 to vector<16x1xi32>
      %scan3A_406 = arith.constant 0 : i32
      %scan3A_407 = arith.constant 0 : i32
      %scan3A_408 = arith.constant 40 : i32
      %scan3A_409 = arith.addi %scan3A_407, %scan3A_408 : i32
      %scan3A_410 = arith.constant 1 : i32
      scf.for %scan3A_432 = %scan3A_407 to %scan3A_409 step %scan3A_410  : i32 {
        %add3A_433 = arith.constant 0 : i32
        %add3A_434 = arith.addi %add3A_433, %scan3A_432 : i32
        %get3A = arith.constant 1 : i32
        %get3A_435 = arith.index_cast %get3A : i32 to index
        %get3A_436 = arith.index_cast %scan3A_432 : i32 to index
        %get3A_437 = tpu.vector_load %arg12[%get3A_435, %get3A_436] {strides = array<i32>} : memref<2x56xf32, #tpu.memory_space<vmem>>, vector<1x16xf32>,
        %get3A_438 = vector.shape_cast %get3A_437 : vector<1x16xf32> to vector<16xf32>
        %gather3A = vector.shape_cast %broadcast_in_dim3A_405 : vector<16x1xi32> to vector<16xi32>
        %gather3A_439 = tpu.dynamic_gather %get3A_438[%gather3A] in [0] : vector<16xf32>, vector<16xi32> -> vector<16xf32>
        %get3A_440 = arith.index_cast %scan3A_432 : i32 to index
        %get3A_441 = arith.constant 0 : index
        %get3A_442 = tpu.vector_load %arg17[%get3A_440, %get3A_441] {strides = array<i32>} : memref<40x128xi32, #tpu.memory_space<vmem>>, vector<1x16xi32>,
        %get3A_443 = vector.shape_cast %get3A_442 : vector<1x16xi32> to vector<16xi32>
        %bitcast_convert_type3A = tpu.bitcast %get3A_443 : vector<16xi32> -> vector<16xi32>
        %shift_left3A = arith.constant 16 : i32
        %shift_left3A_444 = vector.broadcast %shift_left3A : i32 to vector<16xi32>
        %shift_left3A_445 = arith.shli %bitcast_convert_type3A, %shift_left3A_444 : vector<16xi32>
        %bitcast_convert_type3A_446 = tpu.bitcast %shift_left3A_445 : vector<16xi32> -> vector<16xf32>
        %mul3A_447 = arith.mulf %bitcast_convert_type3A_446, %gather3A_439 : vector<16xf32>
        %and3A = arith.constant -65536 : i32
        %and3A_448 = vector.broadcast %and3A : i32 to vector<16xi32>
        %and3A_449 = arith.andi %bitcast_convert_type3A, %and3A_448 : vector<16xi32>
        %bitcast_convert_type3A_450 = tpu.bitcast %and3A_449 : vector<16xi32> -> vector<16xf32>
        %mul3A_451 = arith.mulf %bitcast_convert_type3A_450, %gather3A_439 : vector<16xf32>
        %get3A_452 = arith.index_cast %add3A_434 : i32 to index
        %get3A_453 = arith.constant 0 : index
        %get3A_454 = tpu.vector_load %arg15[%get3A_452, %get3A_453] {strides = array<i32>} : memref<80x128xf32, #tpu.memory_space<vmem>>, vector<1x16xf32>,
        %get3A_455 = vector.shape_cast %get3A_454 : vector<1x16xf32> to vector<16xf32>
        %mul3A_456 = arith.mulf %get3A_455, %mul3A_447 : vector<16xf32>
        %swap3A = arith.index_cast %add3A_434 : i32 to index
        %swap3A_457 = arith.constant 0 : index
        %swap3A_458 = tpu.vector_load %arg15[%swap3A, %swap3A_457] {strides = array<i32>} : memref<80x128xf32, #tpu.memory_space<vmem>>, vector<1x16xf32>,
        %swap3A_459 = vector.shape_cast %swap3A_458 : vector<1x16xf32> to vector<16xf32>
        %swap3A_460 = vector.shape_cast %mul3A_456 : vector<16xf32> to vector<1x16xf32>
        tpu.vector_store %arg15[%swap3A, %swap3A_457], %swap3A_460 {strides = array<i32>} : memref<80x128xf32, #tpu.memory_space<vmem>>, vector<1x16xf32>,
        %get3A_461 = arith.index_cast %add3A_434 : i32 to index
        %get3A_462 = arith.constant 16 : index
        %get3A_463 = tpu.vector_load %arg15[%get3A_461, %get3A_462] {strides = array<i32>} : memref<80x128xf32, #tpu.memory_space<vmem>>, vector<1x16xf32>,
        %get3A_464 = vector.shape_cast %get3A_463 : vector<1x16xf32> to vector<16xf32>
        %mul3A_465 = arith.mulf %get3A_464, %mul3A_451 : vector<16xf32>
        %swap3A_466 = arith.index_cast %add3A_434 : i32 to index
        %swap3A_467 = arith.constant 16 : index
        %swap3A_468 = tpu.vector_load %arg15[%swap3A_466, %swap3A_467] {strides = array<i32>} : memref<80x128xf32, #tpu.memory_space<vmem>>, vector<1x16xf32>,
        %swap3A_469 = vector.shape_cast %swap3A_468 : vector<1x16xf32> to vector<16xf32>
        %swap3A_470 = vector.shape_cast %mul3A_465 : vector<16xf32> to vector<1x16xf32>
        tpu.vector_store %arg15[%swap3A_466, %swap3A_467], %swap3A_470 {strides = array<i32>} : memref<80x128xf32, #tpu.memory_space<vmem>>, vector<1x16xf32>,
        %get3A_471 = arith.index_cast %scan3A_432 : i32 to index
        %get3A_472 = arith.constant 16 : index
        %get3A_473 = tpu.vector_load %arg17[%get3A_471, %get3A_472] {strides = array<i32>} : memref<40x128xi32, #tpu.memory_space<vmem>>, vector<1x16xi32>,
        %get3A_474 = vector.shape_cast %get3A_473 : vector<1x16xi32> to vector<16xi32>
        %bitcast_convert_type3A_475 = tpu.bitcast %get3A_474 : vector<16xi32> -> vector<16xi32>
        %shift_left3A_476 = arith.constant 16 : i32
        %shift_left3A_477 = vector.broadcast %shift_left3A_476 : i32 to vector<16xi32>
        %shift_left3A_478 = arith.shli %bitcast_convert_type3A_475, %shift_left3A_477 : vector<16xi32>
        %bitcast_convert_type3A_479 = tpu.bitcast %shift_left3A_478 : vector<16xi32> -> vector<16xf32>
        %mul3A_480 = arith.mulf %bitcast_convert_type3A_479, %gather3A_439 : vector<16xf32>
        %and3A_481 = arith.constant -65536 : i32
        %and3A_482 = vector.broadcast %and3A_481 : i32 to vector<16xi32>
        %and3A_483 = arith.andi %bitcast_convert_type3A_475, %and3A_482 : vector<16xi32>
        %bitcast_convert_type3A_484 = tpu.bitcast %and3A_483 : vector<16xi32> -> vector<16xf32>
        %mul3A_485 = arith.mulf %bitcast_convert_type3A_484, %gather3A_439 : vector<16xf32>
        %get3A_486 = arith.index_cast %add3A_434 : i32 to index
        %get3A_487 = arith.constant 32 : index
        %get3A_488 = tpu.vector_load %arg15[%get3A_486, %get3A_487] {strides = array<i32>} : memref<80x128xf32, #tpu.memory_space<vmem>>, vector<1x16xf32>,
        %get3A_489 = vector.shape_cast %get3A_488 : vector<1x16xf32> to vector<16xf32>
        %mul3A_490 = arith.mulf %get3A_489, %mul3A_480 : vector<16xf32>
        %swap3A_491 = arith.index_cast %add3A_434 : i32 to index
        %swap3A_492 = arith.constant 32 : index
        %swap3A_493 = tpu.vector_load %arg15[%swap3A_491, %swap3A_492] {strides = array<i32>} : memref<80x128xf32, #tpu.memory_space<vmem>>, vector<1x16xf32>,
        %swap3A_494 = vector.shape_cast %swap3A_493 : vector<1x16xf32> to vector<16xf32>
        %swap3A_495 = vector.shape_cast %mul3A_490 : vector<16xf32> to vector<1x16xf32>
        tpu.vector_store %arg15[%swap3A_491, %swap3A_492], %swap3A_495 {strides = array<i32>} : memref<80x128xf32, #tpu.memory_space<vmem>>, vector<1x16xf32>,
        %get3A_496 = arith.index_cast %add3A_434 : i32 to index
        %get3A_497 = arith.constant 48 : index
        %get3A_498 = tpu.vector_load %arg15[%get3A_496, %get3A_497] {strides = array<i32>} : memref<80x128xf32, #tpu.memory_space<vmem>>, vector<1x16xf32>,
        %get3A_499 = vector.shape_cast %get3A_498 : vector<1x16xf32> to vector<16xf32>
        %mul3A_500 = arith.mulf %get3A_499, %mul3A_485 : vector<16xf32>
        %swap3A_501 = arith.index_cast %add3A_434 : i32 to index
        %swap3A_502 = arith.constant 48 : index
        %swap3A_503 = tpu.vector_load %arg15[%swap3A_501, %swap3A_502] {strides = array<i32>} : memref<80x128xf32, #tpu.memory_space<vmem>>, vector<1x16xf32>,
        %swap3A_504 = vector.shape_cast %swap3A_503 : vector<1x16xf32> to vector<16xf32>
        %swap3A_505 = vector.shape_cast %mul3A_500 : vector<16xf32> to vector<1x16xf32>
        tpu.vector_store %arg15[%swap3A_501, %swap3A_502], %swap3A_505 {strides = array<i32>} : memref<80x128xf32, #tpu.memory_space<vmem>>, vector<1x16xf32>,
        %get3A_506 = arith.index_cast %scan3A_432 : i32 to index
        %get3A_507 = arith.constant 32 : index
        %get3A_508 = tpu.vector_load %arg17[%get3A_506, %get3A_507] {strides = array<i32>} : memref<40x128xi32, #tpu.memory_space<vmem>>, vector<1x16xi32>,
        %get3A_509 = vector.shape_cast %get3A_508 : vector<1x16xi32> to vector<16xi32>
        %bitcast_convert_type3A_510 = tpu.bitcast %get3A_509 : vector<16xi32> -> vector<16xi32>
        %shift_left3A_511 = arith.constant 16 : i32
        %shift_left3A_512 = vector.broadcast %shift_left3A_511 : i32 to vector<16xi32>
        %shift_left3A_513 = arith.shli %bitcast_convert_type3A_510, %shift_left3A_512 : vector<16xi32>
        %bitcast_convert_type3A_514 = tpu.bitcast %shift_left3A_513 : vector<16xi32> -> vector<16xf32>
        %mul3A_515 = arith.mulf %bitcast_convert_type3A_514, %gather3A_439 : vector<16xf32>
        %and3A_516 = arith.constant -65536 : i32
        %and3A_517 = vector.broadcast %and3A_516 : i32 to vector<16xi32>
        %and3A_518 = arith.andi %bitcast_convert_type3A_510, %and3A_517 : vector<16xi32>
        %bitcast_convert_type3A_519 = tpu.bitcast %and3A_518 : vector<16xi32> -> vector<16xf32>
        %mul3A_520 = arith.mulf %bitcast_convert_type3A_519, %gather3A_439 : vector<16xf32>
        %get3A_521 = arith.index_cast %add3A_434 : i32 to index
        %get3A_522 = arith.constant 64 : index
        %get3A_523 = tpu.vector_load %arg15[%get3A_521, %get3A_522] {strides = array<i32>} : memref<80x128xf32, #tpu.memory_space<vmem>>, vector<1x16xf32>,
        %get3A_524 = vector.shape_cast %get3A_523 : vector<1x16xf32> to vector<16xf32>
        %mul3A_525 = arith.mulf %get3A_524, %mul3A_515 : vector<16xf32>
        %swap3A_526 = arith.index_cast %add3A_434 : i32 to index
        %swap3A_527 = arith.constant 64 : index
        %swap3A_528 = tpu.vector_load %arg15[%swap3A_526, %swap3A_527] {strides = array<i32>} : memref<80x128xf32, #tpu.memory_space<vmem>>, vector<1x16xf32>,
        %swap3A_529 = vector.shape_cast %swap3A_528 : vector<1x16xf32> to vector<16xf32>
        %swap3A_530 = vector.shape_cast %mul3A_525 : vector<16xf32> to vector<1x16xf32>
        tpu.vector_store %arg15[%swap3A_526, %swap3A_527], %swap3A_530 {strides = array<i32>} : memref<80x128xf32, #tpu.memory_space<vmem>>, vector<1x16xf32>,
        %get3A_531 = arith.index_cast %add3A_434 : i32 to index
        %get3A_532 = arith.constant 80 : index
        %get3A_533 = tpu.vector_load %arg15[%get3A_531, %get3A_532] {strides = array<i32>} : memref<80x128xf32, #tpu.memory_space<vmem>>, vector<1x16xf32>,
        %get3A_534 = vector.shape_cast %get3A_533 : vector<1x16xf32> to vector<16xf32>
        %mul3A_535 = arith.mulf %get3A_534, %mul3A_520 : vector<16xf32>
        %swap3A_536 = arith.index_cast %add3A_434 : i32 to index
        %swap3A_537 = arith.constant 80 : index
        %swap3A_538 = tpu.vector_load %arg15[%swap3A_536, %swap3A_537] {strides = array<i32>} : memref<80x128xf32, #tpu.memory_space<vmem>>, vector<1x16xf32>,
        %swap3A_539 = vector.shape_cast %swap3A_538 : vector<1x16xf32> to vector<16xf32>
        %swap3A_540 = vector.shape_cast %mul3A_535 : vector<16xf32> to vector<1x16xf32>
        tpu.vector_store %arg15[%swap3A_536, %swap3A_537], %swap3A_540 {strides = array<i32>} : memref<80x128xf32, #tpu.memory_space<vmem>>, vector<1x16xf32>,
        %get3A_541 = arith.index_cast %scan3A_432 : i32 to index
        %get3A_542 = arith.constant 48 : index
        %get3A_543 = tpu.vector_load %arg17[%get3A_541, %get3A_542] {strides = array<i32>} : memref<40x128xi32, #tpu.memory_space<vmem>>, vector<1x16xi32>,
        %get3A_544 = vector.shape_cast %get3A_543 : vector<1x16xi32> to vector<16xi32>
        %bitcast_convert_type3A_545 = tpu.bitcast %get3A_544 : vector<16xi32> -> vector<16xi32>
        %shift_left3A_546 = arith.constant 16 : i32
        %shift_left3A_547 = vector.broadcast %shift_left3A_546 : i32 to vector<16xi32>
        %shift_left3A_548 = arith.shli %bitcast_convert_type3A_545, %shift_left3A_547 : vector<16xi32>
        %bitcast_convert_type3A_549 = tpu.bitcast %shift_left3A_548 : vector<16xi32> -> vector<16xf32>
        %mul3A_550 = arith.mulf %bitcast_convert_type3A_549, %gather3A_439 : vector<16xf32>
        %and3A_551 = arith.constant -65536 : i32
        %and3A_552 = vector.broadcast %and3A_551 : i32 to vector<16xi32>
        %and3A_553 = arith.andi %bitcast_convert_type3A_545, %and3A_552 : vector<16xi32>
        %bitcast_convert_type3A_554 = tpu.bitcast %and3A_553 : vector<16xi32> -> vector<16xf32>
        %mul3A_555 = arith.mulf %bitcast_convert_type3A_554, %gather3A_439 : vector<16xf32>
        %get3A_556 = arith.index_cast %add3A_434 : i32 to index
        %get3A_557 = arith.constant 96 : index
        %get3A_558 = tpu.vector_load %arg15[%get3A_556, %get3A_557] {strides = array<i32>} : memref<80x128xf32, #tpu.memory_space<vmem>>, vector<1x16xf32>,
        %get3A_559 = vector.shape_cast %get3A_558 : vector<1x16xf32> to vector<16xf32>
        %mul3A_560 = arith.mulf %get3A_559, %mul3A_550 : vector<16xf32>
        %swap3A_561 = arith.index_cast %add3A_434 : i32 to index
        %swap3A_562 = arith.constant 96 : index
        %swap3A_563 = tpu.vector_load %arg15[%swap3A_561, %swap3A_562] {strides = array<i32>} : memref<80x128xf32, #tpu.memory_space<vmem>>, vector<1x16xf32>,
        %swap3A_564 = vector.shape_cast %swap3A_563 : vector<1x16xf32> to vector<16xf32>
        %swap3A_565 = vector.shape_cast %mul3A_560 : vector<16xf32> to vector<1x16xf32>
        tpu.vector_store %arg15[%swap3A_561, %swap3A_562], %swap3A_565 {strides = array<i32>} : memref<80x128xf32, #tpu.memory_space<vmem>>, vector<1x16xf32>,
        %get3A_566 = arith.index_cast %add3A_434 : i32 to index
        %get3A_567 = arith.constant 112 : index
        %get3A_568 = tpu.vector_load %arg15[%get3A_566, %get3A_567] {strides = array<i32>} : memref<80x128xf32, #tpu.memory_space<vmem>>, vector<1x16xf32>,
        %get3A_569 = vector.shape_cast %get3A_568 : vector<1x16xf32> to vector<16xf32>
        %mul3A_570 = arith.mulf %get3A_569, %mul3A_555 : vector<16xf32>
        %swap3A_571 = arith.index_cast %add3A_434 : i32 to index
        %swap3A_572 = arith.constant 112 : index
        %swap3A_573 = tpu.vector_load %arg15[%swap3A_571, %swap3A_572] {strides = array<i32>} : memref<80x128xf32, #tpu.memory_space<vmem>>, vector<1x16xf32>,
        %swap3A_574 = vector.shape_cast %swap3A_573 : vector<1x16xf32> to vector<16xf32>
        %swap3A_575 = vector.shape_cast %mul3A_570 : vector<16xf32> to vector<1x16xf32>
        tpu.vector_store %arg15[%swap3A_571, %swap3A_572], %swap3A_575 {strides = array<i32>} : memref<80x128xf32, #tpu.memory_space<vmem>>, vector<1x16xf32>,
        %add3A_576 = arith.constant 40 : i32
        %add3A_577 = arith.addi %add3A_576, %scan3A_432 : i32
        %get3A_578 = arith.constant 1 : i32
        %get3A_579 = arith.index_cast %get3A_578 : i32 to index
        %get3A_580 = arith.index_cast %scan3A_432 : i32 to index
        %get3A_581 = tpu.vector_load %arg13[%get3A_579, %get3A_580] {strides = array<i32>} : memref<2x56xf32, #tpu.memory_space<vmem>>, vector<1x16xf32>,
        %get3A_582 = vector.shape_cast %get3A_581 : vector<1x16xf32> to vector<16xf32>
        %gather3A_583 = vector.shape_cast %broadcast_in_dim3A_405 : vector<16x1xi32> to vector<16xi32>
        %gather3A_584 = tpu.dynamic_gather %get3A_582[%gather3A_583] in [0] : vector<16xf32>, vector<16xi32> -> vector<16xf32>
        %get3A_585 = arith.index_cast %scan3A_432 : i32 to index
        %get3A_586 = arith.constant 64 : index
        %get3A_587 = tpu.vector_load %arg17[%get3A_585, %get3A_586] {strides = array<i32>} : memref<40x128xi32, #tpu.memory_space<vmem>>, vector<1x16xi32>,
        %get3A_588 = vector.shape_cast %get3A_587 : vector<1x16xi32> to vector<16xi32>
        %bitcast_convert_type3A_589 = tpu.bitcast %get3A_588 : vector<16xi32> -> vector<16xi32>
        %shift_left3A_590 = arith.constant 16 : i32
        %shift_left3A_591 = vector.broadcast %shift_left3A_590 : i32 to vector<16xi32>
        %shift_left3A_592 = arith.shli %bitcast_convert_type3A_589, %shift_left3A_591 : vector<16xi32>
        %bitcast_convert_type3A_593 = tpu.bitcast %shift_left3A_592 : vector<16xi32> -> vector<16xf32>
        %mul3A_594 = arith.mulf %bitcast_convert_type3A_593, %gather3A_584 : vector<16xf32>
        %and3A_595 = arith.constant -65536 : i32
        %and3A_596 = vector.broadcast %and3A_595 : i32 to vector<16xi32>
        %and3A_597 = arith.andi %bitcast_convert_type3A_589, %and3A_596 : vector<16xi32>
        %bitcast_convert_type3A_598 = tpu.bitcast %and3A_597 : vector<16xi32> -> vector<16xf32>
        %mul3A_599 = arith.mulf %bitcast_convert_type3A_598, %gather3A_584 : vector<16xf32>
        %get3A_600 = arith.index_cast %add3A_577 : i32 to index
        %get3A_601 = arith.constant 0 : index
        %get3A_602 = tpu.vector_load %arg15[%get3A_600, %get3A_601] {strides = array<i32>} : memref<80x128xf32, #tpu.memory_space<vmem>>, vector<1x16xf32>,
        %get3A_603 = vector.shape_cast %get3A_602 : vector<1x16xf32> to vector<16xf32>
        %mul3A_604 = arith.mulf %get3A_603, %mul3A_594 : vector<16xf32>
        %swap3A_605 = arith.index_cast %add3A_577 : i32 to index
        %swap3A_606 = arith.constant 0 : index
        %swap3A_607 = tpu.vector_load %arg15[%swap3A_605, %swap3A_606] {strides = array<i32>} : memref<80x128xf32, #tpu.memory_space<vmem>>, vector<1x16xf32>,
        %swap3A_608 = vector.shape_cast %swap3A_607 : vector<1x16xf32> to vector<16xf32>
        %swap3A_609 = vector.shape_cast %mul3A_604 : vector<16xf32> to vector<1x16xf32>
        tpu.vector_store %arg15[%swap3A_605, %swap3A_606], %swap3A_609 {strides = array<i32>} : memref<80x128xf32, #tpu.memory_space<vmem>>, vector<1x16xf32>,
        %get3A_610 = arith.index_cast %add3A_577 : i32 to index
        %get3A_611 = arith.constant 16 : index
        %get3A_612 = tpu.vector_load %arg15[%get3A_610, %get3A_611] {strides = array<i32>} : memref<80x128xf32, #tpu.memory_space<vmem>>, vector<1x16xf32>,
        %get3A_613 = vector.shape_cast %get3A_612 : vector<1x16xf32> to vector<16xf32>
        %mul3A_614 = arith.mulf %get3A_613, %mul3A_599 : vector<16xf32>
        %swap3A_615 = arith.index_cast %add3A_577 : i32 to index
        %swap3A_616 = arith.constant 16 : index
        %swap3A_617 = tpu.vector_load %arg15[%swap3A_615, %swap3A_616] {strides = array<i32>} : memref<80x128xf32, #tpu.memory_space<vmem>>, vector<1x16xf32>,
        %swap3A_618 = vector.shape_cast %swap3A_617 : vector<1x16xf32> to vector<16xf32>
        %swap3A_619 = vector.shape_cast %mul3A_614 : vector<16xf32> to vector<1x16xf32>
        tpu.vector_store %arg15[%swap3A_615, %swap3A_616], %swap3A_619 {strides = array<i32>} : memref<80x128xf32, #tpu.memory_space<vmem>>, vector<1x16xf32>,
        %get3A_620 = arith.index_cast %scan3A_432 : i32 to index
        %get3A_621 = arith.constant 80 : index
        %get3A_622 = tpu.vector_load %arg17[%get3A_620, %get3A_621] {strides = array<i32>} : memref<40x128xi32, #tpu.memory_space<vmem>>, vector<1x16xi32>,
        %get3A_623 = vector.shape_cast %get3A_622 : vector<1x16xi32> to vector<16xi32>
        %bitcast_convert_type3A_624 = tpu.bitcast %get3A_623 : vector<16xi32> -> vector<16xi32>
        %shift_left3A_625 = arith.constant 16 : i32
        %shift_left3A_626 = vector.broadcast %shift_left3A_625 : i32 to vector<16xi32>
        %shift_left3A_627 = arith.shli %bitcast_convert_type3A_624, %shift_left3A_626 : vector<16xi32>
        %bitcast_convert_type3A_628 = tpu.bitcast %shift_left3A_627 : vector<16xi32> -> vector<16xf32>
        %mul3A_629 = arith.mulf %bitcast_convert_type3A_628, %gather3A_584 : vector<16xf32>
        %and3A_630 = arith.constant -65536 : i32
        %and3A_631 = vector.broadcast %and3A_630 : i32 to vector<16xi32>
        %and3A_632 = arith.andi %bitcast_convert_type3A_624, %and3A_631 : vector<16xi32>
        %bitcast_convert_type3A_633 = tpu.bitcast %and3A_632 : vector<16xi32> -> vector<16xf32>
        %mul3A_634 = arith.mulf %bitcast_convert_type3A_633, %gather3A_584 : vector<16xf32>
        %get3A_635 = arith.index_cast %add3A_577 : i32 to index
        %get3A_636 = arith.constant 32 : index
        %get3A_637 = tpu.vector_load %arg15[%get3A_635, %get3A_636] {strides = array<i32>} : memref<80x128xf32, #tpu.memory_space<vmem>>, vector<1x16xf32>,
        %get3A_638 = vector.shape_cast %get3A_637 : vector<1x16xf32> to vector<16xf32>
        %mul3A_639 = arith.mulf %get3A_638, %mul3A_629 : vector<16xf32>
        %swap3A_640 = arith.index_cast %add3A_577 : i32 to index
        %swap3A_641 = arith.constant 32 : index
        %swap3A_642 = tpu.vector_load %arg15[%swap3A_640, %swap3A_641] {strides = array<i32>} : memref<80x128xf32, #tpu.memory_space<vmem>>, vector<1x16xf32>,
        %swap3A_643 = vector.shape_cast %swap3A_642 : vector<1x16xf32> to vector<16xf32>
        %swap3A_644 = vector.shape_cast %mul3A_639 : vector<16xf32> to vector<1x16xf32>
        tpu.vector_store %arg15[%swap3A_640, %swap3A_641], %swap3A_644 {strides = array<i32>} : memref<80x128xf32, #tpu.memory_space<vmem>>, vector<1x16xf32>,
        %get3A_645 = arith.index_cast %add3A_577 : i32 to index
        %get3A_646 = arith.constant 48 : index
        %get3A_647 = tpu.vector_load %arg15[%get3A_645, %get3A_646] {strides = array<i32>} : memref<80x128xf32, #tpu.memory_space<vmem>>, vector<1x16xf32>,
        %get3A_648 = vector.shape_cast %get3A_647 : vector<1x16xf32> to vector<16xf32>
        %mul3A_649 = arith.mulf %get3A_648, %mul3A_634 : vector<16xf32>
        %swap3A_650 = arith.index_cast %add3A_577 : i32 to index
        %swap3A_651 = arith.constant 48 : index
        %swap3A_652 = tpu.vector_load %arg15[%swap3A_650, %swap3A_651] {strides = array<i32>} : memref<80x128xf32, #tpu.memory_space<vmem>>, vector<1x16xf32>,
        %swap3A_653 = vector.shape_cast %swap3A_652 : vector<1x16xf32> to vector<16xf32>
        %swap3A_654 = vector.shape_cast %mul3A_649 : vector<16xf32> to vector<1x16xf32>
        tpu.vector_store %arg15[%swap3A_650, %swap3A_651], %swap3A_654 {strides = array<i32>} : memref<80x128xf32, #tpu.memory_space<vmem>>, vector<1x16xf32>,
        %get3A_655 = arith.index_cast %scan3A_432 : i32 to index
        %get3A_656 = arith.constant 96 : index
        %get3A_657 = tpu.vector_load %arg17[%get3A_655, %get3A_656] {strides = array<i32>} : memref<40x128xi32, #tpu.memory_space<vmem>>, vector<1x16xi32>,
        %get3A_658 = vector.shape_cast %get3A_657 : vector<1x16xi32> to vector<16xi32>
        %bitcast_convert_type3A_659 = tpu.bitcast %get3A_658 : vector<16xi32> -> vector<16xi32>
        %shift_left3A_660 = arith.constant 16 : i32
        %shift_left3A_661 = vector.broadcast %shift_left3A_660 : i32 to vector<16xi32>
        %shift_left3A_662 = arith.shli %bitcast_convert_type3A_659, %shift_left3A_661 : vector<16xi32>
        %bitcast_convert_type3A_663 = tpu.bitcast %shift_left3A_662 : vector<16xi32> -> vector<16xf32>
        %mul3A_664 = arith.mulf %bitcast_convert_type3A_663, %gather3A_584 : vector<16xf32>
        %and3A_665 = arith.constant -65536 : i32
        %and3A_666 = vector.broadcast %and3A_665 : i32 to vector<16xi32>
        %and3A_667 = arith.andi %bitcast_convert_type3A_659, %and3A_666 : vector<16xi32>
        %bitcast_convert_type3A_668 = tpu.bitcast %and3A_667 : vector<16xi32> -> vector<16xf32>
        %mul3A_669 = arith.mulf %bitcast_convert_type3A_668, %gather3A_584 : vector<16xf32>
        %get3A_670 = arith.index_cast %add3A_577 : i32 to index
        %get3A_671 = arith.constant 64 : index
        %get3A_672 = tpu.vector_load %arg15[%get3A_670, %get3A_671] {strides = array<i32>} : memref<80x128xf32, #tpu.memory_space<vmem>>, vector<1x16xf32>,
        %get3A_673 = vector.shape_cast %get3A_672 : vector<1x16xf32> to vector<16xf32>
        %mul3A_674 = arith.mulf %get3A_673, %mul3A_664 : vector<16xf32>
        %swap3A_675 = arith.index_cast %add3A_577 : i32 to index
        %swap3A_676 = arith.constant 64 : index
        %swap3A_677 = tpu.vector_load %arg15[%swap3A_675, %swap3A_676] {strides = array<i32>} : memref<80x128xf32, #tpu.memory_space<vmem>>, vector<1x16xf32>,
        %swap3A_678 = vector.shape_cast %swap3A_677 : vector<1x16xf32> to vector<16xf32>
        %swap3A_679 = vector.shape_cast %mul3A_674 : vector<16xf32> to vector<1x16xf32>
        tpu.vector_store %arg15[%swap3A_675, %swap3A_676], %swap3A_679 {strides = array<i32>} : memref<80x128xf32, #tpu.memory_space<vmem>>, vector<1x16xf32>,
        %get3A_680 = arith.index_cast %add3A_577 : i32 to index
        %get3A_681 = arith.constant 80 : index
        %get3A_682 = tpu.vector_load %arg15[%get3A_680, %get3A_681] {strides = array<i32>} : memref<80x128xf32, #tpu.memory_space<vmem>>, vector<1x16xf32>,
        %get3A_683 = vector.shape_cast %get3A_682 : vector<1x16xf32> to vector<16xf32>
        %mul3A_684 = arith.mulf %get3A_683, %mul3A_669 : vector<16xf32>
        %swap3A_685 = arith.index_cast %add3A_577 : i32 to index
        %swap3A_686 = arith.constant 80 : index
        %swap3A_687 = tpu.vector_load %arg15[%swap3A_685, %swap3A_686] {strides = array<i32>} : memref<80x128xf32, #tpu.memory_space<vmem>>, vector<1x16xf32>,
        %swap3A_688 = vector.shape_cast %swap3A_687 : vector<1x16xf32> to vector<16xf32>
        %swap3A_689 = vector.shape_cast %mul3A_684 : vector<16xf32> to vector<1x16xf32>
        tpu.vector_store %arg15[%swap3A_685, %swap3A_686], %swap3A_689 {strides = array<i32>} : memref<80x128xf32, #tpu.memory_space<vmem>>, vector<1x16xf32>,
        %get3A_690 = arith.index_cast %scan3A_432 : i32 to index
        %get3A_691 = arith.constant 112 : index
        %get3A_692 = tpu.vector_load %arg17[%get3A_690, %get3A_691] {strides = array<i32>} : memref<40x128xi32, #tpu.memory_space<vmem>>, vector<1x16xi32>,
        %get3A_693 = vector.shape_cast %get3A_692 : vector<1x16xi32> to vector<16xi32>
        %bitcast_convert_type3A_694 = tpu.bitcast %get3A_693 : vector<16xi32> -> vector<16xi32>
        %shift_left3A_695 = arith.constant 16 : i32
        %shift_left3A_696 = vector.broadcast %shift_left3A_695 : i32 to vector<16xi32>
        %shift_left3A_697 = arith.shli %bitcast_convert_type3A_694, %shift_left3A_696 : vector<16xi32>
        %bitcast_convert_type3A_698 = tpu.bitcast %shift_left3A_697 : vector<16xi32> -> vector<16xf32>
        %mul3A_699 = arith.mulf %bitcast_convert_type3A_698, %gather3A_584 : vector<16xf32>
        %and3A_700 = arith.constant -65536 : i32
        %and3A_701 = vector.broadcast %and3A_700 : i32 to vector<16xi32>
        %and3A_702 = arith.andi %bitcast_convert_type3A_694, %and3A_701 : vector<16xi32>
        %bitcast_convert_type3A_703 = tpu.bitcast %and3A_702 : vector<16xi32> -> vector<16xf32>
        %mul3A_704 = arith.mulf %bitcast_convert_type3A_703, %gather3A_584 : vector<16xf32>
        %get3A_705 = arith.index_cast %add3A_577 : i32 to index
        %get3A_706 = arith.constant 96 : index
        %get3A_707 = tpu.vector_load %arg15[%get3A_705, %get3A_706] {strides = array<i32>} : memref<80x128xf32, #tpu.memory_space<vmem>>, vector<1x16xf32>,
        %get3A_708 = vector.shape_cast %get3A_707 : vector<1x16xf32> to vector<16xf32>
        %mul3A_709 = arith.mulf %get3A_708, %mul3A_699 : vector<16xf32>
        %swap3A_710 = arith.index_cast %add3A_577 : i32 to index
        %swap3A_711 = arith.constant 96 : index
        %swap3A_712 = tpu.vector_load %arg15[%swap3A_710, %swap3A_711] {strides = array<i32>} : memref<80x128xf32, #tpu.memory_space<vmem>>, vector<1x16xf32>,
        %swap3A_713 = vector.shape_cast %swap3A_712 : vector<1x16xf32> to vector<16xf32>
        %swap3A_714 = vector.shape_cast %mul3A_709 : vector<16xf32> to vector<1x16xf32>
        tpu.vector_store %arg15[%swap3A_710, %swap3A_711], %swap3A_714 {strides = array<i32>} : memref<80x128xf32, #tpu.memory_space<vmem>>, vector<1x16xf32>,
        %get3A_715 = arith.index_cast %add3A_577 : i32 to index
        %get3A_716 = arith.constant 112 : index
        %get3A_717 = tpu.vector_load %arg15[%get3A_715, %get3A_716] {strides = array<i32>} : memref<80x128xf32, #tpu.memory_space<vmem>>, vector<1x16xf32>,
        %get3A_718 = vector.shape_cast %get3A_717 : vector<1x16xf32> to vector<16xf32>
        %mul3A_719 = arith.mulf %get3A_718, %mul3A_704 : vector<16xf32>
        %swap3A_720 = arith.index_cast %add3A_577 : i32 to index
        %swap3A_721 = arith.constant 112 : index
        %swap3A_722 = tpu.vector_load %arg15[%swap3A_720, %swap3A_721] {strides = array<i32>} : memref<80x128xf32, #tpu.memory_space<vmem>>, vector<1x16xf32>,
        %swap3A_723 = vector.shape_cast %swap3A_722 : vector<1x16xf32> to vector<16xf32>
        %swap3A_724 = vector.shape_cast %mul3A_719 : vector<16xf32> to vector<1x16xf32>
        tpu.vector_store %arg15[%swap3A_720, %swap3A_721], %swap3A_724 {strides = array<i32>} : memref<80x128xf32, #tpu.memory_space<vmem>>, vector<1x16xf32>,
      }
      %scan3A_411 = arith.constant 40 : i32
      %dma_start3A_412 = arith.constant 1 : i32
      %dma_start3A_413 = arith.constant 0 : i32
      %dma_start3A_414 = arith.constant 0 : i32
      %dma_start3A_415 = tpu.memref_slice %arg15[%dma_start3A_413, %dma_start3A_414] : memref<80x128xf32, #tpu.memory_space<vmem>> -> memref<40x128xf32, #tpu.memory_space<vmem>>
      %dma_start3A_416 = arith.constant 0 : i32
      %dma_start3A_417 = tpu.memref_slice %arg10[%dma_start3A_412, %dma_start3A_416] : memref<2x40xi32, #tpu.memory_space<vmem>> -> memref<1x40xi32, #tpu.memory_space<vmem>>
      %dma_start3A_418 = tpu.memref_squeeze %dma_start3A_417 : memref<1x40xi32, #tpu.memory_space<vmem>> -> memref<40xi32, #tpu.memory_space<vmem>>
      %dma_start3A_419 = arith.constant 0 : i32
      %dma_start3A_420 = arith.constant 0 : i32
      %dma_start3A_421 = tpu.memref_slice %arg18[%dma_start3A_419, %dma_start3A_420] : memref<10000x128xf32, #tpu.memory_space<vmem_shared>> -> memref<10000x128xf32, #tpu.memory_space<vmem_shared>>
      tpu.enqueue_indirect_dma source(%dma_start3A_415 : memref<40x128xf32, #tpu.memory_space<vmem>>) target(%dma_start3A_421 : memref<10000x128xf32, #tpu.memory_space<vmem_shared>>) offsets(%dma_start3A_418 : memref<40xi32, #tpu.memory_space<vmem>>) semaphore(%arg24 : memref<!tpu.dma_semaphore, #tpu.memory_space<semaphore_mem>>) {add = true}
      %dma_start3A_422 = arith.constant 1 : i32
      %dma_start3A_423 = arith.constant 40 : i32
      %dma_start3A_424 = arith.constant 0 : i32
      %dma_start3A_425 = tpu.memref_slice %arg15[%dma_start3A_423, %dma_start3A_424] : memref<80x128xf32, #tpu.memory_space<vmem>> -> memref<40x128xf32, #tpu.memory_space<vmem>>
      %dma_start3A_426 = arith.constant 0 : i32
      %dma_start3A_427 = tpu.memref_slice %arg11[%dma_start3A_422, %dma_start3A_426] : memref<2x40xi32, #tpu.memory_space<vmem>> -> memref<1x40xi32, #tpu.memory_space<vmem>>
      %dma_start3A_428 = tpu.memref_squeeze %dma_start3A_427 : memref<1x40xi32, #tpu.memory_space<vmem>> -> memref<40xi32, #tpu.memory_space<vmem>>
      %dma_start3A_429 = arith.constant 0 : i32
      %dma_start3A_430 = arith.constant 0 : i32
      %dma_start3A_431 = tpu.memref_slice %arg18[%dma_start3A_429, %dma_start3A_430] : memref<10000x128xf32, #tpu.memory_space<vmem_shared>> -> memref<10000x128xf32, #tpu.memory_space<vmem_shared>>
      tpu.enqueue_indirect_dma source(%dma_start3A_425 : memref<40x128xf32, #tpu.memory_space<vmem>>) target(%dma_start3A_431 : memref<10000x128xf32, #tpu.memory_space<vmem_shared>>) offsets(%dma_start3A_428 : memref<40xi32, #tpu.memory_space<vmem>>) semaphore(%arg24 : memref<!tpu.dma_semaphore, #tpu.memory_space<semaphore_mem>>) {add = true}
    }
    %scan3A_84 = arith.constant 18 : i32
    %dma_wait3A = arith.constant 0 : i32
    %dma_wait3A_85 = arith.constant 0 : i32
    %dma_wait3A_86 = tpu.memref_slice %arg14[%dma_wait3A, %dma_wait3A_85] : memref<80x128xf32, #tpu.memory_space<vmem>> -> memref<40x128xf32, #tpu.memory_space<vmem>>
    %dma_wait3A_87 = arith.constant 0 : i32
    %dma_wait3A_88 = tpu.memref_slice %arg9[%dma_wait3A_87] : memref<2960xi32, #tpu.memory_space<vmem>> -> memref<40xi32, #tpu.memory_space<vmem>>
    %dma_wait3A_89 = arith.constant 0 : i32
    %dma_wait3A_90 = arith.constant 0 : i32
    %dma_wait3A_91 = tpu.memref_slice %arg2[%dma_wait3A_89, %dma_wait3A_90] : memref<10000x128xf32, #tpu.memory_space<hbm>> -> memref<10000x128xf32, #tpu.memory_space<hbm>>
    tpu.wait_indirect_dma semaphore(%arg19 : memref<!tpu.dma_semaphore, #tpu.memory_space<semaphore_mem>>) src(%dma_wait3A_91 : memref<10000x128xf32, #tpu.memory_space<hbm>>) dst(%dma_wait3A_86 : memref<40x128xf32, #tpu.memory_space<vmem>>)
    %dma_wait3A_92 = arith.constant 40 : i32
    %dma_wait3A_93 = arith.constant 0 : i32
    %dma_wait3A_94 = tpu.memref_slice %arg14[%dma_wait3A_92, %dma_wait3A_93] : memref<80x128xf32, #tpu.memory_space<vmem>> -> memref<40x128xf32, #tpu.memory_space<vmem>>
    %dma_wait3A_95 = arith.constant 0 : i32
    %dma_wait3A_96 = tpu.memref_slice %arg9[%dma_wait3A_95] : memref<2960xi32, #tpu.memory_space<vmem>> -> memref<40xi32, #tpu.memory_space<vmem>>
    %dma_wait3A_97 = arith.constant 0 : i32
    %dma_wait3A_98 = arith.constant 0 : i32
    %dma_wait3A_99 = tpu.memref_slice %arg2[%dma_wait3A_97, %dma_wait3A_98] : memref<10000x128xf32, #tpu.memory_space<hbm>> -> memref<10000x128xf32, #tpu.memory_space<hbm>>
    tpu.wait_indirect_dma semaphore(%arg19 : memref<!tpu.dma_semaphore, #tpu.memory_space<semaphore_mem>>) src(%dma_wait3A_99 : memref<10000x128xf32, #tpu.memory_space<hbm>>) dst(%dma_wait3A_94 : memref<40x128xf32, #tpu.memory_space<vmem>>)
    %dma_wait3A_100 = arith.constant 0 : i32
    %dma_wait3A_101 = arith.constant 0 : i32
    %dma_wait3A_102 = tpu.memref_slice %arg3[%dma_wait3A_100, %dma_wait3A_101] : memref<47360x128xi32, #tpu.memory_space<hbm>> -> memref<40x128xi32, #tpu.memory_space<hbm>>
    %dma_wait3A_103 = arith.constant 0 : i32
    %dma_wait3A_104 = arith.constant 0 : i32
    %dma_wait3A_105 = tpu.memref_slice %arg3[%dma_wait3A_103, %dma_wait3A_104] : memref<47360x128xi32, #tpu.memory_space<hbm>> -> memref<40x128xi32, #tpu.memory_space<hbm>>
    tpu.wait_dma2 semaphore(%arg21 : memref<!tpu.dma_semaphore, #tpu.memory_space<semaphore_mem>>) src(%dma_wait3A_105 : memref<40x128xi32, #tpu.memory_space<hbm>>) dst(%arg16 : memref<40x128xi32, #tpu.memory_space<vmem>>)
    %dma_wait3A_106 = arith.constant 0 : i32
    %dma_wait3A_107 = arith.constant 0 : i32
    %dma_wait3A_108 = tpu.memref_slice %arg12[%dma_wait3A_106, %dma_wait3A_107] : memref<2x56xf32, #tpu.memory_space<vmem>> -> memref<1x40xf32, #tpu.memory_space<vmem>>
    %dma_wait3A_109 = tpu.memref_squeeze %dma_wait3A_108 : memref<1x40xf32, #tpu.memory_space<vmem>> -> memref<40xf32, #tpu.memory_space<vmem>>
    %dma_wait3A_110 = arith.constant 0 : i32
    %dma_wait3A_111 = tpu.memref_slice %arg6[%dma_wait3A_110] : memref<320000xf32, #tpu.memory_space<hbm>> -> memref<40xf32, #tpu.memory_space<hbm>>
    %dma_wait3A_112 = arith.constant 0 : i32
    %dma_wait3A_113 = tpu.memref_slice %arg12[%dma_wait3A_106, %dma_wait3A_112] : memref<2x56xf32, #tpu.memory_space<vmem>> -> memref<1x40xf32, #tpu.memory_space<vmem>>
    %dma_wait3A_114 = tpu.memref_squeeze %dma_wait3A_113 : memref<1x40xf32, #tpu.memory_space<vmem>> -> memref<40xf32, #tpu.memory_space<vmem>>
    %dma_wait3A_115 = arith.constant 0 : i32
    %dma_wait3A_116 = tpu.memref_slice %arg6[%dma_wait3A_115] : memref<320000xf32, #tpu.memory_space<hbm>> -> memref<40xf32, #tpu.memory_space<hbm>>
    tpu.wait_dma2 semaphore(%arg25 : memref<!tpu.dma_semaphore, #tpu.memory_space<semaphore_mem>>) src(%dma_wait3A_116 : memref<40xf32, #tpu.memory_space<hbm>>) dst(%dma_wait3A_114 : memref<40xf32, #tpu.memory_space<vmem>>)
    %dma_wait3A_117 = arith.constant 0 : i32
    %dma_wait3A_118 = arith.constant 0 : i32
    %dma_wait3A_119 = tpu.memref_slice %arg12[%dma_wait3A_117, %dma_wait3A_118] : memref<2x56xf32, #tpu.memory_space<vmem>> -> memref<1x40xf32, #tpu.memory_space<vmem>>
    %dma_wait3A_120 = tpu.memref_squeeze %dma_wait3A_119 : memref<1x40xf32, #tpu.memory_space<vmem>> -> memref<40xf32, #tpu.memory_space<vmem>>
    %dma_wait3A_121 = arith.constant 0 : i32
    %dma_wait3A_122 = tpu.memref_slice %arg6[%dma_wait3A_121] : memref<320000xf32, #tpu.memory_space<hbm>> -> memref<40xf32, #tpu.memory_space<hbm>>
    %dma_wait3A_123 = arith.constant 0 : i32
    %dma_wait3A_124 = tpu.memref_slice %arg12[%dma_wait3A_117, %dma_wait3A_123] : memref<2x56xf32, #tpu.memory_space<vmem>> -> memref<1x40xf32, #tpu.memory_space<vmem>>
    %dma_wait3A_125 = tpu.memref_squeeze %dma_wait3A_124 : memref<1x40xf32, #tpu.memory_space<vmem>> -> memref<40xf32, #tpu.memory_space<vmem>>
    %dma_wait3A_126 = arith.constant 0 : i32
    %dma_wait3A_127 = tpu.memref_slice %arg6[%dma_wait3A_126] : memref<320000xf32, #tpu.memory_space<hbm>> -> memref<40xf32, #tpu.memory_space<hbm>>
    tpu.wait_dma2 semaphore(%arg25 : memref<!tpu.dma_semaphore, #tpu.memory_space<semaphore_mem>>) src(%dma_wait3A_127 : memref<40xf32, #tpu.memory_space<hbm>>) dst(%dma_wait3A_125 : memref<40xf32, #tpu.memory_space<vmem>>)
    %dma_wait3A_128 = arith.constant 0 : i32
    %dma_wait3A_129 = arith.constant 0 : i32
    %dma_wait3A_130 = tpu.memref_slice %arg12[%dma_wait3A_128, %dma_wait3A_129] : memref<2x56xf32, #tpu.memory_space<vmem>> -> memref<1x40xf32, #tpu.memory_space<vmem>>
    %dma_wait3A_131 = tpu.memref_squeeze %dma_wait3A_130 : memref<1x40xf32, #tpu.memory_space<vmem>> -> memref<40xf32, #tpu.memory_space<vmem>>
    %dma_wait3A_132 = arith.constant 0 : i32
    %dma_wait3A_133 = tpu.memref_slice %arg6[%dma_wait3A_132] : memref<320000xf32, #tpu.memory_space<hbm>> -> memref<40xf32, #tpu.memory_space<hbm>>
    %dma_wait3A_134 = arith.constant 0 : i32
    %dma_wait3A_135 = tpu.memref_slice %arg12[%dma_wait3A_128, %dma_wait3A_134] : memref<2x56xf32, #tpu.memory_space<vmem>> -> memref<1x40xf32, #tpu.memory_space<vmem>>
    %dma_wait3A_136 = tpu.memref_squeeze %dma_wait3A_135 : memref<1x40xf32, #tpu.memory_space<vmem>> -> memref<40xf32, #tpu.memory_space<vmem>>
    %dma_wait3A_137 = arith.constant 0 : i32
    %dma_wait3A_138 = tpu.memref_slice %arg6[%dma_wait3A_137] : memref<320000xf32, #tpu.memory_space<hbm>> -> memref<40xf32, #tpu.memory_space<hbm>>
    tpu.wait_dma2 semaphore(%arg25 : memref<!tpu.dma_semaphore, #tpu.memory_space<semaphore_mem>>) src(%dma_wait3A_138 : memref<40xf32, #tpu.memory_space<hbm>>) dst(%dma_wait3A_136 : memref<40xf32, #tpu.memory_space<vmem>>)
    %dma_wait3A_139 = arith.constant 0 : i32
    %dma_wait3A_140 = arith.constant 0 : i32
    %dma_wait3A_141 = tpu.memref_slice %arg12[%dma_wait3A_139, %dma_wait3A_140] : memref<2x56xf32, #tpu.memory_space<vmem>> -> memref<1x40xf32, #tpu.memory_space<vmem>>
    %dma_wait3A_142 = tpu.memref_squeeze %dma_wait3A_141 : memref<1x40xf32, #tpu.memory_space<vmem>> -> memref<40xf32, #tpu.memory_space<vmem>>
    %dma_wait3A_143 = arith.constant 0 : i32
    %dma_wait3A_144 = tpu.memref_slice %arg6[%dma_wait3A_143] : memref<320000xf32, #tpu.memory_space<hbm>> -> memref<40xf32, #tpu.memory_space<hbm>>
    %dma_wait3A_145 = arith.constant 0 : i32
    %dma_wait3A_146 = tpu.memref_slice %arg12[%dma_wait3A_139, %dma_wait3A_145] : memref<2x56xf32, #tpu.memory_space<vmem>> -> memref<1x40xf32, #tpu.memory_space<vmem>>
    %dma_wait3A_147 = tpu.memref_squeeze %dma_wait3A_146 : memref<1x40xf32, #tpu.memory_space<vmem>> -> memref<40xf32, #tpu.memory_space<vmem>>
    %dma_wait3A_148 = arith.constant 0 : i32
    %dma_wait3A_149 = tpu.memref_slice %arg6[%dma_wait3A_148] : memref<320000xf32, #tpu.memory_space<hbm>> -> memref<40xf32, #tpu.memory_space<hbm>>
    tpu.wait_dma2 semaphore(%arg25 : memref<!tpu.dma_semaphore, #tpu.memory_space<semaphore_mem>>) src(%dma_wait3A_149 : memref<40xf32, #tpu.memory_space<hbm>>) dst(%dma_wait3A_147 : memref<40xf32, #tpu.memory_space<vmem>>)
    %broadcast_in_dim3A = arith.constant 0 : i32
    %broadcast_in_dim3A_150 = vector.broadcast %broadcast_in_dim3A : i32 to vector<16x1xi32>
    %scan3A_151 = arith.constant 0 : i32
    %scan3A_152 = arith.constant 0 : i32
    %scan3A_153 = arith.constant 40 : i32
    %scan3A_154 = arith.addi %scan3A_152, %scan3A_153 : i32
    %scan3A_155 = arith.constant 1 : i32
    scf.for %scan3A_223 = %scan3A_152 to %scan3A_154 step %scan3A_155  : i32 {
      %add3A_224 = arith.constant 0 : i32
      %add3A_225 = arith.addi %add3A_224, %scan3A_223 : i32
      %get3A = arith.constant 0 : i32
      %get3A_226 = arith.index_cast %get3A : i32 to index
      %get3A_227 = arith.index_cast %scan3A_223 : i32 to index
      %get3A_228 = tpu.vector_load %arg12[%get3A_226, %get3A_227] {strides = array<i32>} : memref<2x56xf32, #tpu.memory_space<vmem>>, vector<1x16xf32>,
      %get3A_229 = vector.shape_cast %get3A_228 : vector<1x16xf32> to vector<16xf32>
      %gather3A = vector.shape_cast %broadcast_in_dim3A_150 : vector<16x1xi32> to vector<16xi32>
      %gather3A_230 = tpu.dynamic_gather %get3A_229[%gather3A] in [0] : vector<16xf32>, vector<16xi32> -> vector<16xf32>
      %get3A_231 = arith.index_cast %scan3A_223 : i32 to index
      %get3A_232 = arith.constant 0 : index
      %get3A_233 = tpu.vector_load %arg16[%get3A_231, %get3A_232] {strides = array<i32>} : memref<40x128xi32, #tpu.memory_space<vmem>>, vector<1x16xi32>,
      %get3A_234 = vector.shape_cast %get3A_233 : vector<1x16xi32> to vector<16xi32>
      %bitcast_convert_type3A = tpu.bitcast %get3A_234 : vector<16xi32> -> vector<16xi32>
      %shift_left3A = arith.constant 16 : i32
      %shift_left3A_235 = vector.broadcast %shift_left3A : i32 to vector<16xi32>
      %shift_left3A_236 = arith.shli %bitcast_convert_type3A, %shift_left3A_235 : vector<16xi32>
      %bitcast_convert_type3A_237 = tpu.bitcast %shift_left3A_236 : vector<16xi32> -> vector<16xf32>
      %mul3A_238 = arith.mulf %bitcast_convert_type3A_237, %gather3A_230 : vector<16xf32>
      %and3A = arith.constant -65536 : i32
      %and3A_239 = vector.broadcast %and3A : i32 to vector<16xi32>
      %and3A_240 = arith.andi %bitcast_convert_type3A, %and3A_239 : vector<16xi32>
      %bitcast_convert_type3A_241 = tpu.bitcast %and3A_240 : vector<16xi32> -> vector<16xf32>
      %mul3A_242 = arith.mulf %bitcast_convert_type3A_241, %gather3A_230 : vector<16xf32>
      %get3A_243 = arith.index_cast %add3A_225 : i32 to index
      %get3A_244 = arith.constant 0 : index
      %get3A_245 = tpu.vector_load %arg14[%get3A_243, %get3A_244] {strides = array<i32>} : memref<80x128xf32, #tpu.memory_space<vmem>>, vector<1x16xf32>,
      %get3A_246 = vector.shape_cast %get3A_245 : vector<1x16xf32> to vector<16xf32>
      %mul3A_247 = arith.mulf %get3A_246, %mul3A_238 : vector<16xf32>
      %swap3A = arith.index_cast %add3A_225 : i32 to index
      %swap3A_248 = arith.constant 0 : index
      %swap3A_249 = tpu.vector_load %arg14[%swap3A, %swap3A_248] {strides = array<i32>} : memref<80x128xf32, #tpu.memory_space<vmem>>, vector<1x16xf32>,
      %swap3A_250 = vector.shape_cast %swap3A_249 : vector<1x16xf32> to vector<16xf32>
      %swap3A_251 = vector.shape_cast %mul3A_247 : vector<16xf32> to vector<1x16xf32>
      tpu.vector_store %arg14[%swap3A, %swap3A_248], %swap3A_251 {strides = array<i32>} : memref<80x128xf32, #tpu.memory_space<vmem>>, vector<1x16xf32>,
      %get3A_252 = arith.index_cast %add3A_225 : i32 to index
      %get3A_253 = arith.constant 16 : index
      %get3A_254 = tpu.vector_load %arg14[%get3A_252, %get3A_253] {strides = array<i32>} : memref<80x128xf32, #tpu.memory_space<vmem>>, vector<1x16xf32>,
      %get3A_255 = vector.shape_cast %get3A_254 : vector<1x16xf32> to vector<16xf32>
      %mul3A_256 = arith.mulf %get3A_255, %mul3A_242 : vector<16xf32>
      %swap3A_257 = arith.index_cast %add3A_225 : i32 to index
      %swap3A_258 = arith.constant 16 : index
      %swap3A_259 = tpu.vector_load %arg14[%swap3A_257, %swap3A_258] {strides = array<i32>} : memref<80x128xf32, #tpu.memory_space<vmem>>, vector<1x16xf32>,
      %swap3A_260 = vector.shape_cast %swap3A_259 : vector<1x16xf32> to vector<16xf32>
      %swap3A_261 = vector.shape_cast %mul3A_256 : vector<16xf32> to vector<1x16xf32>
      tpu.vector_store %arg14[%swap3A_257, %swap3A_258], %swap3A_261 {strides = array<i32>} : memref<80x128xf32, #tpu.memory_space<vmem>>, vector<1x16xf32>,
      %get3A_262 = arith.index_cast %scan3A_223 : i32 to index
      %get3A_263 = arith.constant 16 : index
      %get3A_264 = tpu.vector_load %arg16[%get3A_262, %get3A_263] {strides = array<i32>} : memref<40x128xi32, #tpu.memory_space<vmem>>, vector<1x16xi32>,
      %get3A_265 = vector.shape_cast %get3A_264 : vector<1x16xi32> to vector<16xi32>
      %bitcast_convert_type3A_266 = tpu.bitcast %get3A_265 : vector<16xi32> -> vector<16xi32>
      %shift_left3A_267 = arith.constant 16 : i32
      %shift_left3A_268 = vector.broadcast %shift_left3A_267 : i32 to vector<16xi32>
      %shift_left3A_269 = arith.shli %bitcast_convert_type3A_266, %shift_left3A_268 : vector<16xi32>
      %bitcast_convert_type3A_270 = tpu.bitcast %shift_left3A_269 : vector<16xi32> -> vector<16xf32>
      %mul3A_271 = arith.mulf %bitcast_convert_type3A_270, %gather3A_230 : vector<16xf32>
      %and3A_272 = arith.constant -65536 : i32
      %and3A_273 = vector.broadcast %and3A_272 : i32 to vector<16xi32>
      %and3A_274 = arith.andi %bitcast_convert_type3A_266, %and3A_273 : vector<16xi32>
      %bitcast_convert_type3A_275 = tpu.bitcast %and3A_274 : vector<16xi32> -> vector<16xf32>
      %mul3A_276 = arith.mulf %bitcast_convert_type3A_275, %gather3A_230 : vector<16xf32>
      %get3A_277 = arith.index_cast %add3A_225 : i32 to index
      %get3A_278 = arith.constant 32 : index
      %get3A_279 = tpu.vector_load %arg14[%get3A_277, %get3A_278] {strides = array<i32>} : memref<80x128xf32, #tpu.memory_space<vmem>>, vector<1x16xf32>,
      %get3A_280 = vector.shape_cast %get3A_279 : vector<1x16xf32> to vector<16xf32>
      %mul3A_281 = arith.mulf %get3A_280, %mul3A_271 : vector<16xf32>
      %swap3A_282 = arith.index_cast %add3A_225 : i32 to index
      %swap3A_283 = arith.constant 32 : index
      %swap3A_284 = tpu.vector_load %arg14[%swap3A_282, %swap3A_283] {strides = array<i32>} : memref<80x128xf32, #tpu.memory_space<vmem>>, vector<1x16xf32>,
      %swap3A_285 = vector.shape_cast %swap3A_284 : vector<1x16xf32> to vector<16xf32>
      %swap3A_286 = vector.shape_cast %mul3A_281 : vector<16xf32> to vector<1x16xf32>
      tpu.vector_store %arg14[%swap3A_282, %swap3A_283], %swap3A_286 {strides = array<i32>} : memref<80x128xf32, #tpu.memory_space<vmem>>, vector<1x16xf32>,
      %get3A_287 = arith.index_cast %add3A_225 : i32 to index
      %get3A_288 = arith.constant 48 : index
      %get3A_289 = tpu.vector_load %arg14[%get3A_287, %get3A_288] {strides = array<i32>} : memref<80x128xf32, #tpu.memory_space<vmem>>, vector<1x16xf32>,
      %get3A_290 = vector.shape_cast %get3A_289 : vector<1x16xf32> to vector<16xf32>
      %mul3A_291 = arith.mulf %get3A_290, %mul3A_276 : vector<16xf32>
      %swap3A_292 = arith.index_cast %add3A_225 : i32 to index
      %swap3A_293 = arith.constant 48 : index
      %swap3A_294 = tpu.vector_load %arg14[%swap3A_292, %swap3A_293] {strides = array<i32>} : memref<80x128xf32, #tpu.memory_space<vmem>>, vector<1x16xf32>,
      %swap3A_295 = vector.shape_cast %swap3A_294 : vector<1x16xf32> to vector<16xf32>
      %swap3A_296 = vector.shape_cast %mul3A_291 : vector<16xf32> to vector<1x16xf32>
      tpu.vector_store %arg14[%swap3A_292, %swap3A_293], %swap3A_296 {strides = array<i32>} : memref<80x128xf32, #tpu.memory_space<vmem>>, vector<1x16xf32>,
      %get3A_297 = arith.index_cast %scan3A_223 : i32 to index
      %get3A_298 = arith.constant 32 : index
      %get3A_299 = tpu.vector_load %arg16[%get3A_297, %get3A_298] {strides = array<i32>} : memref<40x128xi32, #tpu.memory_space<vmem>>, vector<1x16xi32>,
      %get3A_300 = vector.shape_cast %get3A_299 : vector<1x16xi32> to vector<16xi32>
      %bitcast_convert_type3A_301 = tpu.bitcast %get3A_300 : vector<16xi32> -> vector<16xi32>
      %shift_left3A_302 = arith.constant 16 : i32
      %shift_left3A_303 = vector.broadcast %shift_left3A_302 : i32 to vector<16xi32>
      %shift_left3A_304 = arith.shli %bitcast_convert_type3A_301, %shift_left3A_303 : vector<16xi32>
      %bitcast_convert_type3A_305 = tpu.bitcast %shift_left3A_304 : vector<16xi32> -> vector<16xf32>
      %mul3A_306 = arith.mulf %bitcast_convert_type3A_305, %gather3A_230 : vector<16xf32>
      %and3A_307 = arith.constant -65536 : i32
      %and3A_308 = vector.broadcast %and3A_307 : i32 to vector<16xi32>
      %and3A_309 = arith.andi %bitcast_convert_type3A_301, %and3A_308 : vector<16xi32>
      %bitcast_convert_type3A_310 = tpu.bitcast %and3A_309 : vector<16xi32> -> vector<16xf32>
      %mul3A_311 = arith.mulf %bitcast_convert_type3A_310, %gather3A_230 : vector<16xf32>
      %get3A_312 = arith.index_cast %add3A_225 : i32 to index
      %get3A_313 = arith.constant 64 : index
      %get3A_314 = tpu.vector_load %arg14[%get3A_312, %get3A_313] {strides = array<i32>} : memref<80x128xf32, #tpu.memory_space<vmem>>, vector<1x16xf32>,
      %get3A_315 = vector.shape_cast %get3A_314 : vector<1x16xf32> to vector<16xf32>
      %mul3A_316 = arith.mulf %get3A_315, %mul3A_306 : vector<16xf32>
      %swap3A_317 = arith.index_cast %add3A_225 : i32 to index
      %swap3A_318 = arith.constant 64 : index
      %swap3A_319 = tpu.vector_load %arg14[%swap3A_317, %swap3A_318] {strides = array<i32>} : memref<80x128xf32, #tpu.memory_space<vmem>>, vector<1x16xf32>,
      %swap3A_320 = vector.shape_cast %swap3A_319 : vector<1x16xf32> to vector<16xf32>
      %swap3A_321 = vector.shape_cast %mul3A_316 : vector<16xf32> to vector<1x16xf32>
      tpu.vector_store %arg14[%swap3A_317, %swap3A_318], %swap3A_321 {strides = array<i32>} : memref<80x128xf32, #tpu.memory_space<vmem>>, vector<1x16xf32>,
      %get3A_322 = arith.index_cast %add3A_225 : i32 to index
      %get3A_323 = arith.constant 80 : index
      %get3A_324 = tpu.vector_load %arg14[%get3A_322, %get3A_323] {strides = array<i32>} : memref<80x128xf32, #tpu.memory_space<vmem>>, vector<1x16xf32>,
      %get3A_325 = vector.shape_cast %get3A_324 : vector<1x16xf32> to vector<16xf32>
      %mul3A_326 = arith.mulf %get3A_325, %mul3A_311 : vector<16xf32>
      %swap3A_327 = arith.index_cast %add3A_225 : i32 to index
      %swap3A_328 = arith.constant 80 : index
      %swap3A_329 = tpu.vector_load %arg14[%swap3A_327, %swap3A_328] {strides = array<i32>} : memref<80x128xf32, #tpu.memory_space<vmem>>, vector<1x16xf32>,
      %swap3A_330 = vector.shape_cast %swap3A_329 : vector<1x16xf32> to vector<16xf32>
      %swap3A_331 = vector.shape_cast %mul3A_326 : vector<16xf32> to vector<1x16xf32>
      tpu.vector_store %arg14[%swap3A_327, %swap3A_328], %swap3A_331 {strides = array<i32>} : memref<80x128xf32, #tpu.memory_space<vmem>>, vector<1x16xf32>,
      %get3A_332 = arith.index_cast %scan3A_223 : i32 to index
      %get3A_333 = arith.constant 48 : index
      %get3A_334 = tpu.vector_load %arg16[%get3A_332, %get3A_333] {strides = array<i32>} : memref<40x128xi32, #tpu.memory_space<vmem>>, vector<1x16xi32>,
      %get3A_335 = vector.shape_cast %get3A_334 : vector<1x16xi32> to vector<16xi32>
      %bitcast_convert_type3A_336 = tpu.bitcast %get3A_335 : vector<16xi32> -> vector<16xi32>
      %shift_left3A_337 = arith.constant 16 : i32
      %shift_left3A_338 = vector.broadcast %shift_left3A_337 : i32 to vector<16xi32>
      %shift_left3A_339 = arith.shli %bitcast_convert_type3A_336, %shift_left3A_338 : vector<16xi32>
      %bitcast_convert_type3A_340 = tpu.bitcast %shift_left3A_339 : vector<16xi32> -> vector<16xf32>
      %mul3A_341 = arith.mulf %bitcast_convert_type3A_340, %gather3A_230 : vector<16xf32>
      %and3A_342 = arith.constant -65536 : i32
      %and3A_343 = vector.broadcast %and3A_342 : i32 to vector<16xi32>
      %and3A_344 = arith.andi %bitcast_convert_type3A_336, %and3A_343 : vector<16xi32>
      %bitcast_convert_type3A_345 = tpu.bitcast %and3A_344 : vector<16xi32> -> vector<16xf32>
      %mul3A_346 = arith.mulf %bitcast_convert_type3A_345, %gather3A_230 : vector<16xf32>
      %get3A_347 = arith.index_cast %add3A_225 : i32 to index
      %get3A_348 = arith.constant 96 : index
      %get3A_349 = tpu.vector_load %arg14[%get3A_347, %get3A_348] {strides = array<i32>} : memref<80x128xf32, #tpu.memory_space<vmem>>, vector<1x16xf32>,
      %get3A_350 = vector.shape_cast %get3A_349 : vector<1x16xf32> to vector<16xf32>
      %mul3A_351 = arith.mulf %get3A_350, %mul3A_341 : vector<16xf32>
      %swap3A_352 = arith.index_cast %add3A_225 : i32 to index
      %swap3A_353 = arith.constant 96 : index
      %swap3A_354 = tpu.vector_load %arg14[%swap3A_352, %swap3A_353] {strides = array<i32>} : memref<80x128xf32, #tpu.memory_space<vmem>>, vector<1x16xf32>,
      %swap3A_355 = vector.shape_cast %swap3A_354 : vector<1x16xf32> to vector<16xf32>
      %swap3A_356 = vector.shape_cast %mul3A_351 : vector<16xf32> to vector<1x16xf32>
      tpu.vector_store %arg14[%swap3A_352, %swap3A_353], %swap3A_356 {strides = array<i32>} : memref<80x128xf32, #tpu.memory_space<vmem>>, vector<1x16xf32>,
      %get3A_357 = arith.index_cast %add3A_225 : i32 to index
      %get3A_358 = arith.constant 112 : index
      %get3A_359 = tpu.vector_load %arg14[%get3A_357, %get3A_358] {strides = array<i32>} : memref<80x128xf32, #tpu.memory_space<vmem>>, vector<1x16xf32>,
      %get3A_360 = vector.shape_cast %get3A_359 : vector<1x16xf32> to vector<16xf32>
      %mul3A_361 = arith.mulf %get3A_360, %mul3A_346 : vector<16xf32>
      %swap3A_362 = arith.index_cast %add3A_225 : i32 to index
      %swap3A_363 = arith.constant 112 : index
      %swap3A_364 = tpu.vector_load %arg14[%swap3A_362, %swap3A_363] {strides = array<i32>} : memref<80x128xf32, #tpu.memory_space<vmem>>, vector<1x16xf32>,
      %swap3A_365 = vector.shape_cast %swap3A_364 : vector<1x16xf32> to vector<16xf32>
      %swap3A_366 = vector.shape_cast %mul3A_361 : vector<16xf32> to vector<1x16xf32>
      tpu.vector_store %arg14[%swap3A_362, %swap3A_363], %swap3A_366 {strides = array<i32>} : memref<80x128xf32, #tpu.memory_space<vmem>>, vector<1x16xf32>,
      %add3A_367 = arith.constant 40 : i32
      %add3A_368 = arith.addi %add3A_367, %scan3A_223 : i32
      %get3A_369 = arith.constant 0 : i32
      %get3A_370 = arith.index_cast %get3A_369 : i32 to index
      %get3A_371 = arith.index_cast %scan3A_223 : i32 to index
      %get3A_372 = tpu.vector_load %arg13[%get3A_370, %get3A_371] {strides = array<i32>} : memref<2x56xf32, #tpu.memory_space<vmem>>, vector<1x16xf32>,
      %get3A_373 = vector.shape_cast %get3A_372 : vector<1x16xf32> to vector<16xf32>
      %gather3A_374 = vector.shape_cast %broadcast_in_dim3A_150 : vector<16x1xi32> to vector<16xi32>
      %gather3A_375 = tpu.dynamic_gather %get3A_373[%gather3A_374] in [0] : vector<16xf32>, vector<16xi32> -> vector<16xf32>
      %get3A_376 = arith.index_cast %scan3A_223 : i32 to index
      %get3A_377 = arith.constant 64 : index
      %get3A_378 = tpu.vector_load %arg16[%get3A_376, %get3A_377] {strides = array<i32>} : memref<40x128xi32, #tpu.memory_space<vmem>>, vector<1x16xi32>,
      %get3A_379 = vector.shape_cast %get3A_378 : vector<1x16xi32> to vector<16xi32>
      %bitcast_convert_type3A_380 = tpu.bitcast %get3A_379 : vector<16xi32> -> vector<16xi32>
      %shift_left3A_381 = arith.constant 16 : i32
      %shift_left3A_382 = vector.broadcast %shift_left3A_381 : i32 to vector<16xi32>
      %shift_left3A_383 = arith.shli %bitcast_convert_type3A_380, %shift_left3A_382 : vector<16xi32>
      %bitcast_convert_type3A_384 = tpu.bitcast %shift_left3A_383 : vector<16xi32> -> vector<16xf32>
      %mul3A_385 = arith.mulf %bitcast_convert_type3A_384, %gather3A_375 : vector<16xf32>
      %and3A_386 = arith.constant -65536 : i32
      %and3A_387 = vector.broadcast %and3A_386 : i32 to vector<16xi32>
      %and3A_388 = arith.andi %bitcast_convert_type3A_380, %and3A_387 : vector<16xi32>
      %bitcast_convert_type3A_389 = tpu.bitcast %and3A_388 : vector<16xi32> -> vector<16xf32>
      %mul3A_390 = arith.mulf %bitcast_convert_type3A_389, %gather3A_375 : vector<16xf32>
      %get3A_391 = arith.index_cast %add3A_368 : i32 to index
      %get3A_392 = arith.constant 0 : index
      %get3A_393 = tpu.vector_load %arg14[%get3A_391, %get3A_392] {strides = array<i32>} : memref<80x128xf32, #tpu.memory_space<vmem>>, vector<1x16xf32>,
      %get3A_394 = vector.shape_cast %get3A_393 : vector<1x16xf32> to vector<16xf32>
      %mul3A_395 = arith.mulf %get3A_394, %mul3A_385 : vector<16xf32>
      %swap3A_396 = arith.index_cast %add3A_368 : i32 to index
      %swap3A_397 = arith.constant 0 : index
      %swap3A_398 = tpu.vector_load %arg14[%swap3A_396, %swap3A_397] {strides = array<i32>} : memref<80x128xf32, #tpu.memory_space<vmem>>, vector<1x16xf32>,
      %swap3A_399 = vector.shape_cast %swap3A_398 : vector<1x16xf32> to vector<16xf32>
      %swap3A_400 = vector.shape_cast %mul3A_395 : vector<16xf32> to vector<1x16xf32>
      tpu.vector_store %arg14[%swap3A_396, %swap3A_397], %swap3A_400 {strides = array<i32>} : memref<80x128xf32, #tpu.memory_space<vmem>>, vector<1x16xf32>,
      %get3A_401 = arith.index_cast %add3A_368 : i32 to index
      %get3A_402 = arith.constant 16 : index
      %get3A_403 = tpu.vector_load %arg14[%get3A_401, %get3A_402] {strides = array<i32>} : memref<80x128xf32, #tpu.memory_space<vmem>>, vector<1x16xf32>,
      %get3A_404 = vector.shape_cast %get3A_403 : vector<1x16xf32> to vector<16xf32>
      %mul3A_405 = arith.mulf %get3A_404, %mul3A_390 : vector<16xf32>
      %swap3A_406 = arith.index_cast %add3A_368 : i32 to index
      %swap3A_407 = arith.constant 16 : index
      %swap3A_408 = tpu.vector_load %arg14[%swap3A_406, %swap3A_407] {strides = array<i32>} : memref<80x128xf32, #tpu.memory_space<vmem>>, vector<1x16xf32>,
      %swap3A_409 = vector.shape_cast %swap3A_408 : vector<1x16xf32> to vector<16xf32>
      %swap3A_410 = vector.shape_cast %mul3A_405 : vector<16xf32> to vector<1x16xf32>
      tpu.vector_store %arg14[%swap3A_406, %swap3A_407], %swap3A_410 {strides = array<i32>} : memref<80x128xf32, #tpu.memory_space<vmem>>, vector<1x16xf32>,
      %get3A_411 = arith.index_cast %scan3A_223 : i32 to index
      %get3A_412 = arith.constant 80 : index
      %get3A_413 = tpu.vector_load %arg16[%get3A_411, %get3A_412] {strides = array<i32>} : memref<40x128xi32, #tpu.memory_space<vmem>>, vector<1x16xi32>,
      %get3A_414 = vector.shape_cast %get3A_413 : vector<1x16xi32> to vector<16xi32>
      %bitcast_convert_type3A_415 = tpu.bitcast %get3A_414 : vector<16xi32> -> vector<16xi32>
      %shift_left3A_416 = arith.constant 16 : i32
      %shift_left3A_417 = vector.broadcast %shift_left3A_416 : i32 to vector<16xi32>
      %shift_left3A_418 = arith.shli %bitcast_convert_type3A_415, %shift_left3A_417 : vector<16xi32>
      %bitcast_convert_type3A_419 = tpu.bitcast %shift_left3A_418 : vector<16xi32> -> vector<16xf32>
      %mul3A_420 = arith.mulf %bitcast_convert_type3A_419, %gather3A_375 : vector<16xf32>
      %and3A_421 = arith.constant -65536 : i32
      %and3A_422 = vector.broadcast %and3A_421 : i32 to vector<16xi32>
      %and3A_423 = arith.andi %bitcast_convert_type3A_415, %and3A_422 : vector<16xi32>
      %bitcast_convert_type3A_424 = tpu.bitcast %and3A_423 : vector<16xi32> -> vector<16xf32>
      %mul3A_425 = arith.mulf %bitcast_convert_type3A_424, %gather3A_375 : vector<16xf32>
      %get3A_426 = arith.index_cast %add3A_368 : i32 to index
      %get3A_427 = arith.constant 32 : index
      %get3A_428 = tpu.vector_load %arg14[%get3A_426, %get3A_427] {strides = array<i32>} : memref<80x128xf32, #tpu.memory_space<vmem>>, vector<1x16xf32>,
      %get3A_429 = vector.shape_cast %get3A_428 : vector<1x16xf32> to vector<16xf32>
      %mul3A_430 = arith.mulf %get3A_429, %mul3A_420 : vector<16xf32>
      %swap3A_431 = arith.index_cast %add3A_368 : i32 to index
      %swap3A_432 = arith.constant 32 : index
      %swap3A_433 = tpu.vector_load %arg14[%swap3A_431, %swap3A_432] {strides = array<i32>} : memref<80x128xf32, #tpu.memory_space<vmem>>, vector<1x16xf32>,
      %swap3A_434 = vector.shape_cast %swap3A_433 : vector<1x16xf32> to vector<16xf32>
      %swap3A_435 = vector.shape_cast %mul3A_430 : vector<16xf32> to vector<1x16xf32>
      tpu.vector_store %arg14[%swap3A_431, %swap3A_432], %swap3A_435 {strides = array<i32>} : memref<80x128xf32, #tpu.memory_space<vmem>>, vector<1x16xf32>,
      %get3A_436 = arith.index_cast %add3A_368 : i32 to index
      %get3A_437 = arith.constant 48 : index
      %get3A_438 = tpu.vector_load %arg14[%get3A_436, %get3A_437] {strides = array<i32>} : memref<80x128xf32, #tpu.memory_space<vmem>>, vector<1x16xf32>,
      %get3A_439 = vector.shape_cast %get3A_438 : vector<1x16xf32> to vector<16xf32>
      %mul3A_440 = arith.mulf %get3A_439, %mul3A_425 : vector<16xf32>
      %swap3A_441 = arith.index_cast %add3A_368 : i32 to index
      %swap3A_442 = arith.constant 48 : index
      %swap3A_443 = tpu.vector_load %arg14[%swap3A_441, %swap3A_442] {strides = array<i32>} : memref<80x128xf32, #tpu.memory_space<vmem>>, vector<1x16xf32>,
      %swap3A_444 = vector.shape_cast %swap3A_443 : vector<1x16xf32> to vector<16xf32>
      %swap3A_445 = vector.shape_cast %mul3A_440 : vector<16xf32> to vector<1x16xf32>
      tpu.vector_store %arg14[%swap3A_441, %swap3A_442], %swap3A_445 {strides = array<i32>} : memref<80x128xf32, #tpu.memory_space<vmem>>, vector<1x16xf32>,
      %get3A_446 = arith.index_cast %scan3A_223 : i32 to index
      %get3A_447 = arith.constant 96 : index
      %get3A_448 = tpu.vector_load %arg16[%get3A_446, %get3A_447] {strides = array<i32>} : memref<40x128xi32, #tpu.memory_space<vmem>>, vector<1x16xi32>,
      %get3A_449 = vector.shape_cast %get3A_448 : vector<1x16xi32> to vector<16xi32>
      %bitcast_convert_type3A_450 = tpu.bitcast %get3A_449 : vector<16xi32> -> vector<16xi32>
      %shift_left3A_451 = arith.constant 16 : i32
      %shift_left3A_452 = vector.broadcast %shift_left3A_451 : i32 to vector<16xi32>
      %shift_left3A_453 = arith.shli %bitcast_convert_type3A_450, %shift_left3A_452 : vector<16xi32>
      %bitcast_convert_type3A_454 = tpu.bitcast %shift_left3A_453 : vector<16xi32> -> vector<16xf32>
      %mul3A_455 = arith.mulf %bitcast_convert_type3A_454, %gather3A_375 : vector<16xf32>
      %and3A_456 = arith.constant -65536 : i32
      %and3A_457 = vector.broadcast %and3A_456 : i32 to vector<16xi32>
      %and3A_458 = arith.andi %bitcast_convert_type3A_450, %and3A_457 : vector<16xi32>
      %bitcast_convert_type3A_459 = tpu.bitcast %and3A_458 : vector<16xi32> -> vector<16xf32>
      %mul3A_460 = arith.mulf %bitcast_convert_type3A_459, %gather3A_375 : vector<16xf32>
      %get3A_461 = arith.index_cast %add3A_368 : i32 to index
      %get3A_462 = arith.constant 64 : index
      %get3A_463 = tpu.vector_load %arg14[%get3A_461, %get3A_462] {strides = array<i32>} : memref<80x128xf32, #tpu.memory_space<vmem>>, vector<1x16xf32>,
      %get3A_464 = vector.shape_cast %get3A_463 : vector<1x16xf32> to vector<16xf32>
      %mul3A_465 = arith.mulf %get3A_464, %mul3A_455 : vector<16xf32>
      %swap3A_466 = arith.index_cast %add3A_368 : i32 to index
      %swap3A_467 = arith.constant 64 : index
      %swap3A_468 = tpu.vector_load %arg14[%swap3A_466, %swap3A_467] {strides = array<i32>} : memref<80x128xf32, #tpu.memory_space<vmem>>, vector<1x16xf32>,
      %swap3A_469 = vector.shape_cast %swap3A_468 : vector<1x16xf32> to vector<16xf32>
      %swap3A_470 = vector.shape_cast %mul3A_465 : vector<16xf32> to vector<1x16xf32>
      tpu.vector_store %arg14[%swap3A_466, %swap3A_467], %swap3A_470 {strides = array<i32>} : memref<80x128xf32, #tpu.memory_space<vmem>>, vector<1x16xf32>,
      %get3A_471 = arith.index_cast %add3A_368 : i32 to index
      %get3A_472 = arith.constant 80 : index
      %get3A_473 = tpu.vector_load %arg14[%get3A_471, %get3A_472] {strides = array<i32>} : memref<80x128xf32, #tpu.memory_space<vmem>>, vector<1x16xf32>,
      %get3A_474 = vector.shape_cast %get3A_473 : vector<1x16xf32> to vector<16xf32>
      %mul3A_475 = arith.mulf %get3A_474, %mul3A_460 : vector<16xf32>
      %swap3A_476 = arith.index_cast %add3A_368 : i32 to index
      %swap3A_477 = arith.constant 80 : index
      %swap3A_478 = tpu.vector_load %arg14[%swap3A_476, %swap3A_477] {strides = array<i32>} : memref<80x128xf32, #tpu.memory_space<vmem>>, vector<1x16xf32>,
      %swap3A_479 = vector.shape_cast %swap3A_478 : vector<1x16xf32> to vector<16xf32>
      %swap3A_480 = vector.shape_cast %mul3A_475 : vector<16xf32> to vector<1x16xf32>
      tpu.vector_store %arg14[%swap3A_476, %swap3A_477], %swap3A_480 {strides = array<i32>} : memref<80x128xf32, #tpu.memory_space<vmem>>, vector<1x16xf32>,
      %get3A_481 = arith.index_cast %scan3A_223 : i32 to index
      %get3A_482 = arith.constant 112 : index
      %get3A_483 = tpu.vector_load %arg16[%get3A_481, %get3A_482] {strides = array<i32>} : memref<40x128xi32, #tpu.memory_space<vmem>>, vector<1x16xi32>,
      %get3A_484 = vector.shape_cast %get3A_483 : vector<1x16xi32> to vector<16xi32>
      %bitcast_convert_type3A_485 = tpu.bitcast %get3A_484 : vector<16xi32> -> vector<16xi32>
      %shift_left3A_486 = arith.constant 16 : i32
      %shift_left3A_487 = vector.broadcast %shift_left3A_486 : i32 to vector<16xi32>
      %shift_left3A_488 = arith.shli %bitcast_convert_type3A_485, %shift_left3A_487 : vector<16xi32>
      %bitcast_convert_type3A_489 = tpu.bitcast %shift_left3A_488 : vector<16xi32> -> vector<16xf32>
      %mul3A_490 = arith.mulf %bitcast_convert_type3A_489, %gather3A_375 : vector<16xf32>
      %and3A_491 = arith.constant -65536 : i32
      %and3A_492 = vector.broadcast %and3A_491 : i32 to vector<16xi32>
      %and3A_493 = arith.andi %bitcast_convert_type3A_485, %and3A_492 : vector<16xi32>
      %bitcast_convert_type3A_494 = tpu.bitcast %and3A_493 : vector<16xi32> -> vector<16xf32>
      %mul3A_495 = arith.mulf %bitcast_convert_type3A_494, %gather3A_375 : vector<16xf32>
      %get3A_496 = arith.index_cast %add3A_368 : i32 to index
      %get3A_497 = arith.constant 96 : index
      %get3A_498 = tpu.vector_load %arg14[%get3A_496, %get3A_497] {strides = array<i32>} : memref<80x128xf32, #tpu.memory_space<vmem>>, vector<1x16xf32>,
      %get3A_499 = vector.shape_cast %get3A_498 : vector<1x16xf32> to vector<16xf32>
      %mul3A_500 = arith.mulf %get3A_499, %mul3A_490 : vector<16xf32>
      %swap3A_501 = arith.index_cast %add3A_368 : i32 to index
      %swap3A_502 = arith.constant 96 : index
      %swap3A_503 = tpu.vector_load %arg14[%swap3A_501, %swap3A_502] {strides = array<i32>} : memref<80x128xf32, #tpu.memory_space<vmem>>, vector<1x16xf32>,
      %swap3A_504 = vector.shape_cast %swap3A_503 : vector<1x16xf32> to vector<16xf32>
      %swap3A_505 = vector.shape_cast %mul3A_500 : vector<16xf32> to vector<1x16xf32>
      tpu.vector_store %arg14[%swap3A_501, %swap3A_502], %swap3A_505 {strides = array<i32>} : memref<80x128xf32, #tpu.memory_space<vmem>>, vector<1x16xf32>,
      %get3A_506 = arith.index_cast %add3A_368 : i32 to index
      %get3A_507 = arith.constant 112 : index
      %get3A_508 = tpu.vector_load %arg14[%get3A_506, %get3A_507] {strides = array<i32>} : memref<80x128xf32, #tpu.memory_space<vmem>>, vector<1x16xf32>,
      %get3A_509 = vector.shape_cast %get3A_508 : vector<1x16xf32> to vector<16xf32>
      %mul3A_510 = arith.mulf %get3A_509, %mul3A_495 : vector<16xf32>
      %swap3A_511 = arith.index_cast %add3A_368 : i32 to index
      %swap3A_512 = arith.constant 112 : index
      %swap3A_513 = tpu.vector_load %arg14[%swap3A_511, %swap3A_512] {strides = array<i32>} : memref<80x128xf32, #tpu.memory_space<vmem>>, vector<1x16xf32>,
      %swap3A_514 = vector.shape_cast %swap3A_513 : vector<1x16xf32> to vector<16xf32>
      %swap3A_515 = vector.shape_cast %mul3A_510 : vector<16xf32> to vector<1x16xf32>
      tpu.vector_store %arg14[%swap3A_511, %swap3A_512], %swap3A_515 {strides = array<i32>} : memref<80x128xf32, #tpu.memory_space<vmem>>, vector<1x16xf32>,
    }
    %scan3A_156 = arith.constant 40 : i32
    %dma_start3A_157 = arith.constant 0 : i32
    %dma_start3A_158 = arith.constant 0 : i32
    %dma_start3A_159 = arith.constant 0 : i32
    %dma_start3A_160 = tpu.memref_slice %arg14[%dma_start3A_158, %dma_start3A_159] : memref<80x128xf32, #tpu.memory_space<vmem>> -> memref<40x128xf32, #tpu.memory_space<vmem>>
    %dma_start3A_161 = arith.constant 0 : i32
    %dma_start3A_162 = tpu.memref_slice %arg10[%dma_start3A_157, %dma_start3A_161] : memref<2x40xi32, #tpu.memory_space<vmem>> -> memref<1x40xi32, #tpu.memory_space<vmem>>
    %dma_start3A_163 = tpu.memref_squeeze %dma_start3A_162 : memref<1x40xi32, #tpu.memory_space<vmem>> -> memref<40xi32, #tpu.memory_space<vmem>>
    %dma_start3A_164 = arith.constant 0 : i32
    %dma_start3A_165 = arith.constant 0 : i32
    %dma_start3A_166 = tpu.memref_slice %arg18[%dma_start3A_164, %dma_start3A_165] : memref<10000x128xf32, #tpu.memory_space<vmem_shared>> -> memref<10000x128xf32, #tpu.memory_space<vmem_shared>>
    tpu.enqueue_indirect_dma source(%dma_start3A_160 : memref<40x128xf32, #tpu.memory_space<vmem>>) target(%dma_start3A_166 : memref<10000x128xf32, #tpu.memory_space<vmem_shared>>) offsets(%dma_start3A_163 : memref<40xi32, #tpu.memory_space<vmem>>) semaphore(%arg23 : memref<!tpu.dma_semaphore, #tpu.memory_space<semaphore_mem>>) {add = true}
    %dma_start3A_167 = arith.constant 0 : i32
    %dma_start3A_168 = arith.constant 40 : i32
    %dma_start3A_169 = arith.constant 0 : i32
    %dma_start3A_170 = tpu.memref_slice %arg14[%dma_start3A_168, %dma_start3A_169] : memref<80x128xf32, #tpu.memory_space<vmem>> -> memref<40x128xf32, #tpu.memory_space<vmem>>
    %dma_start3A_171 = arith.constant 0 : i32
    %dma_start3A_172 = tpu.memref_slice %arg11[%dma_start3A_167, %dma_start3A_171] : memref<2x40xi32, #tpu.memory_space<vmem>> -> memref<1x40xi32, #tpu.memory_space<vmem>>
    %dma_start3A_173 = tpu.memref_squeeze %dma_start3A_172 : memref<1x40xi32, #tpu.memory_space<vmem>> -> memref<40xi32, #tpu.memory_space<vmem>>
    %dma_start3A_174 = arith.constant 0 : i32
    %dma_start3A_175 = arith.constant 0 : i32
    %dma_start3A_176 = tpu.memref_slice %arg18[%dma_start3A_174, %dma_start3A_175] : memref<10000x128xf32, #tpu.memory_space<vmem_shared>> -> memref<10000x128xf32, #tpu.memory_space<vmem_shared>>
    tpu.enqueue_indirect_dma source(%dma_start3A_170 : memref<40x128xf32, #tpu.memory_space<vmem>>) target(%dma_start3A_176 : memref<10000x128xf32, #tpu.memory_space<vmem_shared>>) offsets(%dma_start3A_173 : memref<40xi32, #tpu.memory_space<vmem>>) semaphore(%arg23 : memref<!tpu.dma_semaphore, #tpu.memory_space<semaphore_mem>>) {add = true}
    %dma_wait3A_177 = arith.constant 1 : i32
    %dma_wait3A_178 = arith.constant 0 : i32
    %dma_wait3A_179 = arith.constant 0 : i32
    %dma_wait3A_180 = tpu.memref_slice %arg15[%dma_wait3A_178, %dma_wait3A_179] : memref<80x128xf32, #tpu.memory_space<vmem>> -> memref<40x128xf32, #tpu.memory_space<vmem>>
    %dma_wait3A_181 = arith.constant 0 : i32
    %dma_wait3A_182 = tpu.memref_slice %arg10[%dma_wait3A_177, %dma_wait3A_181] : memref<2x40xi32, #tpu.memory_space<vmem>> -> memref<1x40xi32, #tpu.memory_space<vmem>>
    %dma_wait3A_183 = tpu.memref_squeeze %dma_wait3A_182 : memref<1x40xi32, #tpu.memory_space<vmem>> -> memref<40xi32, #tpu.memory_space<vmem>>
    %dma_wait3A_184 = arith.constant 0 : i32
    %dma_wait3A_185 = arith.constant 0 : i32
    %dma_wait3A_186 = tpu.memref_slice %arg18[%dma_wait3A_184, %dma_wait3A_185] : memref<10000x128xf32, #tpu.memory_space<vmem_shared>> -> memref<10000x128xf32, #tpu.memory_space<vmem_shared>>
    tpu.wait_indirect_dma semaphore(%arg24 : memref<!tpu.dma_semaphore, #tpu.memory_space<semaphore_mem>>) src(%dma_wait3A_180 : memref<40x128xf32, #tpu.memory_space<vmem>>) dst(%dma_wait3A_186 : memref<10000x128xf32, #tpu.memory_space<vmem_shared>>)
    %dma_wait3A_187 = arith.constant 1 : i32
    %dma_wait3A_188 = arith.constant 40 : i32
    %dma_wait3A_189 = arith.constant 0 : i32
    %dma_wait3A_190 = tpu.memref_slice %arg15[%dma_wait3A_188, %dma_wait3A_189] : memref<80x128xf32, #tpu.memory_space<vmem>> -> memref<40x128xf32, #tpu.memory_space<vmem>>
    %dma_wait3A_191 = arith.constant 0 : i32
    %dma_wait3A_192 = tpu.memref_slice %arg11[%dma_wait3A_187, %dma_wait3A_191] : memref<2x40xi32, #tpu.memory_space<vmem>> -> memref<1x40xi32, #tpu.memory_space<vmem>>
    %dma_wait3A_193 = tpu.memref_squeeze %dma_wait3A_192 : memref<1x40xi32, #tpu.memory_space<vmem>> -> memref<40xi32, #tpu.memory_space<vmem>>
    %dma_wait3A_194 = arith.constant 0 : i32
    %dma_wait3A_195 = arith.constant 0 : i32
    %dma_wait3A_196 = tpu.memref_slice %arg18[%dma_wait3A_194, %dma_wait3A_195] : memref<10000x128xf32, #tpu.memory_space<vmem_shared>> -> memref<10000x128xf32, #tpu.memory_space<vmem_shared>>
    tpu.wait_indirect_dma semaphore(%arg24 : memref<!tpu.dma_semaphore, #tpu.memory_space<semaphore_mem>>) src(%dma_wait3A_190 : memref<40x128xf32, #tpu.memory_space<vmem>>) dst(%dma_wait3A_196 : memref<10000x128xf32, #tpu.memory_space<vmem_shared>>)
    %dma_wait3A_197 = arith.constant 0 : i32
    %dma_wait3A_198 = arith.constant 0 : i32
    %dma_wait3A_199 = arith.constant 0 : i32
    %dma_wait3A_200 = tpu.memref_slice %arg14[%dma_wait3A_198, %dma_wait3A_199] : memref<80x128xf32, #tpu.memory_space<vmem>> -> memref<40x128xf32, #tpu.memory_space<vmem>>
    %dma_wait3A_201 = arith.constant 0 : i32
    %dma_wait3A_202 = tpu.memref_slice %arg10[%dma_wait3A_197, %dma_wait3A_201] : memref<2x40xi32, #tpu.memory_space<vmem>> -> memref<1x40xi32, #tpu.memory_space<vmem>>
    %dma_wait3A_203 = tpu.memref_squeeze %dma_wait3A_202 : memref<1x40xi32, #tpu.memory_space<vmem>> -> memref<40xi32, #tpu.memory_space<vmem>>
    %dma_wait3A_204 = arith.constant 0 : i32
    %dma_wait3A_205 = arith.constant 0 : i32
    %dma_wait3A_206 = tpu.memref_slice %arg18[%dma_wait3A_204, %dma_wait3A_205] : memref<10000x128xf32, #tpu.memory_space<vmem_shared>> -> memref<10000x128xf32, #tpu.memory_space<vmem_shared>>
    tpu.wait_indirect_dma semaphore(%arg23 : memref<!tpu.dma_semaphore, #tpu.memory_space<semaphore_mem>>) src(%dma_wait3A_200 : memref<40x128xf32, #tpu.memory_space<vmem>>) dst(%dma_wait3A_206 : memref<10000x128xf32, #tpu.memory_space<vmem_shared>>)
    %dma_wait3A_207 = arith.constant 0 : i32
    %dma_wait3A_208 = arith.constant 40 : i32
    %dma_wait3A_209 = arith.constant 0 : i32
    %dma_wait3A_210 = tpu.memref_slice %arg14[%dma_wait3A_208, %dma_wait3A_209] : memref<80x128xf32, #tpu.memory_space<vmem>> -> memref<40x128xf32, #tpu.memory_space<vmem>>
    %dma_wait3A_211 = arith.constant 0 : i32
    %dma_wait3A_212 = tpu.memref_slice %arg11[%dma_wait3A_207, %dma_wait3A_211] : memref<2x40xi32, #tpu.memory_space<vmem>> -> memref<1x40xi32, #tpu.memory_space<vmem>>
    %dma_wait3A_213 = tpu.memref_squeeze %dma_wait3A_212 : memref<1x40xi32, #tpu.memory_space<vmem>> -> memref<40xi32, #tpu.memory_space<vmem>>
    %dma_wait3A_214 = arith.constant 0 : i32
    %dma_wait3A_215 = arith.constant 0 : i32
    %dma_wait3A_216 = tpu.memref_slice %arg18[%dma_wait3A_214, %dma_wait3A_215] : memref<10000x128xf32, #tpu.memory_space<vmem_shared>> -> memref<10000x128xf32, #tpu.memory_space<vmem_shared>>
    tpu.wait_indirect_dma semaphore(%arg23 : memref<!tpu.dma_semaphore, #tpu.memory_space<semaphore_mem>>) src(%dma_wait3A_210 : memref<40x128xf32, #tpu.memory_space<vmem>>) dst(%dma_wait3A_216 : memref<10000x128xf32, #tpu.memory_space<vmem_shared>>)
    %barrier3A_217 = arith.constant 0 : index
    tpu.barrier barrier_id(%barrier3A_217)
    %lt3A_218 = arith.constant 10 : i32
    %lt3A_219 = arith.cmpi slt, %arg1, %lt3A_218 : i32
    %convert_element_type3A_220 = arith.extui %lt3A_219 : i1 to i32
    %cond3A_221 = arith.constant 0 : i32
    %cond3A_222 = arith.cmpi ne, %convert_element_type3A_220, %cond3A_221 : i32
    scf.if %cond3A_222 {
      "tpu.region"() ({
        %run_scoped3A = tpu.sem_alloc : memref<!tpu.dma_semaphore, #tpu.memory_space<semaphore_mem>>
        %dma_start3A_223 = arith.constant 0 : i32
        %dma_start3A_224 = tpu.memref_slice %arg8[%arg0, %mul3A_2, %dma_start3A_223] : memref<2x10000x128xf32, #tpu.memory_space<hbm>> -> memref<1x1000x128xf32, #tpu.memory_space<hbm>>
        %dma_start3A_225 = tpu.memref_squeeze %dma_start3A_224 : memref<1x1000x128xf32, #tpu.memory_space<hbm>> -> memref<1000x128xf32, #tpu.memory_space<hbm>>
        %dma_start3A_226 = arith.constant 0 : i32
        %dma_start3A_227 = tpu.memref_slice %arg18[%mul3A_2, %dma_start3A_226] : memref<10000x128xf32, #tpu.memory_space<vmem_shared>> -> memref<1000x128xf32, #tpu.memory_space<vmem_shared>>
        tpu.enqueue_dma source(%dma_start3A_227 : memref<1000x128xf32, #tpu.memory_space<vmem_shared>>) target(%dma_start3A_225 : memref<1000x128xf32, #tpu.memory_space<hbm>>) target_semaphore(%run_scoped3A : memref<!tpu.dma_semaphore, #tpu.memory_space<semaphore_mem>>)
        %dma_wait3A_228 = arith.constant 0 : i32
        %dma_wait3A_229 = tpu.memref_slice %arg8[%arg0, %mul3A_2, %dma_wait3A_228] : memref<2x10000x128xf32, #tpu.memory_space<hbm>> -> memref<1x1000x128xf32, #tpu.memory_space<hbm>>
        %dma_wait3A_230 = tpu.memref_squeeze %dma_wait3A_229 : memref<1x1000x128xf32, #tpu.memory_space<hbm>> -> memref<1000x128xf32, #tpu.memory_space<hbm>>
        %dma_wait3A_231 = arith.constant 0 : i32
        %dma_wait3A_232 = tpu.memref_slice %arg18[%mul3A_2, %dma_wait3A_231] : memref<10000x128xf32, #tpu.memory_space<vmem_shared>> -> memref<1000x128xf32, #tpu.memory_space<vmem_shared>>
        tpu.wait_dma2 semaphore(%run_scoped3A : memref<!tpu.dma_semaphore, #tpu.memory_space<semaphore_mem>>) src(%dma_wait3A_232 : memref<1000x128xf32, #tpu.memory_space<vmem_shared>>) dst(%dma_wait3A_230 : memref<1000x128xf32, #tpu.memory_space<hbm>>)
        tpu.yield
      }) : () -> ()
    } else {
    }
    return
  }
}

#map = affine_map<(d0, d1) -> (0, 0)>
#map1 = affine_map<(d0, d1) -> (0)>
#map2 = affine_map<(d0, d1) -> (0, 0, 0)>
module attributes {stable_mosaic.version = 14 : i64} {
  func.func @sc_kernel(%arg0: i32, %arg1: i32, %arg2: memref<10000x128xf32, #tpu.memory_space<hbm>>, %arg3: memref<112640x128xi32, #tpu.memory_space<hbm>>, %arg4: memref<320000xi32, #tpu.memory_space<hbm>>, %arg5: memref<320000xi32, #tpu.memory_space<hbm>>, %arg6: memref<320000xf32, #tpu.memory_space<hbm>>, %arg7: memref<2x10000x128xf32, #tpu.memory_space<hbm>>, %arg8: memref<2x10000x128xf32, #tpu.memory_space<hbm>>, %arg9: memref<7040xi32, #tpu.memory_space<vmem>>, %arg10: memref<2x40xi32, #tpu.memory_space<vmem>>, %arg11: memref<2x40xi32, #tpu.memory_space<vmem>>, %arg12: memref<2x56xf32, #tpu.memory_space<vmem>>, %arg13: memref<2x56xf32, #tpu.memory_space<vmem>>, %arg14: memref<80x128xf32, #tpu.memory_space<vmem>>, %arg15: memref<80x128xf32, #tpu.memory_space<vmem>>, %arg16: memref<40x128xi32, #tpu.memory_space<vmem>>, %arg17: memref<40x128xi32, #tpu.memory_space<vmem>>, %arg18: memref<10000x128xf32, #tpu.memory_space<vmem_shared>>, %arg19: memref<!tpu.dma_semaphore, #tpu.memory_space<semaphore_mem>>, %arg20: memref<!tpu.dma_semaphore, #tpu.memory_space<semaphore_mem>>, %arg21: memref<!tpu.dma_semaphore, #tpu.memory_space<semaphore_mem>>, %arg22: memref<!tpu.dma_semaphore, #tpu.memory_space<semaphore_mem>>, %arg23: memref<!tpu.dma_semaphore, #tpu.memory_space<semaphore_mem>>, %arg24: memref<!tpu.dma_semaphore, #tpu.memory_space<semaphore_mem>>, %arg25: memref<!tpu.dma_semaphore, #tpu.memory_space<semaphore_mem>>, %arg26: memref<!tpu.dma_semaphore, #tpu.memory_space<semaphore_mem>>) attributes {dimension_semantics = [#tpu.dimension_semantics<core_parallel>, #tpu.dimension_semantics<subcore_parallel>], iteration_bounds = array<i64: 2, 16>, scalar_prefetch = 0 : i64, scratch_operands = 18 : i64, tpu.core_type = #tpu.core_type<sc_vector_subcore>, window_params = [{transform_indices = #map}, {transform_indices = #map}, {transform_indices = #map1}, {transform_indices = #map1}, {transform_indices = #map1}, {transform_indices = #map2}, {transform_indices = #map2}]} {
    %mul3A = arith.constant 16 : i32
    %mul3A_0 = arith.muli %arg0, %mul3A : i32
    %add3A = arith.addi %mul3A_0, %arg1 : i32
    %mul3A_1 = arith.constant 1000 : i32
    %mul3A_2 = arith.muli %arg1, %mul3A_1 : i32
    %lt3A = arith.constant 10 : i32
    %lt3A_3 = arith.cmpi slt, %arg1, %lt3A : i32
    %convert_element_type3A = arith.extui %lt3A_3 : i1 to i32
    %cond3A = arith.constant 0 : i32
    %cond3A_4 = arith.cmpi ne, %convert_element_type3A, %cond3A : i32
    scf.if %cond3A_4 {
      "tpu.region"() ({
        %run_scoped3A = tpu.sem_alloc : memref<!tpu.dma_semaphore, #tpu.memory_space<semaphore_mem>>
        %dma_start3A_130 = arith.constant 0 : i32
        %dma_start3A_131 = tpu.memref_slice %arg18[%mul3A_2, %dma_start3A_130] : memref<10000x128xf32, #tpu.memory_space<vmem_shared>> -> memref<1000x128xf32, #tpu.memory_space<vmem_shared>>
        %dma_start3A_132 = arith.constant 0 : i32
        %dma_start3A_133 = tpu.memref_slice %arg7[%arg0, %mul3A_2, %dma_start3A_132] : memref<2x10000x128xf32, #tpu.memory_space<hbm>> -> memref<1x1000x128xf32, #tpu.memory_space<hbm>>
        %dma_start3A_134 = tpu.memref_squeeze %dma_start3A_133 : memref<1x1000x128xf32, #tpu.memory_space<hbm>> -> memref<1000x128xf32, #tpu.memory_space<hbm>>
        tpu.enqueue_dma source(%dma_start3A_134 : memref<1000x128xf32, #tpu.memory_space<hbm>>) target(%dma_start3A_131 : memref<1000x128xf32, #tpu.memory_space<vmem_shared>>) target_semaphore(%run_scoped3A : memref<!tpu.dma_semaphore, #tpu.memory_space<semaphore_mem>>)
        %dma_wait3A_135 = arith.constant 0 : i32
        %dma_wait3A_136 = tpu.memref_slice %arg18[%mul3A_2, %dma_wait3A_135] : memref<10000x128xf32, #tpu.memory_space<vmem_shared>> -> memref<1000x128xf32, #tpu.memory_space<vmem_shared>>
        %dma_wait3A_137 = arith.constant 0 : i32
        %dma_wait3A_138 = tpu.memref_slice %arg7[%arg0, %mul3A_2, %dma_wait3A_137] : memref<2x10000x128xf32, #tpu.memory_space<hbm>> -> memref<1x1000x128xf32, #tpu.memory_space<hbm>>
        %dma_wait3A_139 = tpu.memref_squeeze %dma_wait3A_138 : memref<1x1000x128xf32, #tpu.memory_space<hbm>> -> memref<1000x128xf32, #tpu.memory_space<hbm>>
        tpu.wait_dma2 semaphore(%run_scoped3A : memref<!tpu.dma_semaphore, #tpu.memory_space<semaphore_mem>>) src(%dma_wait3A_139 : memref<1000x128xf32, #tpu.memory_space<hbm>>) dst(%dma_wait3A_136 : memref<1000x128xf32, #tpu.memory_space<vmem_shared>>)
        tpu.yield
      }) : () -> ()
    } else {
    }
    %mul3A_5 = arith.constant 3520 : i32
    %mul3A_6 = arith.muli %add3A, %mul3A_5 : i32
    %add3A_7 = arith.constant 47360 : i32
    %add3A_8 = arith.addi %add3A_7, %mul3A_6 : i32
    %mul3A_9 = arith.constant 3520 : i32
    %mul3A_10 = arith.muli %add3A, %mul3A_9 : i32
    %add3A_11 = arith.constant 207360 : i32
    %add3A_12 = arith.addi %add3A_11, %mul3A_10 : i32
    %mul3A_13 = arith.constant 3520 : i32
    %mul3A_14 = arith.muli %add3A, %mul3A_13 : i32
    "tpu.region"() ({
      %run_scoped3A = tpu.sem_alloc : memref<!tpu.dma_semaphore, #tpu.memory_space<semaphore_mem>>
      %dma_start3A_130 = arith.constant 0 : i32
      %dma_start3A_131 = tpu.memref_slice %arg9[%dma_start3A_130] : memref<7040xi32, #tpu.memory_space<vmem>> -> memref<3520xi32, #tpu.memory_space<vmem>>
      %dma_start3A_132 = tpu.memref_slice %arg4[%add3A_8] : memref<320000xi32, #tpu.memory_space<hbm>> -> memref<3520xi32, #tpu.memory_space<hbm>>
      %dma_start3A_133 = arith.constant 0 : i32
      %dma_start3A_134 = tpu.memref_slice %arg9[%dma_start3A_133] : memref<7040xi32, #tpu.memory_space<vmem>> -> memref<3520xi32, #tpu.memory_space<vmem>>
      %dma_start3A_135 = tpu.memref_slice %arg4[%add3A_8] : memref<320000xi32, #tpu.memory_space<hbm>> -> memref<3520xi32, #tpu.memory_space<hbm>>
      tpu.enqueue_dma source(%dma_start3A_135 : memref<3520xi32, #tpu.memory_space<hbm>>) target(%dma_start3A_134 : memref<3520xi32, #tpu.memory_space<vmem>>) target_semaphore(%run_scoped3A : memref<!tpu.dma_semaphore, #tpu.memory_space<semaphore_mem>>)
      %dma_wait3A_136 = arith.constant 0 : i32
      %dma_wait3A_137 = tpu.memref_slice %arg9[%dma_wait3A_136] : memref<7040xi32, #tpu.memory_space<vmem>> -> memref<3520xi32, #tpu.memory_space<vmem>>
      %dma_wait3A_138 = tpu.memref_slice %arg4[%add3A_8] : memref<320000xi32, #tpu.memory_space<hbm>> -> memref<3520xi32, #tpu.memory_space<hbm>>
      %dma_wait3A_139 = arith.constant 0 : i32
      %dma_wait3A_140 = tpu.memref_slice %arg9[%dma_wait3A_139] : memref<7040xi32, #tpu.memory_space<vmem>> -> memref<3520xi32, #tpu.memory_space<vmem>>
      %dma_wait3A_141 = tpu.memref_slice %arg4[%add3A_8] : memref<320000xi32, #tpu.memory_space<hbm>> -> memref<3520xi32, #tpu.memory_space<hbm>>
      tpu.wait_dma2 semaphore(%run_scoped3A : memref<!tpu.dma_semaphore, #tpu.memory_space<semaphore_mem>>) src(%dma_wait3A_141 : memref<3520xi32, #tpu.memory_space<hbm>>) dst(%dma_wait3A_140 : memref<3520xi32, #tpu.memory_space<vmem>>)
      tpu.yield
    }) : () -> ()
    "tpu.region"() ({
      %run_scoped3A = tpu.sem_alloc : memref<!tpu.dma_semaphore, #tpu.memory_space<semaphore_mem>>
      %dma_start3A_130 = arith.constant 3520 : i32
      %dma_start3A_131 = tpu.memref_slice %arg9[%dma_start3A_130] : memref<7040xi32, #tpu.memory_space<vmem>> -> memref<3520xi32, #tpu.memory_space<vmem>>
      %dma_start3A_132 = tpu.memref_slice %arg4[%add3A_12] : memref<320000xi32, #tpu.memory_space<hbm>> -> memref<3520xi32, #tpu.memory_space<hbm>>
      %dma_start3A_133 = arith.constant 3520 : i32
      %dma_start3A_134 = tpu.memref_slice %arg9[%dma_start3A_133] : memref<7040xi32, #tpu.memory_space<vmem>> -> memref<3520xi32, #tpu.memory_space<vmem>>
      %dma_start3A_135 = tpu.memref_slice %arg4[%add3A_12] : memref<320000xi32, #tpu.memory_space<hbm>> -> memref<3520xi32, #tpu.memory_space<hbm>>
      tpu.enqueue_dma source(%dma_start3A_135 : memref<3520xi32, #tpu.memory_space<hbm>>) target(%dma_start3A_134 : memref<3520xi32, #tpu.memory_space<vmem>>) target_semaphore(%run_scoped3A : memref<!tpu.dma_semaphore, #tpu.memory_space<semaphore_mem>>)
      %dma_wait3A_136 = arith.constant 3520 : i32
      %dma_wait3A_137 = tpu.memref_slice %arg9[%dma_wait3A_136] : memref<7040xi32, #tpu.memory_space<vmem>> -> memref<3520xi32, #tpu.memory_space<vmem>>
      %dma_wait3A_138 = tpu.memref_slice %arg4[%add3A_12] : memref<320000xi32, #tpu.memory_space<hbm>> -> memref<3520xi32, #tpu.memory_space<hbm>>
      %dma_wait3A_139 = arith.constant 3520 : i32
      %dma_wait3A_140 = tpu.memref_slice %arg9[%dma_wait3A_139] : memref<7040xi32, #tpu.memory_space<vmem>> -> memref<3520xi32, #tpu.memory_space<vmem>>
      %dma_wait3A_141 = tpu.memref_slice %arg4[%add3A_12] : memref<320000xi32, #tpu.memory_space<hbm>> -> memref<3520xi32, #tpu.memory_space<hbm>>
      tpu.wait_dma2 semaphore(%run_scoped3A : memref<!tpu.dma_semaphore, #tpu.memory_space<semaphore_mem>>) src(%dma_wait3A_141 : memref<3520xi32, #tpu.memory_space<hbm>>) dst(%dma_wait3A_140 : memref<3520xi32, #tpu.memory_space<vmem>>)
      tpu.yield
    }) : () -> ()
    %barrier3A = arith.constant 0 : index
    tpu.barrier barrier_id(%barrier3A)
    %dma_start3A = arith.constant 0 : i32
    %dma_start3A_15 = arith.constant 0 : i32
    %dma_start3A_16 = tpu.memref_slice %arg14[%dma_start3A, %dma_start3A_15] : memref<80x128xf32, #tpu.memory_space<vmem>> -> memref<40x128xf32, #tpu.memory_space<vmem>>
    %dma_start3A_17 = arith.constant 0 : i32
    %dma_start3A_18 = tpu.memref_slice %arg9[%dma_start3A_17] : memref<7040xi32, #tpu.memory_space<vmem>> -> memref<40xi32, #tpu.memory_space<vmem>>
    %dma_start3A_19 = arith.constant 0 : i32
    %dma_start3A_20 = arith.constant 0 : i32
    %dma_start3A_21 = tpu.memref_slice %arg2[%dma_start3A_19, %dma_start3A_20] : memref<10000x128xf32, #tpu.memory_space<hbm>> -> memref<10000x128xf32, #tpu.memory_space<hbm>>
    tpu.enqueue_indirect_dma source(%dma_start3A_21 : memref<10000x128xf32, #tpu.memory_space<hbm>>) target(%dma_start3A_16 : memref<40x128xf32, #tpu.memory_space<vmem>>) offsets(%dma_start3A_18 : memref<40xi32, #tpu.memory_space<vmem>>) semaphore(%arg19 : memref<!tpu.dma_semaphore, #tpu.memory_space<semaphore_mem>>)
    %dma_start3A_22 = arith.constant 40 : i32
    %dma_start3A_23 = arith.constant 0 : i32
    %dma_start3A_24 = tpu.memref_slice %arg14[%dma_start3A_22, %dma_start3A_23] : memref<80x128xf32, #tpu.memory_space<vmem>> -> memref<40x128xf32, #tpu.memory_space<vmem>>
    %dma_start3A_25 = arith.constant 3520 : i32
    %dma_start3A_26 = tpu.memref_slice %arg9[%dma_start3A_25] : memref<7040xi32, #tpu.memory_space<vmem>> -> memref<40xi32, #tpu.memory_space<vmem>>
    %dma_start3A_27 = arith.constant 0 : i32
    %dma_start3A_28 = arith.constant 0 : i32
    %dma_start3A_29 = tpu.memref_slice %arg2[%dma_start3A_27, %dma_start3A_28] : memref<10000x128xf32, #tpu.memory_space<hbm>> -> memref<10000x128xf32, #tpu.memory_space<hbm>>
    tpu.enqueue_indirect_dma source(%dma_start3A_29 : memref<10000x128xf32, #tpu.memory_space<hbm>>) target(%dma_start3A_24 : memref<40x128xf32, #tpu.memory_space<vmem>>) offsets(%dma_start3A_26 : memref<40xi32, #tpu.memory_space<vmem>>) semaphore(%arg19 : memref<!tpu.dma_semaphore, #tpu.memory_space<semaphore_mem>>)
    %add3A_30 = arith.constant 0 : i32
    %add3A_31 = arith.addi %mul3A_14, %add3A_30 : i32
    %dma_start3A_32 = arith.constant 0 : i32
    %dma_start3A_33 = tpu.memref_slice %arg3[%add3A_31, %dma_start3A_32] : memref<112640x128xi32, #tpu.memory_space<hbm>> -> memref<40x128xi32, #tpu.memory_space<hbm>>
    %dma_start3A_34 = arith.constant 0 : i32
    %dma_start3A_35 = tpu.memref_slice %arg3[%add3A_31, %dma_start3A_34] : memref<112640x128xi32, #tpu.memory_space<hbm>> -> memref<40x128xi32, #tpu.memory_space<hbm>>
    tpu.enqueue_dma source(%dma_start3A_35 : memref<40x128xi32, #tpu.memory_space<hbm>>) target(%arg16 : memref<40x128xi32, #tpu.memory_space<vmem>>) target_semaphore(%arg21 : memref<!tpu.dma_semaphore, #tpu.memory_space<semaphore_mem>>)
    %add3A_36 = arith.constant 0 : i32
    %add3A_37 = arith.addi %add3A_8, %add3A_36 : i32
    %dma_start3A_38 = arith.constant 0 : i32
    %dma_start3A_39 = arith.constant 0 : i32
    %dma_start3A_40 = tpu.memref_slice %arg10[%dma_start3A_38, %dma_start3A_39] : memref<2x40xi32, #tpu.memory_space<vmem>> -> memref<1x40xi32, #tpu.memory_space<vmem>>
    %dma_start3A_41 = tpu.memref_squeeze %dma_start3A_40 : memref<1x40xi32, #tpu.memory_space<vmem>> -> memref<40xi32, #tpu.memory_space<vmem>>
    %dma_start3A_42 = tpu.memref_slice %arg5[%add3A_37] : memref<320000xi32, #tpu.memory_space<hbm>> -> memref<40xi32, #tpu.memory_space<hbm>>
    %dma_start3A_43 = arith.constant 0 : i32
    %dma_start3A_44 = tpu.memref_slice %arg10[%dma_start3A_38, %dma_start3A_43] : memref<2x40xi32, #tpu.memory_space<vmem>> -> memref<1x40xi32, #tpu.memory_space<vmem>>
    %dma_start3A_45 = tpu.memref_squeeze %dma_start3A_44 : memref<1x40xi32, #tpu.memory_space<vmem>> -> memref<40xi32, #tpu.memory_space<vmem>>
    %dma_start3A_46 = tpu.memref_slice %arg5[%add3A_37] : memref<320000xi32, #tpu.memory_space<hbm>> -> memref<40xi32, #tpu.memory_space<hbm>>
    tpu.enqueue_dma source(%dma_start3A_46 : memref<40xi32, #tpu.memory_space<hbm>>) target(%dma_start3A_45 : memref<40xi32, #tpu.memory_space<vmem>>) target_semaphore(%arg25 : memref<!tpu.dma_semaphore, #tpu.memory_space<semaphore_mem>>)
    %add3A_47 = arith.constant 0 : i32
    %add3A_48 = arith.addi %add3A_12, %add3A_47 : i32
    %dma_start3A_49 = arith.constant 0 : i32
    %dma_start3A_50 = arith.constant 0 : i32
    %dma_start3A_51 = tpu.memref_slice %arg11[%dma_start3A_49, %dma_start3A_50] : memref<2x40xi32, #tpu.memory_space<vmem>> -> memref<1x40xi32, #tpu.memory_space<vmem>>
    %dma_start3A_52 = tpu.memref_squeeze %dma_start3A_51 : memref<1x40xi32, #tpu.memory_space<vmem>> -> memref<40xi32, #tpu.memory_space<vmem>>
    %dma_start3A_53 = tpu.memref_slice %arg5[%add3A_48] : memref<320000xi32, #tpu.memory_space<hbm>> -> memref<40xi32, #tpu.memory_space<hbm>>
    %dma_start3A_54 = arith.constant 0 : i32
    %dma_start3A_55 = tpu.memref_slice %arg11[%dma_start3A_49, %dma_start3A_54] : memref<2x40xi32, #tpu.memory_space<vmem>> -> memref<1x40xi32, #tpu.memory_space<vmem>>
    %dma_start3A_56 = tpu.memref_squeeze %dma_start3A_55 : memref<1x40xi32, #tpu.memory_space<vmem>> -> memref<40xi32, #tpu.memory_space<vmem>>
    %dma_start3A_57 = tpu.memref_slice %arg5[%add3A_48] : memref<320000xi32, #tpu.memory_space<hbm>> -> memref<40xi32, #tpu.memory_space<hbm>>
    tpu.enqueue_dma source(%dma_start3A_57 : memref<40xi32, #tpu.memory_space<hbm>>) target(%dma_start3A_56 : memref<40xi32, #tpu.memory_space<vmem>>) target_semaphore(%arg25 : memref<!tpu.dma_semaphore, #tpu.memory_space<semaphore_mem>>)
    %add3A_58 = arith.constant 0 : i32
    %add3A_59 = arith.addi %add3A_8, %add3A_58 : i32
    %dma_start3A_60 = arith.constant 0 : i32
    %dma_start3A_61 = arith.constant 0 : i32
    %dma_start3A_62 = tpu.memref_slice %arg12[%dma_start3A_60, %dma_start3A_61] : memref<2x56xf32, #tpu.memory_space<vmem>> -> memref<1x40xf32, #tpu.memory_space<vmem>>
    %dma_start3A_63 = tpu.memref_squeeze %dma_start3A_62 : memref<1x40xf32, #tpu.memory_space<vmem>> -> memref<40xf32, #tpu.memory_space<vmem>>
    %dma_start3A_64 = tpu.memref_slice %arg6[%add3A_59] : memref<320000xf32, #tpu.memory_space<hbm>> -> memref<40xf32, #tpu.memory_space<hbm>>
    %dma_start3A_65 = arith.constant 0 : i32
    %dma_start3A_66 = tpu.memref_slice %arg12[%dma_start3A_60, %dma_start3A_65] : memref<2x56xf32, #tpu.memory_space<vmem>> -> memref<1x40xf32, #tpu.memory_space<vmem>>
    %dma_start3A_67 = tpu.memref_squeeze %dma_start3A_66 : memref<1x40xf32, #tpu.memory_space<vmem>> -> memref<40xf32, #tpu.memory_space<vmem>>
    %dma_start3A_68 = tpu.memref_slice %arg6[%add3A_59] : memref<320000xf32, #tpu.memory_space<hbm>> -> memref<40xf32, #tpu.memory_space<hbm>>
    tpu.enqueue_dma source(%dma_start3A_68 : memref<40xf32, #tpu.memory_space<hbm>>) target(%dma_start3A_67 : memref<40xf32, #tpu.memory_space<vmem>>) target_semaphore(%arg25 : memref<!tpu.dma_semaphore, #tpu.memory_space<semaphore_mem>>)
    %add3A_69 = arith.constant 0 : i32
    %add3A_70 = arith.addi %add3A_12, %add3A_69 : i32
    %dma_start3A_71 = arith.constant 0 : i32
    %dma_start3A_72 = arith.constant 0 : i32
    %dma_start3A_73 = tpu.memref_slice %arg13[%dma_start3A_71, %dma_start3A_72] : memref<2x56xf32, #tpu.memory_space<vmem>> -> memref<1x40xf32, #tpu.memory_space<vmem>>
    %dma_start3A_74 = tpu.memref_squeeze %dma_start3A_73 : memref<1x40xf32, #tpu.memory_space<vmem>> -> memref<40xf32, #tpu.memory_space<vmem>>
    %dma_start3A_75 = tpu.memref_slice %arg6[%add3A_70] : memref<320000xf32, #tpu.memory_space<hbm>> -> memref<40xf32, #tpu.memory_space<hbm>>
    %dma_start3A_76 = arith.constant 0 : i32
    %dma_start3A_77 = tpu.memref_slice %arg13[%dma_start3A_71, %dma_start3A_76] : memref<2x56xf32, #tpu.memory_space<vmem>> -> memref<1x40xf32, #tpu.memory_space<vmem>>
    %dma_start3A_78 = tpu.memref_squeeze %dma_start3A_77 : memref<1x40xf32, #tpu.memory_space<vmem>> -> memref<40xf32, #tpu.memory_space<vmem>>
    %dma_start3A_79 = tpu.memref_slice %arg6[%add3A_70] : memref<320000xf32, #tpu.memory_space<hbm>> -> memref<40xf32, #tpu.memory_space<hbm>>
    tpu.enqueue_dma source(%dma_start3A_79 : memref<40xf32, #tpu.memory_space<hbm>>) target(%dma_start3A_78 : memref<40xf32, #tpu.memory_space<vmem>>) target_semaphore(%arg25 : memref<!tpu.dma_semaphore, #tpu.memory_space<semaphore_mem>>)
    %scan3A = arith.constant 0 : i32
    %scan3A_80 = arith.constant 0 : i32
    %scan3A_81 = arith.constant 44 : i32
    %scan3A_82 = arith.addi %scan3A_80, %scan3A_81 : i32
    %scan3A_83 = arith.constant 1 : i32
    scf.for %scan3A_130 = %scan3A_80 to %scan3A_82 step %scan3A_83  : i32 {
      %mul3A_131 = arith.constant 2 : i32
      %mul3A_132 = arith.muli %mul3A_131, %scan3A_130 : i32
      %add3A_133 = arith.constant 1 : i32
      %add3A_134 = arith.addi %mul3A_132, %add3A_133 : i32
      %lt3A_135 = arith.constant 88 : i32
      %lt3A_136 = arith.cmpi slt, %add3A_134, %lt3A_135 : i32
      %convert_element_type3A_137 = arith.extui %lt3A_136 : i1 to i32
      %cond3A_138 = arith.constant 0 : i32
      %cond3A_139 = arith.cmpi ne, %convert_element_type3A_137, %cond3A_138 : i32
      scf.if %cond3A_139 {
        %ge3A = arith.constant 1 : i32
        %ge3A_338 = arith.cmpi sge, %mul3A_132, %ge3A : i32
        %convert_element_type3A_339 = arith.extui %ge3A_338 : i1 to i32
        %cond3A_340 = arith.constant 0 : i32
        %cond3A_341 = arith.cmpi ne, %convert_element_type3A_339, %cond3A_340 : i32
        scf.if %cond3A_341 {
          %dma_wait3A_407 = arith.constant 1 : i32
          %dma_wait3A_408 = arith.constant 0 : i32
          %dma_wait3A_409 = arith.constant 0 : i32
          %dma_wait3A_410 = tpu.memref_slice %arg15[%dma_wait3A_408, %dma_wait3A_409] : memref<80x128xf32, #tpu.memory_space<vmem>> -> memref<40x128xf32, #tpu.memory_space<vmem>>
          %dma_wait3A_411 = arith.constant 0 : i32
          %dma_wait3A_412 = tpu.memref_slice %arg10[%dma_wait3A_407, %dma_wait3A_411] : memref<2x40xi32, #tpu.memory_space<vmem>> -> memref<1x40xi32, #tpu.memory_space<vmem>>
          %dma_wait3A_413 = tpu.memref_squeeze %dma_wait3A_412 : memref<1x40xi32, #tpu.memory_space<vmem>> -> memref<40xi32, #tpu.memory_space<vmem>>
          %dma_wait3A_414 = arith.constant 0 : i32
          %dma_wait3A_415 = arith.constant 0 : i32
          %dma_wait3A_416 = tpu.memref_slice %arg18[%dma_wait3A_414, %dma_wait3A_415] : memref<10000x128xf32, #tpu.memory_space<vmem_shared>> -> memref<10000x128xf32, #tpu.memory_space<vmem_shared>>
          tpu.wait_indirect_dma semaphore(%arg24 : memref<!tpu.dma_semaphore, #tpu.memory_space<semaphore_mem>>) src(%dma_wait3A_410 : memref<40x128xf32, #tpu.memory_space<vmem>>) dst(%dma_wait3A_416 : memref<10000x128xf32, #tpu.memory_space<vmem_shared>>)
          %dma_wait3A_417 = arith.constant 1 : i32
          %dma_wait3A_418 = arith.constant 40 : i32
          %dma_wait3A_419 = arith.constant 0 : i32
          %dma_wait3A_420 = tpu.memref_slice %arg15[%dma_wait3A_418, %dma_wait3A_419] : memref<80x128xf32, #tpu.memory_space<vmem>> -> memref<40x128xf32, #tpu.memory_space<vmem>>
          %dma_wait3A_421 = arith.constant 0 : i32
          %dma_wait3A_422 = tpu.memref_slice %arg11[%dma_wait3A_417, %dma_wait3A_421] : memref<2x40xi32, #tpu.memory_space<vmem>> -> memref<1x40xi32, #tpu.memory_space<vmem>>
          %dma_wait3A_423 = tpu.memref_squeeze %dma_wait3A_422 : memref<1x40xi32, #tpu.memory_space<vmem>> -> memref<40xi32, #tpu.memory_space<vmem>>
          %dma_wait3A_424 = arith.constant 0 : i32
          %dma_wait3A_425 = arith.constant 0 : i32
          %dma_wait3A_426 = tpu.memref_slice %arg18[%dma_wait3A_424, %dma_wait3A_425] : memref<10000x128xf32, #tpu.memory_space<vmem_shared>> -> memref<10000x128xf32, #tpu.memory_space<vmem_shared>>
          tpu.wait_indirect_dma semaphore(%arg24 : memref<!tpu.dma_semaphore, #tpu.memory_space<semaphore_mem>>) src(%dma_wait3A_420 : memref<40x128xf32, #tpu.memory_space<vmem>>) dst(%dma_wait3A_426 : memref<10000x128xf32, #tpu.memory_space<vmem_shared>>)
        } else {
        }
        %add3A_342 = arith.constant 1 : i32
        %add3A_343 = arith.addi %mul3A_132, %add3A_342 : i32
        %mul3A_344 = arith.constant 40 : i32
        %mul3A_345 = arith.muli %add3A_343, %mul3A_344 : i32
        %dma_start3A_346 = arith.constant 0 : i32
        %dma_start3A_347 = arith.constant 0 : i32
        %dma_start3A_348 = tpu.memref_slice %arg15[%dma_start3A_346, %dma_start3A_347] : memref<80x128xf32, #tpu.memory_space<vmem>> -> memref<40x128xf32, #tpu.memory_space<vmem>>
        %dma_start3A_349 = tpu.memref_slice %arg9[%mul3A_345] : memref<7040xi32, #tpu.memory_space<vmem>> -> memref<40xi32, #tpu.memory_space<vmem>>
        %dma_start3A_350 = arith.constant 0 : i32
        %dma_start3A_351 = arith.constant 0 : i32
        %dma_start3A_352 = tpu.memref_slice %arg2[%dma_start3A_350, %dma_start3A_351] : memref<10000x128xf32, #tpu.memory_space<hbm>> -> memref<10000x128xf32, #tpu.memory_space<hbm>>
        tpu.enqueue_indirect_dma source(%dma_start3A_352 : memref<10000x128xf32, #tpu.memory_space<hbm>>) target(%dma_start3A_348 : memref<40x128xf32, #tpu.memory_space<vmem>>) offsets(%dma_start3A_349 : memref<40xi32, #tpu.memory_space<vmem>>) semaphore(%arg20 : memref<!tpu.dma_semaphore, #tpu.memory_space<semaphore_mem>>)
        %add3A_353 = arith.constant 3520 : i32
        %add3A_354 = arith.addi %add3A_353, %mul3A_345 : i32
        %dma_start3A_355 = arith.constant 40 : i32
        %dma_start3A_356 = arith.constant 0 : i32
        %dma_start3A_357 = tpu.memref_slice %arg15[%dma_start3A_355, %dma_start3A_356] : memref<80x128xf32, #tpu.memory_space<vmem>> -> memref<40x128xf32, #tpu.memory_space<vmem>>
        %dma_start3A_358 = tpu.memref_slice %arg9[%add3A_354] : memref<7040xi32, #tpu.memory_space<vmem>> -> memref<40xi32, #tpu.memory_space<vmem>>
        %dma_start3A_359 = arith.constant 0 : i32
        %dma_start3A_360 = arith.constant 0 : i32
        %dma_start3A_361 = tpu.memref_slice %arg2[%dma_start3A_359, %dma_start3A_360] : memref<10000x128xf32, #tpu.memory_space<hbm>> -> memref<10000x128xf32, #tpu.memory_space<hbm>>
        tpu.enqueue_indirect_dma source(%dma_start3A_361 : memref<10000x128xf32, #tpu.memory_space<hbm>>) target(%dma_start3A_357 : memref<40x128xf32, #tpu.memory_space<vmem>>) offsets(%dma_start3A_358 : memref<40xi32, #tpu.memory_space<vmem>>) semaphore(%arg20 : memref<!tpu.dma_semaphore, #tpu.memory_space<semaphore_mem>>)
        %add3A_362 = arith.addi %mul3A_14, %mul3A_345 : i32
        %dma_start3A_363 = arith.constant 0 : i32
        %dma_start3A_364 = tpu.memref_slice %arg3[%add3A_362, %dma_start3A_363] : memref<112640x128xi32, #tpu.memory_space<hbm>> -> memref<40x128xi32, #tpu.memory_space<hbm>>
        %dma_start3A_365 = arith.constant 0 : i32
        %dma_start3A_366 = tpu.memref_slice %arg3[%add3A_362, %dma_start3A_365] : memref<112640x128xi32, #tpu.memory_space<hbm>> -> memref<40x128xi32, #tpu.memory_space<hbm>>
        tpu.enqueue_dma source(%dma_start3A_366 : memref<40x128xi32, #tpu.memory_space<hbm>>) target(%arg17 : memref<40x128xi32, #tpu.memory_space<vmem>>) target_semaphore(%arg22 : memref<!tpu.dma_semaphore, #tpu.memory_space<semaphore_mem>>)
        %add3A_367 = arith.addi %add3A_8, %mul3A_345 : i32
        %dma_start3A_368 = arith.constant 1 : i32
        %dma_start3A_369 = arith.constant 0 : i32
        %dma_start3A_370 = tpu.memref_slice %arg10[%dma_start3A_368, %dma_start3A_369] : memref<2x40xi32, #tpu.memory_space<vmem>> -> memref<1x40xi32, #tpu.memory_space<vmem>>
        %dma_start3A_371 = tpu.memref_squeeze %dma_start3A_370 : memref<1x40xi32, #tpu.memory_space<vmem>> -> memref<40xi32, #tpu.memory_space<vmem>>
        %dma_start3A_372 = tpu.memref_slice %arg5[%add3A_367] : memref<320000xi32, #tpu.memory_space<hbm>> -> memref<40xi32, #tpu.memory_space<hbm>>
        %dma_start3A_373 = arith.constant 0 : i32
        %dma_start3A_374 = tpu.memref_slice %arg10[%dma_start3A_368, %dma_start3A_373] : memref<2x40xi32, #tpu.memory_space<vmem>> -> memref<1x40xi32, #tpu.memory_space<vmem>>
        %dma_start3A_375 = tpu.memref_squeeze %dma_start3A_374 : memref<1x40xi32, #tpu.memory_space<vmem>> -> memref<40xi32, #tpu.memory_space<vmem>>
        %dma_start3A_376 = tpu.memref_slice %arg5[%add3A_367] : memref<320000xi32, #tpu.memory_space<hbm>> -> memref<40xi32, #tpu.memory_space<hbm>>
        tpu.enqueue_dma source(%dma_start3A_376 : memref<40xi32, #tpu.memory_space<hbm>>) target(%dma_start3A_375 : memref<40xi32, #tpu.memory_space<vmem>>) target_semaphore(%arg26 : memref<!tpu.dma_semaphore, #tpu.memory_space<semaphore_mem>>)
        %add3A_377 = arith.addi %add3A_12, %mul3A_345 : i32
        %dma_start3A_378 = arith.constant 1 : i32
        %dma_start3A_379 = arith.constant 0 : i32
        %dma_start3A_380 = tpu.memref_slice %arg11[%dma_start3A_378, %dma_start3A_379] : memref<2x40xi32, #tpu.memory_space<vmem>> -> memref<1x40xi32, #tpu.memory_space<vmem>>
        %dma_start3A_381 = tpu.memref_squeeze %dma_start3A_380 : memref<1x40xi32, #tpu.memory_space<vmem>> -> memref<40xi32, #tpu.memory_space<vmem>>
        %dma_start3A_382 = tpu.memref_slice %arg5[%add3A_377] : memref<320000xi32, #tpu.memory_space<hbm>> -> memref<40xi32, #tpu.memory_space<hbm>>
        %dma_start3A_383 = arith.constant 0 : i32
        %dma_start3A_384 = tpu.memref_slice %arg11[%dma_start3A_378, %dma_start3A_383] : memref<2x40xi32, #tpu.memory_space<vmem>> -> memref<1x40xi32, #tpu.memory_space<vmem>>
        %dma_start3A_385 = tpu.memref_squeeze %dma_start3A_384 : memref<1x40xi32, #tpu.memory_space<vmem>> -> memref<40xi32, #tpu.memory_space<vmem>>
        %dma_start3A_386 = tpu.memref_slice %arg5[%add3A_377] : memref<320000xi32, #tpu.memory_space<hbm>> -> memref<40xi32, #tpu.memory_space<hbm>>
        tpu.enqueue_dma source(%dma_start3A_386 : memref<40xi32, #tpu.memory_space<hbm>>) target(%dma_start3A_385 : memref<40xi32, #tpu.memory_space<vmem>>) target_semaphore(%arg26 : memref<!tpu.dma_semaphore, #tpu.memory_space<semaphore_mem>>)
        %add3A_387 = arith.addi %add3A_8, %mul3A_345 : i32
        %dma_start3A_388 = arith.constant 1 : i32
        %dma_start3A_389 = arith.constant 0 : i32
        %dma_start3A_390 = tpu.memref_slice %arg12[%dma_start3A_388, %dma_start3A_389] : memref<2x56xf32, #tpu.memory_space<vmem>> -> memref<1x40xf32, #tpu.memory_space<vmem>>
        %dma_start3A_391 = tpu.memref_squeeze %dma_start3A_390 : memref<1x40xf32, #tpu.memory_space<vmem>> -> memref<40xf32, #tpu.memory_space<vmem>>
        %dma_start3A_392 = tpu.memref_slice %arg6[%add3A_387] : memref<320000xf32, #tpu.memory_space<hbm>> -> memref<40xf32, #tpu.memory_space<hbm>>
        %dma_start3A_393 = arith.constant 0 : i32
        %dma_start3A_394 = tpu.memref_slice %arg12[%dma_start3A_388, %dma_start3A_393] : memref<2x56xf32, #tpu.memory_space<vmem>> -> memref<1x40xf32, #tpu.memory_space<vmem>>
        %dma_start3A_395 = tpu.memref_squeeze %dma_start3A_394 : memref<1x40xf32, #tpu.memory_space<vmem>> -> memref<40xf32, #tpu.memory_space<vmem>>
        %dma_start3A_396 = tpu.memref_slice %arg6[%add3A_387] : memref<320000xf32, #tpu.memory_space<hbm>> -> memref<40xf32, #tpu.memory_space<hbm>>
        tpu.enqueue_dma source(%dma_start3A_396 : memref<40xf32, #tpu.memory_space<hbm>>) target(%dma_start3A_395 : memref<40xf32, #tpu.memory_space<vmem>>) target_semaphore(%arg26 : memref<!tpu.dma_semaphore, #tpu.memory_space<semaphore_mem>>)
        %add3A_397 = arith.addi %add3A_12, %mul3A_345 : i32
        %dma_start3A_398 = arith.constant 1 : i32
        %dma_start3A_399 = arith.constant 0 : i32
        %dma_start3A_400 = tpu.memref_slice %arg13[%dma_start3A_398, %dma_start3A_399] : memref<2x56xf32, #tpu.memory_space<vmem>> -> memref<1x40xf32, #tpu.memory_space<vmem>>
        %dma_start3A_401 = tpu.memref_squeeze %dma_start3A_400 : memref<1x40xf32, #tpu.memory_space<vmem>> -> memref<40xf32, #tpu.memory_space<vmem>>
        %dma_start3A_402 = tpu.memref_slice %arg6[%add3A_397] : memref<320000xf32, #tpu.memory_space<hbm>> -> memref<40xf32, #tpu.memory_space<hbm>>
        %dma_start3A_403 = arith.constant 0 : i32
        %dma_start3A_404 = tpu.memref_slice %arg13[%dma_start3A_398, %dma_start3A_403] : memref<2x56xf32, #tpu.memory_space<vmem>> -> memref<1x40xf32, #tpu.memory_space<vmem>>
        %dma_start3A_405 = tpu.memref_squeeze %dma_start3A_404 : memref<1x40xf32, #tpu.memory_space<vmem>> -> memref<40xf32, #tpu.memory_space<vmem>>
        %dma_start3A_406 = tpu.memref_slice %arg6[%add3A_397] : memref<320000xf32, #tpu.memory_space<hbm>> -> memref<40xf32, #tpu.memory_space<hbm>>
        tpu.enqueue_dma source(%dma_start3A_406 : memref<40xf32, #tpu.memory_space<hbm>>) target(%dma_start3A_405 : memref<40xf32, #tpu.memory_space<vmem>>) target_semaphore(%arg26 : memref<!tpu.dma_semaphore, #tpu.memory_space<semaphore_mem>>)
      } else {
      }
      %dma_wait3A_140 = arith.constant 0 : i32
      %dma_wait3A_141 = arith.constant 0 : i32
      %dma_wait3A_142 = tpu.memref_slice %arg14[%dma_wait3A_140, %dma_wait3A_141] : memref<80x128xf32, #tpu.memory_space<vmem>> -> memref<40x128xf32, #tpu.memory_space<vmem>>
      %dma_wait3A_143 = arith.constant 0 : i32
      %dma_wait3A_144 = tpu.memref_slice %arg9[%dma_wait3A_143] : memref<7040xi32, #tpu.memory_space<vmem>> -> memref<40xi32, #tpu.memory_space<vmem>>
      %dma_wait3A_145 = arith.constant 0 : i32
      %dma_wait3A_146 = arith.constant 0 : i32
      %dma_wait3A_147 = tpu.memref_slice %arg2[%dma_wait3A_145, %dma_wait3A_146] : memref<10000x128xf32, #tpu.memory_space<hbm>> -> memref<10000x128xf32, #tpu.memory_space<hbm>>
      tpu.wait_indirect_dma semaphore(%arg19 : memref<!tpu.dma_semaphore, #tpu.memory_space<semaphore_mem>>) src(%dma_wait3A_147 : memref<10000x128xf32, #tpu.memory_space<hbm>>) dst(%dma_wait3A_142 : memref<40x128xf32, #tpu.memory_space<vmem>>)
      %dma_wait3A_148 = arith.constant 40 : i32
      %dma_wait3A_149 = arith.constant 0 : i32
      %dma_wait3A_150 = tpu.memref_slice %arg14[%dma_wait3A_148, %dma_wait3A_149] : memref<80x128xf32, #tpu.memory_space<vmem>> -> memref<40x128xf32, #tpu.memory_space<vmem>>
      %dma_wait3A_151 = arith.constant 0 : i32
      %dma_wait3A_152 = tpu.memref_slice %arg9[%dma_wait3A_151] : memref<7040xi32, #tpu.memory_space<vmem>> -> memref<40xi32, #tpu.memory_space<vmem>>
      %dma_wait3A_153 = arith.constant 0 : i32
      %dma_wait3A_154 = arith.constant 0 : i32
      %dma_wait3A_155 = tpu.memref_slice %arg2[%dma_wait3A_153, %dma_wait3A_154] : memref<10000x128xf32, #tpu.memory_space<hbm>> -> memref<10000x128xf32, #tpu.memory_space<hbm>>
      tpu.wait_indirect_dma semaphore(%arg19 : memref<!tpu.dma_semaphore, #tpu.memory_space<semaphore_mem>>) src(%dma_wait3A_155 : memref<10000x128xf32, #tpu.memory_space<hbm>>) dst(%dma_wait3A_150 : memref<40x128xf32, #tpu.memory_space<vmem>>)
      %dma_wait3A_156 = arith.constant 0 : i32
      %dma_wait3A_157 = arith.constant 0 : i32
      %dma_wait3A_158 = tpu.memref_slice %arg3[%dma_wait3A_156, %dma_wait3A_157] : memref<112640x128xi32, #tpu.memory_space<hbm>> -> memref<40x128xi32, #tpu.memory_space<hbm>>
      %dma_wait3A_159 = arith.constant 0 : i32
      %dma_wait3A_160 = arith.constant 0 : i32
      %dma_wait3A_161 = tpu.memref_slice %arg3[%dma_wait3A_159, %dma_wait3A_160] : memref<112640x128xi32, #tpu.memory_space<hbm>> -> memref<40x128xi32, #tpu.memory_space<hbm>>
      tpu.wait_dma2 semaphore(%arg21 : memref<!tpu.dma_semaphore, #tpu.memory_space<semaphore_mem>>) src(%dma_wait3A_161 : memref<40x128xi32, #tpu.memory_space<hbm>>) dst(%arg16 : memref<40x128xi32, #tpu.memory_space<vmem>>)
      %dma_wait3A_162 = arith.constant 0 : i32
      %dma_wait3A_163 = arith.constant 0 : i32
      %dma_wait3A_164 = tpu.memref_slice %arg12[%dma_wait3A_162, %dma_wait3A_163] : memref<2x56xf32, #tpu.memory_space<vmem>> -> memref<1x40xf32, #tpu.memory_space<vmem>>
      %dma_wait3A_165 = tpu.memref_squeeze %dma_wait3A_164 : memref<1x40xf32, #tpu.memory_space<vmem>> -> memref<40xf32, #tpu.memory_space<vmem>>
      %dma_wait3A_166 = arith.constant 0 : i32
      %dma_wait3A_167 = tpu.memref_slice %arg6[%dma_wait3A_166] : memref<320000xf32, #tpu.memory_space<hbm>> -> memref<40xf32, #tpu.memory_space<hbm>>
      %dma_wait3A_168 = arith.constant 0 : i32
      %dma_wait3A_169 = tpu.memref_slice %arg12[%dma_wait3A_162, %dma_wait3A_168] : memref<2x56xf32, #tpu.memory_space<vmem>> -> memref<1x40xf32, #tpu.memory_space<vmem>>
      %dma_wait3A_170 = tpu.memref_squeeze %dma_wait3A_169 : memref<1x40xf32, #tpu.memory_space<vmem>> -> memref<40xf32, #tpu.memory_space<vmem>>
      %dma_wait3A_171 = arith.constant 0 : i32
      %dma_wait3A_172 = tpu.memref_slice %arg6[%dma_wait3A_171] : memref<320000xf32, #tpu.memory_space<hbm>> -> memref<40xf32, #tpu.memory_space<hbm>>
      tpu.wait_dma2 semaphore(%arg25 : memref<!tpu.dma_semaphore, #tpu.memory_space<semaphore_mem>>) src(%dma_wait3A_172 : memref<40xf32, #tpu.memory_space<hbm>>) dst(%dma_wait3A_170 : memref<40xf32, #tpu.memory_space<vmem>>)
      %dma_wait3A_173 = arith.constant 0 : i32
      %dma_wait3A_174 = arith.constant 0 : i32
      %dma_wait3A_175 = tpu.memref_slice %arg12[%dma_wait3A_173, %dma_wait3A_174] : memref<2x56xf32, #tpu.memory_space<vmem>> -> memref<1x40xf32, #tpu.memory_space<vmem>>
      %dma_wait3A_176 = tpu.memref_squeeze %dma_wait3A_175 : memref<1x40xf32, #tpu.memory_space<vmem>> -> memref<40xf32, #tpu.memory_space<vmem>>
      %dma_wait3A_177 = arith.constant 0 : i32
      %dma_wait3A_178 = tpu.memref_slice %arg6[%dma_wait3A_177] : memref<320000xf32, #tpu.memory_space<hbm>> -> memref<40xf32, #tpu.memory_space<hbm>>
      %dma_wait3A_179 = arith.constant 0 : i32
      %dma_wait3A_180 = tpu.memref_slice %arg12[%dma_wait3A_173, %dma_wait3A_179] : memref<2x56xf32, #tpu.memory_space<vmem>> -> memref<1x40xf32, #tpu.memory_space<vmem>>
      %dma_wait3A_181 = tpu.memref_squeeze %dma_wait3A_180 : memref<1x40xf32, #tpu.memory_space<vmem>> -> memref<40xf32, #tpu.memory_space<vmem>>
      %dma_wait3A_182 = arith.constant 0 : i32
      %dma_wait3A_183 = tpu.memref_slice %arg6[%dma_wait3A_182] : memref<320000xf32, #tpu.memory_space<hbm>> -> memref<40xf32, #tpu.memory_space<hbm>>
      tpu.wait_dma2 semaphore(%arg25 : memref<!tpu.dma_semaphore, #tpu.memory_space<semaphore_mem>>) src(%dma_wait3A_183 : memref<40xf32, #tpu.memory_space<hbm>>) dst(%dma_wait3A_181 : memref<40xf32, #tpu.memory_space<vmem>>)
      %dma_wait3A_184 = arith.constant 0 : i32
      %dma_wait3A_185 = arith.constant 0 : i32
      %dma_wait3A_186 = tpu.memref_slice %arg12[%dma_wait3A_184, %dma_wait3A_185] : memref<2x56xf32, #tpu.memory_space<vmem>> -> memref<1x40xf32, #tpu.memory_space<vmem>>
      %dma_wait3A_187 = tpu.memref_squeeze %dma_wait3A_186 : memref<1x40xf32, #tpu.memory_space<vmem>> -> memref<40xf32, #tpu.memory_space<vmem>>
      %dma_wait3A_188 = arith.constant 0 : i32
      %dma_wait3A_189 = tpu.memref_slice %arg6[%dma_wait3A_188] : memref<320000xf32, #tpu.memory_space<hbm>> -> memref<40xf32, #tpu.memory_space<hbm>>
      %dma_wait3A_190 = arith.constant 0 : i32
      %dma_wait3A_191 = tpu.memref_slice %arg12[%dma_wait3A_184, %dma_wait3A_190] : memref<2x56xf32, #tpu.memory_space<vmem>> -> memref<1x40xf32, #tpu.memory_space<vmem>>
      %dma_wait3A_192 = tpu.memref_squeeze %dma_wait3A_191 : memref<1x40xf32, #tpu.memory_space<vmem>> -> memref<40xf32, #tpu.memory_space<vmem>>
      %dma_wait3A_193 = arith.constant 0 : i32
      %dma_wait3A_194 = tpu.memref_slice %arg6[%dma_wait3A_193] : memref<320000xf32, #tpu.memory_space<hbm>> -> memref<40xf32, #tpu.memory_space<hbm>>
      tpu.wait_dma2 semaphore(%arg25 : memref<!tpu.dma_semaphore, #tpu.memory_space<semaphore_mem>>) src(%dma_wait3A_194 : memref<40xf32, #tpu.memory_space<hbm>>) dst(%dma_wait3A_192 : memref<40xf32, #tpu.memory_space<vmem>>)
      %dma_wait3A_195 = arith.constant 0 : i32
      %dma_wait3A_196 = arith.constant 0 : i32
      %dma_wait3A_197 = tpu.memref_slice %arg12[%dma_wait3A_195, %dma_wait3A_196] : memref<2x56xf32, #tpu.memory_space<vmem>> -> memref<1x40xf32, #tpu.memory_space<vmem>>
      %dma_wait3A_198 = tpu.memref_squeeze %dma_wait3A_197 : memref<1x40xf32, #tpu.memory_space<vmem>> -> memref<40xf32, #tpu.memory_space<vmem>>
      %dma_wait3A_199 = arith.constant 0 : i32
      %dma_wait3A_200 = tpu.memref_slice %arg6[%dma_wait3A_199] : memref<320000xf32, #tpu.memory_space<hbm>> -> memref<40xf32, #tpu.memory_space<hbm>>
      %dma_wait3A_201 = arith.constant 0 : i32
      %dma_wait3A_202 = tpu.memref_slice %arg12[%dma_wait3A_195, %dma_wait3A_201] : memref<2x56xf32, #tpu.memory_space<vmem>> -> memref<1x40xf32, #tpu.memory_space<vmem>>
      %dma_wait3A_203 = tpu.memref_squeeze %dma_wait3A_202 : memref<1x40xf32, #tpu.memory_space<vmem>> -> memref<40xf32, #tpu.memory_space<vmem>>
      %dma_wait3A_204 = arith.constant 0 : i32
      %dma_wait3A_205 = tpu.memref_slice %arg6[%dma_wait3A_204] : memref<320000xf32, #tpu.memory_space<hbm>> -> memref<40xf32, #tpu.memory_space<hbm>>
      tpu.wait_dma2 semaphore(%arg25 : memref<!tpu.dma_semaphore, #tpu.memory_space<semaphore_mem>>) src(%dma_wait3A_205 : memref<40xf32, #tpu.memory_space<hbm>>) dst(%dma_wait3A_203 : memref<40xf32, #tpu.memory_space<vmem>>)
      %broadcast_in_dim3A = arith.constant 0 : i32
      %broadcast_in_dim3A_206 = vector.broadcast %broadcast_in_dim3A : i32 to vector<16x1xi32>
      %scan3A_207 = arith.constant 0 : i32
      %scan3A_208 = arith.constant 0 : i32
      %scan3A_209 = arith.constant 40 : i32
      %scan3A_210 = arith.addi %scan3A_208, %scan3A_209 : i32
      %scan3A_211 = arith.constant 1 : i32
      scf.for %scan3A_338 = %scan3A_208 to %scan3A_210 step %scan3A_211  : i32 {
        %add3A_339 = arith.constant 0 : i32
        %add3A_340 = arith.addi %add3A_339, %scan3A_338 : i32
        %get3A = arith.constant 0 : i32
        %get3A_341 = arith.index_cast %get3A : i32 to index
        %get3A_342 = arith.index_cast %scan3A_338 : i32 to index
        %get3A_343 = tpu.vector_load %arg12[%get3A_341, %get3A_342] {strides = array<i32>} : memref<2x56xf32, #tpu.memory_space<vmem>>, vector<1x16xf32>,
        %get3A_344 = vector.shape_cast %get3A_343 : vector<1x16xf32> to vector<16xf32>
        %gather3A = vector.shape_cast %broadcast_in_dim3A_206 : vector<16x1xi32> to vector<16xi32>
        %gather3A_345 = tpu.dynamic_gather %get3A_344[%gather3A] in [0] : vector<16xf32>, vector<16xi32> -> vector<16xf32>
        %get3A_346 = arith.index_cast %scan3A_338 : i32 to index
        %get3A_347 = arith.constant 0 : index
        %get3A_348 = tpu.vector_load %arg16[%get3A_346, %get3A_347] {strides = array<i32>} : memref<40x128xi32, #tpu.memory_space<vmem>>, vector<1x16xi32>,
        %get3A_349 = vector.shape_cast %get3A_348 : vector<1x16xi32> to vector<16xi32>
        %bitcast_convert_type3A = tpu.bitcast %get3A_349 : vector<16xi32> -> vector<16xi32>
        %shift_left3A = arith.constant 16 : i32
        %shift_left3A_350 = vector.broadcast %shift_left3A : i32 to vector<16xi32>
        %shift_left3A_351 = arith.shli %bitcast_convert_type3A, %shift_left3A_350 : vector<16xi32>
        %bitcast_convert_type3A_352 = tpu.bitcast %shift_left3A_351 : vector<16xi32> -> vector<16xf32>
        %mul3A_353 = arith.mulf %bitcast_convert_type3A_352, %gather3A_345 : vector<16xf32>
        %and3A = arith.constant -65536 : i32
        %and3A_354 = vector.broadcast %and3A : i32 to vector<16xi32>
        %and3A_355 = arith.andi %bitcast_convert_type3A, %and3A_354 : vector<16xi32>
        %bitcast_convert_type3A_356 = tpu.bitcast %and3A_355 : vector<16xi32> -> vector<16xf32>
        %mul3A_357 = arith.mulf %bitcast_convert_type3A_356, %gather3A_345 : vector<16xf32>
        %get3A_358 = arith.index_cast %add3A_340 : i32 to index
        %get3A_359 = arith.constant 0 : index
        %get3A_360 = tpu.vector_load %arg14[%get3A_358, %get3A_359] {strides = array<i32>} : memref<80x128xf32, #tpu.memory_space<vmem>>, vector<1x16xf32>,
        %get3A_361 = vector.shape_cast %get3A_360 : vector<1x16xf32> to vector<16xf32>
        %mul3A_362 = arith.mulf %get3A_361, %mul3A_353 : vector<16xf32>
        %swap3A = arith.index_cast %add3A_340 : i32 to index
        %swap3A_363 = arith.constant 0 : index
        %swap3A_364 = tpu.vector_load %arg14[%swap3A, %swap3A_363] {strides = array<i32>} : memref<80x128xf32, #tpu.memory_space<vmem>>, vector<1x16xf32>,
        %swap3A_365 = vector.shape_cast %swap3A_364 : vector<1x16xf32> to vector<16xf32>
        %swap3A_366 = vector.shape_cast %mul3A_362 : vector<16xf32> to vector<1x16xf32>
        tpu.vector_store %arg14[%swap3A, %swap3A_363], %swap3A_366 {strides = array<i32>} : memref<80x128xf32, #tpu.memory_space<vmem>>, vector<1x16xf32>,
        %get3A_367 = arith.index_cast %add3A_340 : i32 to index
        %get3A_368 = arith.constant 16 : index
        %get3A_369 = tpu.vector_load %arg14[%get3A_367, %get3A_368] {strides = array<i32>} : memref<80x128xf32, #tpu.memory_space<vmem>>, vector<1x16xf32>,
        %get3A_370 = vector.shape_cast %get3A_369 : vector<1x16xf32> to vector<16xf32>
        %mul3A_371 = arith.mulf %get3A_370, %mul3A_357 : vector<16xf32>
        %swap3A_372 = arith.index_cast %add3A_340 : i32 to index
        %swap3A_373 = arith.constant 16 : index
        %swap3A_374 = tpu.vector_load %arg14[%swap3A_372, %swap3A_373] {strides = array<i32>} : memref<80x128xf32, #tpu.memory_space<vmem>>, vector<1x16xf32>,
        %swap3A_375 = vector.shape_cast %swap3A_374 : vector<1x16xf32> to vector<16xf32>
        %swap3A_376 = vector.shape_cast %mul3A_371 : vector<16xf32> to vector<1x16xf32>
        tpu.vector_store %arg14[%swap3A_372, %swap3A_373], %swap3A_376 {strides = array<i32>} : memref<80x128xf32, #tpu.memory_space<vmem>>, vector<1x16xf32>,
        %get3A_377 = arith.index_cast %scan3A_338 : i32 to index
        %get3A_378 = arith.constant 16 : index
        %get3A_379 = tpu.vector_load %arg16[%get3A_377, %get3A_378] {strides = array<i32>} : memref<40x128xi32, #tpu.memory_space<vmem>>, vector<1x16xi32>,
        %get3A_380 = vector.shape_cast %get3A_379 : vector<1x16xi32> to vector<16xi32>
        %bitcast_convert_type3A_381 = tpu.bitcast %get3A_380 : vector<16xi32> -> vector<16xi32>
        %shift_left3A_382 = arith.constant 16 : i32
        %shift_left3A_383 = vector.broadcast %shift_left3A_382 : i32 to vector<16xi32>
        %shift_left3A_384 = arith.shli %bitcast_convert_type3A_381, %shift_left3A_383 : vector<16xi32>
        %bitcast_convert_type3A_385 = tpu.bitcast %shift_left3A_384 : vector<16xi32> -> vector<16xf32>
        %mul3A_386 = arith.mulf %bitcast_convert_type3A_385, %gather3A_345 : vector<16xf32>
        %and3A_387 = arith.constant -65536 : i32
        %and3A_388 = vector.broadcast %and3A_387 : i32 to vector<16xi32>
        %and3A_389 = arith.andi %bitcast_convert_type3A_381, %and3A_388 : vector<16xi32>
        %bitcast_convert_type3A_390 = tpu.bitcast %and3A_389 : vector<16xi32> -> vector<16xf32>
        %mul3A_391 = arith.mulf %bitcast_convert_type3A_390, %gather3A_345 : vector<16xf32>
        %get3A_392 = arith.index_cast %add3A_340 : i32 to index
        %get3A_393 = arith.constant 32 : index
        %get3A_394 = tpu.vector_load %arg14[%get3A_392, %get3A_393] {strides = array<i32>} : memref<80x128xf32, #tpu.memory_space<vmem>>, vector<1x16xf32>,
        %get3A_395 = vector.shape_cast %get3A_394 : vector<1x16xf32> to vector<16xf32>
        %mul3A_396 = arith.mulf %get3A_395, %mul3A_386 : vector<16xf32>
        %swap3A_397 = arith.index_cast %add3A_340 : i32 to index
        %swap3A_398 = arith.constant 32 : index
        %swap3A_399 = tpu.vector_load %arg14[%swap3A_397, %swap3A_398] {strides = array<i32>} : memref<80x128xf32, #tpu.memory_space<vmem>>, vector<1x16xf32>,
        %swap3A_400 = vector.shape_cast %swap3A_399 : vector<1x16xf32> to vector<16xf32>
        %swap3A_401 = vector.shape_cast %mul3A_396 : vector<16xf32> to vector<1x16xf32>
        tpu.vector_store %arg14[%swap3A_397, %swap3A_398], %swap3A_401 {strides = array<i32>} : memref<80x128xf32, #tpu.memory_space<vmem>>, vector<1x16xf32>,
        %get3A_402 = arith.index_cast %add3A_340 : i32 to index
        %get3A_403 = arith.constant 48 : index
        %get3A_404 = tpu.vector_load %arg14[%get3A_402, %get3A_403] {strides = array<i32>} : memref<80x128xf32, #tpu.memory_space<vmem>>, vector<1x16xf32>,
        %get3A_405 = vector.shape_cast %get3A_404 : vector<1x16xf32> to vector<16xf32>
        %mul3A_406 = arith.mulf %get3A_405, %mul3A_391 : vector<16xf32>
        %swap3A_407 = arith.index_cast %add3A_340 : i32 to index
        %swap3A_408 = arith.constant 48 : index
        %swap3A_409 = tpu.vector_load %arg14[%swap3A_407, %swap3A_408] {strides = array<i32>} : memref<80x128xf32, #tpu.memory_space<vmem>>, vector<1x16xf32>,
        %swap3A_410 = vector.shape_cast %swap3A_409 : vector<1x16xf32> to vector<16xf32>
        %swap3A_411 = vector.shape_cast %mul3A_406 : vector<16xf32> to vector<1x16xf32>
        tpu.vector_store %arg14[%swap3A_407, %swap3A_408], %swap3A_411 {strides = array<i32>} : memref<80x128xf32, #tpu.memory_space<vmem>>, vector<1x16xf32>,
        %get3A_412 = arith.index_cast %scan3A_338 : i32 to index
        %get3A_413 = arith.constant 32 : index
        %get3A_414 = tpu.vector_load %arg16[%get3A_412, %get3A_413] {strides = array<i32>} : memref<40x128xi32, #tpu.memory_space<vmem>>, vector<1x16xi32>,
        %get3A_415 = vector.shape_cast %get3A_414 : vector<1x16xi32> to vector<16xi32>
        %bitcast_convert_type3A_416 = tpu.bitcast %get3A_415 : vector<16xi32> -> vector<16xi32>
        %shift_left3A_417 = arith.constant 16 : i32
        %shift_left3A_418 = vector.broadcast %shift_left3A_417 : i32 to vector<16xi32>
        %shift_left3A_419 = arith.shli %bitcast_convert_type3A_416, %shift_left3A_418 : vector<16xi32>
        %bitcast_convert_type3A_420 = tpu.bitcast %shift_left3A_419 : vector<16xi32> -> vector<16xf32>
        %mul3A_421 = arith.mulf %bitcast_convert_type3A_420, %gather3A_345 : vector<16xf32>
        %and3A_422 = arith.constant -65536 : i32
        %and3A_423 = vector.broadcast %and3A_422 : i32 to vector<16xi32>
        %and3A_424 = arith.andi %bitcast_convert_type3A_416, %and3A_423 : vector<16xi32>
        %bitcast_convert_type3A_425 = tpu.bitcast %and3A_424 : vector<16xi32> -> vector<16xf32>
        %mul3A_426 = arith.mulf %bitcast_convert_type3A_425, %gather3A_345 : vector<16xf32>
        %get3A_427 = arith.index_cast %add3A_340 : i32 to index
        %get3A_428 = arith.constant 64 : index
        %get3A_429 = tpu.vector_load %arg14[%get3A_427, %get3A_428] {strides = array<i32>} : memref<80x128xf32, #tpu.memory_space<vmem>>, vector<1x16xf32>,
        %get3A_430 = vector.shape_cast %get3A_429 : vector<1x16xf32> to vector<16xf32>
        %mul3A_431 = arith.mulf %get3A_430, %mul3A_421 : vector<16xf32>
        %swap3A_432 = arith.index_cast %add3A_340 : i32 to index
        %swap3A_433 = arith.constant 64 : index
        %swap3A_434 = tpu.vector_load %arg14[%swap3A_432, %swap3A_433] {strides = array<i32>} : memref<80x128xf32, #tpu.memory_space<vmem>>, vector<1x16xf32>,
        %swap3A_435 = vector.shape_cast %swap3A_434 : vector<1x16xf32> to vector<16xf32>
        %swap3A_436 = vector.shape_cast %mul3A_431 : vector<16xf32> to vector<1x16xf32>
        tpu.vector_store %arg14[%swap3A_432, %swap3A_433], %swap3A_436 {strides = array<i32>} : memref<80x128xf32, #tpu.memory_space<vmem>>, vector<1x16xf32>,
        %get3A_437 = arith.index_cast %add3A_340 : i32 to index
        %get3A_438 = arith.constant 80 : index
        %get3A_439 = tpu.vector_load %arg14[%get3A_437, %get3A_438] {strides = array<i32>} : memref<80x128xf32, #tpu.memory_space<vmem>>, vector<1x16xf32>,
        %get3A_440 = vector.shape_cast %get3A_439 : vector<1x16xf32> to vector<16xf32>
        %mul3A_441 = arith.mulf %get3A_440, %mul3A_426 : vector<16xf32>
        %swap3A_442 = arith.index_cast %add3A_340 : i32 to index
        %swap3A_443 = arith.constant 80 : index
        %swap3A_444 = tpu.vector_load %arg14[%swap3A_442, %swap3A_443] {strides = array<i32>} : memref<80x128xf32, #tpu.memory_space<vmem>>, vector<1x16xf32>,
        %swap3A_445 = vector.shape_cast %swap3A_444 : vector<1x16xf32> to vector<16xf32>
        %swap3A_446 = vector.shape_cast %mul3A_441 : vector<16xf32> to vector<1x16xf32>
        tpu.vector_store %arg14[%swap3A_442, %swap3A_443], %swap3A_446 {strides = array<i32>} : memref<80x128xf32, #tpu.memory_space<vmem>>, vector<1x16xf32>,
        %get3A_447 = arith.index_cast %scan3A_338 : i32 to index
        %get3A_448 = arith.constant 48 : index
        %get3A_449 = tpu.vector_load %arg16[%get3A_447, %get3A_448] {strides = array<i32>} : memref<40x128xi32, #tpu.memory_space<vmem>>, vector<1x16xi32>,
        %get3A_450 = vector.shape_cast %get3A_449 : vector<1x16xi32> to vector<16xi32>
        %bitcast_convert_type3A_451 = tpu.bitcast %get3A_450 : vector<16xi32> -> vector<16xi32>
        %shift_left3A_452 = arith.constant 16 : i32
        %shift_left3A_453 = vector.broadcast %shift_left3A_452 : i32 to vector<16xi32>
        %shift_left3A_454 = arith.shli %bitcast_convert_type3A_451, %shift_left3A_453 : vector<16xi32>
        %bitcast_convert_type3A_455 = tpu.bitcast %shift_left3A_454 : vector<16xi32> -> vector<16xf32>
        %mul3A_456 = arith.mulf %bitcast_convert_type3A_455, %gather3A_345 : vector<16xf32>
        %and3A_457 = arith.constant -65536 : i32
        %and3A_458 = vector.broadcast %and3A_457 : i32 to vector<16xi32>
        %and3A_459 = arith.andi %bitcast_convert_type3A_451, %and3A_458 : vector<16xi32>
        %bitcast_convert_type3A_460 = tpu.bitcast %and3A_459 : vector<16xi32> -> vector<16xf32>
        %mul3A_461 = arith.mulf %bitcast_convert_type3A_460, %gather3A_345 : vector<16xf32>
        %get3A_462 = arith.index_cast %add3A_340 : i32 to index
        %get3A_463 = arith.constant 96 : index
        %get3A_464 = tpu.vector_load %arg14[%get3A_462, %get3A_463] {strides = array<i32>} : memref<80x128xf32, #tpu.memory_space<vmem>>, vector<1x16xf32>,
        %get3A_465 = vector.shape_cast %get3A_464 : vector<1x16xf32> to vector<16xf32>
        %mul3A_466 = arith.mulf %get3A_465, %mul3A_456 : vector<16xf32>
        %swap3A_467 = arith.index_cast %add3A_340 : i32 to index
        %swap3A_468 = arith.constant 96 : index
        %swap3A_469 = tpu.vector_load %arg14[%swap3A_467, %swap3A_468] {strides = array<i32>} : memref<80x128xf32, #tpu.memory_space<vmem>>, vector<1x16xf32>,
        %swap3A_470 = vector.shape_cast %swap3A_469 : vector<1x16xf32> to vector<16xf32>
        %swap3A_471 = vector.shape_cast %mul3A_466 : vector<16xf32> to vector<1x16xf32>
        tpu.vector_store %arg14[%swap3A_467, %swap3A_468], %swap3A_471 {strides = array<i32>} : memref<80x128xf32, #tpu.memory_space<vmem>>, vector<1x16xf32>,
        %get3A_472 = arith.index_cast %add3A_340 : i32 to index
        %get3A_473 = arith.constant 112 : index
        %get3A_474 = tpu.vector_load %arg14[%get3A_472, %get3A_473] {strides = array<i32>} : memref<80x128xf32, #tpu.memory_space<vmem>>, vector<1x16xf32>,
        %get3A_475 = vector.shape_cast %get3A_474 : vector<1x16xf32> to vector<16xf32>
        %mul3A_476 = arith.mulf %get3A_475, %mul3A_461 : vector<16xf32>
        %swap3A_477 = arith.index_cast %add3A_340 : i32 to index
        %swap3A_478 = arith.constant 112 : index
        %swap3A_479 = tpu.vector_load %arg14[%swap3A_477, %swap3A_478] {strides = array<i32>} : memref<80x128xf32, #tpu.memory_space<vmem>>, vector<1x16xf32>,
        %swap3A_480 = vector.shape_cast %swap3A_479 : vector<1x16xf32> to vector<16xf32>
        %swap3A_481 = vector.shape_cast %mul3A_476 : vector<16xf32> to vector<1x16xf32>
        tpu.vector_store %arg14[%swap3A_477, %swap3A_478], %swap3A_481 {strides = array<i32>} : memref<80x128xf32, #tpu.memory_space<vmem>>, vector<1x16xf32>,
        %add3A_482 = arith.constant 40 : i32
        %add3A_483 = arith.addi %add3A_482, %scan3A_338 : i32
        %get3A_484 = arith.constant 0 : i32
        %get3A_485 = arith.index_cast %get3A_484 : i32 to index
        %get3A_486 = arith.index_cast %scan3A_338 : i32 to index
        %get3A_487 = tpu.vector_load %arg13[%get3A_485, %get3A_486] {strides = array<i32>} : memref<2x56xf32, #tpu.memory_space<vmem>>, vector<1x16xf32>,
        %get3A_488 = vector.shape_cast %get3A_487 : vector<1x16xf32> to vector<16xf32>
        %gather3A_489 = vector.shape_cast %broadcast_in_dim3A_206 : vector<16x1xi32> to vector<16xi32>
        %gather3A_490 = tpu.dynamic_gather %get3A_488[%gather3A_489] in [0] : vector<16xf32>, vector<16xi32> -> vector<16xf32>
        %get3A_491 = arith.index_cast %scan3A_338 : i32 to index
        %get3A_492 = arith.constant 64 : index
        %get3A_493 = tpu.vector_load %arg16[%get3A_491, %get3A_492] {strides = array<i32>} : memref<40x128xi32, #tpu.memory_space<vmem>>, vector<1x16xi32>,
        %get3A_494 = vector.shape_cast %get3A_493 : vector<1x16xi32> to vector<16xi32>
        %bitcast_convert_type3A_495 = tpu.bitcast %get3A_494 : vector<16xi32> -> vector<16xi32>
        %shift_left3A_496 = arith.constant 16 : i32
        %shift_left3A_497 = vector.broadcast %shift_left3A_496 : i32 to vector<16xi32>
        %shift_left3A_498 = arith.shli %bitcast_convert_type3A_495, %shift_left3A_497 : vector<16xi32>
        %bitcast_convert_type3A_499 = tpu.bitcast %shift_left3A_498 : vector<16xi32> -> vector<16xf32>
        %mul3A_500 = arith.mulf %bitcast_convert_type3A_499, %gather3A_490 : vector<16xf32>
        %and3A_501 = arith.constant -65536 : i32
        %and3A_502 = vector.broadcast %and3A_501 : i32 to vector<16xi32>
        %and3A_503 = arith.andi %bitcast_convert_type3A_495, %and3A_502 : vector<16xi32>
        %bitcast_convert_type3A_504 = tpu.bitcast %and3A_503 : vector<16xi32> -> vector<16xf32>
        %mul3A_505 = arith.mulf %bitcast_convert_type3A_504, %gather3A_490 : vector<16xf32>
        %get3A_506 = arith.index_cast %add3A_483 : i32 to index
        %get3A_507 = arith.constant 0 : index
        %get3A_508 = tpu.vector_load %arg14[%get3A_506, %get3A_507] {strides = array<i32>} : memref<80x128xf32, #tpu.memory_space<vmem>>, vector<1x16xf32>,
        %get3A_509 = vector.shape_cast %get3A_508 : vector<1x16xf32> to vector<16xf32>
        %mul3A_510 = arith.mulf %get3A_509, %mul3A_500 : vector<16xf32>
        %swap3A_511 = arith.index_cast %add3A_483 : i32 to index
        %swap3A_512 = arith.constant 0 : index
        %swap3A_513 = tpu.vector_load %arg14[%swap3A_511, %swap3A_512] {strides = array<i32>} : memref<80x128xf32, #tpu.memory_space<vmem>>, vector<1x16xf32>,
        %swap3A_514 = vector.shape_cast %swap3A_513 : vector<1x16xf32> to vector<16xf32>
        %swap3A_515 = vector.shape_cast %mul3A_510 : vector<16xf32> to vector<1x16xf32>
        tpu.vector_store %arg14[%swap3A_511, %swap3A_512], %swap3A_515 {strides = array<i32>} : memref<80x128xf32, #tpu.memory_space<vmem>>, vector<1x16xf32>,
        %get3A_516 = arith.index_cast %add3A_483 : i32 to index
        %get3A_517 = arith.constant 16 : index
        %get3A_518 = tpu.vector_load %arg14[%get3A_516, %get3A_517] {strides = array<i32>} : memref<80x128xf32, #tpu.memory_space<vmem>>, vector<1x16xf32>,
        %get3A_519 = vector.shape_cast %get3A_518 : vector<1x16xf32> to vector<16xf32>
        %mul3A_520 = arith.mulf %get3A_519, %mul3A_505 : vector<16xf32>
        %swap3A_521 = arith.index_cast %add3A_483 : i32 to index
        %swap3A_522 = arith.constant 16 : index
        %swap3A_523 = tpu.vector_load %arg14[%swap3A_521, %swap3A_522] {strides = array<i32>} : memref<80x128xf32, #tpu.memory_space<vmem>>, vector<1x16xf32>,
        %swap3A_524 = vector.shape_cast %swap3A_523 : vector<1x16xf32> to vector<16xf32>
        %swap3A_525 = vector.shape_cast %mul3A_520 : vector<16xf32> to vector<1x16xf32>
        tpu.vector_store %arg14[%swap3A_521, %swap3A_522], %swap3A_525 {strides = array<i32>} : memref<80x128xf32, #tpu.memory_space<vmem>>, vector<1x16xf32>,
        %get3A_526 = arith.index_cast %scan3A_338 : i32 to index
        %get3A_527 = arith.constant 80 : index
        %get3A_528 = tpu.vector_load %arg16[%get3A_526, %get3A_527] {strides = array<i32>} : memref<40x128xi32, #tpu.memory_space<vmem>>, vector<1x16xi32>,
        %get3A_529 = vector.shape_cast %get3A_528 : vector<1x16xi32> to vector<16xi32>
        %bitcast_convert_type3A_530 = tpu.bitcast %get3A_529 : vector<16xi32> -> vector<16xi32>
        %shift_left3A_531 = arith.constant 16 : i32
        %shift_left3A_532 = vector.broadcast %shift_left3A_531 : i32 to vector<16xi32>
        %shift_left3A_533 = arith.shli %bitcast_convert_type3A_530, %shift_left3A_532 : vector<16xi32>
        %bitcast_convert_type3A_534 = tpu.bitcast %shift_left3A_533 : vector<16xi32> -> vector<16xf32>
        %mul3A_535 = arith.mulf %bitcast_convert_type3A_534, %gather3A_490 : vector<16xf32>
        %and3A_536 = arith.constant -65536 : i32
        %and3A_537 = vector.broadcast %and3A_536 : i32 to vector<16xi32>
        %and3A_538 = arith.andi %bitcast_convert_type3A_530, %and3A_537 : vector<16xi32>
        %bitcast_convert_type3A_539 = tpu.bitcast %and3A_538 : vector<16xi32> -> vector<16xf32>
        %mul3A_540 = arith.mulf %bitcast_convert_type3A_539, %gather3A_490 : vector<16xf32>
        %get3A_541 = arith.index_cast %add3A_483 : i32 to index
        %get3A_542 = arith.constant 32 : index
        %get3A_543 = tpu.vector_load %arg14[%get3A_541, %get3A_542] {strides = array<i32>} : memref<80x128xf32, #tpu.memory_space<vmem>>, vector<1x16xf32>,
        %get3A_544 = vector.shape_cast %get3A_543 : vector<1x16xf32> to vector<16xf32>
        %mul3A_545 = arith.mulf %get3A_544, %mul3A_535 : vector<16xf32>
        %swap3A_546 = arith.index_cast %add3A_483 : i32 to index
        %swap3A_547 = arith.constant 32 : index
        %swap3A_548 = tpu.vector_load %arg14[%swap3A_546, %swap3A_547] {strides = array<i32>} : memref<80x128xf32, #tpu.memory_space<vmem>>, vector<1x16xf32>,
        %swap3A_549 = vector.shape_cast %swap3A_548 : vector<1x16xf32> to vector<16xf32>
        %swap3A_550 = vector.shape_cast %mul3A_545 : vector<16xf32> to vector<1x16xf32>
        tpu.vector_store %arg14[%swap3A_546, %swap3A_547], %swap3A_550 {strides = array<i32>} : memref<80x128xf32, #tpu.memory_space<vmem>>, vector<1x16xf32>,
        %get3A_551 = arith.index_cast %add3A_483 : i32 to index
        %get3A_552 = arith.constant 48 : index
        %get3A_553 = tpu.vector_load %arg14[%get3A_551, %get3A_552] {strides = array<i32>} : memref<80x128xf32, #tpu.memory_space<vmem>>, vector<1x16xf32>,
        %get3A_554 = vector.shape_cast %get3A_553 : vector<1x16xf32> to vector<16xf32>
        %mul3A_555 = arith.mulf %get3A_554, %mul3A_540 : vector<16xf32>
        %swap3A_556 = arith.index_cast %add3A_483 : i32 to index
        %swap3A_557 = arith.constant 48 : index
        %swap3A_558 = tpu.vector_load %arg14[%swap3A_556, %swap3A_557] {strides = array<i32>} : memref<80x128xf32, #tpu.memory_space<vmem>>, vector<1x16xf32>,
        %swap3A_559 = vector.shape_cast %swap3A_558 : vector<1x16xf32> to vector<16xf32>
        %swap3A_560 = vector.shape_cast %mul3A_555 : vector<16xf32> to vector<1x16xf32>
        tpu.vector_store %arg14[%swap3A_556, %swap3A_557], %swap3A_560 {strides = array<i32>} : memref<80x128xf32, #tpu.memory_space<vmem>>, vector<1x16xf32>,
        %get3A_561 = arith.index_cast %scan3A_338 : i32 to index
        %get3A_562 = arith.constant 96 : index
        %get3A_563 = tpu.vector_load %arg16[%get3A_561, %get3A_562] {strides = array<i32>} : memref<40x128xi32, #tpu.memory_space<vmem>>, vector<1x16xi32>,
        %get3A_564 = vector.shape_cast %get3A_563 : vector<1x16xi32> to vector<16xi32>
        %bitcast_convert_type3A_565 = tpu.bitcast %get3A_564 : vector<16xi32> -> vector<16xi32>
        %shift_left3A_566 = arith.constant 16 : i32
        %shift_left3A_567 = vector.broadcast %shift_left3A_566 : i32 to vector<16xi32>
        %shift_left3A_568 = arith.shli %bitcast_convert_type3A_565, %shift_left3A_567 : vector<16xi32>
        %bitcast_convert_type3A_569 = tpu.bitcast %shift_left3A_568 : vector<16xi32> -> vector<16xf32>
        %mul3A_570 = arith.mulf %bitcast_convert_type3A_569, %gather3A_490 : vector<16xf32>
        %and3A_571 = arith.constant -65536 : i32
        %and3A_572 = vector.broadcast %and3A_571 : i32 to vector<16xi32>
        %and3A_573 = arith.andi %bitcast_convert_type3A_565, %and3A_572 : vector<16xi32>
        %bitcast_convert_type3A_574 = tpu.bitcast %and3A_573 : vector<16xi32> -> vector<16xf32>
        %mul3A_575 = arith.mulf %bitcast_convert_type3A_574, %gather3A_490 : vector<16xf32>
        %get3A_576 = arith.index_cast %add3A_483 : i32 to index
        %get3A_577 = arith.constant 64 : index
        %get3A_578 = tpu.vector_load %arg14[%get3A_576, %get3A_577] {strides = array<i32>} : memref<80x128xf32, #tpu.memory_space<vmem>>, vector<1x16xf32>,
        %get3A_579 = vector.shape_cast %get3A_578 : vector<1x16xf32> to vector<16xf32>
        %mul3A_580 = arith.mulf %get3A_579, %mul3A_570 : vector<16xf32>
        %swap3A_581 = arith.index_cast %add3A_483 : i32 to index
        %swap3A_582 = arith.constant 64 : index
        %swap3A_583 = tpu.vector_load %arg14[%swap3A_581, %swap3A_582] {strides = array<i32>} : memref<80x128xf32, #tpu.memory_space<vmem>>, vector<1x16xf32>,
        %swap3A_584 = vector.shape_cast %swap3A_583 : vector<1x16xf32> to vector<16xf32>
        %swap3A_585 = vector.shape_cast %mul3A_580 : vector<16xf32> to vector<1x16xf32>
        tpu.vector_store %arg14[%swap3A_581, %swap3A_582], %swap3A_585 {strides = array<i32>} : memref<80x128xf32, #tpu.memory_space<vmem>>, vector<1x16xf32>,
        %get3A_586 = arith.index_cast %add3A_483 : i32 to index
        %get3A_587 = arith.constant 80 : index
        %get3A_588 = tpu.vector_load %arg14[%get3A_586, %get3A_587] {strides = array<i32>} : memref<80x128xf32, #tpu.memory_space<vmem>>, vector<1x16xf32>,
        %get3A_589 = vector.shape_cast %get3A_588 : vector<1x16xf32> to vector<16xf32>
        %mul3A_590 = arith.mulf %get3A_589, %mul3A_575 : vector<16xf32>
        %swap3A_591 = arith.index_cast %add3A_483 : i32 to index
        %swap3A_592 = arith.constant 80 : index
        %swap3A_593 = tpu.vector_load %arg14[%swap3A_591, %swap3A_592] {strides = array<i32>} : memref<80x128xf32, #tpu.memory_space<vmem>>, vector<1x16xf32>,
        %swap3A_594 = vector.shape_cast %swap3A_593 : vector<1x16xf32> to vector<16xf32>
        %swap3A_595 = vector.shape_cast %mul3A_590 : vector<16xf32> to vector<1x16xf32>
        tpu.vector_store %arg14[%swap3A_591, %swap3A_592], %swap3A_595 {strides = array<i32>} : memref<80x128xf32, #tpu.memory_space<vmem>>, vector<1x16xf32>,
        %get3A_596 = arith.index_cast %scan3A_338 : i32 to index
        %get3A_597 = arith.constant 112 : index
        %get3A_598 = tpu.vector_load %arg16[%get3A_596, %get3A_597] {strides = array<i32>} : memref<40x128xi32, #tpu.memory_space<vmem>>, vector<1x16xi32>,
        %get3A_599 = vector.shape_cast %get3A_598 : vector<1x16xi32> to vector<16xi32>
        %bitcast_convert_type3A_600 = tpu.bitcast %get3A_599 : vector<16xi32> -> vector<16xi32>
        %shift_left3A_601 = arith.constant 16 : i32
        %shift_left3A_602 = vector.broadcast %shift_left3A_601 : i32 to vector<16xi32>
        %shift_left3A_603 = arith.shli %bitcast_convert_type3A_600, %shift_left3A_602 : vector<16xi32>
        %bitcast_convert_type3A_604 = tpu.bitcast %shift_left3A_603 : vector<16xi32> -> vector<16xf32>
        %mul3A_605 = arith.mulf %bitcast_convert_type3A_604, %gather3A_490 : vector<16xf32>
        %and3A_606 = arith.constant -65536 : i32
        %and3A_607 = vector.broadcast %and3A_606 : i32 to vector<16xi32>
        %and3A_608 = arith.andi %bitcast_convert_type3A_600, %and3A_607 : vector<16xi32>
        %bitcast_convert_type3A_609 = tpu.bitcast %and3A_608 : vector<16xi32> -> vector<16xf32>
        %mul3A_610 = arith.mulf %bitcast_convert_type3A_609, %gather3A_490 : vector<16xf32>
        %get3A_611 = arith.index_cast %add3A_483 : i32 to index
        %get3A_612 = arith.constant 96 : index
        %get3A_613 = tpu.vector_load %arg14[%get3A_611, %get3A_612] {strides = array<i32>} : memref<80x128xf32, #tpu.memory_space<vmem>>, vector<1x16xf32>,
        %get3A_614 = vector.shape_cast %get3A_613 : vector<1x16xf32> to vector<16xf32>
        %mul3A_615 = arith.mulf %get3A_614, %mul3A_605 : vector<16xf32>
        %swap3A_616 = arith.index_cast %add3A_483 : i32 to index
        %swap3A_617 = arith.constant 96 : index
        %swap3A_618 = tpu.vector_load %arg14[%swap3A_616, %swap3A_617] {strides = array<i32>} : memref<80x128xf32, #tpu.memory_space<vmem>>, vector<1x16xf32>,
        %swap3A_619 = vector.shape_cast %swap3A_618 : vector<1x16xf32> to vector<16xf32>
        %swap3A_620 = vector.shape_cast %mul3A_615 : vector<16xf32> to vector<1x16xf32>
        tpu.vector_store %arg14[%swap3A_616, %swap3A_617], %swap3A_620 {strides = array<i32>} : memref<80x128xf32, #tpu.memory_space<vmem>>, vector<1x16xf32>,
        %get3A_621 = arith.index_cast %add3A_483 : i32 to index
        %get3A_622 = arith.constant 112 : index
        %get3A_623 = tpu.vector_load %arg14[%get3A_621, %get3A_622] {strides = array<i32>} : memref<80x128xf32, #tpu.memory_space<vmem>>, vector<1x16xf32>,
        %get3A_624 = vector.shape_cast %get3A_623 : vector<1x16xf32> to vector<16xf32>
        %mul3A_625 = arith.mulf %get3A_624, %mul3A_610 : vector<16xf32>
        %swap3A_626 = arith.index_cast %add3A_483 : i32 to index
        %swap3A_627 = arith.constant 112 : index
        %swap3A_628 = tpu.vector_load %arg14[%swap3A_626, %swap3A_627] {strides = array<i32>} : memref<80x128xf32, #tpu.memory_space<vmem>>, vector<1x16xf32>,
        %swap3A_629 = vector.shape_cast %swap3A_628 : vector<1x16xf32> to vector<16xf32>
        %swap3A_630 = vector.shape_cast %mul3A_625 : vector<16xf32> to vector<1x16xf32>
        tpu.vector_store %arg14[%swap3A_626, %swap3A_627], %swap3A_630 {strides = array<i32>} : memref<80x128xf32, #tpu.memory_space<vmem>>, vector<1x16xf32>,
      }
      %scan3A_212 = arith.constant 40 : i32
      %dma_start3A_213 = arith.constant 0 : i32
      %dma_start3A_214 = arith.constant 0 : i32
      %dma_start3A_215 = arith.constant 0 : i32
      %dma_start3A_216 = tpu.memref_slice %arg14[%dma_start3A_214, %dma_start3A_215] : memref<80x128xf32, #tpu.memory_space<vmem>> -> memref<40x128xf32, #tpu.memory_space<vmem>>
      %dma_start3A_217 = arith.constant 0 : i32
      %dma_start3A_218 = tpu.memref_slice %arg10[%dma_start3A_213, %dma_start3A_217] : memref<2x40xi32, #tpu.memory_space<vmem>> -> memref<1x40xi32, #tpu.memory_space<vmem>>
      %dma_start3A_219 = tpu.memref_squeeze %dma_start3A_218 : memref<1x40xi32, #tpu.memory_space<vmem>> -> memref<40xi32, #tpu.memory_space<vmem>>
      %dma_start3A_220 = arith.constant 0 : i32
      %dma_start3A_221 = arith.constant 0 : i32
      %dma_start3A_222 = tpu.memref_slice %arg18[%dma_start3A_220, %dma_start3A_221] : memref<10000x128xf32, #tpu.memory_space<vmem_shared>> -> memref<10000x128xf32, #tpu.memory_space<vmem_shared>>
      tpu.enqueue_indirect_dma source(%dma_start3A_216 : memref<40x128xf32, #tpu.memory_space<vmem>>) target(%dma_start3A_222 : memref<10000x128xf32, #tpu.memory_space<vmem_shared>>) offsets(%dma_start3A_219 : memref<40xi32, #tpu.memory_space<vmem>>) semaphore(%arg23 : memref<!tpu.dma_semaphore, #tpu.memory_space<semaphore_mem>>) {add = true}
      %dma_start3A_223 = arith.constant 0 : i32
      %dma_start3A_224 = arith.constant 40 : i32
      %dma_start3A_225 = arith.constant 0 : i32
      %dma_start3A_226 = tpu.memref_slice %arg14[%dma_start3A_224, %dma_start3A_225] : memref<80x128xf32, #tpu.memory_space<vmem>> -> memref<40x128xf32, #tpu.memory_space<vmem>>
      %dma_start3A_227 = arith.constant 0 : i32
      %dma_start3A_228 = tpu.memref_slice %arg11[%dma_start3A_223, %dma_start3A_227] : memref<2x40xi32, #tpu.memory_space<vmem>> -> memref<1x40xi32, #tpu.memory_space<vmem>>
      %dma_start3A_229 = tpu.memref_squeeze %dma_start3A_228 : memref<1x40xi32, #tpu.memory_space<vmem>> -> memref<40xi32, #tpu.memory_space<vmem>>
      %dma_start3A_230 = arith.constant 0 : i32
      %dma_start3A_231 = arith.constant 0 : i32
      %dma_start3A_232 = tpu.memref_slice %arg18[%dma_start3A_230, %dma_start3A_231] : memref<10000x128xf32, #tpu.memory_space<vmem_shared>> -> memref<10000x128xf32, #tpu.memory_space<vmem_shared>>
      tpu.enqueue_indirect_dma source(%dma_start3A_226 : memref<40x128xf32, #tpu.memory_space<vmem>>) target(%dma_start3A_232 : memref<10000x128xf32, #tpu.memory_space<vmem_shared>>) offsets(%dma_start3A_229 : memref<40xi32, #tpu.memory_space<vmem>>) semaphore(%arg23 : memref<!tpu.dma_semaphore, #tpu.memory_space<semaphore_mem>>) {add = true}
      %mul3A_233 = arith.constant 2 : i32
      %mul3A_234 = arith.muli %mul3A_233, %scan3A_130 : i32
      %add3A_235 = arith.constant 1 : i32
      %add3A_236 = arith.addi %mul3A_234, %add3A_235 : i32
      %add3A_237 = arith.constant 1 : i32
      %add3A_238 = arith.addi %add3A_236, %add3A_237 : i32
      %lt3A_239 = arith.constant 88 : i32
      %lt3A_240 = arith.cmpi slt, %add3A_238, %lt3A_239 : i32
      %convert_element_type3A_241 = arith.extui %lt3A_240 : i1 to i32
      %cond3A_242 = arith.constant 0 : i32
      %cond3A_243 = arith.cmpi ne, %convert_element_type3A_241, %cond3A_242 : i32
      scf.if %cond3A_243 {
        %ge3A = arith.constant 1 : i32
        %ge3A_338 = arith.cmpi sge, %add3A_236, %ge3A : i32
        %convert_element_type3A_339 = arith.extui %ge3A_338 : i1 to i32
        %cond3A_340 = arith.constant 0 : i32
        %cond3A_341 = arith.cmpi ne, %convert_element_type3A_339, %cond3A_340 : i32
        scf.if %cond3A_341 {
          %dma_wait3A_407 = arith.constant 0 : i32
          %dma_wait3A_408 = arith.constant 0 : i32
          %dma_wait3A_409 = arith.constant 0 : i32
          %dma_wait3A_410 = tpu.memref_slice %arg14[%dma_wait3A_408, %dma_wait3A_409] : memref<80x128xf32, #tpu.memory_space<vmem>> -> memref<40x128xf32, #tpu.memory_space<vmem>>
          %dma_wait3A_411 = arith.constant 0 : i32
          %dma_wait3A_412 = tpu.memref_slice %arg10[%dma_wait3A_407, %dma_wait3A_411] : memref<2x40xi32, #tpu.memory_space<vmem>> -> memref<1x40xi32, #tpu.memory_space<vmem>>
          %dma_wait3A_413 = tpu.memref_squeeze %dma_wait3A_412 : memref<1x40xi32, #tpu.memory_space<vmem>> -> memref<40xi32, #tpu.memory_space<vmem>>
          %dma_wait3A_414 = arith.constant 0 : i32
          %dma_wait3A_415 = arith.constant 0 : i32
          %dma_wait3A_416 = tpu.memref_slice %arg18[%dma_wait3A_414, %dma_wait3A_415] : memref<10000x128xf32, #tpu.memory_space<vmem_shared>> -> memref<10000x128xf32, #tpu.memory_space<vmem_shared>>
          tpu.wait_indirect_dma semaphore(%arg23 : memref<!tpu.dma_semaphore, #tpu.memory_space<semaphore_mem>>) src(%dma_wait3A_410 : memref<40x128xf32, #tpu.memory_space<vmem>>) dst(%dma_wait3A_416 : memref<10000x128xf32, #tpu.memory_space<vmem_shared>>)
          %dma_wait3A_417 = arith.constant 0 : i32
          %dma_wait3A_418 = arith.constant 40 : i32
          %dma_wait3A_419 = arith.constant 0 : i32
          %dma_wait3A_420 = tpu.memref_slice %arg14[%dma_wait3A_418, %dma_wait3A_419] : memref<80x128xf32, #tpu.memory_space<vmem>> -> memref<40x128xf32, #tpu.memory_space<vmem>>
          %dma_wait3A_421 = arith.constant 0 : i32
          %dma_wait3A_422 = tpu.memref_slice %arg11[%dma_wait3A_417, %dma_wait3A_421] : memref<2x40xi32, #tpu.memory_space<vmem>> -> memref<1x40xi32, #tpu.memory_space<vmem>>
          %dma_wait3A_423 = tpu.memref_squeeze %dma_wait3A_422 : memref<1x40xi32, #tpu.memory_space<vmem>> -> memref<40xi32, #tpu.memory_space<vmem>>
          %dma_wait3A_424 = arith.constant 0 : i32
          %dma_wait3A_425 = arith.constant 0 : i32
          %dma_wait3A_426 = tpu.memref_slice %arg18[%dma_wait3A_424, %dma_wait3A_425] : memref<10000x128xf32, #tpu.memory_space<vmem_shared>> -> memref<10000x128xf32, #tpu.memory_space<vmem_shared>>
          tpu.wait_indirect_dma semaphore(%arg23 : memref<!tpu.dma_semaphore, #tpu.memory_space<semaphore_mem>>) src(%dma_wait3A_420 : memref<40x128xf32, #tpu.memory_space<vmem>>) dst(%dma_wait3A_426 : memref<10000x128xf32, #tpu.memory_space<vmem_shared>>)
        } else {
        }
        %add3A_342 = arith.constant 1 : i32
        %add3A_343 = arith.addi %add3A_236, %add3A_342 : i32
        %mul3A_344 = arith.constant 40 : i32
        %mul3A_345 = arith.muli %add3A_343, %mul3A_344 : i32
        %dma_start3A_346 = arith.constant 0 : i32
        %dma_start3A_347 = arith.constant 0 : i32
        %dma_start3A_348 = tpu.memref_slice %arg14[%dma_start3A_346, %dma_start3A_347] : memref<80x128xf32, #tpu.memory_space<vmem>> -> memref<40x128xf32, #tpu.memory_space<vmem>>
        %dma_start3A_349 = tpu.memref_slice %arg9[%mul3A_345] : memref<7040xi32, #tpu.memory_space<vmem>> -> memref<40xi32, #tpu.memory_space<vmem>>
        %dma_start3A_350 = arith.constant 0 : i32
        %dma_start3A_351 = arith.constant 0 : i32
        %dma_start3A_352 = tpu.memref_slice %arg2[%dma_start3A_350, %dma_start3A_351] : memref<10000x128xf32, #tpu.memory_space<hbm>> -> memref<10000x128xf32, #tpu.memory_space<hbm>>
        tpu.enqueue_indirect_dma source(%dma_start3A_352 : memref<10000x128xf32, #tpu.memory_space<hbm>>) target(%dma_start3A_348 : memref<40x128xf32, #tpu.memory_space<vmem>>) offsets(%dma_start3A_349 : memref<40xi32, #tpu.memory_space<vmem>>) semaphore(%arg19 : memref<!tpu.dma_semaphore, #tpu.memory_space<semaphore_mem>>)
        %add3A_353 = arith.constant 3520 : i32
        %add3A_354 = arith.addi %add3A_353, %mul3A_345 : i32
        %dma_start3A_355 = arith.constant 40 : i32
        %dma_start3A_356 = arith.constant 0 : i32
        %dma_start3A_357 = tpu.memref_slice %arg14[%dma_start3A_355, %dma_start3A_356] : memref<80x128xf32, #tpu.memory_space<vmem>> -> memref<40x128xf32, #tpu.memory_space<vmem>>
        %dma_start3A_358 = tpu.memref_slice %arg9[%add3A_354] : memref<7040xi32, #tpu.memory_space<vmem>> -> memref<40xi32, #tpu.memory_space<vmem>>
        %dma_start3A_359 = arith.constant 0 : i32
        %dma_start3A_360 = arith.constant 0 : i32
        %dma_start3A_361 = tpu.memref_slice %arg2[%dma_start3A_359, %dma_start3A_360] : memref<10000x128xf32, #tpu.memory_space<hbm>> -> memref<10000x128xf32, #tpu.memory_space<hbm>>
        tpu.enqueue_indirect_dma source(%dma_start3A_361 : memref<10000x128xf32, #tpu.memory_space<hbm>>) target(%dma_start3A_357 : memref<40x128xf32, #tpu.memory_space<vmem>>) offsets(%dma_start3A_358 : memref<40xi32, #tpu.memory_space<vmem>>) semaphore(%arg19 : memref<!tpu.dma_semaphore, #tpu.memory_space<semaphore_mem>>)
        %add3A_362 = arith.addi %mul3A_14, %mul3A_345 : i32
        %dma_start3A_363 = arith.constant 0 : i32
        %dma_start3A_364 = tpu.memref_slice %arg3[%add3A_362, %dma_start3A_363] : memref<112640x128xi32, #tpu.memory_space<hbm>> -> memref<40x128xi32, #tpu.memory_space<hbm>>
        %dma_start3A_365 = arith.constant 0 : i32
        %dma_start3A_366 = tpu.memref_slice %arg3[%add3A_362, %dma_start3A_365] : memref<112640x128xi32, #tpu.memory_space<hbm>> -> memref<40x128xi32, #tpu.memory_space<hbm>>
        tpu.enqueue_dma source(%dma_start3A_366 : memref<40x128xi32, #tpu.memory_space<hbm>>) target(%arg16 : memref<40x128xi32, #tpu.memory_space<vmem>>) target_semaphore(%arg21 : memref<!tpu.dma_semaphore, #tpu.memory_space<semaphore_mem>>)
        %add3A_367 = arith.addi %add3A_8, %mul3A_345 : i32
        %dma_start3A_368 = arith.constant 0 : i32
        %dma_start3A_369 = arith.constant 0 : i32
        %dma_start3A_370 = tpu.memref_slice %arg10[%dma_start3A_368, %dma_start3A_369] : memref<2x40xi32, #tpu.memory_space<vmem>> -> memref<1x40xi32, #tpu.memory_space<vmem>>
        %dma_start3A_371 = tpu.memref_squeeze %dma_start3A_370 : memref<1x40xi32, #tpu.memory_space<vmem>> -> memref<40xi32, #tpu.memory_space<vmem>>
        %dma_start3A_372 = tpu.memref_slice %arg5[%add3A_367] : memref<320000xi32, #tpu.memory_space<hbm>> -> memref<40xi32, #tpu.memory_space<hbm>>
        %dma_start3A_373 = arith.constant 0 : i32
        %dma_start3A_374 = tpu.memref_slice %arg10[%dma_start3A_368, %dma_start3A_373] : memref<2x40xi32, #tpu.memory_space<vmem>> -> memref<1x40xi32, #tpu.memory_space<vmem>>
        %dma_start3A_375 = tpu.memref_squeeze %dma_start3A_374 : memref<1x40xi32, #tpu.memory_space<vmem>> -> memref<40xi32, #tpu.memory_space<vmem>>
        %dma_start3A_376 = tpu.memref_slice %arg5[%add3A_367] : memref<320000xi32, #tpu.memory_space<hbm>> -> memref<40xi32, #tpu.memory_space<hbm>>
        tpu.enqueue_dma source(%dma_start3A_376 : memref<40xi32, #tpu.memory_space<hbm>>) target(%dma_start3A_375 : memref<40xi32, #tpu.memory_space<vmem>>) target_semaphore(%arg25 : memref<!tpu.dma_semaphore, #tpu.memory_space<semaphore_mem>>)
        %add3A_377 = arith.addi %add3A_12, %mul3A_345 : i32
        %dma_start3A_378 = arith.constant 0 : i32
        %dma_start3A_379 = arith.constant 0 : i32
        %dma_start3A_380 = tpu.memref_slice %arg11[%dma_start3A_378, %dma_start3A_379] : memref<2x40xi32, #tpu.memory_space<vmem>> -> memref<1x40xi32, #tpu.memory_space<vmem>>
        %dma_start3A_381 = tpu.memref_squeeze %dma_start3A_380 : memref<1x40xi32, #tpu.memory_space<vmem>> -> memref<40xi32, #tpu.memory_space<vmem>>
        %dma_start3A_382 = tpu.memref_slice %arg5[%add3A_377] : memref<320000xi32, #tpu.memory_space<hbm>> -> memref<40xi32, #tpu.memory_space<hbm>>
        %dma_start3A_383 = arith.constant 0 : i32
        %dma_start3A_384 = tpu.memref_slice %arg11[%dma_start3A_378, %dma_start3A_383] : memref<2x40xi32, #tpu.memory_space<vmem>> -> memref<1x40xi32, #tpu.memory_space<vmem>>
        %dma_start3A_385 = tpu.memref_squeeze %dma_start3A_384 : memref<1x40xi32, #tpu.memory_space<vmem>> -> memref<40xi32, #tpu.memory_space<vmem>>
        %dma_start3A_386 = tpu.memref_slice %arg5[%add3A_377] : memref<320000xi32, #tpu.memory_space<hbm>> -> memref<40xi32, #tpu.memory_space<hbm>>
        tpu.enqueue_dma source(%dma_start3A_386 : memref<40xi32, #tpu.memory_space<hbm>>) target(%dma_start3A_385 : memref<40xi32, #tpu.memory_space<vmem>>) target_semaphore(%arg25 : memref<!tpu.dma_semaphore, #tpu.memory_space<semaphore_mem>>)
        %add3A_387 = arith.addi %add3A_8, %mul3A_345 : i32
        %dma_start3A_388 = arith.constant 0 : i32
        %dma_start3A_389 = arith.constant 0 : i32
        %dma_start3A_390 = tpu.memref_slice %arg12[%dma_start3A_388, %dma_start3A_389] : memref<2x56xf32, #tpu.memory_space<vmem>> -> memref<1x40xf32, #tpu.memory_space<vmem>>
        %dma_start3A_391 = tpu.memref_squeeze %dma_start3A_390 : memref<1x40xf32, #tpu.memory_space<vmem>> -> memref<40xf32, #tpu.memory_space<vmem>>
        %dma_start3A_392 = tpu.memref_slice %arg6[%add3A_387] : memref<320000xf32, #tpu.memory_space<hbm>> -> memref<40xf32, #tpu.memory_space<hbm>>
        %dma_start3A_393 = arith.constant 0 : i32
        %dma_start3A_394 = tpu.memref_slice %arg12[%dma_start3A_388, %dma_start3A_393] : memref<2x56xf32, #tpu.memory_space<vmem>> -> memref<1x40xf32, #tpu.memory_space<vmem>>
        %dma_start3A_395 = tpu.memref_squeeze %dma_start3A_394 : memref<1x40xf32, #tpu.memory_space<vmem>> -> memref<40xf32, #tpu.memory_space<vmem>>
        %dma_start3A_396 = tpu.memref_slice %arg6[%add3A_387] : memref<320000xf32, #tpu.memory_space<hbm>> -> memref<40xf32, #tpu.memory_space<hbm>>
        tpu.enqueue_dma source(%dma_start3A_396 : memref<40xf32, #tpu.memory_space<hbm>>) target(%dma_start3A_395 : memref<40xf32, #tpu.memory_space<vmem>>) target_semaphore(%arg25 : memref<!tpu.dma_semaphore, #tpu.memory_space<semaphore_mem>>)
        %add3A_397 = arith.addi %add3A_12, %mul3A_345 : i32
        %dma_start3A_398 = arith.constant 0 : i32
        %dma_start3A_399 = arith.constant 0 : i32
        %dma_start3A_400 = tpu.memref_slice %arg13[%dma_start3A_398, %dma_start3A_399] : memref<2x56xf32, #tpu.memory_space<vmem>> -> memref<1x40xf32, #tpu.memory_space<vmem>>
        %dma_start3A_401 = tpu.memref_squeeze %dma_start3A_400 : memref<1x40xf32, #tpu.memory_space<vmem>> -> memref<40xf32, #tpu.memory_space<vmem>>
        %dma_start3A_402 = tpu.memref_slice %arg6[%add3A_397] : memref<320000xf32, #tpu.memory_space<hbm>> -> memref<40xf32, #tpu.memory_space<hbm>>
        %dma_start3A_403 = arith.constant 0 : i32
        %dma_start3A_404 = tpu.memref_slice %arg13[%dma_start3A_398, %dma_start3A_403] : memref<2x56xf32, #tpu.memory_space<vmem>> -> memref<1x40xf32, #tpu.memory_space<vmem>>
        %dma_start3A_405 = tpu.memref_squeeze %dma_start3A_404 : memref<1x40xf32, #tpu.memory_space<vmem>> -> memref<40xf32, #tpu.memory_space<vmem>>
        %dma_start3A_406 = tpu.memref_slice %arg6[%add3A_397] : memref<320000xf32, #tpu.memory_space<hbm>> -> memref<40xf32, #tpu.memory_space<hbm>>
        tpu.enqueue_dma source(%dma_start3A_406 : memref<40xf32, #tpu.memory_space<hbm>>) target(%dma_start3A_405 : memref<40xf32, #tpu.memory_space<vmem>>) target_semaphore(%arg25 : memref<!tpu.dma_semaphore, #tpu.memory_space<semaphore_mem>>)
      } else {
      }
      %dma_wait3A_244 = arith.constant 0 : i32
      %dma_wait3A_245 = arith.constant 0 : i32
      %dma_wait3A_246 = tpu.memref_slice %arg15[%dma_wait3A_244, %dma_wait3A_245] : memref<80x128xf32, #tpu.memory_space<vmem>> -> memref<40x128xf32, #tpu.memory_space<vmem>>
      %dma_wait3A_247 = arith.constant 0 : i32
      %dma_wait3A_248 = tpu.memref_slice %arg9[%dma_wait3A_247] : memref<7040xi32, #tpu.memory_space<vmem>> -> memref<40xi32, #tpu.memory_space<vmem>>
      %dma_wait3A_249 = arith.constant 0 : i32
      %dma_wait3A_250 = arith.constant 0 : i32
      %dma_wait3A_251 = tpu.memref_slice %arg2[%dma_wait3A_249, %dma_wait3A_250] : memref<10000x128xf32, #tpu.memory_space<hbm>> -> memref<10000x128xf32, #tpu.memory_space<hbm>>
      tpu.wait_indirect_dma semaphore(%arg20 : memref<!tpu.dma_semaphore, #tpu.memory_space<semaphore_mem>>) src(%dma_wait3A_251 : memref<10000x128xf32, #tpu.memory_space<hbm>>) dst(%dma_wait3A_246 : memref<40x128xf32, #tpu.memory_space<vmem>>)
      %dma_wait3A_252 = arith.constant 40 : i32
      %dma_wait3A_253 = arith.constant 0 : i32
      %dma_wait3A_254 = tpu.memref_slice %arg15[%dma_wait3A_252, %dma_wait3A_253] : memref<80x128xf32, #tpu.memory_space<vmem>> -> memref<40x128xf32, #tpu.memory_space<vmem>>
      %dma_wait3A_255 = arith.constant 0 : i32
      %dma_wait3A_256 = tpu.memref_slice %arg9[%dma_wait3A_255] : memref<7040xi32, #tpu.memory_space<vmem>> -> memref<40xi32, #tpu.memory_space<vmem>>
      %dma_wait3A_257 = arith.constant 0 : i32
      %dma_wait3A_258 = arith.constant 0 : i32
      %dma_wait3A_259 = tpu.memref_slice %arg2[%dma_wait3A_257, %dma_wait3A_258] : memref<10000x128xf32, #tpu.memory_space<hbm>> -> memref<10000x128xf32, #tpu.memory_space<hbm>>
      tpu.wait_indirect_dma semaphore(%arg20 : memref<!tpu.dma_semaphore, #tpu.memory_space<semaphore_mem>>) src(%dma_wait3A_259 : memref<10000x128xf32, #tpu.memory_space<hbm>>) dst(%dma_wait3A_254 : memref<40x128xf32, #tpu.memory_space<vmem>>)
      %dma_wait3A_260 = arith.constant 0 : i32
      %dma_wait3A_261 = arith.constant 0 : i32
      %dma_wait3A_262 = tpu.memref_slice %arg3[%dma_wait3A_260, %dma_wait3A_261] : memref<112640x128xi32, #tpu.memory_space<hbm>> -> memref<40x128xi32, #tpu.memory_space<hbm>>
      %dma_wait3A_263 = arith.constant 0 : i32
      %dma_wait3A_264 = arith.constant 0 : i32
      %dma_wait3A_265 = tpu.memref_slice %arg3[%dma_wait3A_263, %dma_wait3A_264] : memref<112640x128xi32, #tpu.memory_space<hbm>> -> memref<40x128xi32, #tpu.memory_space<hbm>>
      tpu.wait_dma2 semaphore(%arg22 : memref<!tpu.dma_semaphore, #tpu.memory_space<semaphore_mem>>) src(%dma_wait3A_265 : memref<40x128xi32, #tpu.memory_space<hbm>>) dst(%arg17 : memref<40x128xi32, #tpu.memory_space<vmem>>)
      %dma_wait3A_266 = arith.constant 1 : i32
      %dma_wait3A_267 = arith.constant 0 : i32
      %dma_wait3A_268 = tpu.memref_slice %arg12[%dma_wait3A_266, %dma_wait3A_267] : memref<2x56xf32, #tpu.memory_space<vmem>> -> memref<1x40xf32, #tpu.memory_space<vmem>>
      %dma_wait3A_269 = tpu.memref_squeeze %dma_wait3A_268 : memref<1x40xf32, #tpu.memory_space<vmem>> -> memref<40xf32, #tpu.memory_space<vmem>>
      %dma_wait3A_270 = arith.constant 0 : i32
      %dma_wait3A_271 = tpu.memref_slice %arg6[%dma_wait3A_270] : memref<320000xf32, #tpu.memory_space<hbm>> -> memref<40xf32, #tpu.memory_space<hbm>>
      %dma_wait3A_272 = arith.constant 0 : i32
      %dma_wait3A_273 = tpu.memref_slice %arg12[%dma_wait3A_266, %dma_wait3A_272] : memref<2x56xf32, #tpu.memory_space<vmem>> -> memref<1x40xf32, #tpu.memory_space<vmem>>
      %dma_wait3A_274 = tpu.memref_squeeze %dma_wait3A_273 : memref<1x40xf32, #tpu.memory_space<vmem>> -> memref<40xf32, #tpu.memory_space<vmem>>
      %dma_wait3A_275 = arith.constant 0 : i32
      %dma_wait3A_276 = tpu.memref_slice %arg6[%dma_wait3A_275] : memref<320000xf32, #tpu.memory_space<hbm>> -> memref<40xf32, #tpu.memory_space<hbm>>
      tpu.wait_dma2 semaphore(%arg26 : memref<!tpu.dma_semaphore, #tpu.memory_space<semaphore_mem>>) src(%dma_wait3A_276 : memref<40xf32, #tpu.memory_space<hbm>>) dst(%dma_wait3A_274 : memref<40xf32, #tpu.memory_space<vmem>>)
      %dma_wait3A_277 = arith.constant 1 : i32
      %dma_wait3A_278 = arith.constant 0 : i32
      %dma_wait3A_279 = tpu.memref_slice %arg12[%dma_wait3A_277, %dma_wait3A_278] : memref<2x56xf32, #tpu.memory_space<vmem>> -> memref<1x40xf32, #tpu.memory_space<vmem>>
      %dma_wait3A_280 = tpu.memref_squeeze %dma_wait3A_279 : memref<1x40xf32, #tpu.memory_space<vmem>> -> memref<40xf32, #tpu.memory_space<vmem>>
      %dma_wait3A_281 = arith.constant 0 : i32
      %dma_wait3A_282 = tpu.memref_slice %arg6[%dma_wait3A_281] : memref<320000xf32, #tpu.memory_space<hbm>> -> memref<40xf32, #tpu.memory_space<hbm>>
      %dma_wait3A_283 = arith.constant 0 : i32
      %dma_wait3A_284 = tpu.memref_slice %arg12[%dma_wait3A_277, %dma_wait3A_283] : memref<2x56xf32, #tpu.memory_space<vmem>> -> memref<1x40xf32, #tpu.memory_space<vmem>>
      %dma_wait3A_285 = tpu.memref_squeeze %dma_wait3A_284 : memref<1x40xf32, #tpu.memory_space<vmem>> -> memref<40xf32, #tpu.memory_space<vmem>>
      %dma_wait3A_286 = arith.constant 0 : i32
      %dma_wait3A_287 = tpu.memref_slice %arg6[%dma_wait3A_286] : memref<320000xf32, #tpu.memory_space<hbm>> -> memref<40xf32, #tpu.memory_space<hbm>>
      tpu.wait_dma2 semaphore(%arg26 : memref<!tpu.dma_semaphore, #tpu.memory_space<semaphore_mem>>) src(%dma_wait3A_287 : memref<40xf32, #tpu.memory_space<hbm>>) dst(%dma_wait3A_285 : memref<40xf32, #tpu.memory_space<vmem>>)
      %dma_wait3A_288 = arith.constant 1 : i32
      %dma_wait3A_289 = arith.constant 0 : i32
      %dma_wait3A_290 = tpu.memref_slice %arg12[%dma_wait3A_288, %dma_wait3A_289] : memref<2x56xf32, #tpu.memory_space<vmem>> -> memref<1x40xf32, #tpu.memory_space<vmem>>
      %dma_wait3A_291 = tpu.memref_squeeze %dma_wait3A_290 : memref<1x40xf32, #tpu.memory_space<vmem>> -> memref<40xf32, #tpu.memory_space<vmem>>
      %dma_wait3A_292 = arith.constant 0 : i32
      %dma_wait3A_293 = tpu.memref_slice %arg6[%dma_wait3A_292] : memref<320000xf32, #tpu.memory_space<hbm>> -> memref<40xf32, #tpu.memory_space<hbm>>
      %dma_wait3A_294 = arith.constant 0 : i32
      %dma_wait3A_295 = tpu.memref_slice %arg12[%dma_wait3A_288, %dma_wait3A_294] : memref<2x56xf32, #tpu.memory_space<vmem>> -> memref<1x40xf32, #tpu.memory_space<vmem>>
      %dma_wait3A_296 = tpu.memref_squeeze %dma_wait3A_295 : memref<1x40xf32, #tpu.memory_space<vmem>> -> memref<40xf32, #tpu.memory_space<vmem>>
      %dma_wait3A_297 = arith.constant 0 : i32
      %dma_wait3A_298 = tpu.memref_slice %arg6[%dma_wait3A_297] : memref<320000xf32, #tpu.memory_space<hbm>> -> memref<40xf32, #tpu.memory_space<hbm>>
      tpu.wait_dma2 semaphore(%arg26 : memref<!tpu.dma_semaphore, #tpu.memory_space<semaphore_mem>>) src(%dma_wait3A_298 : memref<40xf32, #tpu.memory_space<hbm>>) dst(%dma_wait3A_296 : memref<40xf32, #tpu.memory_space<vmem>>)
      %dma_wait3A_299 = arith.constant 1 : i32
      %dma_wait3A_300 = arith.constant 0 : i32
      %dma_wait3A_301 = tpu.memref_slice %arg12[%dma_wait3A_299, %dma_wait3A_300] : memref<2x56xf32, #tpu.memory_space<vmem>> -> memref<1x40xf32, #tpu.memory_space<vmem>>
      %dma_wait3A_302 = tpu.memref_squeeze %dma_wait3A_301 : memref<1x40xf32, #tpu.memory_space<vmem>> -> memref<40xf32, #tpu.memory_space<vmem>>
      %dma_wait3A_303 = arith.constant 0 : i32
      %dma_wait3A_304 = tpu.memref_slice %arg6[%dma_wait3A_303] : memref<320000xf32, #tpu.memory_space<hbm>> -> memref<40xf32, #tpu.memory_space<hbm>>
      %dma_wait3A_305 = arith.constant 0 : i32
      %dma_wait3A_306 = tpu.memref_slice %arg12[%dma_wait3A_299, %dma_wait3A_305] : memref<2x56xf32, #tpu.memory_space<vmem>> -> memref<1x40xf32, #tpu.memory_space<vmem>>
      %dma_wait3A_307 = tpu.memref_squeeze %dma_wait3A_306 : memref<1x40xf32, #tpu.memory_space<vmem>> -> memref<40xf32, #tpu.memory_space<vmem>>
      %dma_wait3A_308 = arith.constant 0 : i32
      %dma_wait3A_309 = tpu.memref_slice %arg6[%dma_wait3A_308] : memref<320000xf32, #tpu.memory_space<hbm>> -> memref<40xf32, #tpu.memory_space<hbm>>
      tpu.wait_dma2 semaphore(%arg26 : memref<!tpu.dma_semaphore, #tpu.memory_space<semaphore_mem>>) src(%dma_wait3A_309 : memref<40xf32, #tpu.memory_space<hbm>>) dst(%dma_wait3A_307 : memref<40xf32, #tpu.memory_space<vmem>>)
      %broadcast_in_dim3A_310 = arith.constant 0 : i32
      %broadcast_in_dim3A_311 = vector.broadcast %broadcast_in_dim3A_310 : i32 to vector<16x1xi32>
      %scan3A_312 = arith.constant 0 : i32
      %scan3A_313 = arith.constant 0 : i32
      %scan3A_314 = arith.constant 40 : i32
      %scan3A_315 = arith.addi %scan3A_313, %scan3A_314 : i32
      %scan3A_316 = arith.constant 1 : i32
      scf.for %scan3A_338 = %scan3A_313 to %scan3A_315 step %scan3A_316  : i32 {
        %add3A_339 = arith.constant 0 : i32
        %add3A_340 = arith.addi %add3A_339, %scan3A_338 : i32
        %get3A = arith.constant 1 : i32
        %get3A_341 = arith.index_cast %get3A : i32 to index
        %get3A_342 = arith.index_cast %scan3A_338 : i32 to index
        %get3A_343 = tpu.vector_load %arg12[%get3A_341, %get3A_342] {strides = array<i32>} : memref<2x56xf32, #tpu.memory_space<vmem>>, vector<1x16xf32>,
        %get3A_344 = vector.shape_cast %get3A_343 : vector<1x16xf32> to vector<16xf32>
        %gather3A = vector.shape_cast %broadcast_in_dim3A_311 : vector<16x1xi32> to vector<16xi32>
        %gather3A_345 = tpu.dynamic_gather %get3A_344[%gather3A] in [0] : vector<16xf32>, vector<16xi32> -> vector<16xf32>
        %get3A_346 = arith.index_cast %scan3A_338 : i32 to index
        %get3A_347 = arith.constant 0 : index
        %get3A_348 = tpu.vector_load %arg17[%get3A_346, %get3A_347] {strides = array<i32>} : memref<40x128xi32, #tpu.memory_space<vmem>>, vector<1x16xi32>,
        %get3A_349 = vector.shape_cast %get3A_348 : vector<1x16xi32> to vector<16xi32>
        %bitcast_convert_type3A = tpu.bitcast %get3A_349 : vector<16xi32> -> vector<16xi32>
        %shift_left3A = arith.constant 16 : i32
        %shift_left3A_350 = vector.broadcast %shift_left3A : i32 to vector<16xi32>
        %shift_left3A_351 = arith.shli %bitcast_convert_type3A, %shift_left3A_350 : vector<16xi32>
        %bitcast_convert_type3A_352 = tpu.bitcast %shift_left3A_351 : vector<16xi32> -> vector<16xf32>
        %mul3A_353 = arith.mulf %bitcast_convert_type3A_352, %gather3A_345 : vector<16xf32>
        %and3A = arith.constant -65536 : i32
        %and3A_354 = vector.broadcast %and3A : i32 to vector<16xi32>
        %and3A_355 = arith.andi %bitcast_convert_type3A, %and3A_354 : vector<16xi32>
        %bitcast_convert_type3A_356 = tpu.bitcast %and3A_355 : vector<16xi32> -> vector<16xf32>
        %mul3A_357 = arith.mulf %bitcast_convert_type3A_356, %gather3A_345 : vector<16xf32>
        %get3A_358 = arith.index_cast %add3A_340 : i32 to index
        %get3A_359 = arith.constant 0 : index
        %get3A_360 = tpu.vector_load %arg15[%get3A_358, %get3A_359] {strides = array<i32>} : memref<80x128xf32, #tpu.memory_space<vmem>>, vector<1x16xf32>,
        %get3A_361 = vector.shape_cast %get3A_360 : vector<1x16xf32> to vector<16xf32>
        %mul3A_362 = arith.mulf %get3A_361, %mul3A_353 : vector<16xf32>
        %swap3A = arith.index_cast %add3A_340 : i32 to index
        %swap3A_363 = arith.constant 0 : index
        %swap3A_364 = tpu.vector_load %arg15[%swap3A, %swap3A_363] {strides = array<i32>} : memref<80x128xf32, #tpu.memory_space<vmem>>, vector<1x16xf32>,
        %swap3A_365 = vector.shape_cast %swap3A_364 : vector<1x16xf32> to vector<16xf32>
        %swap3A_366 = vector.shape_cast %mul3A_362 : vector<16xf32> to vector<1x16xf32>
        tpu.vector_store %arg15[%swap3A, %swap3A_363], %swap3A_366 {strides = array<i32>} : memref<80x128xf32, #tpu.memory_space<vmem>>, vector<1x16xf32>,
        %get3A_367 = arith.index_cast %add3A_340 : i32 to index
        %get3A_368 = arith.constant 16 : index
        %get3A_369 = tpu.vector_load %arg15[%get3A_367, %get3A_368] {strides = array<i32>} : memref<80x128xf32, #tpu.memory_space<vmem>>, vector<1x16xf32>,
        %get3A_370 = vector.shape_cast %get3A_369 : vector<1x16xf32> to vector<16xf32>
        %mul3A_371 = arith.mulf %get3A_370, %mul3A_357 : vector<16xf32>
        %swap3A_372 = arith.index_cast %add3A_340 : i32 to index
        %swap3A_373 = arith.constant 16 : index
        %swap3A_374 = tpu.vector_load %arg15[%swap3A_372, %swap3A_373] {strides = array<i32>} : memref<80x128xf32, #tpu.memory_space<vmem>>, vector<1x16xf32>,
        %swap3A_375 = vector.shape_cast %swap3A_374 : vector<1x16xf32> to vector<16xf32>
        %swap3A_376 = vector.shape_cast %mul3A_371 : vector<16xf32> to vector<1x16xf32>
        tpu.vector_store %arg15[%swap3A_372, %swap3A_373], %swap3A_376 {strides = array<i32>} : memref<80x128xf32, #tpu.memory_space<vmem>>, vector<1x16xf32>,
        %get3A_377 = arith.index_cast %scan3A_338 : i32 to index
        %get3A_378 = arith.constant 16 : index
        %get3A_379 = tpu.vector_load %arg17[%get3A_377, %get3A_378] {strides = array<i32>} : memref<40x128xi32, #tpu.memory_space<vmem>>, vector<1x16xi32>,
        %get3A_380 = vector.shape_cast %get3A_379 : vector<1x16xi32> to vector<16xi32>
        %bitcast_convert_type3A_381 = tpu.bitcast %get3A_380 : vector<16xi32> -> vector<16xi32>
        %shift_left3A_382 = arith.constant 16 : i32
        %shift_left3A_383 = vector.broadcast %shift_left3A_382 : i32 to vector<16xi32>
        %shift_left3A_384 = arith.shli %bitcast_convert_type3A_381, %shift_left3A_383 : vector<16xi32>
        %bitcast_convert_type3A_385 = tpu.bitcast %shift_left3A_384 : vector<16xi32> -> vector<16xf32>
        %mul3A_386 = arith.mulf %bitcast_convert_type3A_385, %gather3A_345 : vector<16xf32>
        %and3A_387 = arith.constant -65536 : i32
        %and3A_388 = vector.broadcast %and3A_387 : i32 to vector<16xi32>
        %and3A_389 = arith.andi %bitcast_convert_type3A_381, %and3A_388 : vector<16xi32>
        %bitcast_convert_type3A_390 = tpu.bitcast %and3A_389 : vector<16xi32> -> vector<16xf32>
        %mul3A_391 = arith.mulf %bitcast_convert_type3A_390, %gather3A_345 : vector<16xf32>
        %get3A_392 = arith.index_cast %add3A_340 : i32 to index
        %get3A_393 = arith.constant 32 : index
        %get3A_394 = tpu.vector_load %arg15[%get3A_392, %get3A_393] {strides = array<i32>} : memref<80x128xf32, #tpu.memory_space<vmem>>, vector<1x16xf32>,
        %get3A_395 = vector.shape_cast %get3A_394 : vector<1x16xf32> to vector<16xf32>
        %mul3A_396 = arith.mulf %get3A_395, %mul3A_386 : vector<16xf32>
        %swap3A_397 = arith.index_cast %add3A_340 : i32 to index
        %swap3A_398 = arith.constant 32 : index
        %swap3A_399 = tpu.vector_load %arg15[%swap3A_397, %swap3A_398] {strides = array<i32>} : memref<80x128xf32, #tpu.memory_space<vmem>>, vector<1x16xf32>,
        %swap3A_400 = vector.shape_cast %swap3A_399 : vector<1x16xf32> to vector<16xf32>
        %swap3A_401 = vector.shape_cast %mul3A_396 : vector<16xf32> to vector<1x16xf32>
        tpu.vector_store %arg15[%swap3A_397, %swap3A_398], %swap3A_401 {strides = array<i32>} : memref<80x128xf32, #tpu.memory_space<vmem>>, vector<1x16xf32>,
        %get3A_402 = arith.index_cast %add3A_340 : i32 to index
        %get3A_403 = arith.constant 48 : index
        %get3A_404 = tpu.vector_load %arg15[%get3A_402, %get3A_403] {strides = array<i32>} : memref<80x128xf32, #tpu.memory_space<vmem>>, vector<1x16xf32>,
        %get3A_405 = vector.shape_cast %get3A_404 : vector<1x16xf32> to vector<16xf32>
        %mul3A_406 = arith.mulf %get3A_405, %mul3A_391 : vector<16xf32>
        %swap3A_407 = arith.index_cast %add3A_340 : i32 to index
        %swap3A_408 = arith.constant 48 : index
        %swap3A_409 = tpu.vector_load %arg15[%swap3A_407, %swap3A_408] {strides = array<i32>} : memref<80x128xf32, #tpu.memory_space<vmem>>, vector<1x16xf32>,
        %swap3A_410 = vector.shape_cast %swap3A_409 : vector<1x16xf32> to vector<16xf32>
        %swap3A_411 = vector.shape_cast %mul3A_406 : vector<16xf32> to vector<1x16xf32>
        tpu.vector_store %arg15[%swap3A_407, %swap3A_408], %swap3A_411 {strides = array<i32>} : memref<80x128xf32, #tpu.memory_space<vmem>>, vector<1x16xf32>,
        %get3A_412 = arith.index_cast %scan3A_338 : i32 to index
        %get3A_413 = arith.constant 32 : index
        %get3A_414 = tpu.vector_load %arg17[%get3A_412, %get3A_413] {strides = array<i32>} : memref<40x128xi32, #tpu.memory_space<vmem>>, vector<1x16xi32>,
        %get3A_415 = vector.shape_cast %get3A_414 : vector<1x16xi32> to vector<16xi32>
        %bitcast_convert_type3A_416 = tpu.bitcast %get3A_415 : vector<16xi32> -> vector<16xi32>
        %shift_left3A_417 = arith.constant 16 : i32
        %shift_left3A_418 = vector.broadcast %shift_left3A_417 : i32 to vector<16xi32>
        %shift_left3A_419 = arith.shli %bitcast_convert_type3A_416, %shift_left3A_418 : vector<16xi32>
        %bitcast_convert_type3A_420 = tpu.bitcast %shift_left3A_419 : vector<16xi32> -> vector<16xf32>
        %mul3A_421 = arith.mulf %bitcast_convert_type3A_420, %gather3A_345 : vector<16xf32>
        %and3A_422 = arith.constant -65536 : i32
        %and3A_423 = vector.broadcast %and3A_422 : i32 to vector<16xi32>
        %and3A_424 = arith.andi %bitcast_convert_type3A_416, %and3A_423 : vector<16xi32>
        %bitcast_convert_type3A_425 = tpu.bitcast %and3A_424 : vector<16xi32> -> vector<16xf32>
        %mul3A_426 = arith.mulf %bitcast_convert_type3A_425, %gather3A_345 : vector<16xf32>
        %get3A_427 = arith.index_cast %add3A_340 : i32 to index
        %get3A_428 = arith.constant 64 : index
        %get3A_429 = tpu.vector_load %arg15[%get3A_427, %get3A_428] {strides = array<i32>} : memref<80x128xf32, #tpu.memory_space<vmem>>, vector<1x16xf32>,
        %get3A_430 = vector.shape_cast %get3A_429 : vector<1x16xf32> to vector<16xf32>
        %mul3A_431 = arith.mulf %get3A_430, %mul3A_421 : vector<16xf32>
        %swap3A_432 = arith.index_cast %add3A_340 : i32 to index
        %swap3A_433 = arith.constant 64 : index
        %swap3A_434 = tpu.vector_load %arg15[%swap3A_432, %swap3A_433] {strides = array<i32>} : memref<80x128xf32, #tpu.memory_space<vmem>>, vector<1x16xf32>,
        %swap3A_435 = vector.shape_cast %swap3A_434 : vector<1x16xf32> to vector<16xf32>
        %swap3A_436 = vector.shape_cast %mul3A_431 : vector<16xf32> to vector<1x16xf32>
        tpu.vector_store %arg15[%swap3A_432, %swap3A_433], %swap3A_436 {strides = array<i32>} : memref<80x128xf32, #tpu.memory_space<vmem>>, vector<1x16xf32>,
        %get3A_437 = arith.index_cast %add3A_340 : i32 to index
        %get3A_438 = arith.constant 80 : index
        %get3A_439 = tpu.vector_load %arg15[%get3A_437, %get3A_438] {strides = array<i32>} : memref<80x128xf32, #tpu.memory_space<vmem>>, vector<1x16xf32>,
        %get3A_440 = vector.shape_cast %get3A_439 : vector<1x16xf32> to vector<16xf32>
        %mul3A_441 = arith.mulf %get3A_440, %mul3A_426 : vector<16xf32>
        %swap3A_442 = arith.index_cast %add3A_340 : i32 to index
        %swap3A_443 = arith.constant 80 : index
        %swap3A_444 = tpu.vector_load %arg15[%swap3A_442, %swap3A_443] {strides = array<i32>} : memref<80x128xf32, #tpu.memory_space<vmem>>, vector<1x16xf32>,
        %swap3A_445 = vector.shape_cast %swap3A_444 : vector<1x16xf32> to vector<16xf32>
        %swap3A_446 = vector.shape_cast %mul3A_441 : vector<16xf32> to vector<1x16xf32>
        tpu.vector_store %arg15[%swap3A_442, %swap3A_443], %swap3A_446 {strides = array<i32>} : memref<80x128xf32, #tpu.memory_space<vmem>>, vector<1x16xf32>,
        %get3A_447 = arith.index_cast %scan3A_338 : i32 to index
        %get3A_448 = arith.constant 48 : index
        %get3A_449 = tpu.vector_load %arg17[%get3A_447, %get3A_448] {strides = array<i32>} : memref<40x128xi32, #tpu.memory_space<vmem>>, vector<1x16xi32>,
        %get3A_450 = vector.shape_cast %get3A_449 : vector<1x16xi32> to vector<16xi32>
        %bitcast_convert_type3A_451 = tpu.bitcast %get3A_450 : vector<16xi32> -> vector<16xi32>
        %shift_left3A_452 = arith.constant 16 : i32
        %shift_left3A_453 = vector.broadcast %shift_left3A_452 : i32 to vector<16xi32>
        %shift_left3A_454 = arith.shli %bitcast_convert_type3A_451, %shift_left3A_453 : vector<16xi32>
        %bitcast_convert_type3A_455 = tpu.bitcast %shift_left3A_454 : vector<16xi32> -> vector<16xf32>
        %mul3A_456 = arith.mulf %bitcast_convert_type3A_455, %gather3A_345 : vector<16xf32>
        %and3A_457 = arith.constant -65536 : i32
        %and3A_458 = vector.broadcast %and3A_457 : i32 to vector<16xi32>
        %and3A_459 = arith.andi %bitcast_convert_type3A_451, %and3A_458 : vector<16xi32>
        %bitcast_convert_type3A_460 = tpu.bitcast %and3A_459 : vector<16xi32> -> vector<16xf32>
        %mul3A_461 = arith.mulf %bitcast_convert_type3A_460, %gather3A_345 : vector<16xf32>
        %get3A_462 = arith.index_cast %add3A_340 : i32 to index
        %get3A_463 = arith.constant 96 : index
        %get3A_464 = tpu.vector_load %arg15[%get3A_462, %get3A_463] {strides = array<i32>} : memref<80x128xf32, #tpu.memory_space<vmem>>, vector<1x16xf32>,
        %get3A_465 = vector.shape_cast %get3A_464 : vector<1x16xf32> to vector<16xf32>
        %mul3A_466 = arith.mulf %get3A_465, %mul3A_456 : vector<16xf32>
        %swap3A_467 = arith.index_cast %add3A_340 : i32 to index
        %swap3A_468 = arith.constant 96 : index
        %swap3A_469 = tpu.vector_load %arg15[%swap3A_467, %swap3A_468] {strides = array<i32>} : memref<80x128xf32, #tpu.memory_space<vmem>>, vector<1x16xf32>,
        %swap3A_470 = vector.shape_cast %swap3A_469 : vector<1x16xf32> to vector<16xf32>
        %swap3A_471 = vector.shape_cast %mul3A_466 : vector<16xf32> to vector<1x16xf32>
        tpu.vector_store %arg15[%swap3A_467, %swap3A_468], %swap3A_471 {strides = array<i32>} : memref<80x128xf32, #tpu.memory_space<vmem>>, vector<1x16xf32>,
        %get3A_472 = arith.index_cast %add3A_340 : i32 to index
        %get3A_473 = arith.constant 112 : index
        %get3A_474 = tpu.vector_load %arg15[%get3A_472, %get3A_473] {strides = array<i32>} : memref<80x128xf32, #tpu.memory_space<vmem>>, vector<1x16xf32>,
        %get3A_475 = vector.shape_cast %get3A_474 : vector<1x16xf32> to vector<16xf32>
        %mul3A_476 = arith.mulf %get3A_475, %mul3A_461 : vector<16xf32>
        %swap3A_477 = arith.index_cast %add3A_340 : i32 to index
        %swap3A_478 = arith.constant 112 : index
        %swap3A_479 = tpu.vector_load %arg15[%swap3A_477, %swap3A_478] {strides = array<i32>} : memref<80x128xf32, #tpu.memory_space<vmem>>, vector<1x16xf32>,
        %swap3A_480 = vector.shape_cast %swap3A_479 : vector<1x16xf32> to vector<16xf32>
        %swap3A_481 = vector.shape_cast %mul3A_476 : vector<16xf32> to vector<1x16xf32>
        tpu.vector_store %arg15[%swap3A_477, %swap3A_478], %swap3A_481 {strides = array<i32>} : memref<80x128xf32, #tpu.memory_space<vmem>>, vector<1x16xf32>,
        %add3A_482 = arith.constant 40 : i32
        %add3A_483 = arith.addi %add3A_482, %scan3A_338 : i32
        %get3A_484 = arith.constant 1 : i32
        %get3A_485 = arith.index_cast %get3A_484 : i32 to index
        %get3A_486 = arith.index_cast %scan3A_338 : i32 to index
        %get3A_487 = tpu.vector_load %arg13[%get3A_485, %get3A_486] {strides = array<i32>} : memref<2x56xf32, #tpu.memory_space<vmem>>, vector<1x16xf32>,
        %get3A_488 = vector.shape_cast %get3A_487 : vector<1x16xf32> to vector<16xf32>
        %gather3A_489 = vector.shape_cast %broadcast_in_dim3A_311 : vector<16x1xi32> to vector<16xi32>
        %gather3A_490 = tpu.dynamic_gather %get3A_488[%gather3A_489] in [0] : vector<16xf32>, vector<16xi32> -> vector<16xf32>
        %get3A_491 = arith.index_cast %scan3A_338 : i32 to index
        %get3A_492 = arith.constant 64 : index
        %get3A_493 = tpu.vector_load %arg17[%get3A_491, %get3A_492] {strides = array<i32>} : memref<40x128xi32, #tpu.memory_space<vmem>>, vector<1x16xi32>,
        %get3A_494 = vector.shape_cast %get3A_493 : vector<1x16xi32> to vector<16xi32>
        %bitcast_convert_type3A_495 = tpu.bitcast %get3A_494 : vector<16xi32> -> vector<16xi32>
        %shift_left3A_496 = arith.constant 16 : i32
        %shift_left3A_497 = vector.broadcast %shift_left3A_496 : i32 to vector<16xi32>
        %shift_left3A_498 = arith.shli %bitcast_convert_type3A_495, %shift_left3A_497 : vector<16xi32>
        %bitcast_convert_type3A_499 = tpu.bitcast %shift_left3A_498 : vector<16xi32> -> vector<16xf32>
        %mul3A_500 = arith.mulf %bitcast_convert_type3A_499, %gather3A_490 : vector<16xf32>
        %and3A_501 = arith.constant -65536 : i32
        %and3A_502 = vector.broadcast %and3A_501 : i32 to vector<16xi32>
        %and3A_503 = arith.andi %bitcast_convert_type3A_495, %and3A_502 : vector<16xi32>
        %bitcast_convert_type3A_504 = tpu.bitcast %and3A_503 : vector<16xi32> -> vector<16xf32>
        %mul3A_505 = arith.mulf %bitcast_convert_type3A_504, %gather3A_490 : vector<16xf32>
        %get3A_506 = arith.index_cast %add3A_483 : i32 to index
        %get3A_507 = arith.constant 0 : index
        %get3A_508 = tpu.vector_load %arg15[%get3A_506, %get3A_507] {strides = array<i32>} : memref<80x128xf32, #tpu.memory_space<vmem>>, vector<1x16xf32>,
        %get3A_509 = vector.shape_cast %get3A_508 : vector<1x16xf32> to vector<16xf32>
        %mul3A_510 = arith.mulf %get3A_509, %mul3A_500 : vector<16xf32>
        %swap3A_511 = arith.index_cast %add3A_483 : i32 to index
        %swap3A_512 = arith.constant 0 : index
        %swap3A_513 = tpu.vector_load %arg15[%swap3A_511, %swap3A_512] {strides = array<i32>} : memref<80x128xf32, #tpu.memory_space<vmem>>, vector<1x16xf32>,
        %swap3A_514 = vector.shape_cast %swap3A_513 : vector<1x16xf32> to vector<16xf32>
        %swap3A_515 = vector.shape_cast %mul3A_510 : vector<16xf32> to vector<1x16xf32>
        tpu.vector_store %arg15[%swap3A_511, %swap3A_512], %swap3A_515 {strides = array<i32>} : memref<80x128xf32, #tpu.memory_space<vmem>>, vector<1x16xf32>,
        %get3A_516 = arith.index_cast %add3A_483 : i32 to index
        %get3A_517 = arith.constant 16 : index
        %get3A_518 = tpu.vector_load %arg15[%get3A_516, %get3A_517] {strides = array<i32>} : memref<80x128xf32, #tpu.memory_space<vmem>>, vector<1x16xf32>,
        %get3A_519 = vector.shape_cast %get3A_518 : vector<1x16xf32> to vector<16xf32>
        %mul3A_520 = arith.mulf %get3A_519, %mul3A_505 : vector<16xf32>
        %swap3A_521 = arith.index_cast %add3A_483 : i32 to index
        %swap3A_522 = arith.constant 16 : index
        %swap3A_523 = tpu.vector_load %arg15[%swap3A_521, %swap3A_522] {strides = array<i32>} : memref<80x128xf32, #tpu.memory_space<vmem>>, vector<1x16xf32>,
        %swap3A_524 = vector.shape_cast %swap3A_523 : vector<1x16xf32> to vector<16xf32>
        %swap3A_525 = vector.shape_cast %mul3A_520 : vector<16xf32> to vector<1x16xf32>
        tpu.vector_store %arg15[%swap3A_521, %swap3A_522], %swap3A_525 {strides = array<i32>} : memref<80x128xf32, #tpu.memory_space<vmem>>, vector<1x16xf32>,
        %get3A_526 = arith.index_cast %scan3A_338 : i32 to index
        %get3A_527 = arith.constant 80 : index
        %get3A_528 = tpu.vector_load %arg17[%get3A_526, %get3A_527] {strides = array<i32>} : memref<40x128xi32, #tpu.memory_space<vmem>>, vector<1x16xi32>,
        %get3A_529 = vector.shape_cast %get3A_528 : vector<1x16xi32> to vector<16xi32>
        %bitcast_convert_type3A_530 = tpu.bitcast %get3A_529 : vector<16xi32> -> vector<16xi32>
        %shift_left3A_531 = arith.constant 16 : i32
        %shift_left3A_532 = vector.broadcast %shift_left3A_531 : i32 to vector<16xi32>
        %shift_left3A_533 = arith.shli %bitcast_convert_type3A_530, %shift_left3A_532 : vector<16xi32>
        %bitcast_convert_type3A_534 = tpu.bitcast %shift_left3A_533 : vector<16xi32> -> vector<16xf32>
        %mul3A_535 = arith.mulf %bitcast_convert_type3A_534, %gather3A_490 : vector<16xf32>
        %and3A_536 = arith.constant -65536 : i32
        %and3A_537 = vector.broadcast %and3A_536 : i32 to vector<16xi32>
        %and3A_538 = arith.andi %bitcast_convert_type3A_530, %and3A_537 : vector<16xi32>
        %bitcast_convert_type3A_539 = tpu.bitcast %and3A_538 : vector<16xi32> -> vector<16xf32>
        %mul3A_540 = arith.mulf %bitcast_convert_type3A_539, %gather3A_490 : vector<16xf32>
        %get3A_541 = arith.index_cast %add3A_483 : i32 to index
        %get3A_542 = arith.constant 32 : index
        %get3A_543 = tpu.vector_load %arg15[%get3A_541, %get3A_542] {strides = array<i32>} : memref<80x128xf32, #tpu.memory_space<vmem>>, vector<1x16xf32>,
        %get3A_544 = vector.shape_cast %get3A_543 : vector<1x16xf32> to vector<16xf32>
        %mul3A_545 = arith.mulf %get3A_544, %mul3A_535 : vector<16xf32>
        %swap3A_546 = arith.index_cast %add3A_483 : i32 to index
        %swap3A_547 = arith.constant 32 : index
        %swap3A_548 = tpu.vector_load %arg15[%swap3A_546, %swap3A_547] {strides = array<i32>} : memref<80x128xf32, #tpu.memory_space<vmem>>, vector<1x16xf32>,
        %swap3A_549 = vector.shape_cast %swap3A_548 : vector<1x16xf32> to vector<16xf32>
        %swap3A_550 = vector.shape_cast %mul3A_545 : vector<16xf32> to vector<1x16xf32>
        tpu.vector_store %arg15[%swap3A_546, %swap3A_547], %swap3A_550 {strides = array<i32>} : memref<80x128xf32, #tpu.memory_space<vmem>>, vector<1x16xf32>,
        %get3A_551 = arith.index_cast %add3A_483 : i32 to index
        %get3A_552 = arith.constant 48 : index
        %get3A_553 = tpu.vector_load %arg15[%get3A_551, %get3A_552] {strides = array<i32>} : memref<80x128xf32, #tpu.memory_space<vmem>>, vector<1x16xf32>,
        %get3A_554 = vector.shape_cast %get3A_553 : vector<1x16xf32> to vector<16xf32>
        %mul3A_555 = arith.mulf %get3A_554, %mul3A_540 : vector<16xf32>
        %swap3A_556 = arith.index_cast %add3A_483 : i32 to index
        %swap3A_557 = arith.constant 48 : index
        %swap3A_558 = tpu.vector_load %arg15[%swap3A_556, %swap3A_557] {strides = array<i32>} : memref<80x128xf32, #tpu.memory_space<vmem>>, vector<1x16xf32>,
        %swap3A_559 = vector.shape_cast %swap3A_558 : vector<1x16xf32> to vector<16xf32>
        %swap3A_560 = vector.shape_cast %mul3A_555 : vector<16xf32> to vector<1x16xf32>
        tpu.vector_store %arg15[%swap3A_556, %swap3A_557], %swap3A_560 {strides = array<i32>} : memref<80x128xf32, #tpu.memory_space<vmem>>, vector<1x16xf32>,
        %get3A_561 = arith.index_cast %scan3A_338 : i32 to index
        %get3A_562 = arith.constant 96 : index
        %get3A_563 = tpu.vector_load %arg17[%get3A_561, %get3A_562] {strides = array<i32>} : memref<40x128xi32, #tpu.memory_space<vmem>>, vector<1x16xi32>,
        %get3A_564 = vector.shape_cast %get3A_563 : vector<1x16xi32> to vector<16xi32>
        %bitcast_convert_type3A_565 = tpu.bitcast %get3A_564 : vector<16xi32> -> vector<16xi32>
        %shift_left3A_566 = arith.constant 16 : i32
        %shift_left3A_567 = vector.broadcast %shift_left3A_566 : i32 to vector<16xi32>
        %shift_left3A_568 = arith.shli %bitcast_convert_type3A_565, %shift_left3A_567 : vector<16xi32>
        %bitcast_convert_type3A_569 = tpu.bitcast %shift_left3A_568 : vector<16xi32> -> vector<16xf32>
        %mul3A_570 = arith.mulf %bitcast_convert_type3A_569, %gather3A_490 : vector<16xf32>
        %and3A_571 = arith.constant -65536 : i32
        %and3A_572 = vector.broadcast %and3A_571 : i32 to vector<16xi32>
        %and3A_573 = arith.andi %bitcast_convert_type3A_565, %and3A_572 : vector<16xi32>
        %bitcast_convert_type3A_574 = tpu.bitcast %and3A_573 : vector<16xi32> -> vector<16xf32>
        %mul3A_575 = arith.mulf %bitcast_convert_type3A_574, %gather3A_490 : vector<16xf32>
        %get3A_576 = arith.index_cast %add3A_483 : i32 to index
        %get3A_577 = arith.constant 64 : index
        %get3A_578 = tpu.vector_load %arg15[%get3A_576, %get3A_577] {strides = array<i32>} : memref<80x128xf32, #tpu.memory_space<vmem>>, vector<1x16xf32>,
        %get3A_579 = vector.shape_cast %get3A_578 : vector<1x16xf32> to vector<16xf32>
        %mul3A_580 = arith.mulf %get3A_579, %mul3A_570 : vector<16xf32>
        %swap3A_581 = arith.index_cast %add3A_483 : i32 to index
        %swap3A_582 = arith.constant 64 : index
        %swap3A_583 = tpu.vector_load %arg15[%swap3A_581, %swap3A_582] {strides = array<i32>} : memref<80x128xf32, #tpu.memory_space<vmem>>, vector<1x16xf32>,
        %swap3A_584 = vector.shape_cast %swap3A_583 : vector<1x16xf32> to vector<16xf32>
        %swap3A_585 = vector.shape_cast %mul3A_580 : vector<16xf32> to vector<1x16xf32>
        tpu.vector_store %arg15[%swap3A_581, %swap3A_582], %swap3A_585 {strides = array<i32>} : memref<80x128xf32, #tpu.memory_space<vmem>>, vector<1x16xf32>,
        %get3A_586 = arith.index_cast %add3A_483 : i32 to index
        %get3A_587 = arith.constant 80 : index
        %get3A_588 = tpu.vector_load %arg15[%get3A_586, %get3A_587] {strides = array<i32>} : memref<80x128xf32, #tpu.memory_space<vmem>>, vector<1x16xf32>,
        %get3A_589 = vector.shape_cast %get3A_588 : vector<1x16xf32> to vector<16xf32>
        %mul3A_590 = arith.mulf %get3A_589, %mul3A_575 : vector<16xf32>
        %swap3A_591 = arith.index_cast %add3A_483 : i32 to index
        %swap3A_592 = arith.constant 80 : index
        %swap3A_593 = tpu.vector_load %arg15[%swap3A_591, %swap3A_592] {strides = array<i32>} : memref<80x128xf32, #tpu.memory_space<vmem>>, vector<1x16xf32>,
        %swap3A_594 = vector.shape_cast %swap3A_593 : vector<1x16xf32> to vector<16xf32>
        %swap3A_595 = vector.shape_cast %mul3A_590 : vector<16xf32> to vector<1x16xf32>
        tpu.vector_store %arg15[%swap3A_591, %swap3A_592], %swap3A_595 {strides = array<i32>} : memref<80x128xf32, #tpu.memory_space<vmem>>, vector<1x16xf32>,
        %get3A_596 = arith.index_cast %scan3A_338 : i32 to index
        %get3A_597 = arith.constant 112 : index
        %get3A_598 = tpu.vector_load %arg17[%get3A_596, %get3A_597] {strides = array<i32>} : memref<40x128xi32, #tpu.memory_space<vmem>>, vector<1x16xi32>,
        %get3A_599 = vector.shape_cast %get3A_598 : vector<1x16xi32> to vector<16xi32>
        %bitcast_convert_type3A_600 = tpu.bitcast %get3A_599 : vector<16xi32> -> vector<16xi32>
        %shift_left3A_601 = arith.constant 16 : i32
        %shift_left3A_602 = vector.broadcast %shift_left3A_601 : i32 to vector<16xi32>
        %shift_left3A_603 = arith.shli %bitcast_convert_type3A_600, %shift_left3A_602 : vector<16xi32>
        %bitcast_convert_type3A_604 = tpu.bitcast %shift_left3A_603 : vector<16xi32> -> vector<16xf32>
        %mul3A_605 = arith.mulf %bitcast_convert_type3A_604, %gather3A_490 : vector<16xf32>
        %and3A_606 = arith.constant -65536 : i32
        %and3A_607 = vector.broadcast %and3A_606 : i32 to vector<16xi32>
        %and3A_608 = arith.andi %bitcast_convert_type3A_600, %and3A_607 : vector<16xi32>
        %bitcast_convert_type3A_609 = tpu.bitcast %and3A_608 : vector<16xi32> -> vector<16xf32>
        %mul3A_610 = arith.mulf %bitcast_convert_type3A_609, %gather3A_490 : vector<16xf32>
        %get3A_611 = arith.index_cast %add3A_483 : i32 to index
        %get3A_612 = arith.constant 96 : index
        %get3A_613 = tpu.vector_load %arg15[%get3A_611, %get3A_612] {strides = array<i32>} : memref<80x128xf32, #tpu.memory_space<vmem>>, vector<1x16xf32>,
        %get3A_614 = vector.shape_cast %get3A_613 : vector<1x16xf32> to vector<16xf32>
        %mul3A_615 = arith.mulf %get3A_614, %mul3A_605 : vector<16xf32>
        %swap3A_616 = arith.index_cast %add3A_483 : i32 to index
        %swap3A_617 = arith.constant 96 : index
        %swap3A_618 = tpu.vector_load %arg15[%swap3A_616, %swap3A_617] {strides = array<i32>} : memref<80x128xf32, #tpu.memory_space<vmem>>, vector<1x16xf32>,
        %swap3A_619 = vector.shape_cast %swap3A_618 : vector<1x16xf32> to vector<16xf32>
        %swap3A_620 = vector.shape_cast %mul3A_615 : vector<16xf32> to vector<1x16xf32>
        tpu.vector_store %arg15[%swap3A_616, %swap3A_617], %swap3A_620 {strides = array<i32>} : memref<80x128xf32, #tpu.memory_space<vmem>>, vector<1x16xf32>,
        %get3A_621 = arith.index_cast %add3A_483 : i32 to index
        %get3A_622 = arith.constant 112 : index
        %get3A_623 = tpu.vector_load %arg15[%get3A_621, %get3A_622] {strides = array<i32>} : memref<80x128xf32, #tpu.memory_space<vmem>>, vector<1x16xf32>,
        %get3A_624 = vector.shape_cast %get3A_623 : vector<1x16xf32> to vector<16xf32>
        %mul3A_625 = arith.mulf %get3A_624, %mul3A_610 : vector<16xf32>
        %swap3A_626 = arith.index_cast %add3A_483 : i32 to index
        %swap3A_627 = arith.constant 112 : index
        %swap3A_628 = tpu.vector_load %arg15[%swap3A_626, %swap3A_627] {strides = array<i32>} : memref<80x128xf32, #tpu.memory_space<vmem>>, vector<1x16xf32>,
        %swap3A_629 = vector.shape_cast %swap3A_628 : vector<1x16xf32> to vector<16xf32>
        %swap3A_630 = vector.shape_cast %mul3A_625 : vector<16xf32> to vector<1x16xf32>
        tpu.vector_store %arg15[%swap3A_626, %swap3A_627], %swap3A_630 {strides = array<i32>} : memref<80x128xf32, #tpu.memory_space<vmem>>, vector<1x16xf32>,
      }
      %scan3A_317 = arith.constant 40 : i32
      %dma_start3A_318 = arith.constant 1 : i32
      %dma_start3A_319 = arith.constant 0 : i32
      %dma_start3A_320 = arith.constant 0 : i32
      %dma_start3A_321 = tpu.memref_slice %arg15[%dma_start3A_319, %dma_start3A_320] : memref<80x128xf32, #tpu.memory_space<vmem>> -> memref<40x128xf32, #tpu.memory_space<vmem>>
      %dma_start3A_322 = arith.constant 0 : i32
      %dma_start3A_323 = tpu.memref_slice %arg10[%dma_start3A_318, %dma_start3A_322] : memref<2x40xi32, #tpu.memory_space<vmem>> -> memref<1x40xi32, #tpu.memory_space<vmem>>
      %dma_start3A_324 = tpu.memref_squeeze %dma_start3A_323 : memref<1x40xi32, #tpu.memory_space<vmem>> -> memref<40xi32, #tpu.memory_space<vmem>>
      %dma_start3A_325 = arith.constant 0 : i32
      %dma_start3A_326 = arith.constant 0 : i32
      %dma_start3A_327 = tpu.memref_slice %arg18[%dma_start3A_325, %dma_start3A_326] : memref<10000x128xf32, #tpu.memory_space<vmem_shared>> -> memref<10000x128xf32, #tpu.memory_space<vmem_shared>>
      tpu.enqueue_indirect_dma source(%dma_start3A_321 : memref<40x128xf32, #tpu.memory_space<vmem>>) target(%dma_start3A_327 : memref<10000x128xf32, #tpu.memory_space<vmem_shared>>) offsets(%dma_start3A_324 : memref<40xi32, #tpu.memory_space<vmem>>) semaphore(%arg24 : memref<!tpu.dma_semaphore, #tpu.memory_space<semaphore_mem>>) {add = true}
      %dma_start3A_328 = arith.constant 1 : i32
      %dma_start3A_329 = arith.constant 40 : i32
      %dma_start3A_330 = arith.constant 0 : i32
      %dma_start3A_331 = tpu.memref_slice %arg15[%dma_start3A_329, %dma_start3A_330] : memref<80x128xf32, #tpu.memory_space<vmem>> -> memref<40x128xf32, #tpu.memory_space<vmem>>
      %dma_start3A_332 = arith.constant 0 : i32
      %dma_start3A_333 = tpu.memref_slice %arg11[%dma_start3A_328, %dma_start3A_332] : memref<2x40xi32, #tpu.memory_space<vmem>> -> memref<1x40xi32, #tpu.memory_space<vmem>>
      %dma_start3A_334 = tpu.memref_squeeze %dma_start3A_333 : memref<1x40xi32, #tpu.memory_space<vmem>> -> memref<40xi32, #tpu.memory_space<vmem>>
      %dma_start3A_335 = arith.constant 0 : i32
      %dma_start3A_336 = arith.constant 0 : i32
      %dma_start3A_337 = tpu.memref_slice %arg18[%dma_start3A_335, %dma_start3A_336] : memref<10000x128xf32, #tpu.memory_space<vmem_shared>> -> memref<10000x128xf32, #tpu.memory_space<vmem_shared>>
      tpu.enqueue_indirect_dma source(%dma_start3A_331 : memref<40x128xf32, #tpu.memory_space<vmem>>) target(%dma_start3A_337 : memref<10000x128xf32, #tpu.memory_space<vmem_shared>>) offsets(%dma_start3A_334 : memref<40xi32, #tpu.memory_space<vmem>>) semaphore(%arg24 : memref<!tpu.dma_semaphore, #tpu.memory_space<semaphore_mem>>) {add = true}
    }
    %scan3A_84 = arith.constant 44 : i32
    %dma_wait3A = arith.constant 1 : i32
    %dma_wait3A_85 = arith.constant 0 : i32
    %dma_wait3A_86 = arith.constant 0 : i32
    %dma_wait3A_87 = tpu.memref_slice %arg15[%dma_wait3A_85, %dma_wait3A_86] : memref<80x128xf32, #tpu.memory_space<vmem>> -> memref<40x128xf32, #tpu.memory_space<vmem>>
    %dma_wait3A_88 = arith.constant 0 : i32
    %dma_wait3A_89 = tpu.memref_slice %arg10[%dma_wait3A, %dma_wait3A_88] : memref<2x40xi32, #tpu.memory_space<vmem>> -> memref<1x40xi32, #tpu.memory_space<vmem>>
    %dma_wait3A_90 = tpu.memref_squeeze %dma_wait3A_89 : memref<1x40xi32, #tpu.memory_space<vmem>> -> memref<40xi32, #tpu.memory_space<vmem>>
    %dma_wait3A_91 = arith.constant 0 : i32
    %dma_wait3A_92 = arith.constant 0 : i32
    %dma_wait3A_93 = tpu.memref_slice %arg18[%dma_wait3A_91, %dma_wait3A_92] : memref<10000x128xf32, #tpu.memory_space<vmem_shared>> -> memref<10000x128xf32, #tpu.memory_space<vmem_shared>>
    tpu.wait_indirect_dma semaphore(%arg24 : memref<!tpu.dma_semaphore, #tpu.memory_space<semaphore_mem>>) src(%dma_wait3A_87 : memref<40x128xf32, #tpu.memory_space<vmem>>) dst(%dma_wait3A_93 : memref<10000x128xf32, #tpu.memory_space<vmem_shared>>)
    %dma_wait3A_94 = arith.constant 1 : i32
    %dma_wait3A_95 = arith.constant 40 : i32
    %dma_wait3A_96 = arith.constant 0 : i32
    %dma_wait3A_97 = tpu.memref_slice %arg15[%dma_wait3A_95, %dma_wait3A_96] : memref<80x128xf32, #tpu.memory_space<vmem>> -> memref<40x128xf32, #tpu.memory_space<vmem>>
    %dma_wait3A_98 = arith.constant 0 : i32
    %dma_wait3A_99 = tpu.memref_slice %arg11[%dma_wait3A_94, %dma_wait3A_98] : memref<2x40xi32, #tpu.memory_space<vmem>> -> memref<1x40xi32, #tpu.memory_space<vmem>>
    %dma_wait3A_100 = tpu.memref_squeeze %dma_wait3A_99 : memref<1x40xi32, #tpu.memory_space<vmem>> -> memref<40xi32, #tpu.memory_space<vmem>>
    %dma_wait3A_101 = arith.constant 0 : i32
    %dma_wait3A_102 = arith.constant 0 : i32
    %dma_wait3A_103 = tpu.memref_slice %arg18[%dma_wait3A_101, %dma_wait3A_102] : memref<10000x128xf32, #tpu.memory_space<vmem_shared>> -> memref<10000x128xf32, #tpu.memory_space<vmem_shared>>
    tpu.wait_indirect_dma semaphore(%arg24 : memref<!tpu.dma_semaphore, #tpu.memory_space<semaphore_mem>>) src(%dma_wait3A_97 : memref<40x128xf32, #tpu.memory_space<vmem>>) dst(%dma_wait3A_103 : memref<10000x128xf32, #tpu.memory_space<vmem_shared>>)
    %dma_wait3A_104 = arith.constant 0 : i32
    %dma_wait3A_105 = arith.constant 0 : i32
    %dma_wait3A_106 = arith.constant 0 : i32
    %dma_wait3A_107 = tpu.memref_slice %arg14[%dma_wait3A_105, %dma_wait3A_106] : memref<80x128xf32, #tpu.memory_space<vmem>> -> memref<40x128xf32, #tpu.memory_space<vmem>>
    %dma_wait3A_108 = arith.constant 0 : i32
    %dma_wait3A_109 = tpu.memref_slice %arg10[%dma_wait3A_104, %dma_wait3A_108] : memref<2x40xi32, #tpu.memory_space<vmem>> -> memref<1x40xi32, #tpu.memory_space<vmem>>
    %dma_wait3A_110 = tpu.memref_squeeze %dma_wait3A_109 : memref<1x40xi32, #tpu.memory_space<vmem>> -> memref<40xi32, #tpu.memory_space<vmem>>
    %dma_wait3A_111 = arith.constant 0 : i32
    %dma_wait3A_112 = arith.constant 0 : i32
    %dma_wait3A_113 = tpu.memref_slice %arg18[%dma_wait3A_111, %dma_wait3A_112] : memref<10000x128xf32, #tpu.memory_space<vmem_shared>> -> memref<10000x128xf32, #tpu.memory_space<vmem_shared>>
    tpu.wait_indirect_dma semaphore(%arg23 : memref<!tpu.dma_semaphore, #tpu.memory_space<semaphore_mem>>) src(%dma_wait3A_107 : memref<40x128xf32, #tpu.memory_space<vmem>>) dst(%dma_wait3A_113 : memref<10000x128xf32, #tpu.memory_space<vmem_shared>>)
    %dma_wait3A_114 = arith.constant 0 : i32
    %dma_wait3A_115 = arith.constant 40 : i32
    %dma_wait3A_116 = arith.constant 0 : i32
    %dma_wait3A_117 = tpu.memref_slice %arg14[%dma_wait3A_115, %dma_wait3A_116] : memref<80x128xf32, #tpu.memory_space<vmem>> -> memref<40x128xf32, #tpu.memory_space<vmem>>
    %dma_wait3A_118 = arith.constant 0 : i32
    %dma_wait3A_119 = tpu.memref_slice %arg11[%dma_wait3A_114, %dma_wait3A_118] : memref<2x40xi32, #tpu.memory_space<vmem>> -> memref<1x40xi32, #tpu.memory_space<vmem>>
    %dma_wait3A_120 = tpu.memref_squeeze %dma_wait3A_119 : memref<1x40xi32, #tpu.memory_space<vmem>> -> memref<40xi32, #tpu.memory_space<vmem>>
    %dma_wait3A_121 = arith.constant 0 : i32
    %dma_wait3A_122 = arith.constant 0 : i32
    %dma_wait3A_123 = tpu.memref_slice %arg18[%dma_wait3A_121, %dma_wait3A_122] : memref<10000x128xf32, #tpu.memory_space<vmem_shared>> -> memref<10000x128xf32, #tpu.memory_space<vmem_shared>>
    tpu.wait_indirect_dma semaphore(%arg23 : memref<!tpu.dma_semaphore, #tpu.memory_space<semaphore_mem>>) src(%dma_wait3A_117 : memref<40x128xf32, #tpu.memory_space<vmem>>) dst(%dma_wait3A_123 : memref<10000x128xf32, #tpu.memory_space<vmem_shared>>)
    %barrier3A_124 = arith.constant 0 : index
    tpu.barrier barrier_id(%barrier3A_124)
    %lt3A_125 = arith.constant 10 : i32
    %lt3A_126 = arith.cmpi slt, %arg1, %lt3A_125 : i32
    %convert_element_type3A_127 = arith.extui %lt3A_126 : i1 to i32
    %cond3A_128 = arith.constant 0 : i32
    %cond3A_129 = arith.cmpi ne, %convert_element_type3A_127, %cond3A_128 : i32
    scf.if %cond3A_129 {
      "tpu.region"() ({
        %run_scoped3A = tpu.sem_alloc : memref<!tpu.dma_semaphore, #tpu.memory_space<semaphore_mem>>
        %dma_start3A_130 = arith.constant 0 : i32
        %dma_start3A_131 = tpu.memref_slice %arg8[%arg0, %mul3A_2, %dma_start3A_130] : memref<2x10000x128xf32, #tpu.memory_space<hbm>> -> memref<1x1000x128xf32, #tpu.memory_space<hbm>>
        %dma_start3A_132 = tpu.memref_squeeze %dma_start3A_131 : memref<1x1000x128xf32, #tpu.memory_space<hbm>> -> memref<1000x128xf32, #tpu.memory_space<hbm>>
        %dma_start3A_133 = arith.constant 0 : i32
        %dma_start3A_134 = tpu.memref_slice %arg18[%mul3A_2, %dma_start3A_133] : memref<10000x128xf32, #tpu.memory_space<vmem_shared>> -> memref<1000x128xf32, #tpu.memory_space<vmem_shared>>
        tpu.enqueue_dma source(%dma_start3A_134 : memref<1000x128xf32, #tpu.memory_space<vmem_shared>>) target(%dma_start3A_132 : memref<1000x128xf32, #tpu.memory_space<hbm>>) target_semaphore(%run_scoped3A : memref<!tpu.dma_semaphore, #tpu.memory_space<semaphore_mem>>)
        %dma_wait3A_135 = arith.constant 0 : i32
        %dma_wait3A_136 = tpu.memref_slice %arg8[%arg0, %mul3A_2, %dma_wait3A_135] : memref<2x10000x128xf32, #tpu.memory_space<hbm>> -> memref<1x1000x128xf32, #tpu.memory_space<hbm>>
        %dma_wait3A_137 = tpu.memref_squeeze %dma_wait3A_136 : memref<1x1000x128xf32, #tpu.memory_space<hbm>> -> memref<1000x128xf32, #tpu.memory_space<hbm>>
        %dma_wait3A_138 = arith.constant 0 : i32
        %dma_wait3A_139 = tpu.memref_slice %arg18[%mul3A_2, %dma_wait3A_138] : memref<10000x128xf32, #tpu.memory_space<vmem_shared>> -> memref<1000x128xf32, #tpu.memory_space<vmem_shared>>
        tpu.wait_dma2 semaphore(%run_scoped3A : memref<!tpu.dma_semaphore, #tpu.memory_space<semaphore_mem>>) src(%dma_wait3A_139 : memref<1000x128xf32, #tpu.memory_space<vmem_shared>>) dst(%dma_wait3A_137 : memref<1000x128xf32, #tpu.memory_space<hbm>>)
        tpu.yield
      }) : () -> ()
    } else {
    }
    return
  }
}

module attributes {stable_mosaic.version = 14 : i64} {
  func.func @_wij_body(%arg0: i32, %arg1: memref<20x1280xf32, #tpu.memory_space<vmem>>, %arg2: memref<20x1280xf32, #tpu.memory_space<vmem>>, %arg3: memref<20x128xf32, #tpu.memory_space<vmem>>, %arg4: memref<1x128xf32, #tpu.memory_space<vmem>>, %arg5: memref<1280x128xi32, #tpu.memory_space<vmem>>) attributes {dimension_semantics = [#tpu.dimension_semantics<arbitrary>], iteration_bounds = array<i64: 37>, scalar_prefetch = 0 : i64, scratch_operands = 0 : i64, tpu.core_type = #tpu.core_type<tc>, window_params = [{transform_indices = @transform_0, window_bounds = array<i64: 20, 1280>}, {transform_indices = @transform_1, window_bounds = array<i64: 20, 1280>}, {pipeline_mode = #tpu.pipeline_mode<synchronous>, transform_indices = @transform_2, window_bounds = array<i64: 20, 128>}, {pipeline_mode = #tpu.pipeline_mode<synchronous>, transform_indices = @transform_3, window_bounds = array<i64: 1, 128>}, {transform_indices = @transform_4, window_bounds = array<i64: 1280, 128>}]} {
    %get3A = arith.constant 0 : index
    %get3A_0 = arith.constant 0 : index
    %get3A_1 = vector.load %arg1[%get3A, %get3A_0] : memref<20x1280xf32, #tpu.memory_space<vmem>>, vector<20x1280xf32>
    %get3A_2 = arith.constant 0 : index
    %get3A_3 = arith.constant 0 : index
    %get3A_4 = vector.load %arg3[%get3A_2, %get3A_3] : memref<20x128xf32, #tpu.memory_space<vmem>>, vector<20x128xf32>
    %dot_general3A = arith.constant dense<0.000000e+00> : vector<1280x128xf32>
    %dot_general3A_5 = tpu.matmul %get3A_1, %get3A_4, %dot_general3A {dimension_numbers = #tpu.dot_dimension_numbers<[0], [0], [1], [1], [0, 1, 1, 1], [], []>, transpose_lhs_hint = false} : vector<20x1280xf32>, vector<20x128xf32>, vector<1280x128xf32> -> vector<1280x128xf32>
    %get3A_6 = arith.constant 0 : index
    %get3A_7 = arith.constant 0 : index
    %get3A_8 = vector.load %arg4[%get3A_6, %get3A_7] : memref<1x128xf32, #tpu.memory_space<vmem>>, vector<1x128xf32>
    %add3A = vector.broadcast %get3A_8 : vector<1x128xf32> to vector<1280x128xf32>
    %add3A_9 = arith.addf %dot_general3A_5, %add3A : vector<1280x128xf32>
    %mul3A = arith.constant 1.44269502 : f32
    %mul3A_10 = vector.broadcast %mul3A : f32 to vector<1280x128xf32>
    %mul3A_11 = arith.mulf %add3A_9, %mul3A_10 : vector<1280x128xf32>
    %min3A = arith.constant 1.200000e+02 : f32
    %min3A_12 = vector.broadcast %min3A : f32 to vector<1280x128xf32>
    %min3A_13 = arith.minimumf %mul3A_11, %min3A_12 : vector<1280x128xf32>
    %exp23A = math.exp2 %min3A_13 : vector<1280x128xf32>
    %add3A_14 = arith.constant 1.000000e+00 : f32
    %add3A_15 = vector.broadcast %add3A_14 : f32 to vector<1280x128xf32>
    %add3A_16 = arith.addf %add3A_15, %exp23A : vector<1280x128xf32>
    %log3A = math.log %add3A_16 : vector<1280x128xf32>
    %log3A_17 = arith.constant 2.000000e+00 : f32
    %log3A_18 = math.log %log3A_17 : f32
    %div3A = vector.broadcast %log3A_18 : f32 to vector<1280x128xf32>
    %div3A_19 = arith.divf %log3A, %div3A : vector<1280x128xf32>
    %sub3A = arith.constant 1.000000e+00 : f32
    %sub3A_20 = vector.broadcast %sub3A : f32 to vector<1280x128xf32>
    %sub3A_21 = arith.subf %div3A_19, %sub3A_20 : vector<1280x128xf32>
    %sub3A_22 = arith.constant 1.200000e+02 : f32
    %sub3A_23 = vector.broadcast %sub3A_22 : f32 to vector<1280x128xf32>
    %sub3A_24 = arith.subf %mul3A_11, %sub3A_23 : vector<1280x128xf32>
    %max3A = arith.constant 0.000000e+00 : f32
    %max3A_25 = vector.broadcast %max3A : f32 to vector<1280x128xf32>
    %max3A_26 = arith.maximumf %sub3A_24, %max3A_25 : vector<1280x128xf32>
    %add3A_27 = arith.addf %sub3A_21, %max3A_26 : vector<1280x128xf32>
    %mul3A_28 = arith.constant 0.693147182 : f32
    %mul3A_29 = vector.broadcast %mul3A_28 : f32 to vector<1280x128xf32>
    %mul3A_30 = arith.mulf %mul3A_29, %add3A_27 : vector<1280x128xf32>
    %get3A_31 = arith.constant 0 : index
    %get3A_32 = arith.constant 0 : index
    %get3A_33 = vector.load %arg2[%get3A_31, %get3A_32] : memref<20x1280xf32, #tpu.memory_space<vmem>>, vector<20x1280xf32>
    %get3A_34 = arith.constant 0 : index
    %get3A_35 = arith.constant 0 : index
    %get3A_36 = vector.load %arg3[%get3A_34, %get3A_35] : memref<20x128xf32, #tpu.memory_space<vmem>>, vector<20x128xf32>
    %dot_general3A_37 = arith.constant dense<0.000000e+00> : vector<1280x128xf32>
    %dot_general3A_38 = tpu.matmul %get3A_33, %get3A_36, %dot_general3A_37 {dimension_numbers = #tpu.dot_dimension_numbers<[0], [0], [1], [1], [0, 1, 1, 1], [], []>, transpose_lhs_hint = false} : vector<20x1280xf32>, vector<20x128xf32>, vector<1280x128xf32> -> vector<1280x128xf32>
    %get3A_39 = arith.constant 0 : index
    %get3A_40 = arith.constant 0 : index
    %get3A_41 = vector.load %arg4[%get3A_39, %get3A_40] : memref<1x128xf32, #tpu.memory_space<vmem>>, vector<1x128xf32>
    %add3A_42 = vector.broadcast %get3A_41 : vector<1x128xf32> to vector<1280x128xf32>
    %add3A_43 = arith.addf %dot_general3A_38, %add3A_42 : vector<1280x128xf32>
    %mul3A_44 = arith.constant 1.44269502 : f32
    %mul3A_45 = vector.broadcast %mul3A_44 : f32 to vector<1280x128xf32>
    %mul3A_46 = arith.mulf %add3A_43, %mul3A_45 : vector<1280x128xf32>
    %min3A_47 = arith.constant 1.200000e+02 : f32
    %min3A_48 = vector.broadcast %min3A_47 : f32 to vector<1280x128xf32>
    %min3A_49 = arith.minimumf %mul3A_46, %min3A_48 : vector<1280x128xf32>
    %exp23A_50 = math.exp2 %min3A_49 : vector<1280x128xf32>
    %add3A_51 = arith.constant 1.000000e+00 : f32
    %add3A_52 = vector.broadcast %add3A_51 : f32 to vector<1280x128xf32>
    %add3A_53 = arith.addf %add3A_52, %exp23A_50 : vector<1280x128xf32>
    %log3A_54 = math.log %add3A_53 : vector<1280x128xf32>
    %log3A_55 = arith.constant 2.000000e+00 : f32
    %log3A_56 = math.log %log3A_55 : f32
    %div3A_57 = vector.broadcast %log3A_56 : f32 to vector<1280x128xf32>
    %div3A_58 = arith.divf %log3A_54, %div3A_57 : vector<1280x128xf32>
    %sub3A_59 = arith.constant 1.000000e+00 : f32
    %sub3A_60 = vector.broadcast %sub3A_59 : f32 to vector<1280x128xf32>
    %sub3A_61 = arith.subf %div3A_58, %sub3A_60 : vector<1280x128xf32>
    %sub3A_62 = arith.constant 1.200000e+02 : f32
    %sub3A_63 = vector.broadcast %sub3A_62 : f32 to vector<1280x128xf32>
    %sub3A_64 = arith.subf %mul3A_46, %sub3A_63 : vector<1280x128xf32>
    %max3A_65 = arith.constant 0.000000e+00 : f32
    %max3A_66 = vector.broadcast %max3A_65 : f32 to vector<1280x128xf32>
    %max3A_67 = arith.maximumf %sub3A_64, %max3A_66 : vector<1280x128xf32>
    %add3A_68 = arith.addf %sub3A_61, %max3A_67 : vector<1280x128xf32>
    %mul3A_69 = arith.constant 0.693147182 : f32
    %mul3A_70 = vector.broadcast %mul3A_69 : f32 to vector<1280x128xf32>
    %mul3A_71 = arith.mulf %mul3A_70, %add3A_68 : vector<1280x128xf32>
    %slice3A = vector.extract_strided_slice %mul3A_30 {offsets = [0, 0], sizes = [1280, 64], strides = [1, 1]} : vector<1280x128xf32> to vector<1280x64xf32>
    %convert_element_type3A = arith.truncf %slice3A : vector<1280x64xf32> to vector<1280x64xbf16>
    %bitcast_convert_type3A = tpu.bitcast %convert_element_type3A : vector<1280x64xbf16> -> vector<1280x64xi16>
    %convert_element_type3A_72 = arith.extui %bitcast_convert_type3A : vector<1280x64xi16> to vector<1280x64xi32>
    %slice3A_73 = vector.extract_strided_slice %mul3A_30 {offsets = [0, 64], sizes = [1280, 64], strides = [1, 1]} : vector<1280x128xf32> to vector<1280x64xf32>
    %convert_element_type3A_74 = arith.truncf %slice3A_73 : vector<1280x64xf32> to vector<1280x64xbf16>
    %bitcast_convert_type3A_75 = tpu.bitcast %convert_element_type3A_74 : vector<1280x64xbf16> -> vector<1280x64xi16>
    %convert_element_type3A_76 = arith.extui %bitcast_convert_type3A_75 : vector<1280x64xi16> to vector<1280x64xi32>
    %shift_left3A = arith.constant 16 : i32
    %shift_left3A_77 = vector.broadcast %shift_left3A : i32 to vector<1280x64xi32>
    %shift_left3A_78 = arith.shli %convert_element_type3A_76, %shift_left3A_77 : vector<1280x64xi32>
    %or3A = arith.ori %convert_element_type3A_72, %shift_left3A_78 : vector<1280x64xi32>
    %bitcast_convert_type3A_79 = tpu.bitcast %or3A : vector<1280x64xi32> -> vector<1280x64xi32>
    %slice3A_80 = vector.extract_strided_slice %mul3A_71 {offsets = [0, 0], sizes = [1280, 64], strides = [1, 1]} : vector<1280x128xf32> to vector<1280x64xf32>
    %convert_element_type3A_81 = arith.truncf %slice3A_80 : vector<1280x64xf32> to vector<1280x64xbf16>
    %bitcast_convert_type3A_82 = tpu.bitcast %convert_element_type3A_81 : vector<1280x64xbf16> -> vector<1280x64xi16>
    %convert_element_type3A_83 = arith.extui %bitcast_convert_type3A_82 : vector<1280x64xi16> to vector<1280x64xi32>
    %slice3A_84 = vector.extract_strided_slice %mul3A_71 {offsets = [0, 64], sizes = [1280, 64], strides = [1, 1]} : vector<1280x128xf32> to vector<1280x64xf32>
    %convert_element_type3A_85 = arith.truncf %slice3A_84 : vector<1280x64xf32> to vector<1280x64xbf16>
    %bitcast_convert_type3A_86 = tpu.bitcast %convert_element_type3A_85 : vector<1280x64xbf16> -> vector<1280x64xi16>
    %convert_element_type3A_87 = arith.extui %bitcast_convert_type3A_86 : vector<1280x64xi16> to vector<1280x64xi32>
    %shift_left3A_88 = arith.constant 16 : i32
    %shift_left3A_89 = vector.broadcast %shift_left3A_88 : i32 to vector<1280x64xi32>
    %shift_left3A_90 = arith.shli %convert_element_type3A_87, %shift_left3A_89 : vector<1280x64xi32>
    %or3A_91 = arith.ori %convert_element_type3A_83, %shift_left3A_90 : vector<1280x64xi32>
    %bitcast_convert_type3A_92 = tpu.bitcast %or3A_91 : vector<1280x64xi32> -> vector<1280x64xi32>
    %concatenate3A = tpu.concatenate %bitcast_convert_type3A_79, %bitcast_convert_type3A_92 in 1 : vector<1280x64xi32>, vector<1280x64xi32> -> vector<1280x128xi32>
    %swap3A = arith.constant 0 : index
    %swap3A_93 = arith.constant 0 : index
    %swap3A_94 = vector.load %arg5[%swap3A, %swap3A_93] : memref<1280x128xi32, #tpu.memory_space<vmem>>, vector<1280x128xi32>
    tpu.vector_store %arg5[%swap3A, %swap3A_93], %concatenate3A {strides = array<i32>} : memref<1280x128xi32, #tpu.memory_space<vmem>>, vector<1280x128xi32>,
    return
  }
  func.func @transform_0(%arg0: i32) -> (i32, i32) {
    %add3A = arith.constant 0 : i32
    %add3A_0 = arith.addi %arg0, %add3A : i32
    %c0_i32 = arith.constant 0 : i32
    %c0_i32_1 = arith.constant 0 : i32
    return %c0_i32, %add3A_0 : i32, i32
  }
  func.func @transform_1(%arg0: i32) -> (i32, i32) {
    %add3A = arith.constant 0 : i32
    %add3A_0 = arith.addi %arg0, %add3A : i32
    %add3A_1 = arith.constant 125 : i32
    %add3A_2 = arith.addi %add3A_0, %add3A_1 : i32
    %c0_i32 = arith.constant 0 : i32
    %c0_i32_3 = arith.constant 0 : i32
    return %c0_i32, %add3A_2 : i32, i32
  }
  func.func @transform_2(%arg0: i32) -> (i32, i32) {
    %c0_i32 = arith.constant 0 : i32
    %c0_i32_0 = arith.constant 0 : i32
    %c0_i32_1 = arith.constant 0 : i32
    return %c0_i32, %c0_i32_0 : i32, i32
  }
  func.func @transform_3(%arg0: i32) -> (i32, i32) {
    %c0_i32 = arith.constant 0 : i32
    %c0_i32_0 = arith.constant 0 : i32
    %c0_i32_1 = arith.constant 0 : i32
    return %c0_i32, %c0_i32_0 : i32, i32
  }
  func.func @transform_4(%arg0: i32) -> (i32, i32) {
    %c0_i32 = arith.constant 0 : i32
    %c0_i32_0 = arith.constant 0 : i32
    return %arg0, %c0_i32 : i32, i32
  }
}

module attributes {stable_mosaic.version = 14 : i64} {
  func.func @_h_body(%arg0: i32, %arg1: memref<1000x128xf32, #tpu.memory_space<vmem>>, %arg2: memref<128x128xf32, #tpu.memory_space<vmem>>, %arg3: memref<1x128xf32, #tpu.memory_space<vmem>>, %arg4: memref<1000x128xf32, #tpu.memory_space<vmem>>) attributes {dimension_semantics = [#tpu.dimension_semantics<arbitrary>], iteration_bounds = array<i64: 10>, scalar_prefetch = 0 : i64, scratch_operands = 0 : i64, tpu.core_type = #tpu.core_type<tc>, window_params = [{transform_indices = @transform_0, window_bounds = array<i64: 1000, 128>}, {pipeline_mode = #tpu.pipeline_mode<synchronous>, transform_indices = @transform_1, window_bounds = array<i64: 128, 128>}, {pipeline_mode = #tpu.pipeline_mode<synchronous>, transform_indices = @transform_2, window_bounds = array<i64: 1, 128>}, {transform_indices = @transform_3, window_bounds = array<i64: 1000, 128>}]} {
    %get3A = arith.constant 0 : index
    %get3A_0 = arith.constant 0 : index
    %get3A_1 = vector.load %arg1[%get3A, %get3A_0] : memref<1000x128xf32, #tpu.memory_space<vmem>>, vector<1000x128xf32>
    %get3A_2 = arith.constant 0 : index
    %get3A_3 = arith.constant 0 : index
    %get3A_4 = vector.load %arg2[%get3A_2, %get3A_3] : memref<128x128xf32, #tpu.memory_space<vmem>>, vector<128x128xf32>
    %dot_general3A = arith.constant dense<0.000000e+00> : vector<1000x128xf32>
    %dot_general3A_5 = tpu.matmul %get3A_1, %get3A_4, %dot_general3A {dimension_numbers = #tpu.dot_dimension_numbers<[1], [0], [0], [1], [0, 0, 1, 1], [], []>, transpose_lhs_hint = false} : vector<1000x128xf32>, vector<128x128xf32>, vector<1000x128xf32> -> vector<1000x128xf32>
    %get3A_6 = arith.constant 0 : index
    %get3A_7 = arith.constant 0 : index
    %get3A_8 = vector.load %arg3[%get3A_6, %get3A_7] : memref<1x128xf32, #tpu.memory_space<vmem>>, vector<1x128xf32>
    %add3A = vector.broadcast %get3A_8 : vector<1x128xf32> to vector<1000x128xf32>
    %add3A_9 = arith.addf %dot_general3A_5, %add3A : vector<1000x128xf32>
    %swap3A = arith.constant 0 : index
    %swap3A_10 = arith.constant 0 : index
    %swap3A_11 = vector.load %arg4[%swap3A, %swap3A_10] : memref<1000x128xf32, #tpu.memory_space<vmem>>, vector<1000x128xf32>
    tpu.vector_store %arg4[%swap3A, %swap3A_10], %add3A_9 {strides = array<i32>} : memref<1000x128xf32, #tpu.memory_space<vmem>>, vector<1000x128xf32>,
    return
  }
  func.func @transform_0(%arg0: i32) -> (i32, i32) {
    %c0_i32 = arith.constant 0 : i32
    %c0_i32_0 = arith.constant 0 : i32
    return %arg0, %c0_i32 : i32, i32
  }
  func.func @transform_1(%arg0: i32) -> (i32, i32) {
    %c0_i32 = arith.constant 0 : i32
    %c0_i32_0 = arith.constant 0 : i32
    %c0_i32_1 = arith.constant 0 : i32
    return %c0_i32, %c0_i32_0 : i32, i32
  }
  func.func @transform_2(%arg0: i32) -> (i32, i32) {
    %c0_i32 = arith.constant 0 : i32
    %c0_i32_0 = arith.constant 0 : i32
    %c0_i32_1 = arith.constant 0 : i32
    return %c0_i32, %c0_i32_0 : i32, i32
  }
  func.func @transform_3(%arg0: i32) -> (i32, i32) {
    %c0_i32 = arith.constant 0 : i32
    %c0_i32_0 = arith.constant 0 : i32
    return %arg0, %c0_i32 : i32, i32
  }
}

module attributes {stable_mosaic.version = 14 : i64} {
  func.func @_wij_body(%arg0: i32, %arg1: memref<20x1280xf32, #tpu.memory_space<vmem>>, %arg2: memref<20x1280xf32, #tpu.memory_space<vmem>>, %arg3: memref<20x128xf32, #tpu.memory_space<vmem>>, %arg4: memref<1x128xf32, #tpu.memory_space<vmem>>, %arg5: memref<1280x128xi32, #tpu.memory_space<vmem>>) attributes {dimension_semantics = [#tpu.dimension_semantics<arbitrary>], iteration_bounds = array<i64: 88>, scalar_prefetch = 0 : i64, scratch_operands = 0 : i64, tpu.core_type = #tpu.core_type<tc>, window_params = [{transform_indices = @transform_0, window_bounds = array<i64: 20, 1280>}, {transform_indices = @transform_1, window_bounds = array<i64: 20, 1280>}, {pipeline_mode = #tpu.pipeline_mode<synchronous>, transform_indices = @transform_2, window_bounds = array<i64: 20, 128>}, {pipeline_mode = #tpu.pipeline_mode<synchronous>, transform_indices = @transform_3, window_bounds = array<i64: 1, 128>}, {transform_indices = @transform_4, window_bounds = array<i64: 1280, 128>}]} {
    %get3A = arith.constant 0 : index
    %get3A_0 = arith.constant 0 : index
    %get3A_1 = vector.load %arg1[%get3A, %get3A_0] : memref<20x1280xf32, #tpu.memory_space<vmem>>, vector<20x1280xf32>
    %get3A_2 = arith.constant 0 : index
    %get3A_3 = arith.constant 0 : index
    %get3A_4 = vector.load %arg3[%get3A_2, %get3A_3] : memref<20x128xf32, #tpu.memory_space<vmem>>, vector<20x128xf32>
    %dot_general3A = arith.constant dense<0.000000e+00> : vector<1280x128xf32>
    %dot_general3A_5 = tpu.matmul %get3A_1, %get3A_4, %dot_general3A {dimension_numbers = #tpu.dot_dimension_numbers<[0], [0], [1], [1], [0, 1, 1, 1], [], []>, transpose_lhs_hint = false} : vector<20x1280xf32>, vector<20x128xf32>, vector<1280x128xf32> -> vector<1280x128xf32>
    %get3A_6 = arith.constant 0 : index
    %get3A_7 = arith.constant 0 : index
    %get3A_8 = vector.load %arg4[%get3A_6, %get3A_7] : memref<1x128xf32, #tpu.memory_space<vmem>>, vector<1x128xf32>
    %add3A = vector.broadcast %get3A_8 : vector<1x128xf32> to vector<1280x128xf32>
    %add3A_9 = arith.addf %dot_general3A_5, %add3A : vector<1280x128xf32>
    %mul3A = arith.constant 1.44269502 : f32
    %mul3A_10 = vector.broadcast %mul3A : f32 to vector<1280x128xf32>
    %mul3A_11 = arith.mulf %add3A_9, %mul3A_10 : vector<1280x128xf32>
    %min3A = arith.constant 1.200000e+02 : f32
    %min3A_12 = vector.broadcast %min3A : f32 to vector<1280x128xf32>
    %min3A_13 = arith.minimumf %mul3A_11, %min3A_12 : vector<1280x128xf32>
    %exp23A = math.exp2 %min3A_13 : vector<1280x128xf32>
    %add3A_14 = arith.constant 1.000000e+00 : f32
    %add3A_15 = vector.broadcast %add3A_14 : f32 to vector<1280x128xf32>
    %add3A_16 = arith.addf %add3A_15, %exp23A : vector<1280x128xf32>
    %log3A = math.log %add3A_16 : vector<1280x128xf32>
    %log3A_17 = arith.constant 2.000000e+00 : f32
    %log3A_18 = math.log %log3A_17 : f32
    %div3A = vector.broadcast %log3A_18 : f32 to vector<1280x128xf32>
    %div3A_19 = arith.divf %log3A, %div3A : vector<1280x128xf32>
    %sub3A = arith.constant 1.000000e+00 : f32
    %sub3A_20 = vector.broadcast %sub3A : f32 to vector<1280x128xf32>
    %sub3A_21 = arith.subf %div3A_19, %sub3A_20 : vector<1280x128xf32>
    %sub3A_22 = arith.constant 1.200000e+02 : f32
    %sub3A_23 = vector.broadcast %sub3A_22 : f32 to vector<1280x128xf32>
    %sub3A_24 = arith.subf %mul3A_11, %sub3A_23 : vector<1280x128xf32>
    %max3A = arith.constant 0.000000e+00 : f32
    %max3A_25 = vector.broadcast %max3A : f32 to vector<1280x128xf32>
    %max3A_26 = arith.maximumf %sub3A_24, %max3A_25 : vector<1280x128xf32>
    %add3A_27 = arith.addf %sub3A_21, %max3A_26 : vector<1280x128xf32>
    %mul3A_28 = arith.constant 0.693147182 : f32
    %mul3A_29 = vector.broadcast %mul3A_28 : f32 to vector<1280x128xf32>
    %mul3A_30 = arith.mulf %mul3A_29, %add3A_27 : vector<1280x128xf32>
    %get3A_31 = arith.constant 0 : index
    %get3A_32 = arith.constant 0 : index
    %get3A_33 = vector.load %arg2[%get3A_31, %get3A_32] : memref<20x1280xf32, #tpu.memory_space<vmem>>, vector<20x1280xf32>
    %get3A_34 = arith.constant 0 : index
    %get3A_35 = arith.constant 0 : index
    %get3A_36 = vector.load %arg3[%get3A_34, %get3A_35] : memref<20x128xf32, #tpu.memory_space<vmem>>, vector<20x128xf32>
    %dot_general3A_37 = arith.constant dense<0.000000e+00> : vector<1280x128xf32>
    %dot_general3A_38 = tpu.matmul %get3A_33, %get3A_36, %dot_general3A_37 {dimension_numbers = #tpu.dot_dimension_numbers<[0], [0], [1], [1], [0, 1, 1, 1], [], []>, transpose_lhs_hint = false} : vector<20x1280xf32>, vector<20x128xf32>, vector<1280x128xf32> -> vector<1280x128xf32>
    %get3A_39 = arith.constant 0 : index
    %get3A_40 = arith.constant 0 : index
    %get3A_41 = vector.load %arg4[%get3A_39, %get3A_40] : memref<1x128xf32, #tpu.memory_space<vmem>>, vector<1x128xf32>
    %add3A_42 = vector.broadcast %get3A_41 : vector<1x128xf32> to vector<1280x128xf32>
    %add3A_43 = arith.addf %dot_general3A_38, %add3A_42 : vector<1280x128xf32>
    %mul3A_44 = arith.constant 1.44269502 : f32
    %mul3A_45 = vector.broadcast %mul3A_44 : f32 to vector<1280x128xf32>
    %mul3A_46 = arith.mulf %add3A_43, %mul3A_45 : vector<1280x128xf32>
    %min3A_47 = arith.constant 1.200000e+02 : f32
    %min3A_48 = vector.broadcast %min3A_47 : f32 to vector<1280x128xf32>
    %min3A_49 = arith.minimumf %mul3A_46, %min3A_48 : vector<1280x128xf32>
    %exp23A_50 = math.exp2 %min3A_49 : vector<1280x128xf32>
    %add3A_51 = arith.constant 1.000000e+00 : f32
    %add3A_52 = vector.broadcast %add3A_51 : f32 to vector<1280x128xf32>
    %add3A_53 = arith.addf %add3A_52, %exp23A_50 : vector<1280x128xf32>
    %log3A_54 = math.log %add3A_53 : vector<1280x128xf32>
    %log3A_55 = arith.constant 2.000000e+00 : f32
    %log3A_56 = math.log %log3A_55 : f32
    %div3A_57 = vector.broadcast %log3A_56 : f32 to vector<1280x128xf32>
    %div3A_58 = arith.divf %log3A_54, %div3A_57 : vector<1280x128xf32>
    %sub3A_59 = arith.constant 1.000000e+00 : f32
    %sub3A_60 = vector.broadcast %sub3A_59 : f32 to vector<1280x128xf32>
    %sub3A_61 = arith.subf %div3A_58, %sub3A_60 : vector<1280x128xf32>
    %sub3A_62 = arith.constant 1.200000e+02 : f32
    %sub3A_63 = vector.broadcast %sub3A_62 : f32 to vector<1280x128xf32>
    %sub3A_64 = arith.subf %mul3A_46, %sub3A_63 : vector<1280x128xf32>
    %max3A_65 = arith.constant 0.000000e+00 : f32
    %max3A_66 = vector.broadcast %max3A_65 : f32 to vector<1280x128xf32>
    %max3A_67 = arith.maximumf %sub3A_64, %max3A_66 : vector<1280x128xf32>
    %add3A_68 = arith.addf %sub3A_61, %max3A_67 : vector<1280x128xf32>
    %mul3A_69 = arith.constant 0.693147182 : f32
    %mul3A_70 = vector.broadcast %mul3A_69 : f32 to vector<1280x128xf32>
    %mul3A_71 = arith.mulf %mul3A_70, %add3A_68 : vector<1280x128xf32>
    %slice3A = vector.extract_strided_slice %mul3A_30 {offsets = [0, 0], sizes = [1280, 64], strides = [1, 1]} : vector<1280x128xf32> to vector<1280x64xf32>
    %convert_element_type3A = arith.truncf %slice3A : vector<1280x64xf32> to vector<1280x64xbf16>
    %bitcast_convert_type3A = tpu.bitcast %convert_element_type3A : vector<1280x64xbf16> -> vector<1280x64xi16>
    %convert_element_type3A_72 = arith.extui %bitcast_convert_type3A : vector<1280x64xi16> to vector<1280x64xi32>
    %slice3A_73 = vector.extract_strided_slice %mul3A_30 {offsets = [0, 64], sizes = [1280, 64], strides = [1, 1]} : vector<1280x128xf32> to vector<1280x64xf32>
    %convert_element_type3A_74 = arith.truncf %slice3A_73 : vector<1280x64xf32> to vector<1280x64xbf16>
    %bitcast_convert_type3A_75 = tpu.bitcast %convert_element_type3A_74 : vector<1280x64xbf16> -> vector<1280x64xi16>
    %convert_element_type3A_76 = arith.extui %bitcast_convert_type3A_75 : vector<1280x64xi16> to vector<1280x64xi32>
    %shift_left3A = arith.constant 16 : i32
    %shift_left3A_77 = vector.broadcast %shift_left3A : i32 to vector<1280x64xi32>
    %shift_left3A_78 = arith.shli %convert_element_type3A_76, %shift_left3A_77 : vector<1280x64xi32>
    %or3A = arith.ori %convert_element_type3A_72, %shift_left3A_78 : vector<1280x64xi32>
    %bitcast_convert_type3A_79 = tpu.bitcast %or3A : vector<1280x64xi32> -> vector<1280x64xi32>
    %slice3A_80 = vector.extract_strided_slice %mul3A_71 {offsets = [0, 0], sizes = [1280, 64], strides = [1, 1]} : vector<1280x128xf32> to vector<1280x64xf32>
    %convert_element_type3A_81 = arith.truncf %slice3A_80 : vector<1280x64xf32> to vector<1280x64xbf16>
    %bitcast_convert_type3A_82 = tpu.bitcast %convert_element_type3A_81 : vector<1280x64xbf16> -> vector<1280x64xi16>
    %convert_element_type3A_83 = arith.extui %bitcast_convert_type3A_82 : vector<1280x64xi16> to vector<1280x64xi32>
    %slice3A_84 = vector.extract_strided_slice %mul3A_71 {offsets = [0, 64], sizes = [1280, 64], strides = [1, 1]} : vector<1280x128xf32> to vector<1280x64xf32>
    %convert_element_type3A_85 = arith.truncf %slice3A_84 : vector<1280x64xf32> to vector<1280x64xbf16>
    %bitcast_convert_type3A_86 = tpu.bitcast %convert_element_type3A_85 : vector<1280x64xbf16> -> vector<1280x64xi16>
    %convert_element_type3A_87 = arith.extui %bitcast_convert_type3A_86 : vector<1280x64xi16> to vector<1280x64xi32>
    %shift_left3A_88 = arith.constant 16 : i32
    %shift_left3A_89 = vector.broadcast %shift_left3A_88 : i32 to vector<1280x64xi32>
    %shift_left3A_90 = arith.shli %convert_element_type3A_87, %shift_left3A_89 : vector<1280x64xi32>
    %or3A_91 = arith.ori %convert_element_type3A_83, %shift_left3A_90 : vector<1280x64xi32>
    %bitcast_convert_type3A_92 = tpu.bitcast %or3A_91 : vector<1280x64xi32> -> vector<1280x64xi32>
    %concatenate3A = tpu.concatenate %bitcast_convert_type3A_79, %bitcast_convert_type3A_92 in 1 : vector<1280x64xi32>, vector<1280x64xi32> -> vector<1280x128xi32>
    %swap3A = arith.constant 0 : index
    %swap3A_93 = arith.constant 0 : index
    %swap3A_94 = vector.load %arg5[%swap3A, %swap3A_93] : memref<1280x128xi32, #tpu.memory_space<vmem>>, vector<1280x128xi32>
    tpu.vector_store %arg5[%swap3A, %swap3A_93], %concatenate3A {strides = array<i32>} : memref<1280x128xi32, #tpu.memory_space<vmem>>, vector<1280x128xi32>,
    return
  }
  func.func @transform_0(%arg0: i32) -> (i32, i32) {
    %add3A = arith.constant 37 : i32
    %add3A_0 = arith.addi %arg0, %add3A : i32
    %c0_i32 = arith.constant 0 : i32
    %c0_i32_1 = arith.constant 0 : i32
    return %c0_i32, %add3A_0 : i32, i32
  }
  func.func @transform_1(%arg0: i32) -> (i32, i32) {
    %add3A = arith.constant 37 : i32
    %add3A_0 = arith.addi %arg0, %add3A : i32
    %add3A_1 = arith.constant 125 : i32
    %add3A_2 = arith.addi %add3A_0, %add3A_1 : i32
    %c0_i32 = arith.constant 0 : i32
    %c0_i32_3 = arith.constant 0 : i32
    return %c0_i32, %add3A_2 : i32, i32
  }
  func.func @transform_2(%arg0: i32) -> (i32, i32) {
    %c0_i32 = arith.constant 0 : i32
    %c0_i32_0 = arith.constant 0 : i32
    %c0_i32_1 = arith.constant 0 : i32
    return %c0_i32, %c0_i32_0 : i32, i32
  }
  func.func @transform_3(%arg0: i32) -> (i32, i32) {
    %c0_i32 = arith.constant 0 : i32
    %c0_i32_0 = arith.constant 0 : i32
    %c0_i32_1 = arith.constant 0 : i32
    return %c0_i32, %c0_i32_0 : i32, i32
  }
  func.func @transform_4(%arg0: i32) -> (i32, i32) {
    %c0_i32 = arith.constant 0 : i32
    %c0_i32_0 = arith.constant 0 : i32
    return %arg0, %c0_i32 : i32, i32
  }
}

module attributes {stable_mosaic.version = 14 : i64} {
  func.func @_out_body(%arg0: i32, %arg1: memref<2x1000x128xf32, #tpu.memory_space<vmem>>, %arg2: memref<128x128xf32, #tpu.memory_space<vmem>>, %arg3: memref<1x128xf32, #tpu.memory_space<vmem>>, %arg4: memref<1000x128xf32, #tpu.memory_space<vmem>>) attributes {dimension_semantics = [#tpu.dimension_semantics<arbitrary>], iteration_bounds = array<i64: 10>, scalar_prefetch = 0 : i64, scratch_operands = 0 : i64, tpu.core_type = #tpu.core_type<tc>, window_params = [{transform_indices = @transform_0, window_bounds = array<i64: 2, 1000, 128>}, {pipeline_mode = #tpu.pipeline_mode<synchronous>, transform_indices = @transform_1, window_bounds = array<i64: 128, 128>}, {pipeline_mode = #tpu.pipeline_mode<synchronous>, transform_indices = @transform_2, window_bounds = array<i64: 1, 128>}, {transform_indices = @transform_3, window_bounds = array<i64: 1000, 128>}]} {
    %get3A = arith.constant 0 : index
    %get3A_0 = arith.constant 0 : index
    %get3A_1 = arith.constant 0 : index
    %get3A_2 = vector.load %arg1[%get3A, %get3A_0, %get3A_1] : memref<2x1000x128xf32, #tpu.memory_space<vmem>>, vector<1x1000x128xf32>
    %get3A_3 = vector.shape_cast %get3A_2 : vector<1x1000x128xf32> to vector<1000x128xf32>
    %get3A_4 = arith.constant 1 : index
    %get3A_5 = arith.constant 0 : index
    %get3A_6 = arith.constant 0 : index
    %get3A_7 = vector.load %arg1[%get3A_4, %get3A_5, %get3A_6] : memref<2x1000x128xf32, #tpu.memory_space<vmem>>, vector<1x1000x128xf32>
    %get3A_8 = vector.shape_cast %get3A_7 : vector<1x1000x128xf32> to vector<1000x128xf32>
    %add3A = arith.addf %get3A_3, %get3A_8 : vector<1000x128xf32>
    %get3A_9 = arith.constant 0 : index
    %get3A_10 = arith.constant 0 : index
    %get3A_11 = vector.load %arg2[%get3A_9, %get3A_10] : memref<128x128xf32, #tpu.memory_space<vmem>>, vector<128x128xf32>
    %dot_general3A = arith.constant dense<0.000000e+00> : vector<1000x128xf32>
    %dot_general3A_12 = tpu.matmul %add3A, %get3A_11, %dot_general3A {dimension_numbers = #tpu.dot_dimension_numbers<[1], [0], [0], [1], [0, 0, 1, 1], [], []>, transpose_lhs_hint = false} : vector<1000x128xf32>, vector<128x128xf32>, vector<1000x128xf32> -> vector<1000x128xf32>
    %get3A_13 = arith.constant 0 : index
    %get3A_14 = arith.constant 0 : index
    %get3A_15 = vector.load %arg3[%get3A_13, %get3A_14] : memref<1x128xf32, #tpu.memory_space<vmem>>, vector<1x128xf32>
    %add3A_16 = vector.broadcast %get3A_15 : vector<1x128xf32> to vector<1000x128xf32>
    %add3A_17 = arith.addf %dot_general3A_12, %add3A_16 : vector<1000x128xf32>
    %max3A = arith.constant 0.000000e+00 : f32
    %max3A_18 = vector.broadcast %max3A : f32 to vector<1000x128xf32>
    %max3A_19 = arith.maximumf %add3A_17, %max3A_18 : vector<1000x128xf32>
    %abs3A = math.absf %add3A_17 : vector<1000x128xf32>
    %neg3A = arith.constant 0.000000e+00 : f32
    %neg3A_20 = vector.broadcast %neg3A : f32 to vector<1000x128xf32>
    %neg3A_21 = arith.subf %neg3A_20, %abs3A : vector<1000x128xf32>
    %exp3A = math.exp %neg3A_21 : vector<1000x128xf32>
    %log1p3A = math.log1p %exp3A : vector<1000x128xf32>
    %add3A_22 = arith.addf %max3A_19, %log1p3A : vector<1000x128xf32>
    %sub3A = arith.constant 0.693147182 : f32
    %sub3A_23 = vector.broadcast %sub3A : f32 to vector<1000x128xf32>
    %sub3A_24 = arith.subf %add3A_22, %sub3A_23 : vector<1000x128xf32>
    %swap3A = arith.constant 0 : index
    %swap3A_25 = arith.constant 0 : index
    %swap3A_26 = vector.load %arg4[%swap3A, %swap3A_25] : memref<1000x128xf32, #tpu.memory_space<vmem>>, vector<1000x128xf32>
    tpu.vector_store %arg4[%swap3A, %swap3A_25], %sub3A_24 {strides = array<i32>} : memref<1000x128xf32, #tpu.memory_space<vmem>>, vector<1000x128xf32>,
    return
  }
  func.func @transform_0(%arg0: i32) -> (i32, i32, i32) {
    %c0_i32 = arith.constant 0 : i32
    %c0_i32_0 = arith.constant 0 : i32
    %c0_i32_1 = arith.constant 0 : i32
    return %c0_i32, %arg0, %c0_i32_0 : i32, i32, i32
  }
  func.func @transform_1(%arg0: i32) -> (i32, i32) {
    %c0_i32 = arith.constant 0 : i32
    %c0_i32_0 = arith.constant 0 : i32
    %c0_i32_1 = arith.constant 0 : i32
    return %c0_i32, %c0_i32_0 : i32, i32
  }
  func.func @transform_2(%arg0: i32) -> (i32, i32) {
    %c0_i32 = arith.constant 0 : i32
    %c0_i32_0 = arith.constant 0 : i32
    %c0_i32_1 = arith.constant 0 : i32
    return %c0_i32, %c0_i32_0 : i32, i32
  }
  func.func @transform_3(%arg0: i32) -> (i32, i32) {
    %c0_i32 = arith.constant 0 : i32
    %c0_i32_0 = arith.constant 0 : i32
    return %arg0, %c0_i32 : i32, i32
  }
}

</mosaic_0001>

<sc_bundles>
// kernel: kernel.11.cloned.1.call-start
scs
__scs_entry_jumppad:
0x0: {  	(pc) =	sbr.rel $0x88, $3  }
0x1: {  	(tag) =	ssettag $0x0;
	lr =	simm.s32 $0x1  }
0x2: {  	[smem:$0x3F96] =	sst lr;
	_ =	strace $0xD0000000  }
0x3: {  	_ = 	snop  }
0x4: {  	_ = 	snop  }
0x5: {  	_ = 	snop  }
0x6: {  	_ = 	snop  }
0x7: {  	_ = 	snop  }
__scs_overlays_trampoline_lowered:
0x8: {  	[smem:$0x3FA5] =	sst s0  }
0x9: {  	[smem:$0x3FA6] =	sst s1  }
0xa: {  	[smem:$0x3FA7] =	sst s2  }
0xb: {  	[smem:$0x3FA8] =	sst s3  }
0xc: {  	[smem:$0x3FA9] =	sst s4  }
0xd: {  	[smem:$0x3FAA] =	sst s5  }
0xe: {  	[smem:$0x3FAB] =	sst s6  }
0xf: {  	[smem:$0x3FAC] =	sst s7  }
0x10: {  	[smem:$0x3FAD] =	sst s8  }
0x11: {  	[smem:$0x3FAE] =	sst s9;
	s0 =	simm.s32 @!p0 $0x0  }
0x12: {  	s1 =	sld [smem:$0x3F94];
	s0 =	simm.s32 @p0 $0x1  }
0x13: {  	[smem:$0x3FAF] =	sst s0;
	s0 =	simm.s32 @!p1 $0x0  }
0x14: {  	s2 =	sld [smem:$0x3F93];
	s0 =	simm.s32 @p1 $0x1  }
0x15: {  	[smem:$0x3FB0] =	sst s0;
	s0 =	simm.s32 @!p2 $0x0  }
0x16: {  	s3 =	sld [smem:$0x3FDB];
	s0 =	simm.s32 @p2 $0x1  }
0x17: {  	s4 =	simm.s32 $0x1BF5;
	[smem:$0x3FB2] =	sst s0  }
0x18: {  	s0 =	sld [smem:$0x3F95];
	_ =	swait.ge [sflag:s4], $0x0  }
0x19: {  	s7 =	sld [smem:$0x3F96]  }
0x1a: {  	s8 =	sadd.s32 $0xFFFFE003, lr  }
0x1b: {  	s9 =	sadd.s32 $0xFFFFFEF7, lr;
	s5 =	simm.s32 $0xFFFFFFFF;
	p2 =	slt.u32 s8, $0xFFFFF086  }
0x1c: {  	p1 =	slt.u32 s9, $0xF7A;
	s5 =	simm.s32 @!p2 $0x0  }
0x1d: {  	s5 =	simm.s32 @p1 $0x1;
	p0 =	seq.s32 s7, s2  }
0x1e: {  	s7 =	smul.u32 @!p0 $0xF7A, s2;
	p2 =	seq.s32 @!p0 s5, $0x0  }
0x1f: {  	s9 =	smul.u32 $0xF7A, s1;
	s8 =	simm.s32 @!p0 $0x1BF5;
	p2 =	por !p2, p0  }
0x20: {  	[sflag:s8] =	ssyncset.s32 @!p0 $0xFFFFF086;
	s6 =	sadd.s32 @!p0 s3, s7;
	s7 =	simm.s32 @!p0 $0x108  }
0x21: {  	s3 =	sadd.s32 s3, s9;
	s6 =	sadd.s32 @!p0 $0x88, s6;
	s7 =	simm.s32 @p2 $0x1082  }
0x22: {  	[simem:s7], [sflag:s8] =	dma.local @!p0 [hbm:s6], $0xF7A  }
0x23: {  	s9 =	sor.u32 $0xD0000000, s2;
	s6 =	simm.s32 $0x108;
	_ =	swait.ge @!p0 [sflag:s8], $0x0  }
0x24: {  	s3 =	sadd.s32 $0x88, s3;
	s6 =	simm.s32 @!p1 $0x1082;
	[sflag:s4] =	ssyncset.s32 $0xFFFFF086  }
0x25: {  	[simem:s6], [sflag:s4] =	dma.local [hbm:s3], $0xF7A  }
0x26: {  	[smem:$0x3F96] =	sst s1;
	(tag) =	ssettag s2;
	_ =	strace s9  }
0x27: {  	s1 =	sld [smem:$0x3FA6]  }
0x28: {  	s2 =	sld [smem:$0x3FA7]  }
0x29: {  	s4 =	sld [smem:$0x3FA9]  }
0x2a: {  	p0 =	seq.s32 s5, $0x0;
	s5 =	sld [smem:$0x3FAA]  }
0x2b: {  	s6 =	sld [smem:$0x3FAB]  }
0x2c: {  	s7 =	sld [smem:$0x3FAC]  }
0x2d: {  	s3 =	simm.s32 $0x108;
	s8 =	sld [smem:$0x3FAD]  }
0x2e: {  	s3 =	simm.s32 @!p0 $0x1082;
	s9 =	sld [smem:$0x3FAE]  }
0x2f: {  	lr =	sadd.s32 s0, s3;
	s0 =	sld [smem:$0x3FA5]  }
0x30: {  	s3 =	sld [smem:$0x3FA8]  }
0x31: {  	[smem:$0x3FB1] =	sst s10  }
0x32: {  	s10 =	sld [smem:$0x3FAF];
	_ =	sdelay $0x3  }
0x33: {  	p0 =	seq.s32 s10, $0x1;
	s10 =	sld [smem:$0x3FB1];
	_ =	sdelay $0x3  }
0x34: {  	[smem:$0x3FB1] =	sst s10  }
0x35: {  	s10 =	sld [smem:$0x3FB0];
	_ =	sdelay $0x3  }
0x36: {  	p1 =	seq.s32 s10, $0x1;
	s10 =	sld [smem:$0x3FB1];
	_ =	sdelay $0x3  }
0x37: {  	[smem:$0x3FB1] =	sst s10  }
0x38: {  	s10 =	sld [smem:$0x3FB2]  }
0x39: {  	_ = 	snop;
	(pc) =	sbr.ind lr, $3  }
0x3a: {  	_ = 	snop  }
0x3b: {  	_ = 	snop  }
0x3c: {  	p2 =	seq.s32 s10, $0x1;
	s10 =	sld [smem:$0x3FB1]  }
0x3d: {  	_ =	shalt  }
0x3e: {  	_ =	shalt  }
0x3f: {  	_ =	shalt  }
0x40: {  	_ =	shalt  }
0x41: {  	_ =	shalt  }
0x42: {  	_ =	shalt  }
0x43: {  	_ =	shalt  }
0x44: {  	_ =	shalt  }
0x45: {  	_ =	shalt  }
0x46: {  	_ =	shalt  }
0x47: {  	_ =	shalt  }
0x48: {  	_ =	shalt  }
0x49: {  	_ =	shalt  }
0x4a: {  	_ =	shalt  }
0x4b: {  	_ =	shalt  }
0x4c: {  	_ =	shalt  }
0x4d: {  	_ =	shalt  }
0x4e: {  	_ =	shalt  }
0x4f: {  	_ =	shalt  }
0x50: {  	_ =	shalt  }
0x51: {  	_ =	shalt  }
0x52: {  	_ =	shalt  }
0x53: {  	_ =	shalt  }
0x54: {  	_ =	shalt  }
0x55: {  	_ =	shalt  }
0x56: {  	_ =	shalt  }
0x57: {  	_ =	shalt  }
0x58: {  	_ =	shalt  }
0x59: {  	_ =	shalt  }
0x5a: {  	_ =	shalt  }
0x5b: {  	_ =	shalt  }
0x5c: {  	_ =	shalt  }
0x5d: {  	_ =	shalt  }
0x5e: {  	_ =	shalt  }
0x5f: {  	_ =	shalt  }
0x60: {  	_ =	shalt  }
0x61: {  	_ =	shalt  }
0x62: {  	_ =	shalt  }
0x63: {  	_ =	shalt  }
0x64: {  	_ =	shalt  }
0x65: {  	_ =	shalt  }
0x66: {  	_ =	shalt  }
0x67: {  	_ =	shalt  }
0x68: {  	_ =	shalt  }
0x69: {  	_ =	shalt  }
0x6a: {  	_ =	shalt  }
0x6b: {  	_ =	shalt  }
0x6c: {  	_ =	shalt  }
0x6d: {  	_ =	shalt  }
0x6e: {  	_ =	shalt  }
0x6f: {  	_ =	shalt  }
0x70: {  	_ =	shalt  }
0x71: {  	_ =	shalt  }
0x72: {  	_ =	shalt  }
0x73: {  	_ =	shalt  }
0x74: {  	_ =	shalt  }
0x75: {  	_ =	shalt  }
0x76: {  	_ =	shalt  }
0x77: {  	_ =	shalt  }
0x78: {  	_ =	shalt  }
0x79: {  	_ =	shalt  }
0x7a: {  	_ =	shalt  }
0x7b: {  	_ =	shalt  }
0x7c: {  	_ =	shalt  }
0x7d: {  	_ =	shalt  }
0x7e: {  	_ =	shalt  }
0x7f: {  	_ =	shalt  }
0x80: {  	_ =	shalt  }
0x81: {  	_ =	shalt  }
0x82: {  	_ =	shalt  }
0x83: {  	_ =	shalt  }
0x84: {  	_ =	shalt  }
0x85: {  	_ =	shalt  }
0x86: {  	_ =	shalt  }
0x87: {  	_ =	shalt  }
.Lfunc_end0:
.L_simem_size_0:
called_computation.1_lowered:
.L_overlay_start_0:
0x88: {  	s2 =	sld [smem:$0x3FD9]  }
0x89: {  	s3 =	sld [smem:$0x3FFE];
	_ =	sdelay $0x1  }
0x8a: {  	s1 =	srdreg.scid  }
0x8b: {  	s0 =	sand.u32 $0x1, s1  }
0x8c: {  	s17 =	sshll.u32 s0, $0xA;
	s2 =	sadd.s32 s3, s2  }
0x8d: {  	s2 =	sadd.s32 s2, s17  }
0x8e: {  	[smem:$0x3FBD] =	sst s2  }
0x8f: {  	_ = 	snop  }
0x90: {  	s2 =	sld [smem:$0x3FC7]  }
0x91: {  	s18 =	sld [smem:$0x3FC6]  }
0x92: {  	s4 =	sld [smem:$0x3FC5]  }
0x93: {  	s5 =	sld [smem:$0x3FD0];
	(tm) =	ssettm $0x1  }
0x94: {  	s6 =	sld [smem:$0x3FFB];
	_ =	sdelay $0x3  }
0x95: {  	_ =	strace s6  }
0x96: {  	s6 =	sld [smem:$0x3FFC];
	_ =	sdelay $0x3  }
0x97: {  	_ =	strace s6  }
0x98: {  	s6 =	sld [smem:$0x3FFD];
	_ =	sdelay $0x3  }
0x99: {  	_ =	strace s6  }
0x9a: {  	_ =	strace $0x8FFFFFFF  }
0x9b: {  	s19 =	sld [smem:$0x3FDB];
	_ =	sdelay $0x1  }
0x9c: {  	s7 =	simm.s32 $_scs_section_size  }
0x9d: {  	s8 =	simm.s32 $_size__tile_overlayer_lowered;
	s9 =	simm.s32 $_tile_overlayer_lowered  }
0x9e: {  	s22 =	simm.s32 $0x1BFF;
	s21 =	sshll.u32 s9, $0x1;
	s6 =	sadd.s32 s7, s19  }
0x9f: {  	s10 =	simm.s32 $0x0;
	s20 =	sshll.u32 s8, $0x1;
	s8 =	sadd.s32 s21, s6  }
0xa0: {  	[timem:s10], [sflag:s22] =	dma.local [hbm:s8], s20  }
0xa1: {  	_ =	swait.ge [sflag:s22], s20  }
0xa2: {  	s7 =	ssub.s32 $0x0, s20;
	[sflag:s22] =	ssyncset.done $0x0  }
0xa3: {  	[sflag:s22] =	ssyncadd.s32 s7;
	_ =	sdelay $0x1  }
0xa4: {  	s23 =	simm.s32 $0x1B8B  }
0xa5: {  	_ =	swait.ge [sflag:s23], $0x1  }
0xa6: {  	[sflag:s23] =	ssyncset.done $0x0  }
0xa7: {  	s25 =	simm.s32 $0x1B8E;
	s24 =	sld [smem:$0x3FFE];
	[sflag:s23] =	ssyncadd.s32 $0xFFFFFFFF  }
0xa8: {  	s26 =	simm.s32 $execute0_lowered;
	[smem:$0x3FD2] =	sst s25  }
0xa9: {  	s8 =	sshll.u32 s26, $0x1;
	_ =	strace $0x80000049;
	[dreg:$0x1] =	wrdreg $0xFFFFFFFF  }
0xaa: {  	s28 =	simm.s32 $_size_execute0_lowered;
	s6 =	sadd.s32 s6, s8;
	[dreg:$0x0] =	wrdreg $0x0  }
0xab: {  	s8 =	sshll.u32 s28, $0x1;
	[dreg:$0x2] =	wrdreg s6  }
0xac: {  	[dreg:$0x3] =	wrdreg s8  }
0xad: {  	[dreg:$0x4] =	wrdreg $0xC0  }
0xae: {  	_ =	task [dreg:s10], $0x5FFFF  }
0xaf: {  	[dreg:$0x1] =	wrdreg $0xFFFFFFFF  }
0xb0: {  	[dreg:$0x0] =	wrdreg $0x60  }
0xb1: {  	[dreg:$0x2] =	wrdreg s5  }
0xb2: {  	[dreg:$0x3] =	wrdreg s24  }
0xb3: {  	[dreg:$0x4] =	wrdreg s18  }
0xb4: {  	[dreg:$0x5] =	wrdreg s2  }
0xb5: {  	[dreg:$0x6] =	wrdreg s4  }
0xb6: {  	[dreg:$0x7] =	wrdreg $0x97800  }
0xb7: {  	[dreg:$0x8] =	wrdreg $0x9  }
0xb8: {  	_ =	task.clear_ibuf [dreg:s10], $0x9FFFF;
	_ =	strace $0x90000049  }
0xb9: {  	s29 =	simm.s32 $0x9;
	_ =	strace $0x8000004B  }
0xba: {  	_ =	swait.ge [sflag:s29], $0x1  }
0xbb: {  	[sflag:s29] =	ssyncadd.s32 $0xFFFFFFFF  }
0xbc: {  	_ =	strace $0x9000004B  }
0xbd: {  	_ =	sfence  }
0xbe: {  	s30 =	sld [smem:$0x0];
	_ =	sdelay $0x2  }
0xbf: {  	s31 =	sshll.u32 s1, $0xD;
	s1 =	sshrl.u32 s1, $0x2  }
0xc0: {  	s3 =	sand.u32 $0x4000, s31;
	s1 =	sadd.s32 s1, s30  }
0xc1: {  	s0 =	sor.u32 s3, s0;
	s1 =	sshll.u32 s1, $0x11  }
0xc2: {  	s0 =	sor.u32 s1, s0  }
0xc3: {  	s0 =	sadd.s32 $0x8F2B, s0  }
0xc4: {  	[sflag:s0] =	ssyncadd.remote.s32 $0x1  }
0xc5: {  	_ =	sfence.sel $0xFFFF  }
0xc6: {  	[dreg:$0x0] =	wrdreg $0xFFFFFFFF;
	(pc) =	sbr.abs _section_cstart, $3  }
0xc7: {  	[dreg:$0x1] =	wrdreg $0xFFFFFFFF  }
0xc8: {  	_ =	task.clear_ibuf [dreg:s10], $0x2FFFF;
	_ =	strace $0x9FFFFFFF  }
0xc9: {  	(tm) =	ssettm $0x7FFFFFFF  }
tec
execute0_lowered:
.L_overlay_start_1:
0x0: {  	(tag) =	ssettag $0x1  }
0x1: {  	s0 =	rddreg [dreg:$0x0]  }
0x2: {  	s1 =	rddreg [dreg:$0x1]  }
0x3: {  	s5 =	rddreg [dreg:$0x2]  }
0x4: {  	s2 =	rddreg [dreg:$0x3]  }
0x5: {  	s3 =	rddreg [dreg:$0x4]  }
0x6: {  	s4 =	rddreg [dreg:$0x5];
	s6 =	srdreg.scid;
	s7 =	simm.s32 $0x0  }
0x7: {  	s14 =	stileid.u32;
	s28 =	simm.s32 $0x3380;
	s30 =	simm.s32 $0x1B80  }
0x8: {  	s31 =	simm.s32 $0x1C80;
	s29 =	simm.s32 $0x4780;
	s16 =	simm.s32 $0x7  }
0x9: {  	s17 =	simm.s32 $0x2;
	s6 =	sand.u32 $0x1, s6;
	s9 =	smul.u32 $0x1F400, s14  }
0xa: {  	[smem:$0x7FF] =	sst s7;
	s7 =	sadd.s32 $0x157200, s1;
	s10 =	smul.u32 $0x7D000, s14  }
0xb: {  	s8 =	smul.u32 $0x138800, s6;
	s18 =	sshll.u32 s6, $0x4;
	s6 =	ssub.s32 $0x2, s6  }
0xc: {  	p0 =	sgt.u32 s14, $0x9;
	_ =	strace $0x8000004A;
	s12 =	sshrl.u32 s6, $0x1  }
0xd: {  	s10 =	sshrl.u32 s10, $0x2;
	s8 =	sadd.s32 s9, s8;
	s9 =	sor.u32 s14, s18  }
0xe: {  	s6 =	ssub.s32 s6, s12;
	s10 =	sadd.s32 s10, s4;
	s12 =	simm.s32 $0x1D00  }
0xf: {  	s18 =	simm.s32 $0x4;
	s11 =	sshrl.u32 s8, $0x3;
	s8 =	smul.u32 $0xDC0, s9  }
0x10: {  	[dreg:$0x7] =	wrdreg s10;
	s9 =	smul.u32 $0xDC00, s9;
	s26 =	smax.u32 s6, $0x1  }
0x11: {  	s1 =	sadd.s32 s11, s1;
	[dreg:$0x11] =	wrdreg s26;
	s26 =	simm.s32 $0x1F80  }
0x12: {  	s10 =	sadd.s32 $0xB900, s8;
	s11 =	sadd.s32 $0x32A00, s8;
	s15 =	sadd.s32 $0x109000, s1  }
0x13: {  	s21 =	sadd.s32 s7, s9;
	s1 =	sadd.s32 $0x1E00, s1;
	[dreg:$0x8] =	wrdreg s15  }
0x14: {  	s9 =	simm.s32 $0x1C00;
	s19 =	sshrl.u32 s10, $0x3;
	[dreg:$0xb] =	wrdreg s21  }
0x15: {  	s13 =	sshrl.u32 s11, $0x3;
	[dreg:$0x10] =	wrdreg s1;
	s20 =	sadd.s32 s5, s19  }
0x16: {  	s1 =	sshll.u32 @!p0 s14, $0x6;
	s5 =	sadd.s32 s5, s13;
	[dreg:$0x9] =	wrdreg s20  }
0x17: {  	s14 =	simm.s32 $0x1;
	s22 =	sadd.s32 s2, s19;
	[dreg:$0xa] =	wrdreg s5  }
0x18: {  	s15 =	simm.s32 $0x3;
	s23 =	sadd.s32 s2, s13;
	[dreg:$0xc] =	wrdreg s22  }
0x19: {  	s24 =	sadd.s32 s3, s19;
	s25 =	sadd.s32 s3, s13;
	[dreg:$0xd] =	wrdreg s23  }
0x1a: {  	s13 =	sor.u32 @!p0 $0x1C09, s1;
	s1 =	simm.s32 $0x5B80;
	[dreg:$0xe] =	wrdreg s24  }
0x1b: {  	s19 =	simm.s32 $0x8;
	[dreg:$0xf] =	wrdreg s25;
	s25 =	simm.s32 $0x28  }
0x1c: {  	v0 =	vimm.s32 $0x0;
	s24 =	simm.s32 $0x1F00;
	s20 =	simm.s32 $0x0;
	[dreg:$0x12] =	wrdreg s13  }
.LBB2_1:
0x1d: {  	[dreg:$0x13] =	wrdreg s20  }
0x1e: {  	s5 =	rddreg [dreg:$0x7]  }
0x1f: {  	s6 =	sshrl.u32 @!p0 s5, $0x3;
	s5 =	rddreg [dreg:$0x8]  }
0x20: {  	[dreg:$0x14] =	wrdreg s6  }
0x21: {  	[spmem:s6], [sflag:s13] =	dma.local @!p0 [hbm:s5], $0x3E80  }
0x22: {  	s5 =	simm.s32 @!p0 $0x9  }
0x23: {  	_ =	swait.ge @!p0 [sflag:s5], $0x3E80  }
0x24: {  	s21 =	simm.s32 $0x9;
	[sflag:s5] =	ssyncset.done @!p0 $0x0  }
0x25: {  	s20 =	rddreg [dreg:$0x9];
	[sflag:s5] =	ssyncadd.s32 @!p0 $0xFFFFC180;
	s5 =	simm.s32 $0x0  }
0x26: {  	[tilespmem:s5], [sflag:$0x9] =	stream.linear.gather [hbm4b:s20+s5], $0xDC0, $0x38;
	[tilespmem:$0x1D000] =	vst v63  }
0x27: {  	_ =	swait.ge [sflag:s21], $0xDC0  }
0x28: {  	[sflag:s21] =	ssyncset.done $0x0  }
0x29: {  	s23 =	simm.s32 $0xDC0;
	s22 =	rddreg [dreg:$0xa];
	[sflag:s21] =	ssyncadd.s32 $0xFFFFF240  }
0x2a: {  	[tilespmem:s23], [sflag:$0x9] =	stream.linear.gather [hbm4b:s22+s5], $0xDC0, $0x38;
	[tilespmem:$0x1D000] =	vst v63  }
0x2b: {  	_ =	swait.ge [sflag:s21], $0xDC0  }
0x2c: {  	[sflag:s21] =	ssyncset.done $0x0  }
0x2d: {  	[sflag:s21] =	ssyncadd.s32 $0xFFFFF240  }
0x2e: {  	[bflag:$0x0] =	sbarrier.arrive $0xFFFF  }
0x2f: {  	[tilespmem:s26], [sflag:$0x1] =	stream.indirect.gather [hbm4b:s0+s25], $0x80, s5, s25, $0xb8;
	[tilespmem:$0x1D000] =	vst v63  }
0x30: {  	_ = 	snop  }
0x31: {  	[tilespmem:s28], [sflag:$0x1] =	stream.indirect.gather [hbm4b:s0+s25], $0x80, s23, s25, $0xb8;
	[tilespmem:$0x1D000] =	vst v63  }
0x32: {  	s22 =	simm.s32 $0x6F80;
	s21 =	rddreg [dreg:$0xb]  }
0x33: {  	[tilespmem:s22], [sflag:$0x3] =	stream.linear.gather [hbm4b:s21+s5], $0x1400, $0x38;
	[tilespmem:$0x1D000] =	vst v63  }
0x34: {  	s23 =	rddreg [dreg:$0xc]  }
0x35: {  	[tilespmem:s30], [sflag:$0x7] =	stream.linear.gather [hbm4b:s23+s5], $0x28, $0x38;
	[tilespmem:$0x1D000] =	vst v63  }
0x36: {  	s13 =	rddreg [dreg:$0xd]  }
0x37: {  	[tilespmem:s31], [sflag:$0x7] =	stream.linear.gather [hbm4b:s13+s5], $0x28, $0x38;
	[tilespmem:$0x1D000] =	vst v63  }
0x38: {  	s20 =	rddreg [dreg:$0xe];
	s21 =	simm.s32 $0x1D80  }
0x39: {  	[tilespmem:s21], [sflag:$0x7] =	stream.linear.gather [hbm4b:s20+s5], $0x28, $0x38;
	[tilespmem:$0x1D000] =	vst v63  }
0x3a: {  	s22 =	rddreg [dreg:$0xf];
	s23 =	simm.s32 $0x1E80;
	s20 =	simm.s32 $0x0  }
0x3b: {  	[tilespmem:s23], [sflag:$0x7] =	stream.linear.gather [hbm4b:s22+s5], $0x28, $0x38;
	[tilespmem:$0x1D000] =	vst v63  }
.LBB2_2:
0x3c: {  	p1 =	seq.s32 s20, $0x0  }
0x3d: {  	s5 =	simm.s32 @!p1 $0x6  }
0x3e: {  	_ =	swait.ge @!p1 [sflag:s5], $0x1400  }
0x3f: {  	[sflag:s5] =	ssyncset.done @!p1 $0x0  }
0x40: {  	[sflag:s5] =	ssyncadd.s32 @!p1 $0xFFFFEC00  }
0x41: {  	s21 =	smul.u32 $0x50, s20;
	_ =	swait.ge @!p1 [sflag:s5], $0x1400  }
0x42: {  	[sflag:s5] =	ssyncset.done @!p1 $0x0  }
0x43: {  	[sflag:s5] =	ssyncadd.s32 @!p1 $0xFFFFEC00;
	s5 =	sadd.s32 $0x28, s21  }
0x44: {  	[tilespmem:s29], [sflag:$0x2] =	stream.indirect.gather [hbm4b:s0+s25], $0x80, s5, s25, $0xb8;
	[tilespmem:$0x1D000] =	vst v63  }
0x45: {  	s6 =	sadd.s32 $0xDE8, s21;
	s13 =	sadd.s32 s8, s5  }
0x46: {  	[tilespmem:s1], [sflag:$0x2] =	stream.indirect.gather [hbm4b:s0+s25], $0x80, s6, s25, $0xb8;
	[tilespmem:$0x1D000] =	vst v63  }
0x47: {  	s6 =	sshll.u32 s13, $0x4  }
0x48: {  	s22 =	simm.s32 $0x8380;
	s13 =	simm.s32 $0x0;
	s6 =	sadd.s32 s7, s6  }
0x49: {  	[tilespmem:s22], [sflag:$0x4] =	stream.linear.gather [hbm4b:s6+s13], $0x1400, $0x38;
	[tilespmem:$0x1D000] =	vst v63  }
0x4a: {  	s22 =	sadd.s32 s10, s5  }
0x4b: {  	s5 =	sadd.s32 s11, s5;
	s6 =	sshrl.u32 s22, $0x3  }
0x4c: {  	s5 =	sshrl.u32 s5, $0x3;
	s23 =	sadd.s32 s2, s6  }
0x4d: {  	[tilespmem:s9], [sflag:$0x8] =	stream.linear.gather [hbm4b:s23+s13], $0x28, $0x38;
	[tilespmem:$0x1D000] =	vst v63  }
0x4e: {  	s23 =	sadd.s32 s2, s5  }
0x4f: {  	[tilespmem:s12], [sflag:$0x8] =	stream.linear.gather [hbm4b:s23+s13], $0x28, $0x38;
	[tilespmem:$0x1D000] =	vst v63  }
0x50: {  	s6 =	sadd.s32 s3, s6;
	s23 =	simm.s32 $0x1E00  }
0x51: {  	[tilespmem:s23], [sflag:$0x8] =	stream.linear.gather [hbm4b:s6+s13], $0x28, $0x38;
	[tilespmem:$0x1D000] =	vst v63  }
0x52: {  	s5 =	sadd.s32 s3, s5  }
0x53: {  	[tilespmem:s24], [sflag:$0x8] =	stream.linear.gather [hbm4b:s5+s13], $0x28, $0x38;
	[tilespmem:$0x1D000] =	vst v63  }
0x54: {  	_ =	swait.ge [sflag:s14], $0x1400  }
0x55: {  	[sflag:s14] =	ssyncset.done $0x0  }
0x56: {  	[sflag:s14] =	ssyncadd.s32 $0xFFFFEC00  }
0x57: {  	_ =	swait.ge [sflag:s14], $0x1400  }
0x58: {  	[sflag:s14] =	ssyncset.done $0x0  }
0x59: {  	[sflag:s14] =	ssyncadd.s32 $0xFFFFEC00  }
0x5a: {  	_ =	swait.ge [sflag:s15], $0x1400  }
0x5b: {  	[sflag:s15] =	ssyncset.done $0x0  }
0x5c: {  	[sflag:s15] =	ssyncadd.s32 $0xFFFFEC00  }
0x5d: {  	_ =	swait.ge [sflag:s16], $0x28  }
0x5e: {  	[sflag:s16] =	ssyncset.done $0x0  }
0x5f: {  	[sflag:s16] =	ssyncadd.s32 $0xFFFFFFD8  }
0x60: {  	_ =	swait.ge [sflag:s16], $0x28  }
0x61: {  	[sflag:s16] =	ssyncset.done $0x0  }
0x62: {  	[sflag:s16] =	ssyncadd.s32 $0xFFFFFFD8  }
0x63: {  	_ =	swait.ge [sflag:s16], $0x28  }
0x64: {  	[sflag:s16] =	ssyncset.done $0x0  }
0x65: {  	[sflag:s16] =	ssyncadd.s32 $0xFFFFFFD8  }
0x66: {  	_ =	swait.ge [sflag:s16], $0x28  }
0x67: {  	[sflag:s16] =	ssyncset.done $0x0  }
0x68: {  	s22 =	simm.s32 $0x0;
	[sflag:s16] =	ssyncadd.s32 $0xFFFFFFD8  }
0x69: {  	s23 =	simm.s32 $0x6FC0;
	v1 =	vld [tilespmem:s22+$0x1D80]  }
0x6a: {  	v2 =	vld [tilespmem:s23+$0xFFFFFFC0];
	_ =	sdelay $0x1  }
0x6b: {  	s6 =	simm.s32 $0x33F0  }
0x6c: {  	v3 =	vld [tilespmem:s6+$0xFFFFEB90]  }
0x6d: {  	v4 =	vld [tilespmem:s6+$0xFFFFEBA0];
	v1 =	vperm.xlane v1, v0  }
0x6e: {  	v5 =	vshll.u32 v2, $0x10  }
0x6f: {  	v2 =	vand.u32 $0xFFFF0000, v2;
	v5 =	vmul.f32 v5, v1  }
0x70: {  	v2 =	vmul.f32 v2, v1  }
0x71: {  	v3 =	vmul.f32 v5, v3  }
0x72: {  	v2 =	vmul.f32 v2, v4  }
0x73: {  	[tilespmem:s6+$0xFFFFEB90] =	vst v3  }
0x74: {  	[tilespmem:s6+$0xFFFFEBA0] =	vst v2  }
0x75: {  	v2 =	vld [tilespmem:s23+$0xFFFFFFD0];
	_ =	sdelay $0x2  }
0x76: {  	v3 =	vld [tilespmem:s6+$0xFFFFEBB0]  }
0x77: {  	v4 =	vld [tilespmem:s6+$0xFFFFEBC0]  }
0x78: {  	v5 =	vshll.u32 v2, $0x10  }
0x79: {  	v2 =	vand.u32 $0xFFFF0000, v2;
	v5 =	vmul.f32 v5, v1  }
0x7a: {  	v2 =	vmul.f32 v2, v1  }
0x7b: {  	v3 =	vmul.f32 v5, v3  }
0x7c: {  	v2 =	vmul.f32 v2, v4  }
0x7d: {  	[tilespmem:s6+$0xFFFFEBB0] =	vst v3  }
0x7e: {  	[tilespmem:s6+$0xFFFFEBC0] =	vst v2  }
0x7f: {  	v2 =	vld [tilespmem:s23+$0xFFFFFFE0];
	_ =	sdelay $0x2  }
0x80: {  	v3 =	vld [tilespmem:s6+$0xFFFFEBD0]  }
0x81: {  	v4 =	vld [tilespmem:s6+$0xFFFFEBE0]  }
0x82: {  	v5 =	vshll.u32 v2, $0x10  }
0x83: {  	v2 =	vand.u32 $0xFFFF0000, v2;
	v5 =	vmul.f32 v5, v1  }
0x84: {  	v2 =	vmul.f32 v2, v1  }
0x85: {  	v3 =	vmul.f32 v5, v3  }
0x86: {  	v2 =	vmul.f32 v2, v4  }
0x87: {  	[tilespmem:s6+$0xFFFFEBD0] =	vst v3  }
0x88: {  	[tilespmem:s6+$0xFFFFEBE0] =	vst v2  }
0x89: {  	v2 =	vld [tilespmem:s23+$0xFFFFFFF0];
	_ =	sdelay $0x2  }
0x8a: {  	v3 =	vld [tilespmem:s6+$0xFFFFEBF0]  }
0x8b: {  	v4 =	vld [tilespmem:s6+$0xFFFFEC00]  }
0x8c: {  	v5 =	vshll.u32 v2, $0x10  }
0x8d: {  	v2 =	vand.u32 $0xFFFF0000, v2;
	v5 =	vmul.f32 v5, v1  }
0x8e: {  	v1 =	vmul.f32 v2, v1  }
0x8f: {  	v2 =	vmul.f32 v5, v3  }
0x90: {  	v1 =	vmul.f32 v1, v4  }
0x91: {  	[tilespmem:s6+$0xFFFFEBF0] =	vst v2  }
0x92: {  	[tilespmem:s6+$0xFFFFEC00] =	vst v1  }
0x93: {  	v1 =	vld [tilespmem:s22+$0x1E80]  }
0x94: {  	v3 =	vld [tilespmem:s23+$0x0];
	_ =	sdelay $0x2  }
0x95: {  	v4 =	vld [tilespmem:s6+$0xFFFFFF90]  }
0x96: {  	v5 =	vld [tilespmem:s6+$0xFFFFFFA0];
	v2 =	vperm.xlane v1, v0  }
0x97: {  	v1 =	vshll.u32 v3, $0x10  }
0x98: {  	v3 =	vand.u32 $0xFFFF0000, v3;
	v1 =	vmul.f32 v1, v2  }
0x99: {  	v3 =	vmul.f32 v3, v2  }
0x9a: {  	v1 =	vmul.f32 v1, v4  }
0x9b: {  	v3 =	vmul.f32 v3, v5  }
0x9c: {  	[tilespmem:s6+$0xFFFFFF90] =	vst v1  }
0x9d: {  	[tilespmem:s6+$0xFFFFFFA0] =	vst v3  }
0x9e: {  	v1 =	vld [tilespmem:s23+$0x10];
	_ =	sdelay $0x2  }
0x9f: {  	v3 =	vld [tilespmem:s6+$0xFFFFFFB0]  }
0xa0: {  	v4 =	vld [tilespmem:s6+$0xFFFFFFC0]  }
0xa1: {  	v5 =	vshll.u32 v1, $0x10  }
0xa2: {  	v1 =	vand.u32 $0xFFFF0000, v1;
	v5 =	vmul.f32 v5, v2  }
0xa3: {  	v1 =	vmul.f32 v1, v2  }
0xa4: {  	v3 =	vmul.f32 v5, v3  }
0xa5: {  	v1 =	vmul.f32 v1, v4  }
0xa6: {  	[tilespmem:s6+$0xFFFFFFB0] =	vst v3  }
0xa7: {  	[tilespmem:s6+$0xFFFFFFC0] =	vst v1  }
0xa8: {  	v1 =	vld [tilespmem:s23+$0x20];
	_ =	sdelay $0x2  }
0xa9: {  	v3 =	vld [tilespmem:s6+$0xFFFFFFD0]  }
0xaa: {  	v4 =	vld [tilespmem:s6+$0xFFFFFFE0]  }
0xab: {  	v5 =	vshll.u32 v1, $0x10  }
0xac: {  	v1 =	vand.u32 $0xFFFF0000, v1;
	v5 =	vmul.f32 v5, v2  }
0xad: {  	v6 =	vmul.f32 v1, v2  }
0xae: {  	v5 =	vmul.f32 v5, v3  }
0xaf: {  	v4 =	vmul.f32 v6, v4  }
0xb0: {  	v1 =	vld [tilespmem:s6+$0x0];
	[tilespmem:s6+$0xFFFFFFD0] =	vst v5  }
0xb1: {  	v3 =	vld [tilespmem:s6+$0xFFFFFFF0];
	[tilespmem:s6+$0xFFFFFFE0] =	vst v4  }
0xb2: {  	s5 =	simm.s32 $0x4;
	s22 =	simm.s32 $0x33F0;
	v4 =	vld [tilespmem:s23+$0x30]  }
.LBB2_3:
0xb3: {  	_ =	sdelay $0x1  }
0xb4: {  	p1 =	sne.s32 s5, $0x9C;
	s6 =	sadd.s32 $0x80, s6;
	s23 =	sadd.s32 $0x80, s23  }
0xb5: {  	s13 =	smov.u32 s5;
	s5 =	sadd.s32 $0x4, s5  }
0xb6: {  	v5 =	vshll.u32 v4, $0x10;
	v4 =	vand.u32 $0xFFFF0000, v4  }
0xb7: {  	v5 =	vmul.f32 v5, v2;
	v2 =	vmul.f32 v4, v2;
	_ =	sdelay $0x1  }
0xb8: {  	v3 =	vmul.f32 v5, v3;
	v1 =	vmul.f32 v2, v1;
	_ =	sdelay $0x1  }
0xb9: {  	[tilespmem:s22+$0xFFFFFFF0] =	vst v3  }
0xba: {  	s13 =	sshra.s32 s13, $0x2;
	[tilespmem:s22+$0x0] =	vst v1;
	s22 =	smov.u32 s6  }
0xbb: {  	v2 =	vld [tilespmem:s13+$0x1D80]  }
0xbc: {  	v3 =	vld [tilespmem:s23+$0xFFFFFFC0]  }
0xbd: {  	v1 =	vld [tilespmem:s6+$0x0]  }
0xbe: {  	v4 =	vld [tilespmem:s6+$0xFFFFEBA0]  }
0xbf: {  	v5 =	vld [tilespmem:s6+$0xFFFFEB90]  }
0xc0: {  	v2 =	vperm.xlane v2, v0  }
0xc1: {  	v6 =	vshll.u32 v3, $0x10;
	v3 =	vand.u32 $0xFFFF0000, v3  }
0xc2: {  	v6 =	vmul.f32 v6, v2;
	v3 =	vmul.f32 v3, v2;
	_ =	sdelay $0x1  }
0xc3: {  	v5 =	vmul.f32 v6, v5;
	v3 =	vmul.f32 v3, v4;
	_ =	sdelay $0x1  }
0xc4: {  	[tilespmem:s6+$0xFFFFEB90] =	vst v5  }
0xc5: {  	[tilespmem:s6+$0xFFFFEBA0] =	vst v3  }
0xc6: {  	v3 =	vld [tilespmem:s23+$0xFFFFFFD0];
	_ =	sdelay $0x1  }
0xc7: {  	v4 =	vld [tilespmem:s6+$0xFFFFEBC0]  }
0xc8: {  	v5 =	vld [tilespmem:s6+$0xFFFFEBB0];
	_ =	sdelay $0x1  }
0xc9: {  	v6 =	vshll.u32 v3, $0x10;
	v3 =	vand.u32 $0xFFFF0000, v3  }
0xca: {  	v6 =	vmul.f32 v6, v2;
	v3 =	vmul.f32 v3, v2;
	_ =	sdelay $0x1  }
0xcb: {  	v5 =	vmul.f32 v6, v5;
	v3 =	vmul.f32 v3, v4;
	_ =	sdelay $0x1  }
0xcc: {  	[tilespmem:s6+$0xFFFFEBB0] =	vst v5  }
0xcd: {  	[tilespmem:s6+$0xFFFFEBC0] =	vst v3  }
0xce: {  	v3 =	vld [tilespmem:s23+$0xFFFFFFE0];
	_ =	sdelay $0x1  }
0xcf: {  	v4 =	vld [tilespmem:s6+$0xFFFFEBE0]  }
0xd0: {  	v5 =	vld [tilespmem:s6+$0xFFFFEBD0];
	_ =	sdelay $0x1  }
0xd1: {  	v6 =	vshll.u32 v3, $0x10;
	v3 =	vand.u32 $0xFFFF0000, v3  }
0xd2: {  	v6 =	vmul.f32 v6, v2;
	v3 =	vmul.f32 v3, v2;
	_ =	sdelay $0x1  }
0xd3: {  	v5 =	vmul.f32 v6, v5;
	v3 =	vmul.f32 v3, v4;
	_ =	sdelay $0x1  }
0xd4: {  	[tilespmem:s6+$0xFFFFEBD0] =	vst v5  }
0xd5: {  	[tilespmem:s6+$0xFFFFEBE0] =	vst v3  }
0xd6: {  	v3 =	vld [tilespmem:s23+$0xFFFFFFF0];
	_ =	sdelay $0x1  }
0xd7: {  	v4 =	vld [tilespmem:s6+$0xFFFFEC00]  }
0xd8: {  	v5 =	vld [tilespmem:s6+$0xFFFFEBF0];
	_ =	sdelay $0x1  }
0xd9: {  	v6 =	vshll.u32 v3, $0x10;
	v3 =	vand.u32 $0xFFFF0000, v3  }
0xda: {  	v6 =	vmul.f32 v6, v2;
	v2 =	vmul.f32 v3, v2;
	_ =	sdelay $0x1  }
0xdb: {  	v3 =	vmul.f32 v6, v5;
	v2 =	vmul.f32 v2, v4;
	_ =	sdelay $0x1  }
0xdc: {  	[tilespmem:s6+$0xFFFFEBF0] =	vst v3  }
0xdd: {  	[tilespmem:s6+$0xFFFFEC00] =	vst v2  }
0xde: {  	v2 =	vld [tilespmem:s13+$0x1E80]  }
0xdf: {  	v3 =	vld [tilespmem:s23+$0x0];
	_ =	sdelay $0x1  }
0xe0: {  	v4 =	vld [tilespmem:s6+$0xFFFFFFA0]  }
0xe1: {  	v5 =	vld [tilespmem:s6+$0xFFFFFF90]  }
0xe2: {  	v2 =	vperm.xlane v2, v0  }
0xe3: {  	v6 =	vshll.u32 v3, $0x10;
	v3 =	vand.u32 $0xFFFF0000, v3  }
0xe4: {  	v6 =	vmul.f32 v6, v2;
	v3 =	vmul.f32 v3, v2;
	_ =	sdelay $0x1  }
0xe5: {  	v5 =	vmul.f32 v6, v5;
	v3 =	vmul.f32 v3, v4;
	_ =	sdelay $0x1  }
0xe6: {  	[tilespmem:s6+$0xFFFFFF90] =	vst v5  }
0xe7: {  	[tilespmem:s6+$0xFFFFFFA0] =	vst v3  }
0xe8: {  	v3 =	vld [tilespmem:s23+$0x10];
	_ =	sdelay $0x1  }
0xe9: {  	v4 =	vld [tilespmem:s6+$0xFFFFFFC0]  }
0xea: {  	v5 =	vld [tilespmem:s6+$0xFFFFFFB0];
	_ =	sdelay $0x1  }
0xeb: {  	v6 =	vshll.u32 v3, $0x10;
	v3 =	vand.u32 $0xFFFF0000, v3  }
0xec: {  	v6 =	vmul.f32 v6, v2;
	v3 =	vmul.f32 v3, v2;
	_ =	sdelay $0x1  }
0xed: {  	v5 =	vmul.f32 v6, v5;
	v3 =	vmul.f32 v3, v4;
	_ =	sdelay $0x1  }
0xee: {  	[tilespmem:s6+$0xFFFFFFB0] =	vst v5  }
0xef: {  	[tilespmem:s6+$0xFFFFFFC0] =	vst v3  }
0xf0: {  	v3 =	vld [tilespmem:s23+$0x20];
	_ =	sdelay $0x1  }
0xf1: {  	v4 =	vld [tilespmem:s6+$0xFFFFFFE0]  }
0xf2: {  	v5 =	vld [tilespmem:s6+$0xFFFFFFD0];
	_ =	sdelay $0x1  }
0xf3: {  	v6 =	vshll.u32 v3, $0x10;
	v3 =	vand.u32 $0xFFFF0000, v3  }
0xf4: {  	v6 =	vmul.f32 v6, v2;
	v3 =	vmul.f32 v3, v2;
	_ =	sdelay $0x1  }
.Ltmp0:
0xf5: {  	v5 =	vmul.f32 v6, v5;
	v4 =	vmul.f32 v3, v4;
	v3 =	vld [tilespmem:s6+$0xFFFFFFF0];
	(pc) =	sbr.rel @p1 .LBB2_3-.Ltmp0, $4  }
0xf6: {  	_ = 	snop  }
0xf7: {  	[tilespmem:s6+$0xFFFFFFD0] =	vst v5  }
0xf8: {  	[tilespmem:s6+$0xFFFFFFE0] =	vst v4  }
0xf9: {  	v4 =	vld [tilespmem:s23+$0x30]  }
0xfa: {  	_ =	sdelay $0x3  }
0xfb: {  	v5 =	vshll.u32 v4, $0x10  }
0xfc: {  	v4 =	vand.u32 $0xFFFF0000, v4;
	v5 =	vmul.f32 v5, v2  }
0xfd: {  	v2 =	vmul.f32 v4, v2  }
0xfe: {  	v3 =	vmul.f32 v5, v3  }
0xff: {  	v1 =	vmul.f32 v2, v1  }
0x100: {  	[tilespmem:s22+$0xFFFFFFF0] =	vst v3  }
0x101: {  	p1 =	seq.s32 s20, $0x2B;
	[tilespmem:s22+$0x0] =	vst v1  }
0x102: {  	[spmem:s4] =	stream.indirect.scatter.add.f32 [tilespmem:s26], [sflag:$0x5], $0x80, s30, s25, $0xb8;
	[tilespmem:$0x1D000] =	vst v63  }
0x103: {  	s5 =	simm.s32 @!p1 $0x5  }
0x104: {  	[spmem:s4] =	stream.indirect.scatter.add.f32 [tilespmem:s28], [sflag:$0x5], $0x80, s31, s25, $0xb8;
	[tilespmem:$0x1D000] =	vst v63  }
0x105: {  	_ =	swait.ge @!p1 [sflag:s5], $0x1400  }
0x106: {  	[sflag:s5] =	ssyncset.done @!p1 $0x0  }
0x107: {  	[sflag:s5] =	ssyncadd.s32 @!p1 $0xFFFFEC00  }
0x108: {  	_ =	swait.ge @!p1 [sflag:s5], $0x1400  }
0x109: {  	s6 =	simm.s32 @!p1 $0x28;
	[sflag:s5] =	ssyncset.done @!p1 $0x0  }
0x10a: {  	s13 =	simm.s32 @!p1 $0x1F80;
	[sflag:s5] =	ssyncadd.s32 @!p1 $0xFFFFEC00;
	s5 =	sadd.s32 @!p1 $0x50, s21  }
0x10b: {  	[tilespmem:s13], [sflag:$0x1] =	stream.indirect.gather @!p1 [hbm4b:s0+s6], $0x80, s5, s6, $0xb8;
	[tilespmem:$0x1D000] =	vst v63  }
0x10c: {  	s13 =	sadd.s32 @!p1 $0xE10, s21;
	s21 =	simm.s32 @!p1 $0x3380  }
0x10d: {  	[tilespmem:s21], [sflag:$0x1] =	stream.indirect.gather @!p1 [hbm4b:s0+s6], $0x80, s13, s6, $0xb8;
	[tilespmem:$0x1D000] =	vst v63  }
0x10e: {  	s6 =	sadd.s32 @!p1 s8, s5  }
0x10f: {  	s6 =	sshll.u32 @!p1 s6, $0x4  }
0x110: {  	s13 =	simm.s32 @!p1 $0x0;
	s21 =	simm.s32 @!p1 $0x6F80;
	s6 =	sadd.s32 @!p1 s7, s6  }
0x111: {  	[tilespmem:s21], [sflag:$0x3] =	stream.linear.gather @!p1 [hbm4b:s6+s13], $0x1400, $0x38;
	[tilespmem:$0x1D000] =	vst v63  }
0x112: {  	s6 =	sadd.s32 @!p1 s10, s5  }
0x113: {  	s5 =	sadd.s32 @!p1 s11, s5;
	s6 =	sshrl.u32 @!p1 s6, $0x3  }
0x114: {  	s22 =	simm.s32 @!p1 $0x1B80;
	s5 =	sshrl.u32 @!p1 s5, $0x3;
	s21 =	sadd.s32 @!p1 s2, s6  }
0x115: {  	[tilespmem:s22], [sflag:$0x7] =	stream.linear.gather @!p1 [hbm4b:s21+s13], $0x28, $0x38;
	[tilespmem:$0x1D000] =	vst v63  }
0x116: {  	s21 =	sadd.s32 @!p1 s2, s5;
	s22 =	simm.s32 @!p1 $0x1C80  }
0x117: {  	[tilespmem:s22], [sflag:$0x7] =	stream.linear.gather @!p1 [hbm4b:s21+s13], $0x28, $0x38;
	[tilespmem:$0x1D000] =	vst v63  }
0x118: {  	s6 =	sadd.s32 @!p1 s3, s6;
	s21 =	simm.s32 @!p1 $0x1D80  }
0x119: {  	[tilespmem:s21], [sflag:$0x7] =	stream.linear.gather @!p1 [hbm4b:s6+s13], $0x28, $0x38;
	[tilespmem:$0x1D000] =	vst v63  }
0x11a: {  	s5 =	sadd.s32 @!p1 s3, s5;
	s6 =	simm.s32 @!p1 $0x1E80  }
0x11b: {  	[tilespmem:s6], [sflag:$0x7] =	stream.linear.gather @!p1 [hbm4b:s5+s13], $0x28, $0x38;
	[tilespmem:$0x1D000] =	vst v63  }
0x11c: {  	_ =	swait.ge [sflag:s17], $0x1400  }
0x11d: {  	[sflag:s17] =	ssyncset.done $0x0  }
0x11e: {  	[sflag:s17] =	ssyncadd.s32 $0xFFFFEC00  }
0x11f: {  	_ =	swait.ge [sflag:s17], $0x1400  }
0x120: {  	[sflag:s17] =	ssyncset.done $0x0  }
0x121: {  	[sflag:s17] =	ssyncadd.s32 $0xFFFFEC00  }
0x122: {  	_ =	swait.ge [sflag:s18], $0x1400  }
0x123: {  	[sflag:s18] =	ssyncset.done $0x0  }
0x124: {  	[sflag:s18] =	ssyncadd.s32 $0xFFFFEC00  }
0x125: {  	_ =	swait.ge [sflag:s19], $0x28  }
0x126: {  	[sflag:s19] =	ssyncset.done $0x0  }
0x127: {  	[sflag:s19] =	ssyncadd.s32 $0xFFFFFFD8  }
0x128: {  	_ =	swait.ge [sflag:s19], $0x28  }
0x129: {  	[sflag:s19] =	ssyncset.done $0x0  }
0x12a: {  	[sflag:s19] =	ssyncadd.s32 $0xFFFFFFD8  }
0x12b: {  	_ =	swait.ge [sflag:s19], $0x28  }
0x12c: {  	[sflag:s19] =	ssyncset.done $0x0  }
0x12d: {  	[sflag:s19] =	ssyncadd.s32 $0xFFFFFFD8  }
0x12e: {  	_ =	swait.ge [sflag:s19], $0x28  }
0x12f: {  	[sflag:s19] =	ssyncset.done $0x0  }
0x130: {  	s23 =	simm.s32 $0x0;
	[sflag:s19] =	ssyncadd.s32 $0xFFFFFFD8  }
0x131: {  	s21 =	simm.s32 $0x83C0;
	v1 =	vld [tilespmem:s23+$0x1E00]  }
0x132: {  	v2 =	vld [tilespmem:s21+$0xFFFFFFC0];
	_ =	sdelay $0x1  }
0x133: {  	s6 =	simm.s32 $0x5BF0  }
0x134: {  	v3 =	vld [tilespmem:s6+$0xFFFFEB90]  }
0x135: {  	v4 =	vld [tilespmem:s6+$0xFFFFEBA0];
	v1 =	vperm.xlane v1, v0  }
0x136: {  	v5 =	vshll.u32 v2, $0x10  }
0x137: {  	v2 =	vand.u32 $0xFFFF0000, v2;
	v5 =	vmul.f32 v5, v1  }
0x138: {  	v2 =	vmul.f32 v2, v1  }
0x139: {  	v3 =	vmul.f32 v5, v3  }
0x13a: {  	v2 =	vmul.f32 v2, v4  }
0x13b: {  	[tilespmem:s6+$0xFFFFEB90] =	vst v3  }
0x13c: {  	[tilespmem:s6+$0xFFFFEBA0] =	vst v2  }
0x13d: {  	v2 =	vld [tilespmem:s21+$0xFFFFFFD0];
	_ =	sdelay $0x2  }
0x13e: {  	v3 =	vld [tilespmem:s6+$0xFFFFEBB0]  }
0x13f: {  	v4 =	vld [tilespmem:s6+$0xFFFFEBC0]  }
0x140: {  	v5 =	vshll.u32 v2, $0x10  }
0x141: {  	v2 =	vand.u32 $0xFFFF0000, v2;
	v5 =	vmul.f32 v5, v1  }
0x142: {  	v2 =	vmul.f32 v2, v1  }
0x143: {  	v3 =	vmul.f32 v5, v3  }
0x144: {  	v2 =	vmul.f32 v2, v4  }
0x145: {  	[tilespmem:s6+$0xFFFFEBB0] =	vst v3  }
0x146: {  	[tilespmem:s6+$0xFFFFEBC0] =	vst v2  }
0x147: {  	v2 =	vld [tilespmem:s21+$0xFFFFFFE0];
	_ =	sdelay $0x2  }
0x148: {  	v3 =	vld [tilespmem:s6+$0xFFFFEBD0]  }
0x149: {  	v4 =	vld [tilespmem:s6+$0xFFFFEBE0]  }
0x14a: {  	v5 =	vshll.u32 v2, $0x10  }
0x14b: {  	v2 =	vand.u32 $0xFFFF0000, v2;
	v5 =	vmul.f32 v5, v1  }
0x14c: {  	v2 =	vmul.f32 v2, v1  }
0x14d: {  	v3 =	vmul.f32 v5, v3  }
0x14e: {  	v2 =	vmul.f32 v2, v4  }
0x14f: {  	[tilespmem:s6+$0xFFFFEBD0] =	vst v3  }
0x150: {  	[tilespmem:s6+$0xFFFFEBE0] =	vst v2  }
0x151: {  	v2 =	vld [tilespmem:s21+$0xFFFFFFF0];
	_ =	sdelay $0x2  }
0x152: {  	v3 =	vld [tilespmem:s6+$0xFFFFEBF0]  }
0x153: {  	v4 =	vld [tilespmem:s6+$0xFFFFEC00]  }
0x154: {  	v5 =	vshll.u32 v2, $0x10  }
0x155: {  	v2 =	vand.u32 $0xFFFF0000, v2;
	v5 =	vmul.f32 v5, v1  }
0x156: {  	v1 =	vmul.f32 v2, v1  }
0x157: {  	v2 =	vmul.f32 v5, v3  }
0x158: {  	v1 =	vmul.f32 v1, v4  }
0x159: {  	[tilespmem:s6+$0xFFFFEBF0] =	vst v2  }
0x15a: {  	[tilespmem:s6+$0xFFFFEC00] =	vst v1  }
0x15b: {  	v1 =	vld [tilespmem:s23+$0x1F00]  }
0x15c: {  	v3 =	vld [tilespmem:s21+$0x0];
	_ =	sdelay $0x2  }
0x15d: {  	v4 =	vld [tilespmem:s6+$0xFFFFFF90]  }
0x15e: {  	v5 =	vld [tilespmem:s6+$0xFFFFFFA0];
	v2 =	vperm.xlane v1, v0  }
0x15f: {  	v1 =	vshll.u32 v3, $0x10  }
0x160: {  	v3 =	vand.u32 $0xFFFF0000, v3;
	v1 =	vmul.f32 v1, v2  }
0x161: {  	v3 =	vmul.f32 v3, v2  }
0x162: {  	v1 =	vmul.f32 v1, v4  }
0x163: {  	v3 =	vmul.f32 v3, v5  }
0x164: {  	[tilespmem:s6+$0xFFFFFF90] =	vst v1  }
0x165: {  	[tilespmem:s6+$0xFFFFFFA0] =	vst v3  }
0x166: {  	v1 =	vld [tilespmem:s21+$0x10];
	_ =	sdelay $0x2  }
0x167: {  	v3 =	vld [tilespmem:s6+$0xFFFFFFB0]  }
0x168: {  	v4 =	vld [tilespmem:s6+$0xFFFFFFC0]  }
0x169: {  	v5 =	vshll.u32 v1, $0x10  }
0x16a: {  	v1 =	vand.u32 $0xFFFF0000, v1;
	v5 =	vmul.f32 v5, v2  }
0x16b: {  	v1 =	vmul.f32 v1, v2  }
0x16c: {  	v3 =	vmul.f32 v5, v3  }
0x16d: {  	v1 =	vmul.f32 v1, v4  }
0x16e: {  	[tilespmem:s6+$0xFFFFFFB0] =	vst v3  }
0x16f: {  	[tilespmem:s6+$0xFFFFFFC0] =	vst v1  }
0x170: {  	v1 =	vld [tilespmem:s21+$0x20];
	_ =	sdelay $0x2  }
0x171: {  	v3 =	vld [tilespmem:s6+$0xFFFFFFD0]  }
0x172: {  	v4 =	vld [tilespmem:s6+$0xFFFFFFE0]  }
0x173: {  	v5 =	vshll.u32 v1, $0x10  }
0x174: {  	v1 =	vand.u32 $0xFFFF0000, v1;
	v5 =	vmul.f32 v5, v2  }
0x175: {  	v6 =	vmul.f32 v1, v2  }
0x176: {  	v5 =	vmul.f32 v5, v3  }
0x177: {  	v4 =	vmul.f32 v6, v4  }
0x178: {  	v1 =	vld [tilespmem:s6+$0x0];
	[tilespmem:s6+$0xFFFFFFD0] =	vst v5  }
0x179: {  	v3 =	vld [tilespmem:s6+$0xFFFFFFF0];
	[tilespmem:s6+$0xFFFFFFE0] =	vst v4  }
0x17a: {  	s22 =	simm.s32 $0x5BF0;
	s5 =	simm.s32 $0x4;
	v4 =	vld [tilespmem:s21+$0x30]  }
.LBB2_5:
0x17b: {  	_ =	sdelay $0x1  }
0x17c: {  	p1 =	sne.s32 s5, $0x9C;
	s6 =	sadd.s32 $0x80, s6;
	s21 =	sadd.s32 $0x80, s21  }
0x17d: {  	s13 =	smov.u32 s5;
	s5 =	sadd.s32 $0x4, s5  }
0x17e: {  	v5 =	vshll.u32 v4, $0x10;
	v4 =	vand.u32 $0xFFFF0000, v4  }
0x17f: {  	v5 =	vmul.f32 v5, v2;
	v2 =	vmul.f32 v4, v2;
	_ =	sdelay $0x1  }
0x180: {  	v3 =	vmul.f32 v5, v3;
	v1 =	vmul.f32 v2, v1;
	_ =	sdelay $0x1  }
0x181: {  	[tilespmem:s22+$0xFFFFFFF0] =	vst v3  }
0x182: {  	s13 =	sshra.s32 s13, $0x2;
	[tilespmem:s22+$0x0] =	vst v1;
	s22 =	smov.u32 s6  }
0x183: {  	v2 =	vld [tilespmem:s13+$0x1E00]  }
0x184: {  	v3 =	vld [tilespmem:s21+$0xFFFFFFC0]  }
0x185: {  	v1 =	vld [tilespmem:s6+$0x0]  }
0x186: {  	v4 =	vld [tilespmem:s6+$0xFFFFEBA0]  }
0x187: {  	v5 =	vld [tilespmem:s6+$0xFFFFEB90]  }
0x188: {  	v2 =	vperm.xlane v2, v0  }
0x189: {  	v6 =	vshll.u32 v3, $0x10;
	v3 =	vand.u32 $0xFFFF0000, v3  }
0x18a: {  	v6 =	vmul.f32 v6, v2;
	v3 =	vmul.f32 v3, v2;
	_ =	sdelay $0x1  }
0x18b: {  	v5 =	vmul.f32 v6, v5;
	v3 =	vmul.f32 v3, v4;
	_ =	sdelay $0x1  }
0x18c: {  	[tilespmem:s6+$0xFFFFEB90] =	vst v5  }
0x18d: {  	[tilespmem:s6+$0xFFFFEBA0] =	vst v3  }
0x18e: {  	v3 =	vld [tilespmem:s21+$0xFFFFFFD0];
	_ =	sdelay $0x1  }
0x18f: {  	v4 =	vld [tilespmem:s6+$0xFFFFEBC0]  }
0x190: {  	v5 =	vld [tilespmem:s6+$0xFFFFEBB0];
	_ =	sdelay $0x1  }
0x191: {  	v6 =	vshll.u32 v3, $0x10;
	v3 =	vand.u32 $0xFFFF0000, v3  }
0x192: {  	v6 =	vmul.f32 v6, v2;
	v3 =	vmul.f32 v3, v2;
	_ =	sdelay $0x1  }
0x193: {  	v5 =	vmul.f32 v6, v5;
	v3 =	vmul.f32 v3, v4;
	_ =	sdelay $0x1  }
0x194: {  	[tilespmem:s6+$0xFFFFEBB0] =	vst v5  }
0x195: {  	[tilespmem:s6+$0xFFFFEBC0] =	vst v3  }
0x196: {  	v3 =	vld [tilespmem:s21+$0xFFFFFFE0];
	_ =	sdelay $0x1  }
0x197: {  	v4 =	vld [tilespmem:s6+$0xFFFFEBE0]  }
0x198: {  	v5 =	vld [tilespmem:s6+$0xFFFFEBD0];
	_ =	sdelay $0x1  }
0x199: {  	v6 =	vshll.u32 v3, $0x10;
	v3 =	vand.u32 $0xFFFF0000, v3  }
0x19a: {  	v6 =	vmul.f32 v6, v2;
	v3 =	vmul.f32 v3, v2;
	_ =	sdelay $0x1  }
0x19b: {  	v5 =	vmul.f32 v6, v5;
	v3 =	vmul.f32 v3, v4;
	_ =	sdelay $0x1  }
0x19c: {  	[tilespmem:s6+$0xFFFFEBD0] =	vst v5  }
0x19d: {  	[tilespmem:s6+$0xFFFFEBE0] =	vst v3  }
0x19e: {  	v3 =	vld [tilespmem:s21+$0xFFFFFFF0];
	_ =	sdelay $0x1  }
0x19f: {  	v4 =	vld [tilespmem:s6+$0xFFFFEC00]  }
0x1a0: {  	v5 =	vld [tilespmem:s6+$0xFFFFEBF0];
	_ =	sdelay $0x1  }
0x1a1: {  	v6 =	vshll.u32 v3, $0x10;
	v3 =	vand.u32 $0xFFFF0000, v3  }
0x1a2: {  	v6 =	vmul.f32 v6, v2;
	v2 =	vmul.f32 v3, v2;
	_ =	sdelay $0x1  }
0x1a3: {  	v3 =	vmul.f32 v6, v5;
	v2 =	vmul.f32 v2, v4;
	_ =	sdelay $0x1  }
0x1a4: {  	[tilespmem:s6+$0xFFFFEBF0] =	vst v3  }
0x1a5: {  	[tilespmem:s6+$0xFFFFEC00] =	vst v2  }
0x1a6: {  	v2 =	vld [tilespmem:s13+$0x1F00]  }
0x1a7: {  	v3 =	vld [tilespmem:s21+$0x0];
	_ =	sdelay $0x1  }
0x1a8: {  	v4 =	vld [tilespmem:s6+$0xFFFFFFA0]  }
0x1a9: {  	v5 =	vld [tilespmem:s6+$0xFFFFFF90]  }
0x1aa: {  	v2 =	vperm.xlane v2, v0  }
0x1ab: {  	v6 =	vshll.u32 v3, $0x10;
	v3 =	vand.u32 $0xFFFF0000, v3  }
0x1ac: {  	v6 =	vmul.f32 v6, v2;
	v3 =	vmul.f32 v3, v2;
	_ =	sdelay $0x1  }
0x1ad: {  	v5 =	vmul.f32 v6, v5;
	v3 =	vmul.f32 v3, v4;
	_ =	sdelay $0x1  }
0x1ae: {  	[tilespmem:s6+$0xFFFFFF90] =	vst v5  }
0x1af: {  	[tilespmem:s6+$0xFFFFFFA0] =	vst v3  }
0x1b0: {  	v3 =	vld [tilespmem:s21+$0x10];
	_ =	sdelay $0x1  }
0x1b1: {  	v4 =	vld [tilespmem:s6+$0xFFFFFFC0]  }
0x1b2: {  	v5 =	vld [tilespmem:s6+$0xFFFFFFB0];
	_ =	sdelay $0x1  }
0x1b3: {  	v6 =	vshll.u32 v3, $0x10;
	v3 =	vand.u32 $0xFFFF0000, v3  }
0x1b4: {  	v6 =	vmul.f32 v6, v2;
	v3 =	vmul.f32 v3, v2;
	_ =	sdelay $0x1  }
0x1b5: {  	v5 =	vmul.f32 v6, v5;
	v3 =	vmul.f32 v3, v4;
	_ =	sdelay $0x1  }
0x1b6: {  	[tilespmem:s6+$0xFFFFFFB0] =	vst v5  }
0x1b7: {  	[tilespmem:s6+$0xFFFFFFC0] =	vst v3  }
0x1b8: {  	v3 =	vld [tilespmem:s21+$0x20];
	_ =	sdelay $0x1  }
0x1b9: {  	v4 =	vld [tilespmem:s6+$0xFFFFFFE0]  }
0x1ba: {  	v5 =	vld [tilespmem:s6+$0xFFFFFFD0];
	_ =	sdelay $0x1  }
0x1bb: {  	v6 =	vshll.u32 v3, $0x10;
	v3 =	vand.u32 $0xFFFF0000, v3  }
0x1bc: {  	v6 =	vmul.f32 v6, v2;
	v3 =	vmul.f32 v3, v2;
	_ =	sdelay $0x1  }
.Ltmp1:
0x1bd: {  	v5 =	vmul.f32 v6, v5;
	v4 =	vmul.f32 v3, v4;
	v3 =	vld [tilespmem:s6+$0xFFFFFFF0];
	(pc) =	sbr.rel @p1 .LBB2_5-.Ltmp1, $4  }
0x1be: {  	_ = 	snop  }
0x1bf: {  	[tilespmem:s6+$0xFFFFFFD0] =	vst v5  }
0x1c0: {  	[tilespmem:s6+$0xFFFFFFE0] =	vst v4  }
0x1c1: {  	v4 =	vld [tilespmem:s21+$0x30]  }
0x1c2: {  	_ =	sdelay $0x3  }
0x1c3: {  	v5 =	vshll.u32 v4, $0x10  }
0x1c4: {  	v63 =	vand.u32 $0xFFFF0000, v4;
	v5 =	vmul.f32 v5, v2  }
0x1c5: {  	v2 =	vmul.f32 v63, v2  }
0x1c6: {  	s20 =	sadd.s32 $0x1, s20;
	v3 =	vmul.f32 v5, v3  }
0x1c7: {  	p1 =	sne.s32 s20, $0x2C;
	v1 =	vmul.f32 v2, v1  }
.Ltmp2:
0x1c8: {  	[tilespmem:s22+$0xFFFFFFF0] =	vst v3;
	(pc) =	sbr.rel @p1 .LBB2_2-.Ltmp2, $4  }
0x1c9: {  	[tilespmem:s22+$0x0] =	vst v1  }
0x1ca: {  	[spmem:s4] =	stream.indirect.scatter.add.f32 [tilespmem:s29], [sflag:$0x6], $0x80, s9, s25, $0xb8;
	[tilespmem:$0x1D000] =	vst v63  }
0x1cb: {  	_ = 	snop  }
0x1cc: {  	[spmem:s4] =	stream.indirect.scatter.add.f32 [tilespmem:s1], [sflag:$0x6], $0x80, s12, s25, $0xb8;
	[tilespmem:$0x1D000] =	vst v63  }
0x1cd: {  	s5 =	simm.s32 $0x6  }
0x1ce: {  	_ =	swait.ge [sflag:s5], $0x1400  }
0x1cf: {  	[sflag:s5] =	ssyncset.done $0x0  }
0x1d0: {  	[sflag:s5] =	ssyncadd.s32 $0xFFFFEC00  }
0x1d1: {  	_ =	swait.ge [sflag:s5], $0x1400  }
0x1d2: {  	[sflag:s5] =	ssyncset.done $0x0  }
0x1d3: {  	s22 =	simm.s32 $0x5;
	[sflag:s5] =	ssyncadd.s32 $0xFFFFEC00  }
0x1d4: {  	_ =	swait.ge [sflag:s22], $0x1400  }
0x1d5: {  	[sflag:s22] =	ssyncset.done $0x0  }
0x1d6: {  	[sflag:s22] =	ssyncadd.s32 $0xFFFFEC00  }
0x1d7: {  	_ =	swait.ge [sflag:s22], $0x1400  }
0x1d8: {  	[sflag:s22] =	ssyncset.done $0x0  }
0x1d9: {  	[sflag:s22] =	ssyncadd.s32 $0xFFFFEC00  }
0x1da: {  	[bflag:$0x0] =	sbarrier.arrive $0xFFFF  }
0x1db: {  	s5 =	rddreg [dreg:$0x10]  }
0x1dc: {  	s13 =	rddreg [dreg:$0x12]  }
0x1dd: {  	s6 =	rddreg [dreg:$0x14]  }
0x1de: {  	[hbm:s5], [sflag:s13] =	dma.local @!p0 [spmem:s6], $0x3E80  }
0x1df: {  	s5 =	simm.s32 @!p0 $0x9  }
0x1e0: {  	_ =	swait.ge @!p0 [sflag:s5], $0x3E80  }
0x1e1: {  	s20 =	rddreg [dreg:$0x13]  }
0x1e2: {  	s23 =	rddreg [dreg:$0x11];
	s20 =	sadd.s32 $0x1, s20  }
0x1e3: {  	p1 =	sne.s32 s20, s23  }
.Ltmp3:
0x1e4: {  	_ = 	snop;
	(pc) =	sbr.rel @p1 .LBB2_1-.Ltmp3, $3  }
0x1e5: {  	_ =	sdelay $0x1  }
0x1e6: {  	[sflag:s5] =	ssyncset.done @!p0 $0x0  }
0x1e7: {  	[sflag:s5] =	ssyncadd.s32 @!p0 $0xFFFFC180  }
0x1e8: {  	_ =	sfence.sel $0x180000  }
0x1e9: {  	[bflag:$0x0] =	sbarrier.arrive $0xFFFF  }
0x1ea: {  	_ =	strace $0x9000004A  }
0x1eb: {  	s0 =	stileid.u32;
	[bflag:$0x2] =	sbarrier.arrive $0xFFFF  }
0x1ec: {  	p0 =	sne.s32 s0, $0x0;
	s0 =	rddreg [dreg:$0x6]  }
0x1ed: {  	s0 =	sadd.s32 @!p0 $0x100000, s0  }
0x1ee: {  	[sflag:s0] =	ssyncadd.tile.s32 @!p0 $0x1;
	_ =	shalt  }
.Lfunc_end2:
_tile_overlayer_lowered:
.L_overlay_start_2:
0x1ef: {  	(tag) =	ssettag $0x2  }
0x1f0: {  	s0 =	rddreg [dreg:$0x0];
	s2 =	stileid.u32  }
0x1f1: {  	s1 =	rddreg [dreg:$0x1];
	p0 =	sne.s32 s2, $0x0  }
0x1f2: {  	s3 =	rddreg [dreg:$0x2];
	[bflag:$0x3] =	sbarrier.arrive $0xFFFF;
	s2 =	simm.s32 @!p0 $0x1C09  }
0x1f3: {  	[timem:s3], [sflag:s2] =	dma.local @!p0 [hbm:s0], s1  }
0x1f4: {  	s0 =	simm.s32 @!p0 $0x9  }
0x1f5: {  	_ =	swait.ge @!p0 [sflag:s0], s1  }
0x1f6: {  	s1 =	ssub.s32 @!p0 $0x0, s1;
	[sflag:s0] =	ssyncset.done @!p0 $0x0  }
0x1f7: {  	[sflag:s0] =	ssyncadd.s32 @!p0 s1  }
0x1f8: {  	[bflag:$0x3] =	sbarrier.arrive $0xFFFF  }
0x1f9: {  	_ =	shalt  }

// kernel: kernel.8.cloned.1.call-start
scs
__scs_entry_jumppad:
0x0: {  	(pc) =	sbr.rel $0x88, $3  }
0x1: {  	(tag) =	ssettag $0x0;
	lr =	simm.s32 $0x1  }
0x2: {  	[smem:$0x3F96] =	sst lr;
	_ =	strace $0xD0000000  }
0x3: {  	_ = 	snop  }
0x4: {  	_ = 	snop  }
0x5: {  	_ = 	snop  }
0x6: {  	_ = 	snop  }
0x7: {  	_ = 	snop  }
__scs_overlays_trampoline_lowered:
0x8: {  	[smem:$0x3FA5] =	sst s0  }
0x9: {  	[smem:$0x3FA6] =	sst s1  }
0xa: {  	[smem:$0x3FA7] =	sst s2  }
0xb: {  	[smem:$0x3FA8] =	sst s3  }
0xc: {  	[smem:$0x3FA9] =	sst s4  }
0xd: {  	[smem:$0x3FAA] =	sst s5  }
0xe: {  	[smem:$0x3FAB] =	sst s6  }
0xf: {  	[smem:$0x3FAC] =	sst s7  }
0x10: {  	[smem:$0x3FAD] =	sst s8  }
0x11: {  	[smem:$0x3FAE] =	sst s9;
	s0 =	simm.s32 @!p0 $0x0  }
0x12: {  	s1 =	sld [smem:$0x3F94];
	s0 =	simm.s32 @p0 $0x1  }
0x13: {  	[smem:$0x3FAF] =	sst s0;
	s0 =	simm.s32 @!p1 $0x0  }
0x14: {  	s2 =	sld [smem:$0x3F93];
	s0 =	simm.s32 @p1 $0x1  }
0x15: {  	[smem:$0x3FB0] =	sst s0;
	s0 =	simm.s32 @!p2 $0x0  }
0x16: {  	s3 =	sld [smem:$0x3FDB];
	s0 =	simm.s32 @p2 $0x1  }
0x17: {  	s4 =	simm.s32 $0x1BF5;
	[smem:$0x3FB2] =	sst s0  }
0x18: {  	s0 =	sld [smem:$0x3F95];
	_ =	swait.ge [sflag:s4], $0x0  }
0x19: {  	s7 =	sld [smem:$0x3F96]  }
0x1a: {  	s8 =	sadd.s32 $0xFFFFE003, lr  }
0x1b: {  	s9 =	sadd.s32 $0xFFFFFEF7, lr;
	s5 =	simm.s32 $0xFFFFFFFF;
	p2 =	slt.u32 s8, $0xFFFFF086  }
0x1c: {  	p1 =	slt.u32 s9, $0xF7A;
	s5 =	simm.s32 @!p2 $0x0  }
0x1d: {  	s5 =	simm.s32 @p1 $0x1;
	p0 =	seq.s32 s7, s2  }
0x1e: {  	s7 =	smul.u32 @!p0 $0xF7A, s2;
	p2 =	seq.s32 @!p0 s5, $0x0  }
0x1f: {  	s9 =	smul.u32 $0xF7A, s1;
	s8 =	simm.s32 @!p0 $0x1BF5;
	p2 =	por !p2, p0  }
0x20: {  	[sflag:s8] =	ssyncset.s32 @!p0 $0xFFFFF086;
	s6 =	sadd.s32 @!p0 s3, s7;
	s7 =	simm.s32 @!p0 $0x108  }
0x21: {  	s3 =	sadd.s32 s3, s9;
	s6 =	sadd.s32 @!p0 $0x88, s6;
	s7 =	simm.s32 @p2 $0x1082  }
0x22: {  	[simem:s7], [sflag:s8] =	dma.local @!p0 [hbm:s6], $0xF7A  }
0x23: {  	s9 =	sor.u32 $0xD0000000, s2;
	s6 =	simm.s32 $0x108;
	_ =	swait.ge @!p0 [sflag:s8], $0x0  }
0x24: {  	s3 =	sadd.s32 $0x88, s3;
	s6 =	simm.s32 @!p1 $0x1082;
	[sflag:s4] =	ssyncset.s32 $0xFFFFF086  }
0x25: {  	[simem:s6], [sflag:s4] =	dma.local [hbm:s3], $0xF7A  }
0x26: {  	[smem:$0x3F96] =	sst s1;
	(tag) =	ssettag s2;
	_ =	strace s9  }
0x27: {  	s1 =	sld [smem:$0x3FA6]  }
0x28: {  	s2 =	sld [smem:$0x3FA7]  }
0x29: {  	s4 =	sld [smem:$0x3FA9]  }
0x2a: {  	p0 =	seq.s32 s5, $0x0;
	s5 =	sld [smem:$0x3FAA]  }
0x2b: {  	s6 =	sld [smem:$0x3FAB]  }
0x2c: {  	s7 =	sld [smem:$0x3FAC]  }
0x2d: {  	s3 =	simm.s32 $0x108;
	s8 =	sld [smem:$0x3FAD]  }
0x2e: {  	s3 =	simm.s32 @!p0 $0x1082;
	s9 =	sld [smem:$0x3FAE]  }
0x2f: {  	lr =	sadd.s32 s0, s3;
	s0 =	sld [smem:$0x3FA5]  }
0x30: {  	s3 =	sld [smem:$0x3FA8]  }
0x31: {  	[smem:$0x3FB1] =	sst s10  }
0x32: {  	s10 =	sld [smem:$0x3FAF];
	_ =	sdelay $0x3  }
0x33: {  	p0 =	seq.s32 s10, $0x1;
	s10 =	sld [smem:$0x3FB1];
	_ =	sdelay $0x3  }
0x34: {  	[smem:$0x3FB1] =	sst s10  }
0x35: {  	s10 =	sld [smem:$0x3FB0];
	_ =	sdelay $0x3  }
0x36: {  	p1 =	seq.s32 s10, $0x1;
	s10 =	sld [smem:$0x3FB1];
	_ =	sdelay $0x3  }
0x37: {  	[smem:$0x3FB1] =	sst s10  }
0x38: {  	s10 =	sld [smem:$0x3FB2]  }
0x39: {  	_ = 	snop;
	(pc) =	sbr.ind lr, $3  }
0x3a: {  	_ = 	snop  }
0x3b: {  	_ = 	snop  }
0x3c: {  	p2 =	seq.s32 s10, $0x1;
	s10 =	sld [smem:$0x3FB1]  }
0x3d: {  	_ =	shalt  }
0x3e: {  	_ =	shalt  }
0x3f: {  	_ =	shalt  }
0x40: {  	_ =	shalt  }
0x41: {  	_ =	shalt  }
0x42: {  	_ =	shalt  }
0x43: {  	_ =	shalt  }
0x44: {  	_ =	shalt  }
0x45: {  	_ =	shalt  }
0x46: {  	_ =	shalt  }
0x47: {  	_ =	shalt  }
0x48: {  	_ =	shalt  }
0x49: {  	_ =	shalt  }
0x4a: {  	_ =	shalt  }
0x4b: {  	_ =	shalt  }
0x4c: {  	_ =	shalt  }
0x4d: {  	_ =	shalt  }
0x4e: {  	_ =	shalt  }
0x4f: {  	_ =	shalt  }
0x50: {  	_ =	shalt  }
0x51: {  	_ =	shalt  }
0x52: {  	_ =	shalt  }
0x53: {  	_ =	shalt  }
0x54: {  	_ =	shalt  }
0x55: {  	_ =	shalt  }
0x56: {  	_ =	shalt  }
0x57: {  	_ =	shalt  }
0x58: {  	_ =	shalt  }
0x59: {  	_ =	shalt  }
0x5a: {  	_ =	shalt  }
0x5b: {  	_ =	shalt  }
0x5c: {  	_ =	shalt  }
0x5d: {  	_ =	shalt  }
0x5e: {  	_ =	shalt  }
0x5f: {  	_ =	shalt  }
0x60: {  	_ =	shalt  }
0x61: {  	_ =	shalt  }
0x62: {  	_ =	shalt  }
0x63: {  	_ =	shalt  }
0x64: {  	_ =	shalt  }
0x65: {  	_ =	shalt  }
0x66: {  	_ =	shalt  }
0x67: {  	_ =	shalt  }
0x68: {  	_ =	shalt  }
0x69: {  	_ =	shalt  }
0x6a: {  	_ =	shalt  }
0x6b: {  	_ =	shalt  }
0x6c: {  	_ =	shalt  }
0x6d: {  	_ =	shalt  }
0x6e: {  	_ =	shalt  }
0x6f: {  	_ =	shalt  }
0x70: {  	_ =	shalt  }
0x71: {  	_ =	shalt  }
0x72: {  	_ =	shalt  }
0x73: {  	_ =	shalt  }
0x74: {  	_ =	shalt  }
0x75: {  	_ =	shalt  }
0x76: {  	_ =	shalt  }
0x77: {  	_ =	shalt  }
0x78: {  	_ =	shalt  }
0x79: {  	_ =	shalt  }
0x7a: {  	_ =	shalt  }
0x7b: {  	_ =	shalt  }
0x7c: {  	_ =	shalt  }
0x7d: {  	_ =	shalt  }
0x7e: {  	_ =	shalt  }
0x7f: {  	_ =	shalt  }
0x80: {  	_ =	shalt  }
0x81: {  	_ =	shalt  }
0x82: {  	_ =	shalt  }
0x83: {  	_ =	shalt  }
0x84: {  	_ =	shalt  }
0x85: {  	_ =	shalt  }
0x86: {  	_ =	shalt  }
0x87: {  	_ =	shalt  }
.Lfunc_end0:
.L_simem_size_0:
called_computation_lowered:
.L_overlay_start_0:
0x88: {  	s2 =	sld [smem:$0x3FD9]  }
0x89: {  	s3 =	sld [smem:$0x3FFE];
	_ =	sdelay $0x1  }
0x8a: {  	s1 =	srdreg.scid  }
0x8b: {  	s0 =	sand.u32 $0x1, s1  }
0x8c: {  	s17 =	sshll.u32 s0, $0xA;
	s2 =	sadd.s32 s3, s2  }
0x8d: {  	s2 =	sadd.s32 s2, s17  }
0x8e: {  	[smem:$0x3FBD] =	sst s2  }
0x8f: {  	_ = 	snop  }
0x90: {  	s2 =	sld [smem:$0x3FC7]  }
0x91: {  	s18 =	sld [smem:$0x3FC6]  }
0x92: {  	s4 =	sld [smem:$0x3FC5]  }
0x93: {  	s5 =	sld [smem:$0x3FD0];
	(tm) =	ssettm $0x1  }
0x94: {  	s6 =	sld [smem:$0x3FFB];
	_ =	sdelay $0x3  }
0x95: {  	_ =	strace s6  }
0x96: {  	s6 =	sld [smem:$0x3FFC];
	_ =	sdelay $0x3  }
0x97: {  	_ =	strace s6  }
0x98: {  	s6 =	sld [smem:$0x3FFD];
	_ =	sdelay $0x3  }
0x99: {  	_ =	strace s6  }
0x9a: {  	_ =	strace $0x8FFFFFFF  }
0x9b: {  	s19 =	sld [smem:$0x3FDB];
	_ =	sdelay $0x1  }
0x9c: {  	s7 =	simm.s32 $_scs_section_size  }
0x9d: {  	s8 =	simm.s32 $_size__tile_overlayer_lowered;
	s9 =	simm.s32 $_tile_overlayer_lowered  }
0x9e: {  	s22 =	simm.s32 $0x1BFF;
	s21 =	sshll.u32 s9, $0x1;
	s6 =	sadd.s32 s7, s19  }
0x9f: {  	s10 =	simm.s32 $0x0;
	s20 =	sshll.u32 s8, $0x1;
	s8 =	sadd.s32 s21, s6  }
0xa0: {  	[timem:s10], [sflag:s22] =	dma.local [hbm:s8], s20  }
0xa1: {  	_ =	swait.ge [sflag:s22], s20  }
0xa2: {  	s7 =	ssub.s32 $0x0, s20;
	[sflag:s22] =	ssyncset.done $0x0  }
0xa3: {  	[sflag:s22] =	ssyncadd.s32 s7;
	_ =	sdelay $0x1  }
0xa4: {  	s23 =	simm.s32 $0x1B8B  }
0xa5: {  	_ =	swait.ge [sflag:s23], $0x1  }
0xa6: {  	[sflag:s23] =	ssyncset.done $0x0  }
0xa7: {  	s25 =	simm.s32 $0x1B8E;
	s24 =	sld [smem:$0x3FFE];
	[sflag:s23] =	ssyncadd.s32 $0xFFFFFFFF  }
0xa8: {  	s26 =	simm.s32 $execute0_lowered;
	[smem:$0x3FD2] =	sst s25  }
0xa9: {  	s8 =	sshll.u32 s26, $0x1;
	_ =	strace $0x80000046;
	[dreg:$0x1] =	wrdreg $0xFFFFFFFF  }
0xaa: {  	s28 =	simm.s32 $_size_execute0_lowered;
	s6 =	sadd.s32 s6, s8;
	[dreg:$0x0] =	wrdreg $0x0  }
0xab: {  	s8 =	sshll.u32 s28, $0x1;
	[dreg:$0x2] =	wrdreg s6  }
0xac: {  	[dreg:$0x3] =	wrdreg s8  }
0xad: {  	[dreg:$0x4] =	wrdreg $0xC0  }
0xae: {  	_ =	task [dreg:s10], $0x5FFFF  }
0xaf: {  	[dreg:$0x1] =	wrdreg $0xFFFFFFFF  }
0xb0: {  	[dreg:$0x0] =	wrdreg $0x60  }
0xb1: {  	[dreg:$0x2] =	wrdreg s5  }
0xb2: {  	[dreg:$0x3] =	wrdreg s24  }
0xb3: {  	[dreg:$0x4] =	wrdreg s18  }
0xb4: {  	[dreg:$0x5] =	wrdreg s2  }
0xb5: {  	[dreg:$0x6] =	wrdreg s4  }
0xb6: {  	[dreg:$0x7] =	wrdreg $0x88000  }
0xb7: {  	[dreg:$0x8] =	wrdreg $0x9  }
0xb8: {  	_ =	task.clear_ibuf [dreg:s10], $0x9FFFF;
	_ =	strace $0x90000046  }
0xb9: {  	s29 =	simm.s32 $0x9;
	_ =	strace $0x80000048  }
0xba: {  	_ =	swait.ge [sflag:s29], $0x1  }
0xbb: {  	[sflag:s29] =	ssyncadd.s32 $0xFFFFFFFF  }
0xbc: {  	_ =	strace $0x90000048  }
0xbd: {  	_ =	sfence  }
0xbe: {  	s30 =	sld [smem:$0x0];
	_ =	sdelay $0x2  }
0xbf: {  	s31 =	sshll.u32 s1, $0xD;
	s1 =	sshrl.u32 s1, $0x2  }
0xc0: {  	s3 =	sand.u32 $0x4000, s31;
	s1 =	sadd.s32 s1, s30  }
0xc1: {  	s0 =	sor.u32 s3, s0;
	s1 =	sshll.u32 s1, $0x11  }
0xc2: {  	s0 =	sor.u32 s1, s0  }
0xc3: {  	s0 =	sadd.s32 $0x8F2B, s0  }
0xc4: {  	[sflag:s0] =	ssyncadd.remote.s32 $0x1  }
0xc5: {  	_ =	sfence.sel $0xFFFF  }
0xc6: {  	[dreg:$0x0] =	wrdreg $0xFFFFFFFF;
	(pc) =	sbr.abs _section_cstart, $3  }
0xc7: {  	[dreg:$0x1] =	wrdreg $0xFFFFFFFF  }
0xc8: {  	_ =	task.clear_ibuf [dreg:s10], $0x2FFFF;
	_ =	strace $0x9FFFFFFF  }
0xc9: {  	(tm) =	ssettm $0x7FFFFFFF  }
tec
execute0_lowered:
.L_overlay_start_1:
0x0: {  	(tag) =	ssettag $0x1  }
0x1: {  	s0 =	rddreg [dreg:$0x0]  }
0x2: {  	s1 =	rddreg [dreg:$0x1]  }
0x3: {  	s5 =	rddreg [dreg:$0x2]  }
0x4: {  	s2 =	rddreg [dreg:$0x3]  }
0x5: {  	s3 =	rddreg [dreg:$0x4]  }
0x6: {  	s4 =	rddreg [dreg:$0x5]  }
0x7: {  	s6 =	srdreg.scid;
	s7 =	simm.s32 $0x0;
	s14 =	stileid.u32  }
0x8: {  	s29 =	simm.s32 $0xC00;
	s30 =	simm.s32 $0xD00;
	s16 =	simm.s32 $0x3  }
0x9: {  	s17 =	simm.s32 $0x7;
	s18 =	simm.s32 $0x5;
	s9 =	smul.u32 $0x1F400, s14  }
0xa: {  	s6 =	sand.u32 $0x1, s6;
	[smem:$0x7FF] =	sst s7;
	s20 =	smul.u32 $0x7D000, s14  }
0xb: {  	s7 =	sadd.s32 $0x1E00, s1;
	p0 =	sgt.u32 s14, $0x9;
	s8 =	smul.u32 $0x138800, s6  }
0xc: {  	_ =	strace $0x80000047;
	s19 =	sshll.u32 s6, $0x4;
	s6 =	ssub.s32 $0x2, s6  }
0xd: {  	s10 =	sor.u32 s14, s19;
	s12 =	sshrl.u32 s6, $0x1;
	s19 =	simm.s32 $0x2  }
0xe: {  	s8 =	sadd.s32 s9, s8;
	s6 =	ssub.s32 s6, s12;
	s9 =	sshrl.u32 s20, $0x2  }
0xf: {  	s12 =	simm.s32 $0xD80;
	s11 =	sshrl.u32 s8, $0x3;
	s8 =	smul.u32 $0x5C8, s10  }
0x10: {  	s20 =	simm.s32 $0x4;
	s10 =	smul.u32 $0x5C80, s10;
	s31 =	smax.u32 s6, $0x1  }
0x11: {  	s1 =	sadd.s32 s11, s1;
	s11 =	sadd.s32 s9, s4;
	[dreg:$0x10] =	wrdreg s31  }
0x12: {  	s9 =	sadd.s32 $0x27100, s8;
	s21 =	sadd.s32 $0xBAE00, s1;
	s22 =	sshrl.u32 s8, $0x3  }
0x13: {  	s23 =	sadd.s32 s7, s10;
	s1 =	sadd.s32 $0x109000, s1;
	[dreg:$0x7] =	wrdreg s21  }
0x14: {  	s13 =	sshrl.u32 s9, $0x3;
	s15 =	sadd.s32 s5, s22;
	[dreg:$0xa] =	wrdreg s23  }
0x15: {  	s24 =	sadd.s32 s2, s22;
	s26 =	sadd.s32 s3, s22;
	[dreg:$0xf] =	wrdreg s1  }
0x16: {  	s1 =	simm.s32 $0xF00;
	s23 =	simm.s32 $0x4C00;
	[dreg:$0x8] =	wrdreg s15  }
0x17: {  	s21 =	simm.s32 $0x8;
	s22 =	simm.s32 $0x0;
	[dreg:$0xb] =	wrdreg s24  }
0x18: {  	s5 =	sadd.s32 s5, s13;
	s25 =	sadd.s32 s2, s13;
	[dreg:$0xd] =	wrdreg s26  }
0x19: {  	s28 =	sadd.s32 s3, s13;
	s24 =	simm.s32 $0x28;
	[dreg:$0x9] =	wrdreg s5  }
0x1a: {  	s26 =	simm.s32 $0x2400;
	s15 =	simm.s32 $0x1;
	[dreg:$0xc] =	wrdreg s25  }
0x1b: {  	[dreg:$0xe] =	wrdreg s28;
	s5 =	sshll.u32 @!p0 s14, $0x6;
	s14 =	sshrl.u32 @!p0 s11, $0x3  }
0x1c: {  	s25 =	simm.s32 $0x1000;
	s13 =	sor.u32 @!p0 $0x1C09, s5;
	[dreg:$0x12] =	wrdreg s14  }
0x1d: {  	v0 =	vimm.s32 $0x0;
	s11 =	simm.s32 $0xC80;
	s5 =	simm.s32 $0x3800;
	[dreg:$0x11] =	wrdreg s13  }
.LBB2_1:
0x1e: {  	[dreg:$0x13] =	wrdreg s22  }
0x1f: {  	s6 =	rddreg [dreg:$0x7]  }
0x20: {  	[spmem:s14], [sflag:s13] =	dma.local @!p0 [hbm:s6], $0x3E80  }
0x21: {  	s6 =	simm.s32 @!p0 $0x9  }
0x22: {  	_ =	swait.ge @!p0 [sflag:s6], $0x3E80  }
0x23: {  	s31 =	simm.s32 $0x9;
	[sflag:s6] =	ssyncset.done @!p0 $0x0  }
0x24: {  	s10 =	rddreg [dreg:$0x8];
	[sflag:s6] =	ssyncadd.s32 @!p0 $0xFFFFC180;
	s6 =	simm.s32 $0x0  }
0x25: {  	[tilespmem:s6], [sflag:$0x9] =	stream.linear.gather [hbm4b:s10+s6], $0x5C8, $0x38;
	[tilespmem:$0x1C080] =	vst v63  }
0x26: {  	_ =	swait.ge [sflag:s31], $0x5C8  }
0x27: {  	[sflag:s31] =	ssyncset.done $0x0  }
0x28: {  	s22 =	simm.s32 $0x5C8;
	s14 =	rddreg [dreg:$0x9];
	[sflag:s31] =	ssyncadd.s32 $0xFFFFFA38  }
0x29: {  	[tilespmem:s22], [sflag:$0x9] =	stream.linear.gather [hbm4b:s14+s6], $0x5C8, $0x38;
	[tilespmem:$0x1C080] =	vst v63  }
0x2a: {  	_ =	swait.ge [sflag:s31], $0x5C8  }
0x2b: {  	[sflag:s31] =	ssyncset.done $0x0  }
0x2c: {  	[sflag:s31] =	ssyncadd.s32 $0xFFFFFA38  }
0x2d: {  	[bflag:$0x0] =	sbarrier.arrive $0xFFFF  }
0x2e: {  	[tilespmem:s25], [sflag:$0x1] =	stream.indirect.gather [hbm4b:s0+s24], $0x80, s6, s24, $0xb8;
	[tilespmem:$0x1C080] =	vst v63  }
0x2f: {  	_ = 	snop  }
0x30: {  	[tilespmem:s26], [sflag:$0x1] =	stream.indirect.gather [hbm4b:s0+s24], $0x80, s22, s24, $0xb8;
	[tilespmem:$0x1C080] =	vst v63  }
0x31: {  	s31 =	simm.s32 $0x6000;
	s28 =	rddreg [dreg:$0xa]  }
0x32: {  	[tilespmem:s31], [sflag:$0x3] =	stream.linear.gather [hbm4b:s28+s6], $0x1400, $0x38;
	[tilespmem:$0x1C080] =	vst v63  }
0x33: {  	s13 =	rddreg [dreg:$0xb]  }
0x34: {  	[tilespmem:s29], [sflag:$0x7] =	stream.linear.gather [hbm4b:s13+s6], $0x28, $0x38;
	[tilespmem:$0x1C080] =	vst v63  }
0x35: {  	s14 =	rddreg [dreg:$0xc]  }
0x36: {  	[tilespmem:s30], [sflag:$0x7] =	stream.linear.gather [hbm4b:s14+s6], $0x28, $0x38;
	[tilespmem:$0x1C080] =	vst v63  }
0x37: {  	s22 =	rddreg [dreg:$0xd];
	s28 =	simm.s32 $0xE00  }
0x38: {  	[tilespmem:s28], [sflag:$0x7] =	stream.linear.gather [hbm4b:s22+s6], $0x28, $0x38;
	[tilespmem:$0x1C080] =	vst v63  }
0x39: {  	s31 =	rddreg [dreg:$0xe]  }
0x3a: {  	[tilespmem:s1], [sflag:$0x7] =	stream.linear.gather [hbm4b:s31+s6], $0x28, $0x38;
	[tilespmem:$0x1C080] =	vst v63  }
0x3b: {  	s6 =	simm.s32 $0x0  }
.LBB2_2:
0x3c: {  	p1 =	seq.s32 s6, $0x0  }
0x3d: {  	s10 =	simm.s32 @!p1 $0x6  }
0x3e: {  	_ =	swait.ge @!p1 [sflag:s10], $0x1400  }
0x3f: {  	[sflag:s10] =	ssyncset.done @!p1 $0x0  }
0x40: {  	[sflag:s10] =	ssyncadd.s32 @!p1 $0xFFFFEC00  }
0x41: {  	s22 =	smul.u32 $0x50, s6;
	_ =	swait.ge @!p1 [sflag:s10], $0x1400  }
0x42: {  	[sflag:s10] =	ssyncset.done @!p1 $0x0  }
0x43: {  	[sflag:s10] =	ssyncadd.s32 @!p1 $0xFFFFEC00;
	s10 =	sadd.s32 $0x28, s22  }
0x44: {  	[tilespmem:s5], [sflag:$0x2] =	stream.indirect.gather [hbm4b:s0+s24], $0x80, s10, s24, $0xb8;
	[tilespmem:$0x1C080] =	vst v63  }
0x45: {  	s13 =	sadd.s32 $0x5F0, s22  }
0x46: {  	[tilespmem:s23], [sflag:$0x2] =	stream.indirect.gather [hbm4b:s0+s24], $0x80, s13, s24, $0xb8;
	[tilespmem:$0x1C080] =	vst v63  }
0x47: {  	s13 =	sadd.s32 s8, s10  }
0x48: {  	s28 =	simm.s32 $0x0;
	s31 =	simm.s32 $0x7400;
	s14 =	sshll.u32 s13, $0x4  }
0x49: {  	s10 =	sadd.s32 s9, s10;
	s13 =	sshrl.u32 s13, $0x3;
	s14 =	sadd.s32 s7, s14  }
0x4a: {  	[tilespmem:s31], [sflag:$0x4] =	stream.linear.gather [hbm4b:s14+s28], $0x1400, $0x38;
	[tilespmem:$0x1C080] =	vst v63  }
0x4b: {  	s10 =	sshrl.u32 s10, $0x3;
	s31 =	sadd.s32 s2, s13  }
0x4c: {  	[tilespmem:s11], [sflag:$0x8] =	stream.linear.gather [hbm4b:s31+s28], $0x28, $0x38;
	[tilespmem:$0x1C080] =	vst v63  }
0x4d: {  	s31 =	sadd.s32 s2, s10  }
0x4e: {  	[tilespmem:s12], [sflag:$0x8] =	stream.linear.gather [hbm4b:s31+s28], $0x28, $0x38;
	[tilespmem:$0x1C080] =	vst v63  }
0x4f: {  	s13 =	sadd.s32 s3, s13;
	s31 =	simm.s32 $0xE80  }
0x50: {  	[tilespmem:s31], [sflag:$0x8] =	stream.linear.gather [hbm4b:s13+s28], $0x28, $0x38;
	[tilespmem:$0x1C080] =	vst v63  }
0x51: {  	s14 =	simm.s32 $0xF80;
	s10 =	sadd.s32 s3, s10  }
0x52: {  	[tilespmem:s14], [sflag:$0x8] =	stream.linear.gather [hbm4b:s10+s28], $0x28, $0x38;
	[tilespmem:$0x1C080] =	vst v63  }
0x53: {  	_ =	swait.ge [sflag:s15], $0x1400  }
0x54: {  	[sflag:s15] =	ssyncset.done $0x0  }
0x55: {  	[sflag:s15] =	ssyncadd.s32 $0xFFFFEC00  }
0x56: {  	_ =	swait.ge [sflag:s15], $0x1400  }
0x57: {  	[sflag:s15] =	ssyncset.done $0x0  }
0x58: {  	[sflag:s15] =	ssyncadd.s32 $0xFFFFEC00  }
0x59: {  	_ =	swait.ge [sflag:s16], $0x1400  }
0x5a: {  	[sflag:s16] =	ssyncset.done $0x0  }
0x5b: {  	[sflag:s16] =	ssyncadd.s32 $0xFFFFEC00  }
0x5c: {  	_ =	swait.ge [sflag:s17], $0x28  }
0x5d: {  	[sflag:s17] =	ssyncset.done $0x0  }
0x5e: {  	[sflag:s17] =	ssyncadd.s32 $0xFFFFFFD8  }
0x5f: {  	_ =	swait.ge [sflag:s17], $0x28  }
0x60: {  	[sflag:s17] =	ssyncset.done $0x0  }
0x61: {  	[sflag:s17] =	ssyncadd.s32 $0xFFFFFFD8  }
0x62: {  	_ =	swait.ge [sflag:s17], $0x28  }
0x63: {  	[sflag:s17] =	ssyncset.done $0x0  }
0x64: {  	[sflag:s17] =	ssyncadd.s32 $0xFFFFFFD8  }
0x65: {  	_ =	swait.ge [sflag:s17], $0x28  }
0x66: {  	[sflag:s17] =	ssyncset.done $0x0  }
0x67: {  	s31 =	simm.s32 $0x0;
	[sflag:s17] =	ssyncadd.s32 $0xFFFFFFD8  }
0x68: {  	s10 =	simm.s32 $0x6040;
	v1 =	vld [tilespmem:s31+$0xE00]  }
0x69: {  	v2 =	vld [tilespmem:s10+$0xFFFFFFC0];
	_ =	sdelay $0x1  }
0x6a: {  	s13 =	simm.s32 $0x2470  }
0x6b: {  	v3 =	vld [tilespmem:s13+$0xFFFFEB90]  }
0x6c: {  	v4 =	vld [tilespmem:s13+$0xFFFFEBA0];
	v1 =	vperm.xlane v1, v0  }
0x6d: {  	v5 =	vshll.u32 v2, $0x10  }
0x6e: {  	v2 =	vand.u32 $0xFFFF0000, v2;
	v5 =	vmul.f32 v5, v1  }
0x6f: {  	v2 =	vmul.f32 v2, v1  }
0x70: {  	v3 =	vmul.f32 v5, v3  }
0x71: {  	v2 =	vmul.f32 v2, v4  }
0x72: {  	[tilespmem:s13+$0xFFFFEB90] =	vst v3  }
0x73: {  	[tilespmem:s13+$0xFFFFEBA0] =	vst v2  }
0x74: {  	v2 =	vld [tilespmem:s10+$0xFFFFFFD0];
	_ =	sdelay $0x2  }
0x75: {  	v3 =	vld [tilespmem:s13+$0xFFFFEBB0]  }
0x76: {  	v4 =	vld [tilespmem:s13+$0xFFFFEBC0]  }
0x77: {  	v5 =	vshll.u32 v2, $0x10  }
0x78: {  	v2 =	vand.u32 $0xFFFF0000, v2;
	v5 =	vmul.f32 v5, v1  }
0x79: {  	v2 =	vmul.f32 v2, v1  }
0x7a: {  	v3 =	vmul.f32 v5, v3  }
0x7b: {  	v2 =	vmul.f32 v2, v4  }
0x7c: {  	[tilespmem:s13+$0xFFFFEBB0] =	vst v3  }
0x7d: {  	[tilespmem:s13+$0xFFFFEBC0] =	vst v2  }
0x7e: {  	v2 =	vld [tilespmem:s10+$0xFFFFFFE0];
	_ =	sdelay $0x2  }
0x7f: {  	v3 =	vld [tilespmem:s13+$0xFFFFEBD0]  }
0x80: {  	v4 =	vld [tilespmem:s13+$0xFFFFEBE0]  }
0x81: {  	v5 =	vshll.u32 v2, $0x10  }
0x82: {  	v2 =	vand.u32 $0xFFFF0000, v2;
	v5 =	vmul.f32 v5, v1  }
0x83: {  	v2 =	vmul.f32 v2, v1  }
0x84: {  	v3 =	vmul.f32 v5, v3  }
0x85: {  	v2 =	vmul.f32 v2, v4  }
0x86: {  	[tilespmem:s13+$0xFFFFEBD0] =	vst v3  }
0x87: {  	[tilespmem:s13+$0xFFFFEBE0] =	vst v2  }
0x88: {  	v2 =	vld [tilespmem:s10+$0xFFFFFFF0];
	_ =	sdelay $0x2  }
0x89: {  	v3 =	vld [tilespmem:s13+$0xFFFFEBF0]  }
0x8a: {  	v4 =	vld [tilespmem:s13+$0xFFFFEC00]  }
0x8b: {  	v5 =	vshll.u32 v2, $0x10  }
0x8c: {  	v2 =	vand.u32 $0xFFFF0000, v2;
	v5 =	vmul.f32 v5, v1  }
0x8d: {  	v1 =	vmul.f32 v2, v1  }
0x8e: {  	v2 =	vmul.f32 v5, v3  }
0x8f: {  	v1 =	vmul.f32 v1, v4  }
0x90: {  	[tilespmem:s13+$0xFFFFEBF0] =	vst v2  }
0x91: {  	[tilespmem:s13+$0xFFFFEC00] =	vst v1  }
0x92: {  	v1 =	vld [tilespmem:s31+$0xF00]  }
0x93: {  	v3 =	vld [tilespmem:s10+$0x0];
	_ =	sdelay $0x2  }
0x94: {  	v4 =	vld [tilespmem:s13+$0xFFFFFF90]  }
0x95: {  	v5 =	vld [tilespmem:s13+$0xFFFFFFA0];
	v2 =	vperm.xlane v1, v0  }
0x96: {  	v1 =	vshll.u32 v3, $0x10  }
0x97: {  	v3 =	vand.u32 $0xFFFF0000, v3;
	v1 =	vmul.f32 v1, v2  }
0x98: {  	v3 =	vmul.f32 v3, v2  }
0x99: {  	v1 =	vmul.f32 v1, v4  }
0x9a: {  	v3 =	vmul.f32 v3, v5  }
0x9b: {  	[tilespmem:s13+$0xFFFFFF90] =	vst v1  }
0x9c: {  	[tilespmem:s13+$0xFFFFFFA0] =	vst v3  }
0x9d: {  	v1 =	vld [tilespmem:s10+$0x10];
	_ =	sdelay $0x2  }
0x9e: {  	v3 =	vld [tilespmem:s13+$0xFFFFFFB0]  }
0x9f: {  	v4 =	vld [tilespmem:s13+$0xFFFFFFC0]  }
0xa0: {  	v5 =	vshll.u32 v1, $0x10  }
0xa1: {  	v1 =	vand.u32 $0xFFFF0000, v1;
	v5 =	vmul.f32 v5, v2  }
0xa2: {  	v1 =	vmul.f32 v1, v2  }
0xa3: {  	v3 =	vmul.f32 v5, v3  }
0xa4: {  	v1 =	vmul.f32 v1, v4  }
0xa5: {  	[tilespmem:s13+$0xFFFFFFB0] =	vst v3  }
0xa6: {  	[tilespmem:s13+$0xFFFFFFC0] =	vst v1  }
0xa7: {  	v1 =	vld [tilespmem:s10+$0x20];
	_ =	sdelay $0x2  }
0xa8: {  	v3 =	vld [tilespmem:s13+$0xFFFFFFD0]  }
0xa9: {  	v4 =	vld [tilespmem:s13+$0xFFFFFFE0]  }
0xaa: {  	v5 =	vshll.u32 v1, $0x10  }
0xab: {  	v1 =	vand.u32 $0xFFFF0000, v1;
	v5 =	vmul.f32 v5, v2  }
0xac: {  	v6 =	vmul.f32 v1, v2  }
0xad: {  	v5 =	vmul.f32 v5, v3  }
0xae: {  	v4 =	vmul.f32 v6, v4  }
0xaf: {  	v1 =	vld [tilespmem:s13+$0x0];
	[tilespmem:s13+$0xFFFFFFD0] =	vst v5  }
0xb0: {  	v3 =	vld [tilespmem:s13+$0xFFFFFFF0];
	[tilespmem:s13+$0xFFFFFFE0] =	vst v4  }
0xb1: {  	s28 =	simm.s32 $0x4;
	s14 =	simm.s32 $0x2470;
	v4 =	vld [tilespmem:s10+$0x30]  }
.LBB2_3:
0xb2: {  	_ =	sdelay $0x1  }
0xb3: {  	p1 =	sne.s32 s28, $0x9C;
	s13 =	sadd.s32 $0x80, s13;
	s10 =	sadd.s32 $0x80, s10  }
0xb4: {  	s31 =	smov.u32 s28;
	s28 =	sadd.s32 $0x4, s28  }
0xb5: {  	v5 =	vshll.u32 v4, $0x10;
	v4 =	vand.u32 $0xFFFF0000, v4  }
0xb6: {  	v5 =	vmul.f32 v5, v2;
	v2 =	vmul.f32 v4, v2;
	_ =	sdelay $0x1  }
0xb7: {  	v3 =	vmul.f32 v5, v3;
	v1 =	vmul.f32 v2, v1;
	_ =	sdelay $0x1  }
0xb8: {  	[tilespmem:s14+$0xFFFFFFF0] =	vst v3  }
0xb9: {  	s31 =	sshra.s32 s31, $0x2;
	[tilespmem:s14+$0x0] =	vst v1;
	s14 =	smov.u32 s13  }
0xba: {  	v2 =	vld [tilespmem:s31+$0xE00]  }
0xbb: {  	v3 =	vld [tilespmem:s10+$0xFFFFFFC0]  }
0xbc: {  	v1 =	vld [tilespmem:s13+$0x0]  }
0xbd: {  	v4 =	vld [tilespmem:s13+$0xFFFFEBA0]  }
0xbe: {  	v5 =	vld [tilespmem:s13+$0xFFFFEB90]  }
0xbf: {  	v2 =	vperm.xlane v2, v0  }
0xc0: {  	v6 =	vshll.u32 v3, $0x10;
	v3 =	vand.u32 $0xFFFF0000, v3  }
0xc1: {  	v6 =	vmul.f32 v6, v2;
	v3 =	vmul.f32 v3, v2;
	_ =	sdelay $0x1  }
0xc2: {  	v5 =	vmul.f32 v6, v5;
	v3 =	vmul.f32 v3, v4;
	_ =	sdelay $0x1  }
0xc3: {  	[tilespmem:s13+$0xFFFFEB90] =	vst v5  }
0xc4: {  	[tilespmem:s13+$0xFFFFEBA0] =	vst v3  }
0xc5: {  	v3 =	vld [tilespmem:s10+$0xFFFFFFD0];
	_ =	sdelay $0x1  }
0xc6: {  	v4 =	vld [tilespmem:s13+$0xFFFFEBC0]  }
0xc7: {  	v5 =	vld [tilespmem:s13+$0xFFFFEBB0];
	_ =	sdelay $0x1  }
0xc8: {  	v6 =	vshll.u32 v3, $0x10;
	v3 =	vand.u32 $0xFFFF0000, v3  }
0xc9: {  	v6 =	vmul.f32 v6, v2;
	v3 =	vmul.f32 v3, v2;
	_ =	sdelay $0x1  }
0xca: {  	v5 =	vmul.f32 v6, v5;
	v3 =	vmul.f32 v3, v4;
	_ =	sdelay $0x1  }
0xcb: {  	[tilespmem:s13+$0xFFFFEBB0] =	vst v5  }
0xcc: {  	[tilespmem:s13+$0xFFFFEBC0] =	vst v3  }
0xcd: {  	v3 =	vld [tilespmem:s10+$0xFFFFFFE0];
	_ =	sdelay $0x1  }
0xce: {  	v4 =	vld [tilespmem:s13+$0xFFFFEBE0]  }
0xcf: {  	v5 =	vld [tilespmem:s13+$0xFFFFEBD0];
	_ =	sdelay $0x1  }
0xd0: {  	v6 =	vshll.u32 v3, $0x10;
	v3 =	vand.u32 $0xFFFF0000, v3  }
0xd1: {  	v6 =	vmul.f32 v6, v2;
	v3 =	vmul.f32 v3, v2;
	_ =	sdelay $0x1  }
0xd2: {  	v5 =	vmul.f32 v6, v5;
	v3 =	vmul.f32 v3, v4;
	_ =	sdelay $0x1  }
0xd3: {  	[tilespmem:s13+$0xFFFFEBD0] =	vst v5  }
0xd4: {  	[tilespmem:s13+$0xFFFFEBE0] =	vst v3  }
0xd5: {  	v3 =	vld [tilespmem:s10+$0xFFFFFFF0];
	_ =	sdelay $0x1  }
0xd6: {  	v4 =	vld [tilespmem:s13+$0xFFFFEC00]  }
0xd7: {  	v5 =	vld [tilespmem:s13+$0xFFFFEBF0];
	_ =	sdelay $0x1  }
0xd8: {  	v6 =	vshll.u32 v3, $0x10;
	v3 =	vand.u32 $0xFFFF0000, v3  }
0xd9: {  	v6 =	vmul.f32 v6, v2;
	v2 =	vmul.f32 v3, v2;
	_ =	sdelay $0x1  }
0xda: {  	v3 =	vmul.f32 v6, v5;
	v2 =	vmul.f32 v2, v4;
	_ =	sdelay $0x1  }
0xdb: {  	[tilespmem:s13+$0xFFFFEBF0] =	vst v3  }
0xdc: {  	[tilespmem:s13+$0xFFFFEC00] =	vst v2  }
0xdd: {  	v2 =	vld [tilespmem:s31+$0xF00]  }
0xde: {  	v3 =	vld [tilespmem:s10+$0x0];
	_ =	sdelay $0x1  }
0xdf: {  	v4 =	vld [tilespmem:s13+$0xFFFFFFA0]  }
0xe0: {  	v5 =	vld [tilespmem:s13+$0xFFFFFF90]  }
0xe1: {  	v2 =	vperm.xlane v2, v0  }
0xe2: {  	v6 =	vshll.u32 v3, $0x10;
	v3 =	vand.u32 $0xFFFF0000, v3  }
0xe3: {  	v6 =	vmul.f32 v6, v2;
	v3 =	vmul.f32 v3, v2;
	_ =	sdelay $0x1  }
0xe4: {  	v5 =	vmul.f32 v6, v5;
	v3 =	vmul.f32 v3, v4;
	_ =	sdelay $0x1  }
0xe5: {  	[tilespmem:s13+$0xFFFFFF90] =	vst v5  }
0xe6: {  	[tilespmem:s13+$0xFFFFFFA0] =	vst v3  }
0xe7: {  	v3 =	vld [tilespmem:s10+$0x10];
	_ =	sdelay $0x1  }
0xe8: {  	v4 =	vld [tilespmem:s13+$0xFFFFFFC0]  }
0xe9: {  	v5 =	vld [tilespmem:s13+$0xFFFFFFB0];
	_ =	sdelay $0x1  }
0xea: {  	v6 =	vshll.u32 v3, $0x10;
	v3 =	vand.u32 $0xFFFF0000, v3  }
0xeb: {  	v6 =	vmul.f32 v6, v2;
	v3 =	vmul.f32 v3, v2;
	_ =	sdelay $0x1  }
0xec: {  	v5 =	vmul.f32 v6, v5;
	v3 =	vmul.f32 v3, v4;
	_ =	sdelay $0x1  }
0xed: {  	[tilespmem:s13+$0xFFFFFFB0] =	vst v5  }
0xee: {  	[tilespmem:s13+$0xFFFFFFC0] =	vst v3  }
0xef: {  	v3 =	vld [tilespmem:s10+$0x20];
	_ =	sdelay $0x1  }
0xf0: {  	v4 =	vld [tilespmem:s13+$0xFFFFFFE0]  }
0xf1: {  	v5 =	vld [tilespmem:s13+$0xFFFFFFD0];
	_ =	sdelay $0x1  }
0xf2: {  	v6 =	vshll.u32 v3, $0x10;
	v3 =	vand.u32 $0xFFFF0000, v3  }
0xf3: {  	v6 =	vmul.f32 v6, v2;
	v3 =	vmul.f32 v3, v2;
	_ =	sdelay $0x1  }
.Ltmp0:
0xf4: {  	v5 =	vmul.f32 v6, v5;
	v4 =	vmul.f32 v3, v4;
	v3 =	vld [tilespmem:s13+$0xFFFFFFF0];
	(pc) =	sbr.rel @p1 .LBB2_3-.Ltmp0, $4  }
0xf5: {  	_ = 	snop  }
0xf6: {  	[tilespmem:s13+$0xFFFFFFD0] =	vst v5  }
0xf7: {  	[tilespmem:s13+$0xFFFFFFE0] =	vst v4  }
0xf8: {  	v4 =	vld [tilespmem:s10+$0x30]  }
0xf9: {  	_ =	sdelay $0x3  }
0xfa: {  	v5 =	vshll.u32 v4, $0x10  }
0xfb: {  	v4 =	vand.u32 $0xFFFF0000, v4;
	v5 =	vmul.f32 v5, v2  }
0xfc: {  	v2 =	vmul.f32 v4, v2  }
0xfd: {  	v3 =	vmul.f32 v5, v3  }
0xfe: {  	v1 =	vmul.f32 v2, v1  }
0xff: {  	[tilespmem:s14+$0xFFFFFFF0] =	vst v3  }
0x100: {  	[tilespmem:s14+$0x0] =	vst v1  }
0x101: {  	[spmem:s4] =	stream.indirect.scatter.add.f32 [tilespmem:s25], [sflag:$0x5], $0x80, s29, s24, $0xb8;
	[tilespmem:$0x1C080] =	vst v63  }
0x102: {  	_ = 	snop  }
0x103: {  	[spmem:s4] =	stream.indirect.scatter.add.f32 [tilespmem:s26], [sflag:$0x5], $0x80, s30, s24, $0xb8;
	[tilespmem:$0x1C080] =	vst v63  }
0x104: {  	_ =	swait.ge [sflag:s18], $0x1400  }
0x105: {  	[sflag:s18] =	ssyncset.done $0x0  }
0x106: {  	[sflag:s18] =	ssyncadd.s32 $0xFFFFEC00  }
0x107: {  	s10 =	sadd.s32 $0x50, s22;
	_ =	swait.ge [sflag:s18], $0x1400  }
0x108: {  	s31 =	sadd.s32 s8, s10;
	[sflag:s18] =	ssyncset.done $0x0  }
0x109: {  	s13 =	sadd.s32 $0x618, s22;
	s22 =	sshll.u32 s31, $0x4;
	[sflag:s18] =	ssyncadd.s32 $0xFFFFEC00  }
0x10a: {  	[tilespmem:s25], [sflag:$0x1] =	stream.indirect.gather [hbm4b:s0+s24], $0x80, s10, s24, $0xb8;
	[tilespmem:$0x1C080] =	vst v63  }
0x10b: {  	s28 =	simm.s32 $0x6000;
	s14 =	sadd.s32 s7, s22  }
0x10c: {  	[tilespmem:s26], [sflag:$0x1] =	stream.indirect.gather [hbm4b:s0+s24], $0x80, s13, s24, $0xb8;
	[tilespmem:$0x1C080] =	vst v63  }
0x10d: {  	s22 =	simm.s32 $0x0;
	s10 =	sadd.s32 s9, s10;
	s13 =	sshrl.u32 s31, $0x3  }
0x10e: {  	[tilespmem:s28], [sflag:$0x3] =	stream.linear.gather [hbm4b:s14+s22], $0x1400, $0x38;
	[tilespmem:$0x1C080] =	vst v63  }
0x10f: {  	s10 =	sshrl.u32 s10, $0x3;
	s28 =	sadd.s32 s2, s13  }
0x110: {  	[tilespmem:s29], [sflag:$0x7] =	stream.linear.gather [hbm4b:s28+s22], $0x28, $0x38;
	[tilespmem:$0x1C080] =	vst v63  }
0x111: {  	s31 =	sadd.s32 s2, s10  }
0x112: {  	[tilespmem:s30], [sflag:$0x7] =	stream.linear.gather [hbm4b:s31+s22], $0x28, $0x38;
	[tilespmem:$0x1C080] =	vst v63  }
0x113: {  	s13 =	sadd.s32 s3, s13;
	s28 =	simm.s32 $0xE00  }
0x114: {  	[tilespmem:s28], [sflag:$0x7] =	stream.linear.gather [hbm4b:s13+s22], $0x28, $0x38;
	[tilespmem:$0x1C080] =	vst v63  }
0x115: {  	s10 =	sadd.s32 s3, s10  }
0x116: {  	[tilespmem:s1], [sflag:$0x7] =	stream.linear.gather [hbm4b:s10+s22], $0x28, $0x38;
	[tilespmem:$0x1C080] =	vst v63  }
0x117: {  	_ =	swait.ge [sflag:s19], $0x1400  }
0x118: {  	[sflag:s19] =	ssyncset.done $0x0  }
0x119: {  	[sflag:s19] =	ssyncadd.s32 $0xFFFFEC00  }
0x11a: {  	_ =	swait.ge [sflag:s19], $0x1400  }
0x11b: {  	[sflag:s19] =	ssyncset.done $0x0  }
0x11c: {  	[sflag:s19] =	ssyncadd.s32 $0xFFFFEC00  }
0x11d: {  	_ =	swait.ge [sflag:s20], $0x1400  }
0x11e: {  	[sflag:s20] =	ssyncset.done $0x0  }
0x11f: {  	[sflag:s20] =	ssyncadd.s32 $0xFFFFEC00  }
0x120: {  	_ =	swait.ge [sflag:s21], $0x28  }
0x121: {  	[sflag:s21] =	ssyncset.done $0x0  }
0x122: {  	[sflag:s21] =	ssyncadd.s32 $0xFFFFFFD8  }
0x123: {  	_ =	swait.ge [sflag:s21], $0x28  }
0x124: {  	[sflag:s21] =	ssyncset.done $0x0  }
0x125: {  	[sflag:s21] =	ssyncadd.s32 $0xFFFFFFD8  }
0x126: {  	_ =	swait.ge [sflag:s21], $0x28  }
0x127: {  	[sflag:s21] =	ssyncset.done $0x0  }
0x128: {  	[sflag:s21] =	ssyncadd.s32 $0xFFFFFFD8  }
0x129: {  	_ =	swait.ge [sflag:s21], $0x28  }
0x12a: {  	[sflag:s21] =	ssyncset.done $0x0  }
0x12b: {  	s31 =	simm.s32 $0x0;
	[sflag:s21] =	ssyncadd.s32 $0xFFFFFFD8  }
0x12c: {  	s10 =	simm.s32 $0x7440;
	v1 =	vld [tilespmem:s31+$0xE80]  }
0x12d: {  	v2 =	vld [tilespmem:s10+$0xFFFFFFC0];
	_ =	sdelay $0x1  }
0x12e: {  	s13 =	simm.s32 $0x4C70  }
0x12f: {  	v3 =	vld [tilespmem:s13+$0xFFFFEB90]  }
0x130: {  	v4 =	vld [tilespmem:s13+$0xFFFFEBA0];
	v1 =	vperm.xlane v1, v0  }
0x131: {  	v5 =	vshll.u32 v2, $0x10  }
0x132: {  	v2 =	vand.u32 $0xFFFF0000, v2;
	v5 =	vmul.f32 v5, v1  }
0x133: {  	v2 =	vmul.f32 v2, v1  }
0x134: {  	v3 =	vmul.f32 v5, v3  }
0x135: {  	v2 =	vmul.f32 v2, v4  }
0x136: {  	[tilespmem:s13+$0xFFFFEB90] =	vst v3  }
0x137: {  	[tilespmem:s13+$0xFFFFEBA0] =	vst v2  }
0x138: {  	v2 =	vld [tilespmem:s10+$0xFFFFFFD0];
	_ =	sdelay $0x2  }
0x139: {  	v3 =	vld [tilespmem:s13+$0xFFFFEBB0]  }
0x13a: {  	v4 =	vld [tilespmem:s13+$0xFFFFEBC0]  }
0x13b: {  	v5 =	vshll.u32 v2, $0x10  }
0x13c: {  	v2 =	vand.u32 $0xFFFF0000, v2;
	v5 =	vmul.f32 v5, v1  }
0x13d: {  	v2 =	vmul.f32 v2, v1  }
0x13e: {  	v3 =	vmul.f32 v5, v3  }
0x13f: {  	v2 =	vmul.f32 v2, v4  }
0x140: {  	[tilespmem:s13+$0xFFFFEBB0] =	vst v3  }
0x141: {  	[tilespmem:s13+$0xFFFFEBC0] =	vst v2  }
0x142: {  	v2 =	vld [tilespmem:s10+$0xFFFFFFE0];
	_ =	sdelay $0x2  }
0x143: {  	v3 =	vld [tilespmem:s13+$0xFFFFEBD0]  }
0x144: {  	v4 =	vld [tilespmem:s13+$0xFFFFEBE0]  }
0x145: {  	v5 =	vshll.u32 v2, $0x10  }
0x146: {  	v2 =	vand.u32 $0xFFFF0000, v2;
	v5 =	vmul.f32 v5, v1  }
0x147: {  	v2 =	vmul.f32 v2, v1  }
0x148: {  	v3 =	vmul.f32 v5, v3  }
0x149: {  	v2 =	vmul.f32 v2, v4  }
0x14a: {  	[tilespmem:s13+$0xFFFFEBD0] =	vst v3  }
0x14b: {  	[tilespmem:s13+$0xFFFFEBE0] =	vst v2  }
0x14c: {  	v2 =	vld [tilespmem:s10+$0xFFFFFFF0];
	_ =	sdelay $0x2  }
0x14d: {  	v3 =	vld [tilespmem:s13+$0xFFFFEBF0]  }
0x14e: {  	v4 =	vld [tilespmem:s13+$0xFFFFEC00]  }
0x14f: {  	v5 =	vshll.u32 v2, $0x10  }
0x150: {  	v2 =	vand.u32 $0xFFFF0000, v2;
	v5 =	vmul.f32 v5, v1  }
0x151: {  	v1 =	vmul.f32 v2, v1  }
0x152: {  	v2 =	vmul.f32 v5, v3  }
0x153: {  	v1 =	vmul.f32 v1, v4  }
0x154: {  	[tilespmem:s13+$0xFFFFEBF0] =	vst v2  }
0x155: {  	[tilespmem:s13+$0xFFFFEC00] =	vst v1  }
0x156: {  	v1 =	vld [tilespmem:s31+$0xF80]  }
0x157: {  	v3 =	vld [tilespmem:s10+$0x0];
	_ =	sdelay $0x2  }
0x158: {  	v4 =	vld [tilespmem:s13+$0xFFFFFF90]  }
0x159: {  	v5 =	vld [tilespmem:s13+$0xFFFFFFA0];
	v2 =	vperm.xlane v1, v0  }
0x15a: {  	v1 =	vshll.u32 v3, $0x10  }
0x15b: {  	v3 =	vand.u32 $0xFFFF0000, v3;
	v1 =	vmul.f32 v1, v2  }
0x15c: {  	v3 =	vmul.f32 v3, v2  }
0x15d: {  	v1 =	vmul.f32 v1, v4  }
0x15e: {  	v3 =	vmul.f32 v3, v5  }
0x15f: {  	[tilespmem:s13+$0xFFFFFF90] =	vst v1  }
0x160: {  	[tilespmem:s13+$0xFFFFFFA0] =	vst v3  }
0x161: {  	v1 =	vld [tilespmem:s10+$0x10];
	_ =	sdelay $0x2  }
0x162: {  	v3 =	vld [tilespmem:s13+$0xFFFFFFB0]  }
0x163: {  	v4 =	vld [tilespmem:s13+$0xFFFFFFC0]  }
0x164: {  	v5 =	vshll.u32 v1, $0x10  }
0x165: {  	v1 =	vand.u32 $0xFFFF0000, v1;
	v5 =	vmul.f32 v5, v2  }
0x166: {  	v1 =	vmul.f32 v1, v2  }
0x167: {  	v3 =	vmul.f32 v5, v3  }
0x168: {  	v1 =	vmul.f32 v1, v4  }
0x169: {  	[tilespmem:s13+$0xFFFFFFB0] =	vst v3  }
0x16a: {  	[tilespmem:s13+$0xFFFFFFC0] =	vst v1  }
0x16b: {  	v1 =	vld [tilespmem:s10+$0x20];
	_ =	sdelay $0x2  }
0x16c: {  	v3 =	vld [tilespmem:s13+$0xFFFFFFD0]  }
0x16d: {  	v4 =	vld [tilespmem:s13+$0xFFFFFFE0]  }
0x16e: {  	v5 =	vshll.u32 v1, $0x10  }
0x16f: {  	v1 =	vand.u32 $0xFFFF0000, v1;
	v5 =	vmul.f32 v5, v2  }
0x170: {  	v6 =	vmul.f32 v1, v2  }
0x171: {  	v5 =	vmul.f32 v5, v3  }
0x172: {  	v4 =	vmul.f32 v6, v4  }
0x173: {  	v1 =	vld [tilespmem:s13+$0x0];
	[tilespmem:s13+$0xFFFFFFD0] =	vst v5  }
0x174: {  	v3 =	vld [tilespmem:s13+$0xFFFFFFF0];
	[tilespmem:s13+$0xFFFFFFE0] =	vst v4  }
0x175: {  	s14 =	simm.s32 $0x4C70;
	s22 =	simm.s32 $0x4;
	v4 =	vld [tilespmem:s10+$0x30]  }
.LBB2_5:
0x176: {  	_ =	sdelay $0x1  }
0x177: {  	p1 =	sne.s32 s22, $0x9C;
	s13 =	sadd.s32 $0x80, s13;
	s10 =	sadd.s32 $0x80, s10  }
0x178: {  	s28 =	smov.u32 s22;
	s22 =	sadd.s32 $0x4, s22  }
0x179: {  	v5 =	vshll.u32 v4, $0x10;
	v4 =	vand.u32 $0xFFFF0000, v4  }
0x17a: {  	v5 =	vmul.f32 v5, v2;
	v2 =	vmul.f32 v4, v2;
	_ =	sdelay $0x1  }
0x17b: {  	v3 =	vmul.f32 v5, v3;
	v1 =	vmul.f32 v2, v1;
	_ =	sdelay $0x1  }
0x17c: {  	[tilespmem:s14+$0xFFFFFFF0] =	vst v3  }
0x17d: {  	s28 =	sshra.s32 s28, $0x2;
	[tilespmem:s14+$0x0] =	vst v1;
	s14 =	smov.u32 s13  }
0x17e: {  	v2 =	vld [tilespmem:s28+$0xE80]  }
0x17f: {  	v3 =	vld [tilespmem:s10+$0xFFFFFFC0]  }
0x180: {  	v1 =	vld [tilespmem:s13+$0x0]  }
0x181: {  	v4 =	vld [tilespmem:s13+$0xFFFFEBA0]  }
0x182: {  	v5 =	vld [tilespmem:s13+$0xFFFFEB90]  }
0x183: {  	v2 =	vperm.xlane v2, v0  }
0x184: {  	v6 =	vshll.u32 v3, $0x10;
	v3 =	vand.u32 $0xFFFF0000, v3  }
0x185: {  	v6 =	vmul.f32 v6, v2;
	v3 =	vmul.f32 v3, v2;
	_ =	sdelay $0x1  }
0x186: {  	v5 =	vmul.f32 v6, v5;
	v3 =	vmul.f32 v3, v4;
	_ =	sdelay $0x1  }
0x187: {  	[tilespmem:s13+$0xFFFFEB90] =	vst v5  }
0x188: {  	[tilespmem:s13+$0xFFFFEBA0] =	vst v3  }
0x189: {  	v3 =	vld [tilespmem:s10+$0xFFFFFFD0];
	_ =	sdelay $0x1  }
0x18a: {  	v4 =	vld [tilespmem:s13+$0xFFFFEBC0]  }
0x18b: {  	v5 =	vld [tilespmem:s13+$0xFFFFEBB0];
	_ =	sdelay $0x1  }
0x18c: {  	v6 =	vshll.u32 v3, $0x10;
	v3 =	vand.u32 $0xFFFF0000, v3  }
0x18d: {  	v6 =	vmul.f32 v6, v2;
	v3 =	vmul.f32 v3, v2;
	_ =	sdelay $0x1  }
0x18e: {  	v5 =	vmul.f32 v6, v5;
	v3 =	vmul.f32 v3, v4;
	_ =	sdelay $0x1  }
0x18f: {  	[tilespmem:s13+$0xFFFFEBB0] =	vst v5  }
0x190: {  	[tilespmem:s13+$0xFFFFEBC0] =	vst v3  }
0x191: {  	v3 =	vld [tilespmem:s10+$0xFFFFFFE0];
	_ =	sdelay $0x1  }
0x192: {  	v4 =	vld [tilespmem:s13+$0xFFFFEBE0]  }
0x193: {  	v5 =	vld [tilespmem:s13+$0xFFFFEBD0];
	_ =	sdelay $0x1  }
0x194: {  	v6 =	vshll.u32 v3, $0x10;
	v3 =	vand.u32 $0xFFFF0000, v3  }
0x195: {  	v6 =	vmul.f32 v6, v2;
	v3 =	vmul.f32 v3, v2;
	_ =	sdelay $0x1  }
0x196: {  	v5 =	vmul.f32 v6, v5;
	v3 =	vmul.f32 v3, v4;
	_ =	sdelay $0x1  }
0x197: {  	[tilespmem:s13+$0xFFFFEBD0] =	vst v5  }
0x198: {  	[tilespmem:s13+$0xFFFFEBE0] =	vst v3  }
0x199: {  	v3 =	vld [tilespmem:s10+$0xFFFFFFF0];
	_ =	sdelay $0x1  }
0x19a: {  	v4 =	vld [tilespmem:s13+$0xFFFFEC00]  }
0x19b: {  	v5 =	vld [tilespmem:s13+$0xFFFFEBF0];
	_ =	sdelay $0x1  }
0x19c: {  	v6 =	vshll.u32 v3, $0x10;
	v3 =	vand.u32 $0xFFFF0000, v3  }
0x19d: {  	v6 =	vmul.f32 v6, v2;
	v2 =	vmul.f32 v3, v2;
	_ =	sdelay $0x1  }
0x19e: {  	v3 =	vmul.f32 v6, v5;
	v2 =	vmul.f32 v2, v4;
	_ =	sdelay $0x1  }
0x19f: {  	[tilespmem:s13+$0xFFFFEBF0] =	vst v3  }
0x1a0: {  	[tilespmem:s13+$0xFFFFEC00] =	vst v2  }
0x1a1: {  	v2 =	vld [tilespmem:s28+$0xF80]  }
0x1a2: {  	v3 =	vld [tilespmem:s10+$0x0];
	_ =	sdelay $0x1  }
0x1a3: {  	v4 =	vld [tilespmem:s13+$0xFFFFFFA0]  }
0x1a4: {  	v5 =	vld [tilespmem:s13+$0xFFFFFF90]  }
0x1a5: {  	v2 =	vperm.xlane v2, v0  }
0x1a6: {  	v6 =	vshll.u32 v3, $0x10;
	v3 =	vand.u32 $0xFFFF0000, v3  }
0x1a7: {  	v6 =	vmul.f32 v6, v2;
	v3 =	vmul.f32 v3, v2;
	_ =	sdelay $0x1  }
0x1a8: {  	v5 =	vmul.f32 v6, v5;
	v3 =	vmul.f32 v3, v4;
	_ =	sdelay $0x1  }
0x1a9: {  	[tilespmem:s13+$0xFFFFFF90] =	vst v5  }
0x1aa: {  	[tilespmem:s13+$0xFFFFFFA0] =	vst v3  }
0x1ab: {  	v3 =	vld [tilespmem:s10+$0x10];
	_ =	sdelay $0x1  }
0x1ac: {  	v4 =	vld [tilespmem:s13+$0xFFFFFFC0]  }
0x1ad: {  	v5 =	vld [tilespmem:s13+$0xFFFFFFB0];
	_ =	sdelay $0x1  }
0x1ae: {  	v6 =	vshll.u32 v3, $0x10;
	v3 =	vand.u32 $0xFFFF0000, v3  }
0x1af: {  	v6 =	vmul.f32 v6, v2;
	v3 =	vmul.f32 v3, v2;
	_ =	sdelay $0x1  }
0x1b0: {  	v5 =	vmul.f32 v6, v5;
	v3 =	vmul.f32 v3, v4;
	_ =	sdelay $0x1  }
0x1b1: {  	[tilespmem:s13+$0xFFFFFFB0] =	vst v5  }
0x1b2: {  	[tilespmem:s13+$0xFFFFFFC0] =	vst v3  }
0x1b3: {  	v3 =	vld [tilespmem:s10+$0x20];
	_ =	sdelay $0x1  }
0x1b4: {  	v4 =	vld [tilespmem:s13+$0xFFFFFFE0]  }
0x1b5: {  	v5 =	vld [tilespmem:s13+$0xFFFFFFD0];
	_ =	sdelay $0x1  }
0x1b6: {  	v6 =	vshll.u32 v3, $0x10;
	v3 =	vand.u32 $0xFFFF0000, v3  }
0x1b7: {  	v6 =	vmul.f32 v6, v2;
	v3 =	vmul.f32 v3, v2;
	_ =	sdelay $0x1  }
.Ltmp1:
0x1b8: {  	v5 =	vmul.f32 v6, v5;
	v4 =	vmul.f32 v3, v4;
	v3 =	vld [tilespmem:s13+$0xFFFFFFF0];
	(pc) =	sbr.rel @p1 .LBB2_5-.Ltmp1, $4  }
0x1b9: {  	_ = 	snop  }
0x1ba: {  	[tilespmem:s13+$0xFFFFFFD0] =	vst v5  }
0x1bb: {  	[tilespmem:s13+$0xFFFFFFE0] =	vst v4  }
0x1bc: {  	v4 =	vld [tilespmem:s10+$0x30]  }
0x1bd: {  	_ =	sdelay $0x3  }
0x1be: {  	v5 =	vshll.u32 v4, $0x10  }
0x1bf: {  	v63 =	vand.u32 $0xFFFF0000, v4;
	v5 =	vmul.f32 v5, v2  }
0x1c0: {  	v2 =	vmul.f32 v63, v2  }
0x1c1: {  	s6 =	sadd.s32 $0x1, s6;
	v3 =	vmul.f32 v5, v3  }
0x1c2: {  	p1 =	sne.s32 s6, $0x12;
	v1 =	vmul.f32 v2, v1  }
.Ltmp2:
0x1c3: {  	[tilespmem:s14+$0xFFFFFFF0] =	vst v3;
	(pc) =	sbr.rel @p1 .LBB2_2-.Ltmp2, $4  }
0x1c4: {  	[tilespmem:s14+$0x0] =	vst v1  }
0x1c5: {  	[spmem:s4] =	stream.indirect.scatter.add.f32 [tilespmem:s5], [sflag:$0x6], $0x80, s11, s24, $0xb8;
	[tilespmem:$0x1C080] =	vst v63  }
0x1c6: {  	_ = 	snop  }
0x1c7: {  	[spmem:s4] =	stream.indirect.scatter.add.f32 [tilespmem:s23], [sflag:$0x6], $0x80, s12, s24, $0xb8;
	[tilespmem:$0x1C080] =	vst v63  }
0x1c8: {  	_ =	swait.ge [sflag:s15], $0x1400  }
0x1c9: {  	[sflag:s15] =	ssyncset.done $0x0  }
0x1ca: {  	[sflag:s15] =	ssyncadd.s32 $0xFFFFEC00  }
0x1cb: {  	_ =	swait.ge [sflag:s15], $0x1400  }
0x1cc: {  	[sflag:s15] =	ssyncset.done $0x0  }
0x1cd: {  	[sflag:s15] =	ssyncadd.s32 $0xFFFFEC00  }
0x1ce: {  	_ =	swait.ge [sflag:s16], $0x1400  }
0x1cf: {  	[sflag:s16] =	ssyncset.done $0x0  }
0x1d0: {  	[sflag:s16] =	ssyncadd.s32 $0xFFFFEC00  }
0x1d1: {  	_ =	swait.ge [sflag:s17], $0x28  }
0x1d2: {  	[sflag:s17] =	ssyncset.done $0x0  }
0x1d3: {  	[sflag:s17] =	ssyncadd.s32 $0xFFFFFFD8  }
0x1d4: {  	_ =	swait.ge [sflag:s17], $0x28  }
0x1d5: {  	[sflag:s17] =	ssyncset.done $0x0  }
0x1d6: {  	[sflag:s17] =	ssyncadd.s32 $0xFFFFFFD8  }
0x1d7: {  	_ =	swait.ge [sflag:s17], $0x28  }
0x1d8: {  	[sflag:s17] =	ssyncset.done $0x0  }
0x1d9: {  	[sflag:s17] =	ssyncadd.s32 $0xFFFFFFD8  }
0x1da: {  	_ =	swait.ge [sflag:s17], $0x28  }
0x1db: {  	[sflag:s17] =	ssyncset.done $0x0  }
0x1dc: {  	s13 =	simm.s32 $0x0;
	[sflag:s17] =	ssyncadd.s32 $0xFFFFFFD8  }
0x1dd: {  	s6 =	simm.s32 $0x6040;
	v1 =	vld [tilespmem:s13+$0xE00]  }
0x1de: {  	v2 =	vld [tilespmem:s6+$0xFFFFFFC0];
	_ =	sdelay $0x1  }
0x1df: {  	s10 =	simm.s32 $0x2470  }
0x1e0: {  	v3 =	vld [tilespmem:s10+$0xFFFFEB90]  }
0x1e1: {  	v4 =	vld [tilespmem:s10+$0xFFFFEBA0];
	v1 =	vperm.xlane v1, v0  }
0x1e2: {  	v5 =	vshll.u32 v2, $0x10  }
0x1e3: {  	v2 =	vand.u32 $0xFFFF0000, v2;
	v5 =	vmul.f32 v5, v1  }
0x1e4: {  	v2 =	vmul.f32 v2, v1  }
0x1e5: {  	v3 =	vmul.f32 v5, v3  }
0x1e6: {  	v2 =	vmul.f32 v2, v4  }
0x1e7: {  	[tilespmem:s10+$0xFFFFEB90] =	vst v3  }
0x1e8: {  	[tilespmem:s10+$0xFFFFEBA0] =	vst v2  }
0x1e9: {  	v2 =	vld [tilespmem:s6+$0xFFFFFFD0];
	_ =	sdelay $0x2  }
0x1ea: {  	v3 =	vld [tilespmem:s10+$0xFFFFEBB0]  }
0x1eb: {  	v4 =	vld [tilespmem:s10+$0xFFFFEBC0]  }
0x1ec: {  	v5 =	vshll.u32 v2, $0x10  }
0x1ed: {  	v2 =	vand.u32 $0xFFFF0000, v2;
	v5 =	vmul.f32 v5, v1  }
0x1ee: {  	v2 =	vmul.f32 v2, v1  }
0x1ef: {  	v3 =	vmul.f32 v5, v3  }
0x1f0: {  	v2 =	vmul.f32 v2, v4  }
0x1f1: {  	[tilespmem:s10+$0xFFFFEBB0] =	vst v3  }
0x1f2: {  	[tilespmem:s10+$0xFFFFEBC0] =	vst v2  }
0x1f3: {  	v2 =	vld [tilespmem:s6+$0xFFFFFFE0];
	_ =	sdelay $0x2  }
0x1f4: {  	v3 =	vld [tilespmem:s10+$0xFFFFEBD0]  }
0x1f5: {  	v4 =	vld [tilespmem:s10+$0xFFFFEBE0]  }
0x1f6: {  	v5 =	vshll.u32 v2, $0x10  }
0x1f7: {  	v2 =	vand.u32 $0xFFFF0000, v2;
	v5 =	vmul.f32 v5, v1  }
0x1f8: {  	v2 =	vmul.f32 v2, v1  }
0x1f9: {  	v3 =	vmul.f32 v5, v3  }
0x1fa: {  	v2 =	vmul.f32 v2, v4  }
0x1fb: {  	[tilespmem:s10+$0xFFFFEBD0] =	vst v3  }
0x1fc: {  	[tilespmem:s10+$0xFFFFEBE0] =	vst v2  }
0x1fd: {  	v2 =	vld [tilespmem:s6+$0xFFFFFFF0];
	_ =	sdelay $0x2  }
0x1fe: {  	v3 =	vld [tilespmem:s10+$0xFFFFEBF0]  }
0x1ff: {  	v4 =	vld [tilespmem:s10+$0xFFFFEC00]  }
0x200: {  	v5 =	vshll.u32 v2, $0x10  }
0x201: {  	v2 =	vand.u32 $0xFFFF0000, v2;
	v5 =	vmul.f32 v5, v1  }
0x202: {  	v1 =	vmul.f32 v2, v1  }
0x203: {  	v2 =	vmul.f32 v5, v3  }
0x204: {  	v1 =	vmul.f32 v1, v4  }
0x205: {  	[tilespmem:s10+$0xFFFFEBF0] =	vst v2  }
0x206: {  	[tilespmem:s10+$0xFFFFEC00] =	vst v1  }
0x207: {  	v1 =	vld [tilespmem:s13+$0xF00]  }
0x208: {  	v3 =	vld [tilespmem:s6+$0x0];
	_ =	sdelay $0x2  }
0x209: {  	v4 =	vld [tilespmem:s10+$0xFFFFFF90]  }
0x20a: {  	v5 =	vld [tilespmem:s10+$0xFFFFFFA0];
	v2 =	vperm.xlane v1, v0  }
0x20b: {  	v1 =	vshll.u32 v3, $0x10  }
0x20c: {  	v3 =	vand.u32 $0xFFFF0000, v3;
	v1 =	vmul.f32 v1, v2  }
0x20d: {  	v3 =	vmul.f32 v3, v2  }
0x20e: {  	v1 =	vmul.f32 v1, v4  }
0x20f: {  	v3 =	vmul.f32 v3, v5  }
0x210: {  	[tilespmem:s10+$0xFFFFFF90] =	vst v1  }
0x211: {  	[tilespmem:s10+$0xFFFFFFA0] =	vst v3  }
0x212: {  	v1 =	vld [tilespmem:s6+$0x10];
	_ =	sdelay $0x2  }
0x213: {  	v3 =	vld [tilespmem:s10+$0xFFFFFFB0]  }
0x214: {  	v4 =	vld [tilespmem:s10+$0xFFFFFFC0]  }
0x215: {  	v5 =	vshll.u32 v1, $0x10  }
0x216: {  	v1 =	vand.u32 $0xFFFF0000, v1;
	v5 =	vmul.f32 v5, v2  }
0x217: {  	v1 =	vmul.f32 v1, v2  }
0x218: {  	v3 =	vmul.f32 v5, v3  }
0x219: {  	v1 =	vmul.f32 v1, v4  }
0x21a: {  	[tilespmem:s10+$0xFFFFFFB0] =	vst v3  }
0x21b: {  	[tilespmem:s10+$0xFFFFFFC0] =	vst v1  }
0x21c: {  	v1 =	vld [tilespmem:s6+$0x20];
	_ =	sdelay $0x2  }
0x21d: {  	v3 =	vld [tilespmem:s10+$0xFFFFFFD0]  }
0x21e: {  	v4 =	vld [tilespmem:s10+$0xFFFFFFE0]  }
0x21f: {  	v5 =	vshll.u32 v1, $0x10  }
0x220: {  	v1 =	vand.u32 $0xFFFF0000, v1;
	v5 =	vmul.f32 v5, v2  }
0x221: {  	v6 =	vmul.f32 v1, v2  }
0x222: {  	v5 =	vmul.f32 v5, v3  }
0x223: {  	v4 =	vmul.f32 v6, v4  }
0x224: {  	v1 =	vld [tilespmem:s10+$0x0];
	[tilespmem:s10+$0xFFFFFFD0] =	vst v5  }
0x225: {  	v3 =	vld [tilespmem:s10+$0xFFFFFFF0];
	[tilespmem:s10+$0xFFFFFFE0] =	vst v4  }
0x226: {  	s14 =	simm.s32 $0x4;
	s13 =	simm.s32 $0x2470;
	v4 =	vld [tilespmem:s6+$0x30]  }
.LBB2_8:
0x227: {  	_ =	sdelay $0x1  }
0x228: {  	p1 =	sne.s32 s14, $0x9C;
	s10 =	sadd.s32 $0x80, s10;
	s6 =	sadd.s32 $0x80, s6  }
0x229: {  	s22 =	smov.u32 s14;
	s14 =	sadd.s32 $0x4, s14  }
0x22a: {  	v5 =	vshll.u32 v4, $0x10;
	v4 =	vand.u32 $0xFFFF0000, v4  }
0x22b: {  	v5 =	vmul.f32 v5, v2;
	v2 =	vmul.f32 v4, v2;
	_ =	sdelay $0x1  }
0x22c: {  	v3 =	vmul.f32 v5, v3;
	v1 =	vmul.f32 v2, v1;
	_ =	sdelay $0x1  }
0x22d: {  	[tilespmem:s13+$0xFFFFFFF0] =	vst v3  }
0x22e: {  	s22 =	sshra.s32 s22, $0x2;
	[tilespmem:s13+$0x0] =	vst v1;
	s13 =	smov.u32 s10  }
0x22f: {  	v2 =	vld [tilespmem:s22+$0xE00]  }
0x230: {  	v3 =	vld [tilespmem:s6+$0xFFFFFFC0]  }
0x231: {  	v1 =	vld [tilespmem:s10+$0x0]  }
0x232: {  	v4 =	vld [tilespmem:s10+$0xFFFFEBA0]  }
0x233: {  	v5 =	vld [tilespmem:s10+$0xFFFFEB90]  }
0x234: {  	v2 =	vperm.xlane v2, v0  }
0x235: {  	v6 =	vshll.u32 v3, $0x10;
	v3 =	vand.u32 $0xFFFF0000, v3  }
0x236: {  	v6 =	vmul.f32 v6, v2;
	v3 =	vmul.f32 v3, v2;
	_ =	sdelay $0x1  }
0x237: {  	v5 =	vmul.f32 v6, v5;
	v3 =	vmul.f32 v3, v4;
	_ =	sdelay $0x1  }
0x238: {  	[tilespmem:s10+$0xFFFFEB90] =	vst v5  }
0x239: {  	[tilespmem:s10+$0xFFFFEBA0] =	vst v3  }
0x23a: {  	v3 =	vld [tilespmem:s6+$0xFFFFFFD0];
	_ =	sdelay $0x1  }
0x23b: {  	v4 =	vld [tilespmem:s10+$0xFFFFEBC0]  }
0x23c: {  	v5 =	vld [tilespmem:s10+$0xFFFFEBB0];
	_ =	sdelay $0x1  }
0x23d: {  	v6 =	vshll.u32 v3, $0x10;
	v3 =	vand.u32 $0xFFFF0000, v3  }
0x23e: {  	v6 =	vmul.f32 v6, v2;
	v3 =	vmul.f32 v3, v2;
	_ =	sdelay $0x1  }
0x23f: {  	v5 =	vmul.f32 v6, v5;
	v3 =	vmul.f32 v3, v4;
	_ =	sdelay $0x1  }
0x240: {  	[tilespmem:s10+$0xFFFFEBB0] =	vst v5  }
0x241: {  	[tilespmem:s10+$0xFFFFEBC0] =	vst v3  }
0x242: {  	v3 =	vld [tilespmem:s6+$0xFFFFFFE0];
	_ =	sdelay $0x1  }
0x243: {  	v4 =	vld [tilespmem:s10+$0xFFFFEBE0]  }
0x244: {  	v5 =	vld [tilespmem:s10+$0xFFFFEBD0];
	_ =	sdelay $0x1  }
0x245: {  	v6 =	vshll.u32 v3, $0x10;
	v3 =	vand.u32 $0xFFFF0000, v3  }
0x246: {  	v6 =	vmul.f32 v6, v2;
	v3 =	vmul.f32 v3, v2;
	_ =	sdelay $0x1  }
0x247: {  	v5 =	vmul.f32 v6, v5;
	v3 =	vmul.f32 v3, v4;
	_ =	sdelay $0x1  }
0x248: {  	[tilespmem:s10+$0xFFFFEBD0] =	vst v5  }
0x249: {  	[tilespmem:s10+$0xFFFFEBE0] =	vst v3  }
0x24a: {  	v3 =	vld [tilespmem:s6+$0xFFFFFFF0];
	_ =	sdelay $0x1  }
0x24b: {  	v4 =	vld [tilespmem:s10+$0xFFFFEC00]  }
0x24c: {  	v5 =	vld [tilespmem:s10+$0xFFFFEBF0];
	_ =	sdelay $0x1  }
0x24d: {  	v6 =	vshll.u32 v3, $0x10;
	v3 =	vand.u32 $0xFFFF0000, v3  }
0x24e: {  	v6 =	vmul.f32 v6, v2;
	v2 =	vmul.f32 v3, v2;
	_ =	sdelay $0x1  }
0x24f: {  	v3 =	vmul.f32 v6, v5;
	v2 =	vmul.f32 v2, v4;
	_ =	sdelay $0x1  }
0x250: {  	[tilespmem:s10+$0xFFFFEBF0] =	vst v3  }
0x251: {  	[tilespmem:s10+$0xFFFFEC00] =	vst v2  }
0x252: {  	v2 =	vld [tilespmem:s22+$0xF00]  }
0x253: {  	v3 =	vld [tilespmem:s6+$0x0];
	_ =	sdelay $0x1  }
0x254: {  	v4 =	vld [tilespmem:s10+$0xFFFFFFA0]  }
0x255: {  	v5 =	vld [tilespmem:s10+$0xFFFFFF90]  }
0x256: {  	v2 =	vperm.xlane v2, v0  }
0x257: {  	v6 =	vshll.u32 v3, $0x10;
	v3 =	vand.u32 $0xFFFF0000, v3  }
0x258: {  	v6 =	vmul.f32 v6, v2;
	v3 =	vmul.f32 v3, v2;
	_ =	sdelay $0x1  }
0x259: {  	v5 =	vmul.f32 v6, v5;
	v3 =	vmul.f32 v3, v4;
	_ =	sdelay $0x1  }
0x25a: {  	[tilespmem:s10+$0xFFFFFF90] =	vst v5  }
0x25b: {  	[tilespmem:s10+$0xFFFFFFA0] =	vst v3  }
0x25c: {  	v3 =	vld [tilespmem:s6+$0x10];
	_ =	sdelay $0x1  }
0x25d: {  	v4 =	vld [tilespmem:s10+$0xFFFFFFC0]  }
0x25e: {  	v5 =	vld [tilespmem:s10+$0xFFFFFFB0];
	_ =	sdelay $0x1  }
0x25f: {  	v6 =	vshll.u32 v3, $0x10;
	v3 =	vand.u32 $0xFFFF0000, v3  }
0x260: {  	v6 =	vmul.f32 v6, v2;
	v3 =	vmul.f32 v3, v2;
	_ =	sdelay $0x1  }
0x261: {  	v5 =	vmul.f32 v6, v5;
	v3 =	vmul.f32 v3, v4;
	_ =	sdelay $0x1  }
0x262: {  	[tilespmem:s10+$0xFFFFFFB0] =	vst v5  }
0x263: {  	[tilespmem:s10+$0xFFFFFFC0] =	vst v3  }
0x264: {  	v3 =	vld [tilespmem:s6+$0x20];
	_ =	sdelay $0x1  }
0x265: {  	v4 =	vld [tilespmem:s10+$0xFFFFFFE0]  }
0x266: {  	v5 =	vld [tilespmem:s10+$0xFFFFFFD0];
	_ =	sdelay $0x1  }
0x267: {  	v6 =	vshll.u32 v3, $0x10;
	v3 =	vand.u32 $0xFFFF0000, v3  }
0x268: {  	v6 =	vmul.f32 v6, v2;
	v3 =	vmul.f32 v3, v2;
	_ =	sdelay $0x1  }
.Ltmp3:
0x269: {  	v5 =	vmul.f32 v6, v5;
	v4 =	vmul.f32 v3, v4;
	v3 =	vld [tilespmem:s10+$0xFFFFFFF0];
	(pc) =	sbr.rel @p1 .LBB2_8-.Ltmp3, $4  }
0x26a: {  	_ = 	snop  }
0x26b: {  	[tilespmem:s10+$0xFFFFFFD0] =	vst v5  }
0x26c: {  	[tilespmem:s10+$0xFFFFFFE0] =	vst v4  }
0x26d: {  	v4 =	vld [tilespmem:s6+$0x30]  }
0x26e: {  	_ =	sdelay $0x3  }
0x26f: {  	v5 =	vshll.u32 v4, $0x10  }
0x270: {  	v63 =	vand.u32 $0xFFFF0000, v4;
	v5 =	vmul.f32 v5, v2  }
0x271: {  	v2 =	vmul.f32 v63, v2  }
0x272: {  	v3 =	vmul.f32 v5, v3  }
0x273: {  	v1 =	vmul.f32 v2, v1  }
0x274: {  	[tilespmem:s13+$0xFFFFFFF0] =	vst v3  }
0x275: {  	[tilespmem:s13+$0x0] =	vst v1  }
0x276: {  	[spmem:s4] =	stream.indirect.scatter.add.f32 [tilespmem:s25], [sflag:$0x5], $0x80, s29, s24, $0xb8;
	[tilespmem:$0x1C080] =	vst v63  }
0x277: {  	s6 =	simm.s32 $0x6  }
0x278: {  	[spmem:s4] =	stream.indirect.scatter.add.f32 [tilespmem:s26], [sflag:$0x5], $0x80, s30, s24, $0xb8;
	[tilespmem:$0x1C080] =	vst v63  }
0x279: {  	_ =	swait.ge [sflag:s6], $0x1400  }
0x27a: {  	[sflag:s6] =	ssyncset.done $0x0  }
0x27b: {  	[sflag:s6] =	ssyncadd.s32 $0xFFFFEC00  }
0x27c: {  	_ =	swait.ge [sflag:s6], $0x1400  }
0x27d: {  	[sflag:s6] =	ssyncset.done $0x0  }
0x27e: {  	[sflag:s6] =	ssyncadd.s32 $0xFFFFEC00  }
0x27f: {  	_ =	swait.ge [sflag:s18], $0x1400  }
0x280: {  	[sflag:s18] =	ssyncset.done $0x0  }
0x281: {  	[sflag:s18] =	ssyncadd.s32 $0xFFFFEC00  }
0x282: {  	_ =	swait.ge [sflag:s18], $0x1400  }
0x283: {  	[sflag:s18] =	ssyncset.done $0x0  }
0x284: {  	[sflag:s18] =	ssyncadd.s32 $0xFFFFEC00  }
0x285: {  	[bflag:$0x0] =	sbarrier.arrive $0xFFFF  }
0x286: {  	s6 =	rddreg [dreg:$0xf]  }
0x287: {  	s13 =	rddreg [dreg:$0x11]  }
0x288: {  	s14 =	rddreg [dreg:$0x12]  }
0x289: {  	[hbm:s6], [sflag:s13] =	dma.local @!p0 [spmem:s14], $0x3E80  }
0x28a: {  	s6 =	simm.s32 @!p0 $0x9  }
0x28b: {  	_ =	swait.ge @!p0 [sflag:s6], $0x3E80  }
0x28c: {  	s22 =	rddreg [dreg:$0x13]  }
0x28d: {  	s10 =	rddreg [dreg:$0x10];
	s22 =	sadd.s32 $0x1, s22  }
0x28e: {  	p1 =	sne.s32 s22, s10  }
.Ltmp4:
0x28f: {  	_ = 	snop;
	(pc) =	sbr.rel @p1 .LBB2_1-.Ltmp4, $3  }
0x290: {  	_ =	sdelay $0x1  }
0x291: {  	[sflag:s6] =	ssyncset.done @!p0 $0x0  }
0x292: {  	[sflag:s6] =	ssyncadd.s32 @!p0 $0xFFFFC180  }
0x293: {  	_ =	sfence.sel $0x180000  }
0x294: {  	[bflag:$0x0] =	sbarrier.arrive $0xFFFF  }
0x295: {  	_ =	strace $0x90000047  }
0x296: {  	s0 =	stileid.u32;
	[bflag:$0x2] =	sbarrier.arrive $0xFFFF  }
0x297: {  	p0 =	sne.s32 s0, $0x0;
	s0 =	rddreg [dreg:$0x6]  }
0x298: {  	s0 =	sadd.s32 @!p0 $0x100000, s0  }
0x299: {  	[sflag:s0] =	ssyncadd.tile.s32 @!p0 $0x1;
	_ =	shalt  }
.Lfunc_end2:
_tile_overlayer_lowered:
.L_overlay_start_2:
0x29a: {  	(tag) =	ssettag $0x2  }
0x29b: {  	s0 =	rddreg [dreg:$0x0];
	s2 =	stileid.u32  }
0x29c: {  	s1 =	rddreg [dreg:$0x1];
	p0 =	sne.s32 s2, $0x0  }
0x29d: {  	s3 =	rddreg [dreg:$0x2];
	[bflag:$0x3] =	sbarrier.arrive $0xFFFF;
	s2 =	simm.s32 @!p0 $0x1C09  }
0x29e: {  	[timem:s3], [sflag:s2] =	dma.local @!p0 [hbm:s0], s1  }
0x29f: {  	s0 =	simm.s32 @!p0 $0x9  }
0x2a0: {  	_ =	swait.ge @!p0 [sflag:s0], s1  }
0x2a1: {  	s1 =	ssub.s32 @!p0 $0x0, s1;
	[sflag:s0] =	ssyncset.done @!p0 $0x0  }
0x2a2: {  	[sflag:s0] =	ssyncadd.s32 @!p0 s1  }
0x2a3: {  	[bflag:$0x3] =	sbarrier.arrive $0xFFFF  }
0x2a4: {  	_ =	shalt  }

</sc_bundles>
